<compile_context>
chip_gen: v7x
topology: tpu7x:2x2x1
jax: 0.10.2.dev20260603
libtpu: 0.0.44.dev20260713+nightly
codegen_flags: <defaults>
</compile_context>

<pallas_src>
import jax
import jax.numpy as jnp
from jax import lax
from jax.experimental import pallas as pl
from jax.experimental.pallas import tpu as pltpu
from jax.experimental.pallas import tpu_sc as plsc

N = 10000
E = 320000
C = 128
F = 128
K = 9

NW = 32
CHUNK = 64
NCHUNK = -(-N // CHUNK)
ITERS = -(-NCHUNK // NW)
BROWS = CHUNK * K
REG = BROWS + 8
EB = 128
SPLITS_STAGE = 80
SPAD = (NCHUNK - 1) * CHUNK + SPLITS_STAGE
WBLK = 4
EPAD = E + 2 * WBLK * EB
RPAD = NCHUNK * CHUNK
NZ = -(-(BROWS + 1) // EB)


def _sget(ref, idx):
    base = (idx // 16) * 16
    v = ref[pl.ds(base, 16)]
    return v[idx - base]


def _sc_body(feat_hbm, nidx_hbm, kidx_hbm, splits_hbm, zero_hbm, s_hbm,
             bucket, splits_v, nidx_w, kidx_w, cidx0, cidx1, zidx,
             feat0, feat1, zbuf, sem0, sem1, ssem0, ssem1, zsem):
    cid = lax.axis_index("c")
    sid = lax.axis_index("s")
    wid = cid * 16 + sid
    base_row = sid * REG

    pltpu.sync_copy(zero_hbm, zbuf)
    for t in range(NZ):
        for g in range(EB // 16):
            zidx[t, pl.ds(g * 16, 16)] = base_row + jnp.minimum(
                t * EB + g * 16 + lax.iota(jnp.int32, 16), BROWS)

    cidx_s = (cidx0, cidx1)
    feat_s = (feat0, feat1)
    sem_s = (sem0, sem1)
    ssem_s = (ssem0, ssem1)

    def chunk_body(i, carry):
        chunk = jnp.minimum(i * NW + wid, NCHUNK - 1)
        r0 = pl.multiple_of(chunk * CHUNK, 8)
        pltpu.sync_copy(splits_hbm.at[pl.ds(r0, SPLITS_STAGE)], splits_v)
        e0 = _sget(splits_v, 0)
        e1 = _sget(splits_v, CHUNK)
        eb0 = jnp.bitwise_and(e0, jnp.int32(-8))
        nblk = (e1 - eb0 + (EB - 1)) // EB
        nwin = (nblk + (WBLK - 1)) // WBLK

        for t in range(NZ):
            pltpu.async_copy(zbuf, bucket.at[zidx.at[t]], zsem)
        for t in range(NZ):
            pltpu.make_async_copy(zbuf, bucket.at[zidx.at[t]], zsem).wait()
        pltpu.sync_copy(zbuf, bucket.at[zidx.at[NZ - 1]], add=True)
        plsc.subcore_barrier()

        def win_body(w, carry2):
            ew = pl.multiple_of(eb0 + w * (WBLK * EB), 8)
            pltpu.sync_copy(nidx_hbm.at[pl.ds(ew, WBLK * EB)], nidx_w)
            pltpu.sync_copy(kidx_hbm.at[pl.ds(ew, WBLK * EB)], kidx_w)
            b0 = w * WBLK

            def stage(j, s):
                @pl.when(b0 + j >= 2)
                def _():
                    wait_scatter(s)
                eb = eb0 + (b0 + j) * EB
                pltpu.async_copy(feat_hbm.at[nidx_w.at[pl.ds(j * EB, EB)]],
                                 feat_s[s], sem_s[s])
                for g in range(EB // 16):
                    eid = eb + g * 16 + lax.iota(jnp.int32, 16)
                    kv = kidx_w[pl.ds(j * EB + g * 16, 16)]
                    lo = jnp.zeros((16,), jnp.int32)
                    for step in (32, 16, 8, 4, 2, 1):
                        cand = lo + step
                        sv = plsc.load_gather(splits_v, [cand])
                        lo = jnp.where(sv <= eid, cand, lo)
                    valid = (eid >= e0) & (eid < e1)
                    comb = jnp.where(valid, lo * K + kv, BROWS)
                    cidx_s[s][pl.ds(g * 16, 16)] = comb + base_row

            def finish(j, s):
                pltpu.make_async_copy(feat_hbm.at[nidx_w.at[pl.ds(j * EB, EB)]],
                                      feat_s[s], sem_s[s]).wait()
                pltpu.async_copy(feat_s[s], bucket.at[cidx_s[s]], ssem_s[s],
                                 add=True)

            @pl.when(b0 < nblk)
            def _():
                stage(0, 0)

            for j in range(WBLK):
                @pl.when(b0 + j < nblk)
                def _(j=j):
                    if j + 1 < WBLK:
                        @pl.when(b0 + j + 1 < nblk)
                        def _():
                            stage(j + 1, (j + 1) % 2)
                    finish(j, j % 2)

            return carry2

        def wait_scatter(s):
            pltpu.make_async_copy(feat_s[s], bucket.at[cidx_s[s]],
                                  ssem_s[s]).wait()

        lax.fori_loop(0, nwin, win_body, 0)
        for s in range(2):
            cond = ((nblk >= 1) & ((nblk - 1) % 2 == s)) | \
                   ((nblk >= 2) & ((nblk - 2) % 2 == s))

            @pl.when(cond)
            def _(s=s):
                wait_scatter(s)

        plsc.subcore_barrier()
        pltpu.sync_copy(bucket.at[pl.ds(base_row, BROWS)],
                        s_hbm.at[pl.ds(chunk * BROWS, BROWS)])

        return carry

    lax.fori_loop(0, ITERS, chunk_body, 0)


def _mm_body(s_ref, w_ref, b_ref, o_ref):
    o_ref[...] = jnp.dot(s_ref[...], w_ref[...],
                         preferred_element_type=jnp.float32) + b_ref[0:1, :]


def _sc_stage(inp_features, neighbors_index, neighbors_kernel_index,
              neighbors_row_splits):
    nidx_pad = jnp.zeros((EPAD,), jnp.int32).at[:E].set(neighbors_index)
    kidx_pad = jnp.zeros((EPAD,), jnp.int32).at[:E].set(neighbors_kernel_index)
    splits_pad = jnp.full((SPAD,), jnp.int32(E)).at[:N + 1].set(neighbors_row_splits)
    zeros_tile = jnp.zeros((EB, C), jnp.float32)

    mesh = plsc.VectorSubcoreMesh(core_axis_name="c", subcore_axis_name="s")
    sc_fn = pl.kernel(
        _sc_body,
        out_type=jax.ShapeDtypeStruct((NCHUNK * BROWS, C), jnp.float32),
        mesh=mesh,
        scratch_types=[
            pltpu.VMEM_SHARED((16 * REG, C), jnp.float32),
            pltpu.VMEM((SPLITS_STAGE,), jnp.int32),
            pltpu.VMEM((WBLK * EB,), jnp.int32),
            pltpu.VMEM((WBLK * EB,), jnp.int32),
            pltpu.VMEM((EB,), jnp.int32),
            pltpu.VMEM((EB,), jnp.int32),
            pltpu.VMEM((NZ, EB), jnp.int32),
            pltpu.VMEM((EB, C), jnp.float32),
            pltpu.VMEM((EB, C), jnp.float32),
            pltpu.VMEM((EB, C), jnp.float32),
            pltpu.SemaphoreType.DMA,
            pltpu.SemaphoreType.DMA,
            pltpu.SemaphoreType.DMA,
            pltpu.SemaphoreType.DMA,
            pltpu.SemaphoreType.DMA,
        ],
        compiler_params=pltpu.CompilerParams(needs_layout_passes=False),
    )
    return sc_fn(inp_features, nidx_pad, kidx_pad, splits_pad, zeros_tile)


@jax.jit
def kernel(inp_features, neighbors_index, neighbors_kernel_index,
           neighbors_row_splits, kernel, bias):
    S = _sc_stage(inp_features, neighbors_index, neighbors_kernel_index,
                  neighbors_row_splits)

    S2 = S.reshape(RPAD, K * C)
    W2 = kernel.reshape(K * C, F)
    bias_tile = jnp.tile(bias[None, :], (8, 1))

    BM = 1024
    out_pad = pl.pallas_call(
        _mm_body,
        grid=(pl.cdiv(RPAD, BM),),
        in_specs=[
            pl.BlockSpec((BM, K * C), lambda i: (i, 0)),
            pl.BlockSpec((K * C, F), lambda i: (0, 0)),
            pl.BlockSpec((8, F), lambda i: (0, 0)),
        ],
        out_specs=pl.BlockSpec((BM, F), lambda i: (i, 0)),
        out_shape=jax.ShapeDtypeStruct((N, F), jnp.float32),
    )(S2, W2, bias_tile)

    return out_pad

# --- scband reference (transcript-rebuilt; emitter-appended) ---
"""Pipeline reference for scband-special-sparse-conv-21698174779788 (READ-ONLY COPY).

The authoritative reference and input builder live on the scoring server;
editing this copy changes nothing except your own understanding.
"""

import jax, jax.numpy as jnp
import numpy as np

N = 10000   # num voxels (input == output points here)
E = 320000  # num neighbor entries
C = 128     # in_channels
F = 128     # filters
K = 9       # kernel_size


def setup_inputs(seed: int = 0) -> dict:
    key = jax.random.key(seed)
    k1, k2, k3, k4, k5 = jax.random.split(key, 5)
    inp_features = jax.random.normal(k1, (N, C), dtype=jnp.float32)
    neighbors_index = jax.random.randint(k2, (E,), 0, N, dtype=jnp.int32)
    neighbors_kernel_index = jax.random.randint(k3, (E,), 0, K, dtype=jnp.int32)
    splits = jnp.sort(jax.random.randint(k4, (N + 1,), 0, E + 1, dtype=jnp.int32))
    splits = splits.at[0].set(0).at[-1].set(E)
    # learned parameters per init_kwargs
    kernel = jax.random.uniform(k5, (K, C, F), minval=-0.05, maxval=0.05, dtype=jnp.float32)
    bias = jnp.zeros((F,), dtype=jnp.float32)
    return {
        "inp_features": inp_features,
        "neighbors_index": neighbors_index,
        "neighbors_kernel_index": neighbors_kernel_index,
        "neighbors_row_splits": splits,
        "kernel": kernel,
        "bias": bias,
    }


def reference(inp_features, neighbors_index, neighbors_kernel_index, neighbors_row_splits, kernel, bias):
    # Generalized sparse conv (Open3D ops.sparse_conv semantics, normalize=False,
    # no importance):
    #   out[r] = sum_{j in row r} kernel[kidx[j]]^T @ inp_features[nidx[j]] + bias
    # Implemented via linearity: first segment-sum features per (row, kernel_elem)
    # bucket, then one dense einsum against the kernel.
    counts = neighbors_row_splits[1:] - neighbors_row_splits[:-1]
    row_ids = jnp.repeat(jnp.arange(N, dtype=jnp.int32), counts, total_repeat_length=E)
    feat = jnp.take(inp_features, neighbors_index, axis=0)          # gather [E, C]
    combined = row_ids * K + neighbors_kernel_index                 # [E]
    S = jax.ops.segment_sum(feat, combined, num_segments=N * K)     # scatter-add
    S = S.reshape(N, K, C)
    out = jnp.einsum("nkc,kcf->nf", S, kernel) + bias               # [N, F]
    # activation is identity (activation=None); use_bias=True applied above.
    # out_importance is an empty tensor when inp_importance is None.
    return out

if __name__ == "__main__":
    import jax
    _d = setup_inputs()
    print(jax.jit(kernel)(*tuple(_d.values())))

</pallas_src>

<mosaic_0001>
#map = affine_map<(d0, d1) -> (0, 0)>
#map1 = affine_map<(d0, d1) -> (0)>
module attributes {stable_mosaic.version = 14 : i64} {
  func.func @_sc_body(%arg0: i32, %arg1: i32, %arg2: memref<10000x128xf32, #tpu.memory_space<hbm>>, %arg3: memref<321024xi32, #tpu.memory_space<hbm>>, %arg4: memref<321024xi32, #tpu.memory_space<hbm>>, %arg5: memref<10064xi32, #tpu.memory_space<hbm>>, %arg6: memref<128x128xf32, #tpu.memory_space<hbm>>, %arg7: memref<90432x128xf32, #tpu.memory_space<hbm>>, %arg8: memref<9344x128xf32, #tpu.memory_space<vmem_shared>>, %arg9: memref<80xi32, #tpu.memory_space<vmem>>, %arg10: memref<512xi32, #tpu.memory_space<vmem>>, %arg11: memref<512xi32, #tpu.memory_space<vmem>>, %arg12: memref<128xi32, #tpu.memory_space<vmem>>, %arg13: memref<128xi32, #tpu.memory_space<vmem>>, %arg14: memref<5x128xi32, #tpu.memory_space<vmem>>, %arg15: memref<128x128xf32, #tpu.memory_space<vmem>>, %arg16: memref<128x128xf32, #tpu.memory_space<vmem>>, %arg17: memref<128x128xf32, #tpu.memory_space<vmem>>, %arg18: memref<!tpu.dma_semaphore, #tpu.memory_space<semaphore_mem>>, %arg19: memref<!tpu.dma_semaphore, #tpu.memory_space<semaphore_mem>>, %arg20: memref<!tpu.dma_semaphore, #tpu.memory_space<semaphore_mem>>, %arg21: memref<!tpu.dma_semaphore, #tpu.memory_space<semaphore_mem>>, %arg22: memref<!tpu.dma_semaphore, #tpu.memory_space<semaphore_mem>>) attributes {dimension_semantics = [#tpu.dimension_semantics<core_parallel>, #tpu.dimension_semantics<subcore_parallel>], iteration_bounds = array<i64: 2, 16>, scalar_prefetch = 0 : i64, scratch_operands = 15 : i64, tpu.core_type = #tpu.core_type<sc_vector_subcore>, window_params = [{transform_indices = #map}, {transform_indices = #map1}, {transform_indices = #map1}, {transform_indices = #map1}, {transform_indices = #map}, {transform_indices = #map}]} {
    %mul3A = arith.constant 16 : i32
    %mul3A_0 = arith.muli %arg0, %mul3A : i32
    %add3A = arith.addi %mul3A_0, %arg1 : i32
    %mul3A_1 = arith.constant 584 : i32
    %mul3A_2 = arith.muli %arg1, %mul3A_1 : i32
    "tpu.region"() ({
      %run_scoped3A = tpu.sem_alloc : memref<!tpu.dma_semaphore, #tpu.memory_space<semaphore_mem>>
      tpu.enqueue_dma source(%arg6 : memref<128x128xf32, #tpu.memory_space<hbm>>) target(%arg17 : memref<128x128xf32, #tpu.memory_space<vmem>>) target_semaphore(%run_scoped3A : memref<!tpu.dma_semaphore, #tpu.memory_space<semaphore_mem>>)
      tpu.wait_dma2 semaphore(%run_scoped3A : memref<!tpu.dma_semaphore, #tpu.memory_space<semaphore_mem>>) src(%arg6 : memref<128x128xf32, #tpu.memory_space<hbm>>) dst(%arg17 : memref<128x128xf32, #tpu.memory_space<vmem>>)
      tpu.yield
    }) : () -> ()
    %iota3A = tpu.iota {dimensions = array<i32: 0>} : vector<16xi32>
    %add3A_3 = arith.constant 0 : i32
    %add3A_4 = vector.broadcast %add3A_3 : i32 to vector<16xi32>
    %add3A_5 = arith.addi %add3A_4, %iota3A : vector<16xi32>
    %min3A = arith.constant 576 : i32
    %min3A_6 = vector.broadcast %min3A : i32 to vector<16xi32>
    %min3A_7 = arith.minsi %add3A_5, %min3A_6 : vector<16xi32>
    %add3A_8 = vector.broadcast %mul3A_2 : i32 to vector<16xi32>
    %add3A_9 = arith.addi %add3A_8, %min3A_7 : vector<16xi32>
    %swap3A = arith.constant 0 : i32
    %swap3A_10 = arith.index_cast %swap3A : i32 to index
    %swap3A_11 = arith.constant 0 : index
    %swap3A_12 = tpu.vector_load %arg14[%swap3A_10, %swap3A_11] {strides = array<i32>} : memref<5x128xi32, #tpu.memory_space<vmem>>, vector<16xi32>,
    tpu.vector_store %arg14[%swap3A_10, %swap3A_11], %add3A_9 {strides = array<i32>} : memref<5x128xi32, #tpu.memory_space<vmem>>, vector<16xi32>,
    %iota3A_13 = tpu.iota {dimensions = array<i32: 0>} : vector<16xi32>
    %add3A_14 = arith.constant 16 : i32
    %add3A_15 = vector.broadcast %add3A_14 : i32 to vector<16xi32>
    %add3A_16 = arith.addi %add3A_15, %iota3A_13 : vector<16xi32>
    %min3A_17 = arith.constant 576 : i32
    %min3A_18 = vector.broadcast %min3A_17 : i32 to vector<16xi32>
    %min3A_19 = arith.minsi %add3A_16, %min3A_18 : vector<16xi32>
    %add3A_20 = vector.broadcast %mul3A_2 : i32 to vector<16xi32>
    %add3A_21 = arith.addi %add3A_20, %min3A_19 : vector<16xi32>
    %swap3A_22 = arith.constant 0 : i32
    %swap3A_23 = arith.index_cast %swap3A_22 : i32 to index
    %swap3A_24 = arith.constant 16 : index
    %swap3A_25 = tpu.vector_load %arg14[%swap3A_23, %swap3A_24] {strides = array<i32>} : memref<5x128xi32, #tpu.memory_space<vmem>>, vector<16xi32>,
    tpu.vector_store %arg14[%swap3A_23, %swap3A_24], %add3A_21 {strides = array<i32>} : memref<5x128xi32, #tpu.memory_space<vmem>>, vector<16xi32>,
    %iota3A_26 = tpu.iota {dimensions = array<i32: 0>} : vector<16xi32>
    %add3A_27 = arith.constant 32 : i32
    %add3A_28 = vector.broadcast %add3A_27 : i32 to vector<16xi32>
    %add3A_29 = arith.addi %add3A_28, %iota3A_26 : vector<16xi32>
    %min3A_30 = arith.constant 576 : i32
    %min3A_31 = vector.broadcast %min3A_30 : i32 to vector<16xi32>
    %min3A_32 = arith.minsi %add3A_29, %min3A_31 : vector<16xi32>
    %add3A_33 = vector.broadcast %mul3A_2 : i32 to vector<16xi32>
    %add3A_34 = arith.addi %add3A_33, %min3A_32 : vector<16xi32>
    %swap3A_35 = arith.constant 0 : i32
    %swap3A_36 = arith.index_cast %swap3A_35 : i32 to index
    %swap3A_37 = arith.constant 32 : index
    %swap3A_38 = tpu.vector_load %arg14[%swap3A_36, %swap3A_37] {strides = array<i32>} : memref<5x128xi32, #tpu.memory_space<vmem>>, vector<16xi32>,
    tpu.vector_store %arg14[%swap3A_36, %swap3A_37], %add3A_34 {strides = array<i32>} : memref<5x128xi32, #tpu.memory_space<vmem>>, vector<16xi32>,
    %iota3A_39 = tpu.iota {dimensions = array<i32: 0>} : vector<16xi32>
    %add3A_40 = arith.constant 48 : i32
    %add3A_41 = vector.broadcast %add3A_40 : i32 to vector<16xi32>
    %add3A_42 = arith.addi %add3A_41, %iota3A_39 : vector<16xi32>
    %min3A_43 = arith.constant 576 : i32
    %min3A_44 = vector.broadcast %min3A_43 : i32 to vector<16xi32>
    %min3A_45 = arith.minsi %add3A_42, %min3A_44 : vector<16xi32>
    %add3A_46 = vector.broadcast %mul3A_2 : i32 to vector<16xi32>
    %add3A_47 = arith.addi %add3A_46, %min3A_45 : vector<16xi32>
    %swap3A_48 = arith.constant 0 : i32
    %swap3A_49 = arith.index_cast %swap3A_48 : i32 to index
    %swap3A_50 = arith.constant 48 : index
    %swap3A_51 = tpu.vector_load %arg14[%swap3A_49, %swap3A_50] {strides = array<i32>} : memref<5x128xi32, #tpu.memory_space<vmem>>, vector<16xi32>,
    tpu.vector_store %arg14[%swap3A_49, %swap3A_50], %add3A_47 {strides = array<i32>} : memref<5x128xi32, #tpu.memory_space<vmem>>, vector<16xi32>,
    %iota3A_52 = tpu.iota {dimensions = array<i32: 0>} : vector<16xi32>
    %add3A_53 = arith.constant 64 : i32
    %add3A_54 = vector.broadcast %add3A_53 : i32 to vector<16xi32>
    %add3A_55 = arith.addi %add3A_54, %iota3A_52 : vector<16xi32>
    %min3A_56 = arith.constant 576 : i32
    %min3A_57 = vector.broadcast %min3A_56 : i32 to vector<16xi32>
    %min3A_58 = arith.minsi %add3A_55, %min3A_57 : vector<16xi32>
    %add3A_59 = vector.broadcast %mul3A_2 : i32 to vector<16xi32>
    %add3A_60 = arith.addi %add3A_59, %min3A_58 : vector<16xi32>
    %swap3A_61 = arith.constant 0 : i32
    %swap3A_62 = arith.index_cast %swap3A_61 : i32 to index
    %swap3A_63 = arith.constant 64 : index
    %swap3A_64 = tpu.vector_load %arg14[%swap3A_62, %swap3A_63] {strides = array<i32>} : memref<5x128xi32, #tpu.memory_space<vmem>>, vector<16xi32>,
    tpu.vector_store %arg14[%swap3A_62, %swap3A_63], %add3A_60 {strides = array<i32>} : memref<5x128xi32, #tpu.memory_space<vmem>>, vector<16xi32>,
    %iota3A_65 = tpu.iota {dimensions = array<i32: 0>} : vector<16xi32>
    %add3A_66 = arith.constant 80 : i32
    %add3A_67 = vector.broadcast %add3A_66 : i32 to vector<16xi32>
    %add3A_68 = arith.addi %add3A_67, %iota3A_65 : vector<16xi32>
    %min3A_69 = arith.constant 576 : i32
    %min3A_70 = vector.broadcast %min3A_69 : i32 to vector<16xi32>
    %min3A_71 = arith.minsi %add3A_68, %min3A_70 : vector<16xi32>
    %add3A_72 = vector.broadcast %mul3A_2 : i32 to vector<16xi32>
    %add3A_73 = arith.addi %add3A_72, %min3A_71 : vector<16xi32>
    %swap3A_74 = arith.constant 0 : i32
    %swap3A_75 = arith.index_cast %swap3A_74 : i32 to index
    %swap3A_76 = arith.constant 80 : index
    %swap3A_77 = tpu.vector_load %arg14[%swap3A_75, %swap3A_76] {strides = array<i32>} : memref<5x128xi32, #tpu.memory_space<vmem>>, vector<16xi32>,
    tpu.vector_store %arg14[%swap3A_75, %swap3A_76], %add3A_73 {strides = array<i32>} : memref<5x128xi32, #tpu.memory_space<vmem>>, vector<16xi32>,
    %iota3A_78 = tpu.iota {dimensions = array<i32: 0>} : vector<16xi32>
    %add3A_79 = arith.constant 96 : i32
    %add3A_80 = vector.broadcast %add3A_79 : i32 to vector<16xi32>
    %add3A_81 = arith.addi %add3A_80, %iota3A_78 : vector<16xi32>
    %min3A_82 = arith.constant 576 : i32
    %min3A_83 = vector.broadcast %min3A_82 : i32 to vector<16xi32>
    %min3A_84 = arith.minsi %add3A_81, %min3A_83 : vector<16xi32>
    %add3A_85 = vector.broadcast %mul3A_2 : i32 to vector<16xi32>
    %add3A_86 = arith.addi %add3A_85, %min3A_84 : vector<16xi32>
    %swap3A_87 = arith.constant 0 : i32
    %swap3A_88 = arith.index_cast %swap3A_87 : i32 to index
    %swap3A_89 = arith.constant 96 : index
    %swap3A_90 = tpu.vector_load %arg14[%swap3A_88, %swap3A_89] {strides = array<i32>} : memref<5x128xi32, #tpu.memory_space<vmem>>, vector<16xi32>,
    tpu.vector_store %arg14[%swap3A_88, %swap3A_89], %add3A_86 {strides = array<i32>} : memref<5x128xi32, #tpu.memory_space<vmem>>, vector<16xi32>,
    %iota3A_91 = tpu.iota {dimensions = array<i32: 0>} : vector<16xi32>
    %add3A_92 = arith.constant 112 : i32
    %add3A_93 = vector.broadcast %add3A_92 : i32 to vector<16xi32>
    %add3A_94 = arith.addi %add3A_93, %iota3A_91 : vector<16xi32>
    %min3A_95 = arith.constant 576 : i32
    %min3A_96 = vector.broadcast %min3A_95 : i32 to vector<16xi32>
    %min3A_97 = arith.minsi %add3A_94, %min3A_96 : vector<16xi32>
    %add3A_98 = vector.broadcast %mul3A_2 : i32 to vector<16xi32>
    %add3A_99 = arith.addi %add3A_98, %min3A_97 : vector<16xi32>
    %swap3A_100 = arith.constant 0 : i32
    %swap3A_101 = arith.index_cast %swap3A_100 : i32 to index
    %swap3A_102 = arith.constant 112 : index
    %swap3A_103 = tpu.vector_load %arg14[%swap3A_101, %swap3A_102] {strides = array<i32>} : memref<5x128xi32, #tpu.memory_space<vmem>>, vector<16xi32>,
    tpu.vector_store %arg14[%swap3A_101, %swap3A_102], %add3A_99 {strides = array<i32>} : memref<5x128xi32, #tpu.memory_space<vmem>>, vector<16xi32>,
    %iota3A_104 = tpu.iota {dimensions = array<i32: 0>} : vector<16xi32>
    %add3A_105 = arith.constant 128 : i32
    %add3A_106 = vector.broadcast %add3A_105 : i32 to vector<16xi32>
    %add3A_107 = arith.addi %add3A_106, %iota3A_104 : vector<16xi32>
    %min3A_108 = arith.constant 576 : i32
    %min3A_109 = vector.broadcast %min3A_108 : i32 to vector<16xi32>
    %min3A_110 = arith.minsi %add3A_107, %min3A_109 : vector<16xi32>
    %add3A_111 = vector.broadcast %mul3A_2 : i32 to vector<16xi32>
    %add3A_112 = arith.addi %add3A_111, %min3A_110 : vector<16xi32>
    %swap3A_113 = arith.constant 1 : i32
    %swap3A_114 = arith.index_cast %swap3A_113 : i32 to index
    %swap3A_115 = arith.constant 0 : index
    %swap3A_116 = tpu.vector_load %arg14[%swap3A_114, %swap3A_115] {strides = array<i32>} : memref<5x128xi32, #tpu.memory_space<vmem>>, vector<16xi32>,
    tpu.vector_store %arg14[%swap3A_114, %swap3A_115], %add3A_112 {strides = array<i32>} : memref<5x128xi32, #tpu.memory_space<vmem>>, vector<16xi32>,
    %iota3A_117 = tpu.iota {dimensions = array<i32: 0>} : vector<16xi32>
    %add3A_118 = arith.constant 144 : i32
    %add3A_119 = vector.broadcast %add3A_118 : i32 to vector<16xi32>
    %add3A_120 = arith.addi %add3A_119, %iota3A_117 : vector<16xi32>
    %min3A_121 = arith.constant 576 : i32
    %min3A_122 = vector.broadcast %min3A_121 : i32 to vector<16xi32>
    %min3A_123 = arith.minsi %add3A_120, %min3A_122 : vector<16xi32>
    %add3A_124 = vector.broadcast %mul3A_2 : i32 to vector<16xi32>
    %add3A_125 = arith.addi %add3A_124, %min3A_123 : vector<16xi32>
    %swap3A_126 = arith.constant 1 : i32
    %swap3A_127 = arith.index_cast %swap3A_126 : i32 to index
    %swap3A_128 = arith.constant 16 : index
    %swap3A_129 = tpu.vector_load %arg14[%swap3A_127, %swap3A_128] {strides = array<i32>} : memref<5x128xi32, #tpu.memory_space<vmem>>, vector<16xi32>,
    tpu.vector_store %arg14[%swap3A_127, %swap3A_128], %add3A_125 {strides = array<i32>} : memref<5x128xi32, #tpu.memory_space<vmem>>, vector<16xi32>,
    %iota3A_130 = tpu.iota {dimensions = array<i32: 0>} : vector<16xi32>
    %add3A_131 = arith.constant 160 : i32
    %add3A_132 = vector.broadcast %add3A_131 : i32 to vector<16xi32>
    %add3A_133 = arith.addi %add3A_132, %iota3A_130 : vector<16xi32>
    %min3A_134 = arith.constant 576 : i32
    %min3A_135 = vector.broadcast %min3A_134 : i32 to vector<16xi32>
    %min3A_136 = arith.minsi %add3A_133, %min3A_135 : vector<16xi32>
    %add3A_137 = vector.broadcast %mul3A_2 : i32 to vector<16xi32>
    %add3A_138 = arith.addi %add3A_137, %min3A_136 : vector<16xi32>
    %swap3A_139 = arith.constant 1 : i32
    %swap3A_140 = arith.index_cast %swap3A_139 : i32 to index
    %swap3A_141 = arith.constant 32 : index
    %swap3A_142 = tpu.vector_load %arg14[%swap3A_140, %swap3A_141] {strides = array<i32>} : memref<5x128xi32, #tpu.memory_space<vmem>>, vector<16xi32>,
    tpu.vector_store %arg14[%swap3A_140, %swap3A_141], %add3A_138 {strides = array<i32>} : memref<5x128xi32, #tpu.memory_space<vmem>>, vector<16xi32>,
    %iota3A_143 = tpu.iota {dimensions = array<i32: 0>} : vector<16xi32>
    %add3A_144 = arith.constant 176 : i32
    %add3A_145 = vector.broadcast %add3A_144 : i32 to vector<16xi32>
    %add3A_146 = arith.addi %add3A_145, %iota3A_143 : vector<16xi32>
    %min3A_147 = arith.constant 576 : i32
    %min3A_148 = vector.broadcast %min3A_147 : i32 to vector<16xi32>
    %min3A_149 = arith.minsi %add3A_146, %min3A_148 : vector<16xi32>
    %add3A_150 = vector.broadcast %mul3A_2 : i32 to vector<16xi32>
    %add3A_151 = arith.addi %add3A_150, %min3A_149 : vector<16xi32>
    %swap3A_152 = arith.constant 1 : i32
    %swap3A_153 = arith.index_cast %swap3A_152 : i32 to index
    %swap3A_154 = arith.constant 48 : index
    %swap3A_155 = tpu.vector_load %arg14[%swap3A_153, %swap3A_154] {strides = array<i32>} : memref<5x128xi32, #tpu.memory_space<vmem>>, vector<16xi32>,
    tpu.vector_store %arg14[%swap3A_153, %swap3A_154], %add3A_151 {strides = array<i32>} : memref<5x128xi32, #tpu.memory_space<vmem>>, vector<16xi32>,
    %iota3A_156 = tpu.iota {dimensions = array<i32: 0>} : vector<16xi32>
    %add3A_157 = arith.constant 192 : i32
    %add3A_158 = vector.broadcast %add3A_157 : i32 to vector<16xi32>
    %add3A_159 = arith.addi %add3A_158, %iota3A_156 : vector<16xi32>
    %min3A_160 = arith.constant 576 : i32
    %min3A_161 = vector.broadcast %min3A_160 : i32 to vector<16xi32>
    %min3A_162 = arith.minsi %add3A_159, %min3A_161 : vector<16xi32>
    %add3A_163 = vector.broadcast %mul3A_2 : i32 to vector<16xi32>
    %add3A_164 = arith.addi %add3A_163, %min3A_162 : vector<16xi32>
    %swap3A_165 = arith.constant 1 : i32
    %swap3A_166 = arith.index_cast %swap3A_165 : i32 to index
    %swap3A_167 = arith.constant 64 : index
    %swap3A_168 = tpu.vector_load %arg14[%swap3A_166, %swap3A_167] {strides = array<i32>} : memref<5x128xi32, #tpu.memory_space<vmem>>, vector<16xi32>,
    tpu.vector_store %arg14[%swap3A_166, %swap3A_167], %add3A_164 {strides = array<i32>} : memref<5x128xi32, #tpu.memory_space<vmem>>, vector<16xi32>,
    %iota3A_169 = tpu.iota {dimensions = array<i32: 0>} : vector<16xi32>
    %add3A_170 = arith.constant 208 : i32
    %add3A_171 = vector.broadcast %add3A_170 : i32 to vector<16xi32>
    %add3A_172 = arith.addi %add3A_171, %iota3A_169 : vector<16xi32>
    %min3A_173 = arith.constant 576 : i32
    %min3A_174 = vector.broadcast %min3A_173 : i32 to vector<16xi32>
    %min3A_175 = arith.minsi %add3A_172, %min3A_174 : vector<16xi32>
    %add3A_176 = vector.broadcast %mul3A_2 : i32 to vector<16xi32>
    %add3A_177 = arith.addi %add3A_176, %min3A_175 : vector<16xi32>
    %swap3A_178 = arith.constant 1 : i32
    %swap3A_179 = arith.index_cast %swap3A_178 : i32 to index
    %swap3A_180 = arith.constant 80 : index
    %swap3A_181 = tpu.vector_load %arg14[%swap3A_179, %swap3A_180] {strides = array<i32>} : memref<5x128xi32, #tpu.memory_space<vmem>>, vector<16xi32>,
    tpu.vector_store %arg14[%swap3A_179, %swap3A_180], %add3A_177 {strides = array<i32>} : memref<5x128xi32, #tpu.memory_space<vmem>>, vector<16xi32>,
    %iota3A_182 = tpu.iota {dimensions = array<i32: 0>} : vector<16xi32>
    %add3A_183 = arith.constant 224 : i32
    %add3A_184 = vector.broadcast %add3A_183 : i32 to vector<16xi32>
    %add3A_185 = arith.addi %add3A_184, %iota3A_182 : vector<16xi32>
    %min3A_186 = arith.constant 576 : i32
    %min3A_187 = vector.broadcast %min3A_186 : i32 to vector<16xi32>
    %min3A_188 = arith.minsi %add3A_185, %min3A_187 : vector<16xi32>
    %add3A_189 = vector.broadcast %mul3A_2 : i32 to vector<16xi32>
    %add3A_190 = arith.addi %add3A_189, %min3A_188 : vector<16xi32>
    %swap3A_191 = arith.constant 1 : i32
    %swap3A_192 = arith.index_cast %swap3A_191 : i32 to index
    %swap3A_193 = arith.constant 96 : index
    %swap3A_194 = tpu.vector_load %arg14[%swap3A_192, %swap3A_193] {strides = array<i32>} : memref<5x128xi32, #tpu.memory_space<vmem>>, vector<16xi32>,
    tpu.vector_store %arg14[%swap3A_192, %swap3A_193], %add3A_190 {strides = array<i32>} : memref<5x128xi32, #tpu.memory_space<vmem>>, vector<16xi32>,
    %iota3A_195 = tpu.iota {dimensions = array<i32: 0>} : vector<16xi32>
    %add3A_196 = arith.constant 240 : i32
    %add3A_197 = vector.broadcast %add3A_196 : i32 to vector<16xi32>
    %add3A_198 = arith.addi %add3A_197, %iota3A_195 : vector<16xi32>
    %min3A_199 = arith.constant 576 : i32
    %min3A_200 = vector.broadcast %min3A_199 : i32 to vector<16xi32>
    %min3A_201 = arith.minsi %add3A_198, %min3A_200 : vector<16xi32>
    %add3A_202 = vector.broadcast %mul3A_2 : i32 to vector<16xi32>
    %add3A_203 = arith.addi %add3A_202, %min3A_201 : vector<16xi32>
    %swap3A_204 = arith.constant 1 : i32
    %swap3A_205 = arith.index_cast %swap3A_204 : i32 to index
    %swap3A_206 = arith.constant 112 : index
    %swap3A_207 = tpu.vector_load %arg14[%swap3A_205, %swap3A_206] {strides = array<i32>} : memref<5x128xi32, #tpu.memory_space<vmem>>, vector<16xi32>,
    tpu.vector_store %arg14[%swap3A_205, %swap3A_206], %add3A_203 {strides = array<i32>} : memref<5x128xi32, #tpu.memory_space<vmem>>, vector<16xi32>,
    %iota3A_208 = tpu.iota {dimensions = array<i32: 0>} : vector<16xi32>
    %add3A_209 = arith.constant 256 : i32
    %add3A_210 = vector.broadcast %add3A_209 : i32 to vector<16xi32>
    %add3A_211 = arith.addi %add3A_210, %iota3A_208 : vector<16xi32>
    %min3A_212 = arith.constant 576 : i32
    %min3A_213 = vector.broadcast %min3A_212 : i32 to vector<16xi32>
    %min3A_214 = arith.minsi %add3A_211, %min3A_213 : vector<16xi32>
    %add3A_215 = vector.broadcast %mul3A_2 : i32 to vector<16xi32>
    %add3A_216 = arith.addi %add3A_215, %min3A_214 : vector<16xi32>
    %swap3A_217 = arith.constant 2 : i32
    %swap3A_218 = arith.index_cast %swap3A_217 : i32 to index
    %swap3A_219 = arith.constant 0 : index
    %swap3A_220 = tpu.vector_load %arg14[%swap3A_218, %swap3A_219] {strides = array<i32>} : memref<5x128xi32, #tpu.memory_space<vmem>>, vector<16xi32>,
    tpu.vector_store %arg14[%swap3A_218, %swap3A_219], %add3A_216 {strides = array<i32>} : memref<5x128xi32, #tpu.memory_space<vmem>>, vector<16xi32>,
    %iota3A_221 = tpu.iota {dimensions = array<i32: 0>} : vector<16xi32>
    %add3A_222 = arith.constant 272 : i32
    %add3A_223 = vector.broadcast %add3A_222 : i32 to vector<16xi32>
    %add3A_224 = arith.addi %add3A_223, %iota3A_221 : vector<16xi32>
    %min3A_225 = arith.constant 576 : i32
    %min3A_226 = vector.broadcast %min3A_225 : i32 to vector<16xi32>
    %min3A_227 = arith.minsi %add3A_224, %min3A_226 : vector<16xi32>
    %add3A_228 = vector.broadcast %mul3A_2 : i32 to vector<16xi32>
    %add3A_229 = arith.addi %add3A_228, %min3A_227 : vector<16xi32>
    %swap3A_230 = arith.constant 2 : i32
    %swap3A_231 = arith.index_cast %swap3A_230 : i32 to index
    %swap3A_232 = arith.constant 16 : index
    %swap3A_233 = tpu.vector_load %arg14[%swap3A_231, %swap3A_232] {strides = array<i32>} : memref<5x128xi32, #tpu.memory_space<vmem>>, vector<16xi32>,
    tpu.vector_store %arg14[%swap3A_231, %swap3A_232], %add3A_229 {strides = array<i32>} : memref<5x128xi32, #tpu.memory_space<vmem>>, vector<16xi32>,
    %iota3A_234 = tpu.iota {dimensions = array<i32: 0>} : vector<16xi32>
    %add3A_235 = arith.constant 288 : i32
    %add3A_236 = vector.broadcast %add3A_235 : i32 to vector<16xi32>
    %add3A_237 = arith.addi %add3A_236, %iota3A_234 : vector<16xi32>
    %min3A_238 = arith.constant 576 : i32
    %min3A_239 = vector.broadcast %min3A_238 : i32 to vector<16xi32>
    %min3A_240 = arith.minsi %add3A_237, %min3A_239 : vector<16xi32>
    %add3A_241 = vector.broadcast %mul3A_2 : i32 to vector<16xi32>
    %add3A_242 = arith.addi %add3A_241, %min3A_240 : vector<16xi32>
    %swap3A_243 = arith.constant 2 : i32
    %swap3A_244 = arith.index_cast %swap3A_243 : i32 to index
    %swap3A_245 = arith.constant 32 : index
    %swap3A_246 = tpu.vector_load %arg14[%swap3A_244, %swap3A_245] {strides = array<i32>} : memref<5x128xi32, #tpu.memory_space<vmem>>, vector<16xi32>,
    tpu.vector_store %arg14[%swap3A_244, %swap3A_245], %add3A_242 {strides = array<i32>} : memref<5x128xi32, #tpu.memory_space<vmem>>, vector<16xi32>,
    %iota3A_247 = tpu.iota {dimensions = array<i32: 0>} : vector<16xi32>
    %add3A_248 = arith.constant 304 : i32
    %add3A_249 = vector.broadcast %add3A_248 : i32 to vector<16xi32>
    %add3A_250 = arith.addi %add3A_249, %iota3A_247 : vector<16xi32>
    %min3A_251 = arith.constant 576 : i32
    %min3A_252 = vector.broadcast %min3A_251 : i32 to vector<16xi32>
    %min3A_253 = arith.minsi %add3A_250, %min3A_252 : vector<16xi32>
    %add3A_254 = vector.broadcast %mul3A_2 : i32 to vector<16xi32>
    %add3A_255 = arith.addi %add3A_254, %min3A_253 : vector<16xi32>
    %swap3A_256 = arith.constant 2 : i32
    %swap3A_257 = arith.index_cast %swap3A_256 : i32 to index
    %swap3A_258 = arith.constant 48 : index
    %swap3A_259 = tpu.vector_load %arg14[%swap3A_257, %swap3A_258] {strides = array<i32>} : memref<5x128xi32, #tpu.memory_space<vmem>>, vector<16xi32>,
    tpu.vector_store %arg14[%swap3A_257, %swap3A_258], %add3A_255 {strides = array<i32>} : memref<5x128xi32, #tpu.memory_space<vmem>>, vector<16xi32>,
    %iota3A_260 = tpu.iota {dimensions = array<i32: 0>} : vector<16xi32>
    %add3A_261 = arith.constant 320 : i32
    %add3A_262 = vector.broadcast %add3A_261 : i32 to vector<16xi32>
    %add3A_263 = arith.addi %add3A_262, %iota3A_260 : vector<16xi32>
    %min3A_264 = arith.constant 576 : i32
    %min3A_265 = vector.broadcast %min3A_264 : i32 to vector<16xi32>
    %min3A_266 = arith.minsi %add3A_263, %min3A_265 : vector<16xi32>
    %add3A_267 = vector.broadcast %mul3A_2 : i32 to vector<16xi32>
    %add3A_268 = arith.addi %add3A_267, %min3A_266 : vector<16xi32>
    %swap3A_269 = arith.constant 2 : i32
    %swap3A_270 = arith.index_cast %swap3A_269 : i32 to index
    %swap3A_271 = arith.constant 64 : index
    %swap3A_272 = tpu.vector_load %arg14[%swap3A_270, %swap3A_271] {strides = array<i32>} : memref<5x128xi32, #tpu.memory_space<vmem>>, vector<16xi32>,
    tpu.vector_store %arg14[%swap3A_270, %swap3A_271], %add3A_268 {strides = array<i32>} : memref<5x128xi32, #tpu.memory_space<vmem>>, vector<16xi32>,
    %iota3A_273 = tpu.iota {dimensions = array<i32: 0>} : vector<16xi32>
    %add3A_274 = arith.constant 336 : i32
    %add3A_275 = vector.broadcast %add3A_274 : i32 to vector<16xi32>
    %add3A_276 = arith.addi %add3A_275, %iota3A_273 : vector<16xi32>
    %min3A_277 = arith.constant 576 : i32
    %min3A_278 = vector.broadcast %min3A_277 : i32 to vector<16xi32>
    %min3A_279 = arith.minsi %add3A_276, %min3A_278 : vector<16xi32>
    %add3A_280 = vector.broadcast %mul3A_2 : i32 to vector<16xi32>
    %add3A_281 = arith.addi %add3A_280, %min3A_279 : vector<16xi32>
    %swap3A_282 = arith.constant 2 : i32
    %swap3A_283 = arith.index_cast %swap3A_282 : i32 to index
    %swap3A_284 = arith.constant 80 : index
    %swap3A_285 = tpu.vector_load %arg14[%swap3A_283, %swap3A_284] {strides = array<i32>} : memref<5x128xi32, #tpu.memory_space<vmem>>, vector<16xi32>,
    tpu.vector_store %arg14[%swap3A_283, %swap3A_284], %add3A_281 {strides = array<i32>} : memref<5x128xi32, #tpu.memory_space<vmem>>, vector<16xi32>,
    %iota3A_286 = tpu.iota {dimensions = array<i32: 0>} : vector<16xi32>
    %add3A_287 = arith.constant 352 : i32
    %add3A_288 = vector.broadcast %add3A_287 : i32 to vector<16xi32>
    %add3A_289 = arith.addi %add3A_288, %iota3A_286 : vector<16xi32>
    %min3A_290 = arith.constant 576 : i32
    %min3A_291 = vector.broadcast %min3A_290 : i32 to vector<16xi32>
    %min3A_292 = arith.minsi %add3A_289, %min3A_291 : vector<16xi32>
    %add3A_293 = vector.broadcast %mul3A_2 : i32 to vector<16xi32>
    %add3A_294 = arith.addi %add3A_293, %min3A_292 : vector<16xi32>
    %swap3A_295 = arith.constant 2 : i32
    %swap3A_296 = arith.index_cast %swap3A_295 : i32 to index
    %swap3A_297 = arith.constant 96 : index
    %swap3A_298 = tpu.vector_load %arg14[%swap3A_296, %swap3A_297] {strides = array<i32>} : memref<5x128xi32, #tpu.memory_space<vmem>>, vector<16xi32>,
    tpu.vector_store %arg14[%swap3A_296, %swap3A_297], %add3A_294 {strides = array<i32>} : memref<5x128xi32, #tpu.memory_space<vmem>>, vector<16xi32>,
    %iota3A_299 = tpu.iota {dimensions = array<i32: 0>} : vector<16xi32>
    %add3A_300 = arith.constant 368 : i32
    %add3A_301 = vector.broadcast %add3A_300 : i32 to vector<16xi32>
    %add3A_302 = arith.addi %add3A_301, %iota3A_299 : vector<16xi32>
    %min3A_303 = arith.constant 576 : i32
    %min3A_304 = vector.broadcast %min3A_303 : i32 to vector<16xi32>
    %min3A_305 = arith.minsi %add3A_302, %min3A_304 : vector<16xi32>
    %add3A_306 = vector.broadcast %mul3A_2 : i32 to vector<16xi32>
    %add3A_307 = arith.addi %add3A_306, %min3A_305 : vector<16xi32>
    %swap3A_308 = arith.constant 2 : i32
    %swap3A_309 = arith.index_cast %swap3A_308 : i32 to index
    %swap3A_310 = arith.constant 112 : index
    %swap3A_311 = tpu.vector_load %arg14[%swap3A_309, %swap3A_310] {strides = array<i32>} : memref<5x128xi32, #tpu.memory_space<vmem>>, vector<16xi32>,
    tpu.vector_store %arg14[%swap3A_309, %swap3A_310], %add3A_307 {strides = array<i32>} : memref<5x128xi32, #tpu.memory_space<vmem>>, vector<16xi32>,
    %iota3A_312 = tpu.iota {dimensions = array<i32: 0>} : vector<16xi32>
    %add3A_313 = arith.constant 384 : i32
    %add3A_314 = vector.broadcast %add3A_313 : i32 to vector<16xi32>
    %add3A_315 = arith.addi %add3A_314, %iota3A_312 : vector<16xi32>
    %min3A_316 = arith.constant 576 : i32
    %min3A_317 = vector.broadcast %min3A_316 : i32 to vector<16xi32>
    %min3A_318 = arith.minsi %add3A_315, %min3A_317 : vector<16xi32>
    %add3A_319 = vector.broadcast %mul3A_2 : i32 to vector<16xi32>
    %add3A_320 = arith.addi %add3A_319, %min3A_318 : vector<16xi32>
    %swap3A_321 = arith.constant 3 : i32
    %swap3A_322 = arith.index_cast %swap3A_321 : i32 to index
    %swap3A_323 = arith.constant 0 : index
    %swap3A_324 = tpu.vector_load %arg14[%swap3A_322, %swap3A_323] {strides = array<i32>} : memref<5x128xi32, #tpu.memory_space<vmem>>, vector<16xi32>,
    tpu.vector_store %arg14[%swap3A_322, %swap3A_323], %add3A_320 {strides = array<i32>} : memref<5x128xi32, #tpu.memory_space<vmem>>, vector<16xi32>,
    %iota3A_325 = tpu.iota {dimensions = array<i32: 0>} : vector<16xi32>
    %add3A_326 = arith.constant 400 : i32
    %add3A_327 = vector.broadcast %add3A_326 : i32 to vector<16xi32>
    %add3A_328 = arith.addi %add3A_327, %iota3A_325 : vector<16xi32>
    %min3A_329 = arith.constant 576 : i32
    %min3A_330 = vector.broadcast %min3A_329 : i32 to vector<16xi32>
    %min3A_331 = arith.minsi %add3A_328, %min3A_330 : vector<16xi32>
    %add3A_332 = vector.broadcast %mul3A_2 : i32 to vector<16xi32>
    %add3A_333 = arith.addi %add3A_332, %min3A_331 : vector<16xi32>
    %swap3A_334 = arith.constant 3 : i32
    %swap3A_335 = arith.index_cast %swap3A_334 : i32 to index
    %swap3A_336 = arith.constant 16 : index
    %swap3A_337 = tpu.vector_load %arg14[%swap3A_335, %swap3A_336] {strides = array<i32>} : memref<5x128xi32, #tpu.memory_space<vmem>>, vector<16xi32>,
    tpu.vector_store %arg14[%swap3A_335, %swap3A_336], %add3A_333 {strides = array<i32>} : memref<5x128xi32, #tpu.memory_space<vmem>>, vector<16xi32>,
    %iota3A_338 = tpu.iota {dimensions = array<i32: 0>} : vector<16xi32>
    %add3A_339 = arith.constant 416 : i32
    %add3A_340 = vector.broadcast %add3A_339 : i32 to vector<16xi32>
    %add3A_341 = arith.addi %add3A_340, %iota3A_338 : vector<16xi32>
    %min3A_342 = arith.constant 576 : i32
    %min3A_343 = vector.broadcast %min3A_342 : i32 to vector<16xi32>
    %min3A_344 = arith.minsi %add3A_341, %min3A_343 : vector<16xi32>
    %add3A_345 = vector.broadcast %mul3A_2 : i32 to vector<16xi32>
    %add3A_346 = arith.addi %add3A_345, %min3A_344 : vector<16xi32>
    %swap3A_347 = arith.constant 3 : i32
    %swap3A_348 = arith.index_cast %swap3A_347 : i32 to index
    %swap3A_349 = arith.constant 32 : index
    %swap3A_350 = tpu.vector_load %arg14[%swap3A_348, %swap3A_349] {strides = array<i32>} : memref<5x128xi32, #tpu.memory_space<vmem>>, vector<16xi32>,
    tpu.vector_store %arg14[%swap3A_348, %swap3A_349], %add3A_346 {strides = array<i32>} : memref<5x128xi32, #tpu.memory_space<vmem>>, vector<16xi32>,
    %iota3A_351 = tpu.iota {dimensions = array<i32: 0>} : vector<16xi32>
    %add3A_352 = arith.constant 432 : i32
    %add3A_353 = vector.broadcast %add3A_352 : i32 to vector<16xi32>
    %add3A_354 = arith.addi %add3A_353, %iota3A_351 : vector<16xi32>
    %min3A_355 = arith.constant 576 : i32
    %min3A_356 = vector.broadcast %min3A_355 : i32 to vector<16xi32>
    %min3A_357 = arith.minsi %add3A_354, %min3A_356 : vector<16xi32>
    %add3A_358 = vector.broadcast %mul3A_2 : i32 to vector<16xi32>
    %add3A_359 = arith.addi %add3A_358, %min3A_357 : vector<16xi32>
    %swap3A_360 = arith.constant 3 : i32
    %swap3A_361 = arith.index_cast %swap3A_360 : i32 to index
    %swap3A_362 = arith.constant 48 : index
    %swap3A_363 = tpu.vector_load %arg14[%swap3A_361, %swap3A_362] {strides = array<i32>} : memref<5x128xi32, #tpu.memory_space<vmem>>, vector<16xi32>,
    tpu.vector_store %arg14[%swap3A_361, %swap3A_362], %add3A_359 {strides = array<i32>} : memref<5x128xi32, #tpu.memory_space<vmem>>, vector<16xi32>,
    %iota3A_364 = tpu.iota {dimensions = array<i32: 0>} : vector<16xi32>
    %add3A_365 = arith.constant 448 : i32
    %add3A_366 = vector.broadcast %add3A_365 : i32 to vector<16xi32>
    %add3A_367 = arith.addi %add3A_366, %iota3A_364 : vector<16xi32>
    %min3A_368 = arith.constant 576 : i32
    %min3A_369 = vector.broadcast %min3A_368 : i32 to vector<16xi32>
    %min3A_370 = arith.minsi %add3A_367, %min3A_369 : vector<16xi32>
    %add3A_371 = vector.broadcast %mul3A_2 : i32 to vector<16xi32>
    %add3A_372 = arith.addi %add3A_371, %min3A_370 : vector<16xi32>
    %swap3A_373 = arith.constant 3 : i32
    %swap3A_374 = arith.index_cast %swap3A_373 : i32 to index
    %swap3A_375 = arith.constant 64 : index
    %swap3A_376 = tpu.vector_load %arg14[%swap3A_374, %swap3A_375] {strides = array<i32>} : memref<5x128xi32, #tpu.memory_space<vmem>>, vector<16xi32>,
    tpu.vector_store %arg14[%swap3A_374, %swap3A_375], %add3A_372 {strides = array<i32>} : memref<5x128xi32, #tpu.memory_space<vmem>>, vector<16xi32>,
    %iota3A_377 = tpu.iota {dimensions = array<i32: 0>} : vector<16xi32>
    %add3A_378 = arith.constant 464 : i32
    %add3A_379 = vector.broadcast %add3A_378 : i32 to vector<16xi32>
    %add3A_380 = arith.addi %add3A_379, %iota3A_377 : vector<16xi32>
    %min3A_381 = arith.constant 576 : i32
    %min3A_382 = vector.broadcast %min3A_381 : i32 to vector<16xi32>
    %min3A_383 = arith.minsi %add3A_380, %min3A_382 : vector<16xi32>
    %add3A_384 = vector.broadcast %mul3A_2 : i32 to vector<16xi32>
    %add3A_385 = arith.addi %add3A_384, %min3A_383 : vector<16xi32>
    %swap3A_386 = arith.constant 3 : i32
    %swap3A_387 = arith.index_cast %swap3A_386 : i32 to index
    %swap3A_388 = arith.constant 80 : index
    %swap3A_389 = tpu.vector_load %arg14[%swap3A_387, %swap3A_388] {strides = array<i32>} : memref<5x128xi32, #tpu.memory_space<vmem>>, vector<16xi32>,
    tpu.vector_store %arg14[%swap3A_387, %swap3A_388], %add3A_385 {strides = array<i32>} : memref<5x128xi32, #tpu.memory_space<vmem>>, vector<16xi32>,
    %iota3A_390 = tpu.iota {dimensions = array<i32: 0>} : vector<16xi32>
    %add3A_391 = arith.constant 480 : i32
    %add3A_392 = vector.broadcast %add3A_391 : i32 to vector<16xi32>
    %add3A_393 = arith.addi %add3A_392, %iota3A_390 : vector<16xi32>
    %min3A_394 = arith.constant 576 : i32
    %min3A_395 = vector.broadcast %min3A_394 : i32 to vector<16xi32>
    %min3A_396 = arith.minsi %add3A_393, %min3A_395 : vector<16xi32>
    %add3A_397 = vector.broadcast %mul3A_2 : i32 to vector<16xi32>
    %add3A_398 = arith.addi %add3A_397, %min3A_396 : vector<16xi32>
    %swap3A_399 = arith.constant 3 : i32
    %swap3A_400 = arith.index_cast %swap3A_399 : i32 to index
    %swap3A_401 = arith.constant 96 : index
    %swap3A_402 = tpu.vector_load %arg14[%swap3A_400, %swap3A_401] {strides = array<i32>} : memref<5x128xi32, #tpu.memory_space<vmem>>, vector<16xi32>,
    tpu.vector_store %arg14[%swap3A_400, %swap3A_401], %add3A_398 {strides = array<i32>} : memref<5x128xi32, #tpu.memory_space<vmem>>, vector<16xi32>,
    %iota3A_403 = tpu.iota {dimensions = array<i32: 0>} : vector<16xi32>
    %add3A_404 = arith.constant 496 : i32
    %add3A_405 = vector.broadcast %add3A_404 : i32 to vector<16xi32>
    %add3A_406 = arith.addi %add3A_405, %iota3A_403 : vector<16xi32>
    %min3A_407 = arith.constant 576 : i32
    %min3A_408 = vector.broadcast %min3A_407 : i32 to vector<16xi32>
    %min3A_409 = arith.minsi %add3A_406, %min3A_408 : vector<16xi32>
    %add3A_410 = vector.broadcast %mul3A_2 : i32 to vector<16xi32>
    %add3A_411 = arith.addi %add3A_410, %min3A_409 : vector<16xi32>
    %swap3A_412 = arith.constant 3 : i32
    %swap3A_413 = arith.index_cast %swap3A_412 : i32 to index
    %swap3A_414 = arith.constant 112 : index
    %swap3A_415 = tpu.vector_load %arg14[%swap3A_413, %swap3A_414] {strides = array<i32>} : memref<5x128xi32, #tpu.memory_space<vmem>>, vector<16xi32>,
    tpu.vector_store %arg14[%swap3A_413, %swap3A_414], %add3A_411 {strides = array<i32>} : memref<5x128xi32, #tpu.memory_space<vmem>>, vector<16xi32>,
    %iota3A_416 = tpu.iota {dimensions = array<i32: 0>} : vector<16xi32>
    %add3A_417 = arith.constant 512 : i32
    %add3A_418 = vector.broadcast %add3A_417 : i32 to vector<16xi32>
    %add3A_419 = arith.addi %add3A_418, %iota3A_416 : vector<16xi32>
    %min3A_420 = arith.constant 576 : i32
    %min3A_421 = vector.broadcast %min3A_420 : i32 to vector<16xi32>
    %min3A_422 = arith.minsi %add3A_419, %min3A_421 : vector<16xi32>
    %add3A_423 = vector.broadcast %mul3A_2 : i32 to vector<16xi32>
    %add3A_424 = arith.addi %add3A_423, %min3A_422 : vector<16xi32>
    %swap3A_425 = arith.constant 4 : i32
    %swap3A_426 = arith.index_cast %swap3A_425 : i32 to index
    %swap3A_427 = arith.constant 0 : index
    %swap3A_428 = tpu.vector_load %arg14[%swap3A_426, %swap3A_427] {strides = array<i32>} : memref<5x128xi32, #tpu.memory_space<vmem>>, vector<16xi32>,
    tpu.vector_store %arg14[%swap3A_426, %swap3A_427], %add3A_424 {strides = array<i32>} : memref<5x128xi32, #tpu.memory_space<vmem>>, vector<16xi32>,
    %iota3A_429 = tpu.iota {dimensions = array<i32: 0>} : vector<16xi32>
    %add3A_430 = arith.constant 528 : i32
    %add3A_431 = vector.broadcast %add3A_430 : i32 to vector<16xi32>
    %add3A_432 = arith.addi %add3A_431, %iota3A_429 : vector<16xi32>
    %min3A_433 = arith.constant 576 : i32
    %min3A_434 = vector.broadcast %min3A_433 : i32 to vector<16xi32>
    %min3A_435 = arith.minsi %add3A_432, %min3A_434 : vector<16xi32>
    %add3A_436 = vector.broadcast %mul3A_2 : i32 to vector<16xi32>
    %add3A_437 = arith.addi %add3A_436, %min3A_435 : vector<16xi32>
    %swap3A_438 = arith.constant 4 : i32
    %swap3A_439 = arith.index_cast %swap3A_438 : i32 to index
    %swap3A_440 = arith.constant 16 : index
    %swap3A_441 = tpu.vector_load %arg14[%swap3A_439, %swap3A_440] {strides = array<i32>} : memref<5x128xi32, #tpu.memory_space<vmem>>, vector<16xi32>,
    tpu.vector_store %arg14[%swap3A_439, %swap3A_440], %add3A_437 {strides = array<i32>} : memref<5x128xi32, #tpu.memory_space<vmem>>, vector<16xi32>,
    %iota3A_442 = tpu.iota {dimensions = array<i32: 0>} : vector<16xi32>
    %add3A_443 = arith.constant 544 : i32
    %add3A_444 = vector.broadcast %add3A_443 : i32 to vector<16xi32>
    %add3A_445 = arith.addi %add3A_444, %iota3A_442 : vector<16xi32>
    %min3A_446 = arith.constant 576 : i32
    %min3A_447 = vector.broadcast %min3A_446 : i32 to vector<16xi32>
    %min3A_448 = arith.minsi %add3A_445, %min3A_447 : vector<16xi32>
    %add3A_449 = vector.broadcast %mul3A_2 : i32 to vector<16xi32>
    %add3A_450 = arith.addi %add3A_449, %min3A_448 : vector<16xi32>
    %swap3A_451 = arith.constant 4 : i32
    %swap3A_452 = arith.index_cast %swap3A_451 : i32 to index
    %swap3A_453 = arith.constant 32 : index
    %swap3A_454 = tpu.vector_load %arg14[%swap3A_452, %swap3A_453] {strides = array<i32>} : memref<5x128xi32, #tpu.memory_space<vmem>>, vector<16xi32>,
    tpu.vector_store %arg14[%swap3A_452, %swap3A_453], %add3A_450 {strides = array<i32>} : memref<5x128xi32, #tpu.memory_space<vmem>>, vector<16xi32>,
    %iota3A_455 = tpu.iota {dimensions = array<i32: 0>} : vector<16xi32>
    %add3A_456 = arith.constant 560 : i32
    %add3A_457 = vector.broadcast %add3A_456 : i32 to vector<16xi32>
    %add3A_458 = arith.addi %add3A_457, %iota3A_455 : vector<16xi32>
    %min3A_459 = arith.constant 576 : i32
    %min3A_460 = vector.broadcast %min3A_459 : i32 to vector<16xi32>
    %min3A_461 = arith.minsi %add3A_458, %min3A_460 : vector<16xi32>
    %add3A_462 = vector.broadcast %mul3A_2 : i32 to vector<16xi32>
    %add3A_463 = arith.addi %add3A_462, %min3A_461 : vector<16xi32>
    %swap3A_464 = arith.constant 4 : i32
    %swap3A_465 = arith.index_cast %swap3A_464 : i32 to index
    %swap3A_466 = arith.constant 48 : index
    %swap3A_467 = tpu.vector_load %arg14[%swap3A_465, %swap3A_466] {strides = array<i32>} : memref<5x128xi32, #tpu.memory_space<vmem>>, vector<16xi32>,
    tpu.vector_store %arg14[%swap3A_465, %swap3A_466], %add3A_463 {strides = array<i32>} : memref<5x128xi32, #tpu.memory_space<vmem>>, vector<16xi32>,
    %iota3A_468 = tpu.iota {dimensions = array<i32: 0>} : vector<16xi32>
    %add3A_469 = arith.constant 576 : i32
    %add3A_470 = vector.broadcast %add3A_469 : i32 to vector<16xi32>
    %add3A_471 = arith.addi %add3A_470, %iota3A_468 : vector<16xi32>
    %min3A_472 = arith.constant 576 : i32
    %min3A_473 = vector.broadcast %min3A_472 : i32 to vector<16xi32>
    %min3A_474 = arith.minsi %add3A_471, %min3A_473 : vector<16xi32>
    %add3A_475 = vector.broadcast %mul3A_2 : i32 to vector<16xi32>
    %add3A_476 = arith.addi %add3A_475, %min3A_474 : vector<16xi32>
    %swap3A_477 = arith.constant 4 : i32
    %swap3A_478 = arith.index_cast %swap3A_477 : i32 to index
    %swap3A_479 = arith.constant 64 : index
    %swap3A_480 = tpu.vector_load %arg14[%swap3A_478, %swap3A_479] {strides = array<i32>} : memref<5x128xi32, #tpu.memory_space<vmem>>, vector<16xi32>,
    tpu.vector_store %arg14[%swap3A_478, %swap3A_479], %add3A_476 {strides = array<i32>} : memref<5x128xi32, #tpu.memory_space<vmem>>, vector<16xi32>,
    %iota3A_481 = tpu.iota {dimensions = array<i32: 0>} : vector<16xi32>
    %add3A_482 = arith.constant 592 : i32
    %add3A_483 = vector.broadcast %add3A_482 : i32 to vector<16xi32>
    %add3A_484 = arith.addi %add3A_483, %iota3A_481 : vector<16xi32>
    %min3A_485 = arith.constant 576 : i32
    %min3A_486 = vector.broadcast %min3A_485 : i32 to vector<16xi32>
    %min3A_487 = arith.minsi %add3A_484, %min3A_486 : vector<16xi32>
    %add3A_488 = vector.broadcast %mul3A_2 : i32 to vector<16xi32>
    %add3A_489 = arith.addi %add3A_488, %min3A_487 : vector<16xi32>
    %swap3A_490 = arith.constant 4 : i32
    %swap3A_491 = arith.index_cast %swap3A_490 : i32 to index
    %swap3A_492 = arith.constant 80 : index
    %swap3A_493 = tpu.vector_load %arg14[%swap3A_491, %swap3A_492] {strides = array<i32>} : memref<5x128xi32, #tpu.memory_space<vmem>>, vector<16xi32>,
    tpu.vector_store %arg14[%swap3A_491, %swap3A_492], %add3A_489 {strides = array<i32>} : memref<5x128xi32, #tpu.memory_space<vmem>>, vector<16xi32>,
    %iota3A_494 = tpu.iota {dimensions = array<i32: 0>} : vector<16xi32>
    %add3A_495 = arith.constant 608 : i32
    %add3A_496 = vector.broadcast %add3A_495 : i32 to vector<16xi32>
    %add3A_497 = arith.addi %add3A_496, %iota3A_494 : vector<16xi32>
    %min3A_498 = arith.constant 576 : i32
    %min3A_499 = vector.broadcast %min3A_498 : i32 to vector<16xi32>
    %min3A_500 = arith.minsi %add3A_497, %min3A_499 : vector<16xi32>
    %add3A_501 = vector.broadcast %mul3A_2 : i32 to vector<16xi32>
    %add3A_502 = arith.addi %add3A_501, %min3A_500 : vector<16xi32>
    %swap3A_503 = arith.constant 4 : i32
    %swap3A_504 = arith.index_cast %swap3A_503 : i32 to index
    %swap3A_505 = arith.constant 96 : index
    %swap3A_506 = tpu.vector_load %arg14[%swap3A_504, %swap3A_505] {strides = array<i32>} : memref<5x128xi32, #tpu.memory_space<vmem>>, vector<16xi32>,
    tpu.vector_store %arg14[%swap3A_504, %swap3A_505], %add3A_502 {strides = array<i32>} : memref<5x128xi32, #tpu.memory_space<vmem>>, vector<16xi32>,
    %iota3A_507 = tpu.iota {dimensions = array<i32: 0>} : vector<16xi32>
    %add3A_508 = arith.constant 624 : i32
    %add3A_509 = vector.broadcast %add3A_508 : i32 to vector<16xi32>
    %add3A_510 = arith.addi %add3A_509, %iota3A_507 : vector<16xi32>
    %min3A_511 = arith.constant 576 : i32
    %min3A_512 = vector.broadcast %min3A_511 : i32 to vector<16xi32>
    %min3A_513 = arith.minsi %add3A_510, %min3A_512 : vector<16xi32>
    %add3A_514 = vector.broadcast %mul3A_2 : i32 to vector<16xi32>
    %add3A_515 = arith.addi %add3A_514, %min3A_513 : vector<16xi32>
    %swap3A_516 = arith.constant 4 : i32
    %swap3A_517 = arith.index_cast %swap3A_516 : i32 to index
    %swap3A_518 = arith.constant 112 : index
    %swap3A_519 = tpu.vector_load %arg14[%swap3A_517, %swap3A_518] {strides = array<i32>} : memref<5x128xi32, #tpu.memory_space<vmem>>, vector<16xi32>,
    tpu.vector_store %arg14[%swap3A_517, %swap3A_518], %add3A_515 {strides = array<i32>} : memref<5x128xi32, #tpu.memory_space<vmem>>, vector<16xi32>,
    %scan3A = arith.constant 0 : i32
    %scan3A_520 = arith.constant 0 : i32
    %scan3A_521 = arith.constant 5 : i32
    %scan3A_522 = arith.addi %scan3A_520, %scan3A_521 : i32
    %scan3A_523 = arith.constant 1 : i32
    scf.for %scan3A_525 = %scan3A_520 to %scan3A_522 step %scan3A_523  : i32 {
      %mul3A_526 = arith.constant 32 : i32
      %mul3A_527 = arith.muli %scan3A_525, %mul3A_526 : i32
      %add3A_528 = arith.addi %mul3A_527, %add3A : i32
      %min3A_529 = arith.constant 156 : i32
      %min3A_530 = arith.minsi %add3A_528, %min3A_529 : i32
      %mul3A_531 = arith.constant 64 : i32
      %mul3A_532 = arith.muli %min3A_530, %mul3A_531 : i32
      %multiple_of3A = tpu.assume_multiple %mul3A_532, 8 : i32
      "tpu.region"() ({
        %run_scoped3A_759 = tpu.sem_alloc : memref<!tpu.dma_semaphore, #tpu.memory_space<semaphore_mem>>
        %dma_start3A_760 = tpu.memref_slice %arg5[%multiple_of3A] : memref<10064xi32, #tpu.memory_space<hbm>> -> memref<80xi32, #tpu.memory_space<hbm>>
        %dma_start3A_761 = tpu.memref_slice %arg5[%multiple_of3A] : memref<10064xi32, #tpu.memory_space<hbm>> -> memref<80xi32, #tpu.memory_space<hbm>>
        tpu.enqueue_dma source(%dma_start3A_761 : memref<80xi32, #tpu.memory_space<hbm>>) target(%arg9 : memref<80xi32, #tpu.memory_space<vmem>>) target_semaphore(%run_scoped3A_759 : memref<!tpu.dma_semaphore, #tpu.memory_space<semaphore_mem>>)
        %dma_wait3A_762 = tpu.memref_slice %arg5[%multiple_of3A] : memref<10064xi32, #tpu.memory_space<hbm>> -> memref<80xi32, #tpu.memory_space<hbm>>
        %dma_wait3A_763 = tpu.memref_slice %arg5[%multiple_of3A] : memref<10064xi32, #tpu.memory_space<hbm>> -> memref<80xi32, #tpu.memory_space<hbm>>
        tpu.wait_dma2 semaphore(%run_scoped3A_759 : memref<!tpu.dma_semaphore, #tpu.memory_space<semaphore_mem>>) src(%dma_wait3A_763 : memref<80xi32, #tpu.memory_space<hbm>>) dst(%arg9 : memref<80xi32, #tpu.memory_space<vmem>>)
        tpu.yield
      }) : () -> ()
      %get3A = arith.constant 0 : index
      %get3A_533 = tpu.vector_load %arg9[%get3A] {strides = array<i32>} : memref<80xi32, #tpu.memory_space<vmem>>, vector<16xi32>,
      %slice3A = vector.extract_strided_slice %get3A_533 {offsets = [0], sizes = [1], strides = [1]} : vector<16xi32> to vector<1xi32>
      %squeeze3A = vector.extract %slice3A[0] : i32 from vector<1xi32>
      %get3A_534 = arith.constant 64 : index
      %get3A_535 = tpu.vector_load %arg9[%get3A_534] {strides = array<i32>} : memref<80xi32, #tpu.memory_space<vmem>>, vector<16xi32>,
      %slice3A_536 = vector.extract_strided_slice %get3A_535 {offsets = [0], sizes = [1], strides = [1]} : vector<16xi32> to vector<1xi32>
      %squeeze3A_537 = vector.extract %slice3A_536[0] : i32 from vector<1xi32>
      %and3A = arith.constant -8 : i32
      %and3A_538 = arith.andi %squeeze3A, %and3A : i32
      %sub3A = arith.subi %squeeze3A_537, %and3A_538 : i32
      %add3A_539 = arith.constant 127 : i32
      %add3A_540 = arith.addi %sub3A, %add3A_539 : i32
      %jit3A = arith.constant 128 : i32
      %div3A = arith.divsi %add3A_540, %jit3A : i32
      %sign3A = arith.constant 0 : i32
      %sign3A_541 = arith.cmpi sgt, %add3A_540, %sign3A : i32
      %sign3A_542 = arith.extui %sign3A_541 : i1 to i32
      %sign3A_543 = arith.constant 0 : i32
      %sign3A_544 = arith.cmpi slt, %add3A_540, %sign3A_543 : i32
      %sign3A_545 = arith.extui %sign3A_544 : i1 to i32
      %sign3A_546 = arith.subi %sign3A_542, %sign3A_545 : i32
      %sign3A_547 = arith.constant 0 : i32
      %sign3A_548 = arith.cmpi sgt, %jit3A, %sign3A_547 : i32
      %sign3A_549 = arith.extui %sign3A_548 : i1 to i32
      %sign3A_550 = arith.constant 0 : i32
      %sign3A_551 = arith.cmpi slt, %jit3A, %sign3A_550 : i32
      %sign3A_552 = arith.extui %sign3A_551 : i1 to i32
      %sign3A_553 = arith.subi %sign3A_549, %sign3A_552 : i32
      %ne3A = arith.cmpi ne, %sign3A_546, %sign3A_553 : i32
      %rem3A = arith.remsi %add3A_540, %jit3A : i32
      %ne3A_554 = arith.constant 0 : i32
      %ne3A_555 = arith.cmpi ne, %rem3A, %ne3A_554 : i32
      %and3A_556 = arith.andi %ne3A, %ne3A_555 : i1
      %sub3A_557 = arith.constant 1 : i32
      %sub3A_558 = arith.subi %div3A, %sub3A_557 : i32
      %select_n3A = arith.select %and3A_556, %sub3A_558, %div3A : i32
      %add3A_559 = arith.constant 3 : i32
      %add3A_560 = arith.addi %select_n3A, %add3A_559 : i32
      %jit3A_561 = arith.constant 4 : i32
      %div3A_562 = arith.divsi %add3A_560, %jit3A_561 : i32
      %sign3A_563 = arith.constant 0 : i32
      %sign3A_564 = arith.cmpi sgt, %add3A_560, %sign3A_563 : i32
      %sign3A_565 = arith.extui %sign3A_564 : i1 to i32
      %sign3A_566 = arith.constant 0 : i32
      %sign3A_567 = arith.cmpi slt, %add3A_560, %sign3A_566 : i32
      %sign3A_568 = arith.extui %sign3A_567 : i1 to i32
      %sign3A_569 = arith.subi %sign3A_565, %sign3A_568 : i32
      %sign3A_570 = arith.constant 0 : i32
      %sign3A_571 = arith.cmpi sgt, %jit3A_561, %sign3A_570 : i32
      %sign3A_572 = arith.extui %sign3A_571 : i1 to i32
      %sign3A_573 = arith.constant 0 : i32
      %sign3A_574 = arith.cmpi slt, %jit3A_561, %sign3A_573 : i32
      %sign3A_575 = arith.extui %sign3A_574 : i1 to i32
      %sign3A_576 = arith.subi %sign3A_572, %sign3A_575 : i32
      %ne3A_577 = arith.cmpi ne, %sign3A_569, %sign3A_576 : i32
      %rem3A_578 = arith.remsi %add3A_560, %jit3A_561 : i32
      %ne3A_579 = arith.constant 0 : i32
      %ne3A_580 = arith.cmpi ne, %rem3A_578, %ne3A_579 : i32
      %and3A_581 = arith.andi %ne3A_577, %ne3A_580 : i1
      %sub3A_582 = arith.constant 1 : i32
      %sub3A_583 = arith.subi %div3A_562, %sub3A_582 : i32
      %select_n3A_584 = arith.select %and3A_581, %sub3A_583, %div3A_562 : i32
      %dma_start3A = arith.constant 0 : i32
      %dma_start3A_585 = arith.constant 0 : i32
      %dma_start3A_586 = tpu.memref_slice %arg14[%dma_start3A, %dma_start3A_585] : memref<5x128xi32, #tpu.memory_space<vmem>> -> memref<1x128xi32, #tpu.memory_space<vmem>>
      %dma_start3A_587 = tpu.memref_squeeze %dma_start3A_586 : memref<1x128xi32, #tpu.memory_space<vmem>> -> memref<128xi32, #tpu.memory_space<vmem>>
      %dma_start3A_588 = arith.constant 0 : i32
      %dma_start3A_589 = arith.constant 0 : i32
      %dma_start3A_590 = tpu.memref_slice %arg8[%dma_start3A_588, %dma_start3A_589] : memref<9344x128xf32, #tpu.memory_space<vmem_shared>> -> memref<9344x128xf32, #tpu.memory_space<vmem_shared>>
      tpu.enqueue_indirect_dma source(%arg17 : memref<128x128xf32, #tpu.memory_space<vmem>>) target(%dma_start3A_590 : memref<9344x128xf32, #tpu.memory_space<vmem_shared>>) offsets(%dma_start3A_587 : memref<128xi32, #tpu.memory_space<vmem>>) semaphore(%arg22 : memref<!tpu.dma_semaphore, #tpu.memory_space<semaphore_mem>>)
      %dma_start3A_591 = arith.constant 1 : i32
      %dma_start3A_592 = arith.constant 0 : i32
      %dma_start3A_593 = tpu.memref_slice %arg14[%dma_start3A_591, %dma_start3A_592] : memref<5x128xi32, #tpu.memory_space<vmem>> -> memref<1x128xi32, #tpu.memory_space<vmem>>
      %dma_start3A_594 = tpu.memref_squeeze %dma_start3A_593 : memref<1x128xi32, #tpu.memory_space<vmem>> -> memref<128xi32, #tpu.memory_space<vmem>>
      %dma_start3A_595 = arith.constant 0 : i32
      %dma_start3A_596 = arith.constant 0 : i32
      %dma_start3A_597 = tpu.memref_slice %arg8[%dma_start3A_595, %dma_start3A_596] : memref<9344x128xf32, #tpu.memory_space<vmem_shared>> -> memref<9344x128xf32, #tpu.memory_space<vmem_shared>>
      tpu.enqueue_indirect_dma source(%arg17 : memref<128x128xf32, #tpu.memory_space<vmem>>) target(%dma_start3A_597 : memref<9344x128xf32, #tpu.memory_space<vmem_shared>>) offsets(%dma_start3A_594 : memref<128xi32, #tpu.memory_space<vmem>>) semaphore(%arg22 : memref<!tpu.dma_semaphore, #tpu.memory_space<semaphore_mem>>)
      %dma_start3A_598 = arith.constant 2 : i32
      %dma_start3A_599 = arith.constant 0 : i32
      %dma_start3A_600 = tpu.memref_slice %arg14[%dma_start3A_598, %dma_start3A_599] : memref<5x128xi32, #tpu.memory_space<vmem>> -> memref<1x128xi32, #tpu.memory_space<vmem>>
      %dma_start3A_601 = tpu.memref_squeeze %dma_start3A_600 : memref<1x128xi32, #tpu.memory_space<vmem>> -> memref<128xi32, #tpu.memory_space<vmem>>
      %dma_start3A_602 = arith.constant 0 : i32
      %dma_start3A_603 = arith.constant 0 : i32
      %dma_start3A_604 = tpu.memref_slice %arg8[%dma_start3A_602, %dma_start3A_603] : memref<9344x128xf32, #tpu.memory_space<vmem_shared>> -> memref<9344x128xf32, #tpu.memory_space<vmem_shared>>
      tpu.enqueue_indirect_dma source(%arg17 : memref<128x128xf32, #tpu.memory_space<vmem>>) target(%dma_start3A_604 : memref<9344x128xf32, #tpu.memory_space<vmem_shared>>) offsets(%dma_start3A_601 : memref<128xi32, #tpu.memory_space<vmem>>) semaphore(%arg22 : memref<!tpu.dma_semaphore, #tpu.memory_space<semaphore_mem>>)
      %dma_start3A_605 = arith.constant 3 : i32
      %dma_start3A_606 = arith.constant 0 : i32
      %dma_start3A_607 = tpu.memref_slice %arg14[%dma_start3A_605, %dma_start3A_606] : memref<5x128xi32, #tpu.memory_space<vmem>> -> memref<1x128xi32, #tpu.memory_space<vmem>>
      %dma_start3A_608 = tpu.memref_squeeze %dma_start3A_607 : memref<1x128xi32, #tpu.memory_space<vmem>> -> memref<128xi32, #tpu.memory_space<vmem>>
      %dma_start3A_609 = arith.constant 0 : i32
      %dma_start3A_610 = arith.constant 0 : i32
      %dma_start3A_611 = tpu.memref_slice %arg8[%dma_start3A_609, %dma_start3A_610] : memref<9344x128xf32, #tpu.memory_space<vmem_shared>> -> memref<9344x128xf32, #tpu.memory_space<vmem_shared>>
      tpu.enqueue_indirect_dma source(%arg17 : memref<128x128xf32, #tpu.memory_space<vmem>>) target(%dma_start3A_611 : memref<9344x128xf32, #tpu.memory_space<vmem_shared>>) offsets(%dma_start3A_608 : memref<128xi32, #tpu.memory_space<vmem>>) semaphore(%arg22 : memref<!tpu.dma_semaphore, #tpu.memory_space<semaphore_mem>>)
      %dma_start3A_612 = arith.constant 4 : i32
      %dma_start3A_613 = arith.constant 0 : i32
      %dma_start3A_614 = tpu.memref_slice %arg14[%dma_start3A_612, %dma_start3A_613] : memref<5x128xi32, #tpu.memory_space<vmem>> -> memref<1x128xi32, #tpu.memory_space<vmem>>
      %dma_start3A_615 = tpu.memref_squeeze %dma_start3A_614 : memref<1x128xi32, #tpu.memory_space<vmem>> -> memref<128xi32, #tpu.memory_space<vmem>>
      %dma_start3A_616 = arith.constant 0 : i32
      %dma_start3A_617 = arith.constant 0 : i32
      %dma_start3A_618 = tpu.memref_slice %arg8[%dma_start3A_616, %dma_start3A_617] : memref<9344x128xf32, #tpu.memory_space<vmem_shared>> -> memref<9344x128xf32, #tpu.memory_space<vmem_shared>>
      tpu.enqueue_indirect_dma source(%arg17 : memref<128x128xf32, #tpu.memory_space<vmem>>) target(%dma_start3A_618 : memref<9344x128xf32, #tpu.memory_space<vmem_shared>>) offsets(%dma_start3A_615 : memref<128xi32, #tpu.memory_space<vmem>>) semaphore(%arg22 : memref<!tpu.dma_semaphore, #tpu.memory_space<semaphore_mem>>)
      %dma_wait3A = arith.constant 0 : i32
      %dma_wait3A_619 = arith.constant 0 : i32
      %dma_wait3A_620 = tpu.memref_slice %arg14[%dma_wait3A, %dma_wait3A_619] : memref<5x128xi32, #tpu.memory_space<vmem>> -> memref<1x128xi32, #tpu.memory_space<vmem>>
      %dma_wait3A_621 = tpu.memref_squeeze %dma_wait3A_620 : memref<1x128xi32, #tpu.memory_space<vmem>> -> memref<128xi32, #tpu.memory_space<vmem>>
      %dma_wait3A_622 = arith.constant 0 : i32
      %dma_wait3A_623 = arith.constant 0 : i32
      %dma_wait3A_624 = tpu.memref_slice %arg8[%dma_wait3A_622, %dma_wait3A_623] : memref<9344x128xf32, #tpu.memory_space<vmem_shared>> -> memref<9344x128xf32, #tpu.memory_space<vmem_shared>>
      tpu.wait_indirect_dma semaphore(%arg22 : memref<!tpu.dma_semaphore, #tpu.memory_space<semaphore_mem>>) src(%arg17 : memref<128x128xf32, #tpu.memory_space<vmem>>) dst(%dma_wait3A_624 : memref<9344x128xf32, #tpu.memory_space<vmem_shared>>)
      %dma_wait3A_625 = arith.constant 1 : i32
      %dma_wait3A_626 = arith.constant 0 : i32
      %dma_wait3A_627 = tpu.memref_slice %arg14[%dma_wait3A_625, %dma_wait3A_626] : memref<5x128xi32, #tpu.memory_space<vmem>> -> memref<1x128xi32, #tpu.memory_space<vmem>>
      %dma_wait3A_628 = tpu.memref_squeeze %dma_wait3A_627 : memref<1x128xi32, #tpu.memory_space<vmem>> -> memref<128xi32, #tpu.memory_space<vmem>>
      %dma_wait3A_629 = arith.constant 0 : i32
      %dma_wait3A_630 = arith.constant 0 : i32
      %dma_wait3A_631 = tpu.memref_slice %arg8[%dma_wait3A_629, %dma_wait3A_630] : memref<9344x128xf32, #tpu.memory_space<vmem_shared>> -> memref<9344x128xf32, #tpu.memory_space<vmem_shared>>
      tpu.wait_indirect_dma semaphore(%arg22 : memref<!tpu.dma_semaphore, #tpu.memory_space<semaphore_mem>>) src(%arg17 : memref<128x128xf32, #tpu.memory_space<vmem>>) dst(%dma_wait3A_631 : memref<9344x128xf32, #tpu.memory_space<vmem_shared>>)
      %dma_wait3A_632 = arith.constant 2 : i32
      %dma_wait3A_633 = arith.constant 0 : i32
      %dma_wait3A_634 = tpu.memref_slice %arg14[%dma_wait3A_632, %dma_wait3A_633] : memref<5x128xi32, #tpu.memory_space<vmem>> -> memref<1x128xi32, #tpu.memory_space<vmem>>
      %dma_wait3A_635 = tpu.memref_squeeze %dma_wait3A_634 : memref<1x128xi32, #tpu.memory_space<vmem>> -> memref<128xi32, #tpu.memory_space<vmem>>
      %dma_wait3A_636 = arith.constant 0 : i32
      %dma_wait3A_637 = arith.constant 0 : i32
      %dma_wait3A_638 = tpu.memref_slice %arg8[%dma_wait3A_636, %dma_wait3A_637] : memref<9344x128xf32, #tpu.memory_space<vmem_shared>> -> memref<9344x128xf32, #tpu.memory_space<vmem_shared>>
      tpu.wait_indirect_dma semaphore(%arg22 : memref<!tpu.dma_semaphore, #tpu.memory_space<semaphore_mem>>) src(%arg17 : memref<128x128xf32, #tpu.memory_space<vmem>>) dst(%dma_wait3A_638 : memref<9344x128xf32, #tpu.memory_space<vmem_shared>>)
      %dma_wait3A_639 = arith.constant 3 : i32
      %dma_wait3A_640 = arith.constant 0 : i32
      %dma_wait3A_641 = tpu.memref_slice %arg14[%dma_wait3A_639, %dma_wait3A_640] : memref<5x128xi32, #tpu.memory_space<vmem>> -> memref<1x128xi32, #tpu.memory_space<vmem>>
      %dma_wait3A_642 = tpu.memref_squeeze %dma_wait3A_641 : memref<1x128xi32, #tpu.memory_space<vmem>> -> memref<128xi32, #tpu.memory_space<vmem>>
      %dma_wait3A_643 = arith.constant 0 : i32
      %dma_wait3A_644 = arith.constant 0 : i32
      %dma_wait3A_645 = tpu.memref_slice %arg8[%dma_wait3A_643, %dma_wait3A_644] : memref<9344x128xf32, #tpu.memory_space<vmem_shared>> -> memref<9344x128xf32, #tpu.memory_space<vmem_shared>>
      tpu.wait_indirect_dma semaphore(%arg22 : memref<!tpu.dma_semaphore, #tpu.memory_space<semaphore_mem>>) src(%arg17 : memref<128x128xf32, #tpu.memory_space<vmem>>) dst(%dma_wait3A_645 : memref<9344x128xf32, #tpu.memory_space<vmem_shared>>)
      %dma_wait3A_646 = arith.constant 4 : i32
      %dma_wait3A_647 = arith.constant 0 : i32
      %dma_wait3A_648 = tpu.memref_slice %arg14[%dma_wait3A_646, %dma_wait3A_647] : memref<5x128xi32, #tpu.memory_space<vmem>> -> memref<1x128xi32, #tpu.memory_space<vmem>>
      %dma_wait3A_649 = tpu.memref_squeeze %dma_wait3A_648 : memref<1x128xi32, #tpu.memory_space<vmem>> -> memref<128xi32, #tpu.memory_space<vmem>>
      %dma_wait3A_650 = arith.constant 0 : i32
      %dma_wait3A_651 = arith.constant 0 : i32
      %dma_wait3A_652 = tpu.memref_slice %arg8[%dma_wait3A_650, %dma_wait3A_651] : memref<9344x128xf32, #tpu.memory_space<vmem_shared>> -> memref<9344x128xf32, #tpu.memory_space<vmem_shared>>
      tpu.wait_indirect_dma semaphore(%arg22 : memref<!tpu.dma_semaphore, #tpu.memory_space<semaphore_mem>>) src(%arg17 : memref<128x128xf32, #tpu.memory_space<vmem>>) dst(%dma_wait3A_652 : memref<9344x128xf32, #tpu.memory_space<vmem_shared>>)
      %run_scoped3A = arith.constant 4 : i32
      "tpu.region"() ({
        %run_scoped3A_759 = tpu.sem_alloc : memref<!tpu.dma_semaphore, #tpu.memory_space<semaphore_mem>>
        %dma_start3A_760 = arith.constant 0 : i32
        %dma_start3A_761 = tpu.memref_slice %arg14[%run_scoped3A, %dma_start3A_760] : memref<5x128xi32, #tpu.memory_space<vmem>> -> memref<1x128xi32, #tpu.memory_space<vmem>>
        %dma_start3A_762 = tpu.memref_squeeze %dma_start3A_761 : memref<1x128xi32, #tpu.memory_space<vmem>> -> memref<128xi32, #tpu.memory_space<vmem>>
        %dma_start3A_763 = arith.constant 0 : i32
        %dma_start3A_764 = arith.constant 0 : i32
        %dma_start3A_765 = tpu.memref_slice %arg8[%dma_start3A_763, %dma_start3A_764] : memref<9344x128xf32, #tpu.memory_space<vmem_shared>> -> memref<9344x128xf32, #tpu.memory_space<vmem_shared>>
        tpu.enqueue_indirect_dma source(%arg17 : memref<128x128xf32, #tpu.memory_space<vmem>>) target(%dma_start3A_765 : memref<9344x128xf32, #tpu.memory_space<vmem_shared>>) offsets(%dma_start3A_762 : memref<128xi32, #tpu.memory_space<vmem>>) semaphore(%run_scoped3A_759 : memref<!tpu.dma_semaphore, #tpu.memory_space<semaphore_mem>>) {add = true}
        %dma_wait3A_766 = arith.constant 0 : i32
        %dma_wait3A_767 = tpu.memref_slice %arg14[%run_scoped3A, %dma_wait3A_766] : memref<5x128xi32, #tpu.memory_space<vmem>> -> memref<1x128xi32, #tpu.memory_space<vmem>>
        %dma_wait3A_768 = tpu.memref_squeeze %dma_wait3A_767 : memref<1x128xi32, #tpu.memory_space<vmem>> -> memref<128xi32, #tpu.memory_space<vmem>>
        %dma_wait3A_769 = arith.constant 0 : i32
        %dma_wait3A_770 = arith.constant 0 : i32
        %dma_wait3A_771 = tpu.memref_slice %arg8[%dma_wait3A_769, %dma_wait3A_770] : memref<9344x128xf32, #tpu.memory_space<vmem_shared>> -> memref<9344x128xf32, #tpu.memory_space<vmem_shared>>
        tpu.wait_indirect_dma semaphore(%run_scoped3A_759 : memref<!tpu.dma_semaphore, #tpu.memory_space<semaphore_mem>>) src(%arg17 : memref<128x128xf32, #tpu.memory_space<vmem>>) dst(%dma_wait3A_771 : memref<9344x128xf32, #tpu.memory_space<vmem_shared>>)
        tpu.yield
      }) : () -> ()
      %barrier3A = arith.constant 0 : index
      tpu.barrier barrier_id(%barrier3A)
      %while3A = arith.constant 0 : i32
      %while3A_653 = arith.constant 0 : i32
      %while3A_654 = arith.subi %select_n3A_584, %while3A_653 : i32
      %while3A_655 = arith.addi %while3A_653, %while3A_654 : i32
      %while3A_656 = arith.constant 1 : i32
      %while3A_657 = arith.divsi %while3A_654, %while3A_656 : i32
      %while3A_658 = arith.muli %while3A_657, %while3A_656 : i32
      %while3A_659 = arith.addi %while3A_653, %while3A_658 : i32
      %while3A_660 = arith.constant 1 : i32
      scf.for %while3A_759 = %while3A_653 to %while3A_659 step %while3A_660  : i32 {
        %mul3A_760 = arith.constant 512 : i32
        %mul3A_761 = arith.muli %while3A_759, %mul3A_760 : i32
        %add3A_762 = arith.addi %and3A_538, %mul3A_761 : i32
        %multiple_of3A_763 = tpu.assume_multiple %add3A_762, 8 : i32
        "tpu.region"() ({
          %run_scoped3A_794 = tpu.sem_alloc : memref<!tpu.dma_semaphore, #tpu.memory_space<semaphore_mem>>
          %dma_start3A_795 = tpu.memref_slice %arg3[%multiple_of3A_763] : memref<321024xi32, #tpu.memory_space<hbm>> -> memref<512xi32, #tpu.memory_space<hbm>>
          %dma_start3A_796 = tpu.memref_slice %arg3[%multiple_of3A_763] : memref<321024xi32, #tpu.memory_space<hbm>> -> memref<512xi32, #tpu.memory_space<hbm>>
          tpu.enqueue_dma source(%dma_start3A_796 : memref<512xi32, #tpu.memory_space<hbm>>) target(%arg10 : memref<512xi32, #tpu.memory_space<vmem>>) target_semaphore(%run_scoped3A_794 : memref<!tpu.dma_semaphore, #tpu.memory_space<semaphore_mem>>)
          %dma_wait3A_797 = tpu.memref_slice %arg3[%multiple_of3A_763] : memref<321024xi32, #tpu.memory_space<hbm>> -> memref<512xi32, #tpu.memory_space<hbm>>
          %dma_wait3A_798 = tpu.memref_slice %arg3[%multiple_of3A_763] : memref<321024xi32, #tpu.memory_space<hbm>> -> memref<512xi32, #tpu.memory_space<hbm>>
          tpu.wait_dma2 semaphore(%run_scoped3A_794 : memref<!tpu.dma_semaphore, #tpu.memory_space<semaphore_mem>>) src(%dma_wait3A_798 : memref<512xi32, #tpu.memory_space<hbm>>) dst(%arg10 : memref<512xi32, #tpu.memory_space<vmem>>)
          tpu.yield
        }) : () -> ()
        "tpu.region"() ({
          %run_scoped3A_794 = tpu.sem_alloc : memref<!tpu.dma_semaphore, #tpu.memory_space<semaphore_mem>>
          %dma_start3A_795 = tpu.memref_slice %arg4[%multiple_of3A_763] : memref<321024xi32, #tpu.memory_space<hbm>> -> memref<512xi32, #tpu.memory_space<hbm>>
          %dma_start3A_796 = tpu.memref_slice %arg4[%multiple_of3A_763] : memref<321024xi32, #tpu.memory_space<hbm>> -> memref<512xi32, #tpu.memory_space<hbm>>
          tpu.enqueue_dma source(%dma_start3A_796 : memref<512xi32, #tpu.memory_space<hbm>>) target(%arg11 : memref<512xi32, #tpu.memory_space<vmem>>) target_semaphore(%run_scoped3A_794 : memref<!tpu.dma_semaphore, #tpu.memory_space<semaphore_mem>>)
          %dma_wait3A_797 = tpu.memref_slice %arg4[%multiple_of3A_763] : memref<321024xi32, #tpu.memory_space<hbm>> -> memref<512xi32, #tpu.memory_space<hbm>>
          %dma_wait3A_798 = tpu.memref_slice %arg4[%multiple_of3A_763] : memref<321024xi32, #tpu.memory_space<hbm>> -> memref<512xi32, #tpu.memory_space<hbm>>
          tpu.wait_dma2 semaphore(%run_scoped3A_794 : memref<!tpu.dma_semaphore, #tpu.memory_space<semaphore_mem>>) src(%dma_wait3A_798 : memref<512xi32, #tpu.memory_space<hbm>>) dst(%arg11 : memref<512xi32, #tpu.memory_space<vmem>>)
          tpu.yield
        }) : () -> ()
        %mul3A_764 = arith.constant 4 : i32
        %mul3A_765 = arith.muli %while3A_759, %mul3A_764 : i32
        %lt3A_766 = arith.cmpi slt, %mul3A_765, %select_n3A : i32
        %convert_element_type3A_767 = arith.extui %lt3A_766 : i1 to i32
        %cond3A_768 = arith.constant 0 : i32
        %cond3A_769 = arith.cmpi ne, %convert_element_type3A_767, %cond3A_768 : i32
        scf.if %cond3A_769 {
          %add3A_794 = arith.constant 0 : i32
          %add3A_795 = arith.addi %mul3A_765, %add3A_794 : i32
          %ge3A_796 = arith.constant 2 : i32
          %ge3A_797 = arith.cmpi sge, %add3A_795, %ge3A_796 : i32
          %convert_element_type3A_798 = arith.extui %ge3A_797 : i1 to i32
          %cond3A_799 = arith.constant 0 : i32
          %cond3A_800 = arith.cmpi ne, %convert_element_type3A_798, %cond3A_799 : i32
          scf.if %cond3A_800 {
            %dma_wait3A_1296 = arith.constant 0 : i32
            %dma_wait3A_1297 = arith.constant 0 : i32
            %dma_wait3A_1298 = tpu.memref_slice %arg8[%dma_wait3A_1296, %dma_wait3A_1297] : memref<9344x128xf32, #tpu.memory_space<vmem_shared>> -> memref<9344x128xf32, #tpu.memory_space<vmem_shared>>
            tpu.wait_indirect_dma semaphore(%arg20 : memref<!tpu.dma_semaphore, #tpu.memory_space<semaphore_mem>>) src(%arg15 : memref<128x128xf32, #tpu.memory_space<vmem>>) dst(%dma_wait3A_1298 : memref<9344x128xf32, #tpu.memory_space<vmem_shared>>)
          } else {
          }
          %add3A_801 = arith.constant 0 : i32
          %add3A_802 = arith.addi %mul3A_765, %add3A_801 : i32
          %mul3A_803 = arith.constant 128 : i32
          %mul3A_804 = arith.muli %add3A_802, %mul3A_803 : i32
          %add3A_805 = arith.addi %and3A_538, %mul3A_804 : i32
          %dma_start3A_806 = arith.constant 0 : i32
          %dma_start3A_807 = tpu.memref_slice %arg10[%dma_start3A_806] : memref<512xi32, #tpu.memory_space<vmem>> -> memref<128xi32, #tpu.memory_space<vmem>>
          %dma_start3A_808 = arith.constant 0 : i32
          %dma_start3A_809 = arith.constant 0 : i32
          %dma_start3A_810 = tpu.memref_slice %arg2[%dma_start3A_808, %dma_start3A_809] : memref<10000x128xf32, #tpu.memory_space<hbm>> -> memref<10000x128xf32, #tpu.memory_space<hbm>>
          tpu.enqueue_indirect_dma source(%dma_start3A_810 : memref<10000x128xf32, #tpu.memory_space<hbm>>) target(%arg15 : memref<128x128xf32, #tpu.memory_space<vmem>>) offsets(%dma_start3A_807 : memref<128xi32, #tpu.memory_space<vmem>>) semaphore(%arg18 : memref<!tpu.dma_semaphore, #tpu.memory_space<semaphore_mem>>)
          %add3A_811 = arith.constant 0 : i32
          %add3A_812 = arith.addi %add3A_805, %add3A_811 : i32
          %iota3A_813 = tpu.iota {dimensions = array<i32: 0>} : vector<16xi32>
          %add3A_814 = vector.broadcast %add3A_812 : i32 to vector<16xi32>
          %add3A_815 = arith.addi %add3A_814, %iota3A_813 : vector<16xi32>
          %get3A_816 = arith.constant 0 : index
          %get3A_817 = tpu.vector_load %arg11[%get3A_816] {strides = array<i32>} : memref<512xi32, #tpu.memory_space<vmem>>, vector<16xi32>,
          %broadcast_in_dim3A = arith.constant 0 : i32
          %broadcast_in_dim3A_818 = vector.broadcast %broadcast_in_dim3A : i32 to vector<16xi32>
          %add3A_819 = arith.constant 32 : i32
          %add3A_820 = vector.broadcast %add3A_819 : i32 to vector<16xi32>
          %add3A_821 = arith.addi %broadcast_in_dim3A_818, %add3A_820 : vector<16xi32>
          %gather3A = tpu.vector_load_idx %arg9[%add3A_821] : memref<80xi32, #tpu.memory_space<vmem>>[vector<16xi32>], vector<16xi32>,
          %le3A = arith.cmpi sle, %gather3A, %add3A_815 : vector<16xi32>
          %select_n3A_822 = arith.select %le3A, %add3A_821, %broadcast_in_dim3A_818 : vector<16xi1>, vector<16xi32>
          %add3A_823 = arith.constant 16 : i32
          %add3A_824 = vector.broadcast %add3A_823 : i32 to vector<16xi32>
          %add3A_825 = arith.addi %select_n3A_822, %add3A_824 : vector<16xi32>
          %gather3A_826 = tpu.vector_load_idx %arg9[%add3A_825] : memref<80xi32, #tpu.memory_space<vmem>>[vector<16xi32>], vector<16xi32>,
          %le3A_827 = arith.cmpi sle, %gather3A_826, %add3A_815 : vector<16xi32>
          %select_n3A_828 = arith.select %le3A_827, %add3A_825, %select_n3A_822 : vector<16xi1>, vector<16xi32>
          %add3A_829 = arith.constant 8 : i32
          %add3A_830 = vector.broadcast %add3A_829 : i32 to vector<16xi32>
          %add3A_831 = arith.addi %select_n3A_828, %add3A_830 : vector<16xi32>
          %gather3A_832 = tpu.vector_load_idx %arg9[%add3A_831] : memref<80xi32, #tpu.memory_space<vmem>>[vector<16xi32>], vector<16xi32>,
          %le3A_833 = arith.cmpi sle, %gather3A_832, %add3A_815 : vector<16xi32>
          %select_n3A_834 = arith.select %le3A_833, %add3A_831, %select_n3A_828 : vector<16xi1>, vector<16xi32>
          %add3A_835 = arith.constant 4 : i32
          %add3A_836 = vector.broadcast %add3A_835 : i32 to vector<16xi32>
          %add3A_837 = arith.addi %select_n3A_834, %add3A_836 : vector<16xi32>
          %gather3A_838 = tpu.vector_load_idx %arg9[%add3A_837] : memref<80xi32, #tpu.memory_space<vmem>>[vector<16xi32>], vector<16xi32>,
          %le3A_839 = arith.cmpi sle, %gather3A_838, %add3A_815 : vector<16xi32>
          %select_n3A_840 = arith.select %le3A_839, %add3A_837, %select_n3A_834 : vector<16xi1>, vector<16xi32>
          %add3A_841 = arith.constant 2 : i32
          %add3A_842 = vector.broadcast %add3A_841 : i32 to vector<16xi32>
          %add3A_843 = arith.addi %select_n3A_840, %add3A_842 : vector<16xi32>
          %gather3A_844 = tpu.vector_load_idx %arg9[%add3A_843] : memref<80xi32, #tpu.memory_space<vmem>>[vector<16xi32>], vector<16xi32>,
          %le3A_845 = arith.cmpi sle, %gather3A_844, %add3A_815 : vector<16xi32>
          %select_n3A_846 = arith.select %le3A_845, %add3A_843, %select_n3A_840 : vector<16xi1>, vector<16xi32>
          %add3A_847 = arith.constant 1 : i32
          %add3A_848 = vector.broadcast %add3A_847 : i32 to vector<16xi32>
          %add3A_849 = arith.addi %select_n3A_846, %add3A_848 : vector<16xi32>
          %gather3A_850 = tpu.vector_load_idx %arg9[%add3A_849] : memref<80xi32, #tpu.memory_space<vmem>>[vector<16xi32>], vector<16xi32>,
          %le3A_851 = arith.cmpi sle, %gather3A_850, %add3A_815 : vector<16xi32>
          %select_n3A_852 = arith.select %le3A_851, %add3A_849, %select_n3A_846 : vector<16xi1>, vector<16xi32>
          %ge3A_853 = vector.broadcast %squeeze3A : i32 to vector<16xi32>
          %ge3A_854 = arith.cmpi sge, %add3A_815, %ge3A_853 : vector<16xi32>
          %lt3A_855 = vector.broadcast %squeeze3A_537 : i32 to vector<16xi32>
          %lt3A_856 = arith.cmpi slt, %add3A_815, %lt3A_855 : vector<16xi32>
          %and3A_857 = arith.andi %ge3A_854, %lt3A_856 : vector<16xi1>
          %mul3A_858 = arith.constant 9 : i32
          %mul3A_859 = vector.broadcast %mul3A_858 : i32 to vector<16xi32>
          %mul3A_860 = arith.muli %select_n3A_852, %mul3A_859 : vector<16xi32>
          %add3A_861 = arith.addi %mul3A_860, %get3A_817 : vector<16xi32>
          %jit3A_862 = arith.constant 576 : i32
          %broadcast_in_dim3A_863 = vector.broadcast %jit3A_862 : i32 to vector<16xi32>
          %select_n3A_864 = arith.select %and3A_857, %add3A_861, %broadcast_in_dim3A_863 : vector<16xi1>, vector<16xi32>
          %add3A_865 = vector.broadcast %mul3A_2 : i32 to vector<16xi32>
          %add3A_866 = arith.addi %select_n3A_864, %add3A_865 : vector<16xi32>
          %swap3A_867 = arith.constant 0 : index
          %swap3A_868 = tpu.vector_load %arg12[%swap3A_867] {strides = array<i32>} : memref<128xi32, #tpu.memory_space<vmem>>, vector<16xi32>,
          tpu.vector_store %arg12[%swap3A_867], %add3A_866 {strides = array<i32>} : memref<128xi32, #tpu.memory_space<vmem>>, vector<16xi32>,
          %add3A_869 = arith.constant 16 : i32
          %add3A_870 = arith.addi %add3A_805, %add3A_869 : i32
          %iota3A_871 = tpu.iota {dimensions = array<i32: 0>} : vector<16xi32>
          %add3A_872 = vector.broadcast %add3A_870 : i32 to vector<16xi32>
          %add3A_873 = arith.addi %add3A_872, %iota3A_871 : vector<16xi32>
          %get3A_874 = arith.constant 16 : index
          %get3A_875 = tpu.vector_load %arg11[%get3A_874] {strides = array<i32>} : memref<512xi32, #tpu.memory_space<vmem>>, vector<16xi32>,
          %broadcast_in_dim3A_876 = arith.constant 0 : i32
          %broadcast_in_dim3A_877 = vector.broadcast %broadcast_in_dim3A_876 : i32 to vector<16xi32>
          %add3A_878 = arith.constant 32 : i32
          %add3A_879 = vector.broadcast %add3A_878 : i32 to vector<16xi32>
          %add3A_880 = arith.addi %broadcast_in_dim3A_877, %add3A_879 : vector<16xi32>
          %gather3A_881 = tpu.vector_load_idx %arg9[%add3A_880] : memref<80xi32, #tpu.memory_space<vmem>>[vector<16xi32>], vector<16xi32>,
          %le3A_882 = arith.cmpi sle, %gather3A_881, %add3A_873 : vector<16xi32>
          %select_n3A_883 = arith.select %le3A_882, %add3A_880, %broadcast_in_dim3A_877 : vector<16xi1>, vector<16xi32>
          %add3A_884 = arith.constant 16 : i32
          %add3A_885 = vector.broadcast %add3A_884 : i32 to vector<16xi32>
          %add3A_886 = arith.addi %select_n3A_883, %add3A_885 : vector<16xi32>
          %gather3A_887 = tpu.vector_load_idx %arg9[%add3A_886] : memref<80xi32, #tpu.memory_space<vmem>>[vector<16xi32>], vector<16xi32>,
          %le3A_888 = arith.cmpi sle, %gather3A_887, %add3A_873 : vector<16xi32>
          %select_n3A_889 = arith.select %le3A_888, %add3A_886, %select_n3A_883 : vector<16xi1>, vector<16xi32>
          %add3A_890 = arith.constant 8 : i32
          %add3A_891 = vector.broadcast %add3A_890 : i32 to vector<16xi32>
          %add3A_892 = arith.addi %select_n3A_889, %add3A_891 : vector<16xi32>
          %gather3A_893 = tpu.vector_load_idx %arg9[%add3A_892] : memref<80xi32, #tpu.memory_space<vmem>>[vector<16xi32>], vector<16xi32>,
          %le3A_894 = arith.cmpi sle, %gather3A_893, %add3A_873 : vector<16xi32>
          %select_n3A_895 = arith.select %le3A_894, %add3A_892, %select_n3A_889 : vector<16xi1>, vector<16xi32>
          %add3A_896 = arith.constant 4 : i32
          %add3A_897 = vector.broadcast %add3A_896 : i32 to vector<16xi32>
          %add3A_898 = arith.addi %select_n3A_895, %add3A_897 : vector<16xi32>
          %gather3A_899 = tpu.vector_load_idx %arg9[%add3A_898] : memref<80xi32, #tpu.memory_space<vmem>>[vector<16xi32>], vector<16xi32>,
          %le3A_900 = arith.cmpi sle, %gather3A_899, %add3A_873 : vector<16xi32>
          %select_n3A_901 = arith.select %le3A_900, %add3A_898, %select_n3A_895 : vector<16xi1>, vector<16xi32>
          %add3A_902 = arith.constant 2 : i32
          %add3A_903 = vector.broadcast %add3A_902 : i32 to vector<16xi32>
          %add3A_904 = arith.addi %select_n3A_901, %add3A_903 : vector<16xi32>
          %gather3A_905 = tpu.vector_load_idx %arg9[%add3A_904] : memref<80xi32, #tpu.memory_space<vmem>>[vector<16xi32>], vector<16xi32>,
          %le3A_906 = arith.cmpi sle, %gather3A_905, %add3A_873 : vector<16xi32>
          %select_n3A_907 = arith.select %le3A_906, %add3A_904, %select_n3A_901 : vector<16xi1>, vector<16xi32>
          %add3A_908 = arith.constant 1 : i32
          %add3A_909 = vector.broadcast %add3A_908 : i32 to vector<16xi32>
          %add3A_910 = arith.addi %select_n3A_907, %add3A_909 : vector<16xi32>
          %gather3A_911 = tpu.vector_load_idx %arg9[%add3A_910] : memref<80xi32, #tpu.memory_space<vmem>>[vector<16xi32>], vector<16xi32>,
          %le3A_912 = arith.cmpi sle, %gather3A_911, %add3A_873 : vector<16xi32>
          %select_n3A_913 = arith.select %le3A_912, %add3A_910, %select_n3A_907 : vector<16xi1>, vector<16xi32>
          %ge3A_914 = vector.broadcast %squeeze3A : i32 to vector<16xi32>
          %ge3A_915 = arith.cmpi sge, %add3A_873, %ge3A_914 : vector<16xi32>
          %lt3A_916 = vector.broadcast %squeeze3A_537 : i32 to vector<16xi32>
          %lt3A_917 = arith.cmpi slt, %add3A_873, %lt3A_916 : vector<16xi32>
          %and3A_918 = arith.andi %ge3A_915, %lt3A_917 : vector<16xi1>
          %mul3A_919 = arith.constant 9 : i32
          %mul3A_920 = vector.broadcast %mul3A_919 : i32 to vector<16xi32>
          %mul3A_921 = arith.muli %select_n3A_913, %mul3A_920 : vector<16xi32>
          %add3A_922 = arith.addi %mul3A_921, %get3A_875 : vector<16xi32>
          %jit3A_923 = arith.constant 576 : i32
          %broadcast_in_dim3A_924 = vector.broadcast %jit3A_923 : i32 to vector<16xi32>
          %select_n3A_925 = arith.select %and3A_918, %add3A_922, %broadcast_in_dim3A_924 : vector<16xi1>, vector<16xi32>
          %add3A_926 = vector.broadcast %mul3A_2 : i32 to vector<16xi32>
          %add3A_927 = arith.addi %select_n3A_925, %add3A_926 : vector<16xi32>
          %swap3A_928 = arith.constant 16 : index
          %swap3A_929 = tpu.vector_load %arg12[%swap3A_928] {strides = array<i32>} : memref<128xi32, #tpu.memory_space<vmem>>, vector<16xi32>,
          tpu.vector_store %arg12[%swap3A_928], %add3A_927 {strides = array<i32>} : memref<128xi32, #tpu.memory_space<vmem>>, vector<16xi32>,
          %add3A_930 = arith.constant 32 : i32
          %add3A_931 = arith.addi %add3A_805, %add3A_930 : i32
          %iota3A_932 = tpu.iota {dimensions = array<i32: 0>} : vector<16xi32>
          %add3A_933 = vector.broadcast %add3A_931 : i32 to vector<16xi32>
          %add3A_934 = arith.addi %add3A_933, %iota3A_932 : vector<16xi32>
          %get3A_935 = arith.constant 32 : index
          %get3A_936 = tpu.vector_load %arg11[%get3A_935] {strides = array<i32>} : memref<512xi32, #tpu.memory_space<vmem>>, vector<16xi32>,
          %broadcast_in_dim3A_937 = arith.constant 0 : i32
          %broadcast_in_dim3A_938 = vector.broadcast %broadcast_in_dim3A_937 : i32 to vector<16xi32>
          %add3A_939 = arith.constant 32 : i32
          %add3A_940 = vector.broadcast %add3A_939 : i32 to vector<16xi32>
          %add3A_941 = arith.addi %broadcast_in_dim3A_938, %add3A_940 : vector<16xi32>
          %gather3A_942 = tpu.vector_load_idx %arg9[%add3A_941] : memref<80xi32, #tpu.memory_space<vmem>>[vector<16xi32>], vector<16xi32>,
          %le3A_943 = arith.cmpi sle, %gather3A_942, %add3A_934 : vector<16xi32>
          %select_n3A_944 = arith.select %le3A_943, %add3A_941, %broadcast_in_dim3A_938 : vector<16xi1>, vector<16xi32>
          %add3A_945 = arith.constant 16 : i32
          %add3A_946 = vector.broadcast %add3A_945 : i32 to vector<16xi32>
          %add3A_947 = arith.addi %select_n3A_944, %add3A_946 : vector<16xi32>
          %gather3A_948 = tpu.vector_load_idx %arg9[%add3A_947] : memref<80xi32, #tpu.memory_space<vmem>>[vector<16xi32>], vector<16xi32>,
          %le3A_949 = arith.cmpi sle, %gather3A_948, %add3A_934 : vector<16xi32>
          %select_n3A_950 = arith.select %le3A_949, %add3A_947, %select_n3A_944 : vector<16xi1>, vector<16xi32>
          %add3A_951 = arith.constant 8 : i32
          %add3A_952 = vector.broadcast %add3A_951 : i32 to vector<16xi32>
          %add3A_953 = arith.addi %select_n3A_950, %add3A_952 : vector<16xi32>
          %gather3A_954 = tpu.vector_load_idx %arg9[%add3A_953] : memref<80xi32, #tpu.memory_space<vmem>>[vector<16xi32>], vector<16xi32>,
          %le3A_955 = arith.cmpi sle, %gather3A_954, %add3A_934 : vector<16xi32>
          %select_n3A_956 = arith.select %le3A_955, %add3A_953, %select_n3A_950 : vector<16xi1>, vector<16xi32>
          %add3A_957 = arith.constant 4 : i32
          %add3A_958 = vector.broadcast %add3A_957 : i32 to vector<16xi32>
          %add3A_959 = arith.addi %select_n3A_956, %add3A_958 : vector<16xi32>
          %gather3A_960 = tpu.vector_load_idx %arg9[%add3A_959] : memref<80xi32, #tpu.memory_space<vmem>>[vector<16xi32>], vector<16xi32>,
          %le3A_961 = arith.cmpi sle, %gather3A_960, %add3A_934 : vector<16xi32>
          %select_n3A_962 = arith.select %le3A_961, %add3A_959, %select_n3A_956 : vector<16xi1>, vector<16xi32>
          %add3A_963 = arith.constant 2 : i32
          %add3A_964 = vector.broadcast %add3A_963 : i32 to vector<16xi32>
          %add3A_965 = arith.addi %select_n3A_962, %add3A_964 : vector<16xi32>
          %gather3A_966 = tpu.vector_load_idx %arg9[%add3A_965] : memref<80xi32, #tpu.memory_space<vmem>>[vector<16xi32>], vector<16xi32>,
          %le3A_967 = arith.cmpi sle, %gather3A_966, %add3A_934 : vector<16xi32>
          %select_n3A_968 = arith.select %le3A_967, %add3A_965, %select_n3A_962 : vector<16xi1>, vector<16xi32>
          %add3A_969 = arith.constant 1 : i32
          %add3A_970 = vector.broadcast %add3A_969 : i32 to vector<16xi32>
          %add3A_971 = arith.addi %select_n3A_968, %add3A_970 : vector<16xi32>
          %gather3A_972 = tpu.vector_load_idx %arg9[%add3A_971] : memref<80xi32, #tpu.memory_space<vmem>>[vector<16xi32>], vector<16xi32>,
          %le3A_973 = arith.cmpi sle, %gather3A_972, %add3A_934 : vector<16xi32>
          %select_n3A_974 = arith.select %le3A_973, %add3A_971, %select_n3A_968 : vector<16xi1>, vector<16xi32>
          %ge3A_975 = vector.broadcast %squeeze3A : i32 to vector<16xi32>
          %ge3A_976 = arith.cmpi sge, %add3A_934, %ge3A_975 : vector<16xi32>
          %lt3A_977 = vector.broadcast %squeeze3A_537 : i32 to vector<16xi32>
          %lt3A_978 = arith.cmpi slt, %add3A_934, %lt3A_977 : vector<16xi32>
          %and3A_979 = arith.andi %ge3A_976, %lt3A_978 : vector<16xi1>
          %mul3A_980 = arith.constant 9 : i32
          %mul3A_981 = vector.broadcast %mul3A_980 : i32 to vector<16xi32>
          %mul3A_982 = arith.muli %select_n3A_974, %mul3A_981 : vector<16xi32>
          %add3A_983 = arith.addi %mul3A_982, %get3A_936 : vector<16xi32>
          %jit3A_984 = arith.constant 576 : i32
          %broadcast_in_dim3A_985 = vector.broadcast %jit3A_984 : i32 to vector<16xi32>
          %select_n3A_986 = arith.select %and3A_979, %add3A_983, %broadcast_in_dim3A_985 : vector<16xi1>, vector<16xi32>
          %add3A_987 = vector.broadcast %mul3A_2 : i32 to vector<16xi32>
          %add3A_988 = arith.addi %select_n3A_986, %add3A_987 : vector<16xi32>
          %swap3A_989 = arith.constant 32 : index
          %swap3A_990 = tpu.vector_load %arg12[%swap3A_989] {strides = array<i32>} : memref<128xi32, #tpu.memory_space<vmem>>, vector<16xi32>,
          tpu.vector_store %arg12[%swap3A_989], %add3A_988 {strides = array<i32>} : memref<128xi32, #tpu.memory_space<vmem>>, vector<16xi32>,
          %add3A_991 = arith.constant 48 : i32
          %add3A_992 = arith.addi %add3A_805, %add3A_991 : i32
          %iota3A_993 = tpu.iota {dimensions = array<i32: 0>} : vector<16xi32>
          %add3A_994 = vector.broadcast %add3A_992 : i32 to vector<16xi32>
          %add3A_995 = arith.addi %add3A_994, %iota3A_993 : vector<16xi32>
          %get3A_996 = arith.constant 48 : index
          %get3A_997 = tpu.vector_load %arg11[%get3A_996] {strides = array<i32>} : memref<512xi32, #tpu.memory_space<vmem>>, vector<16xi32>,
          %broadcast_in_dim3A_998 = arith.constant 0 : i32
          %broadcast_in_dim3A_999 = vector.broadcast %broadcast_in_dim3A_998 : i32 to vector<16xi32>
          %add3A_1000 = arith.constant 32 : i32
          %add3A_1001 = vector.broadcast %add3A_1000 : i32 to vector<16xi32>
          %add3A_1002 = arith.addi %broadcast_in_dim3A_999, %add3A_1001 : vector<16xi32>
          %gather3A_1003 = tpu.vector_load_idx %arg9[%add3A_1002] : memref<80xi32, #tpu.memory_space<vmem>>[vector<16xi32>], vector<16xi32>,
          %le3A_1004 = arith.cmpi sle, %gather3A_1003, %add3A_995 : vector<16xi32>
          %select_n3A_1005 = arith.select %le3A_1004, %add3A_1002, %broadcast_in_dim3A_999 : vector<16xi1>, vector<16xi32>
          %add3A_1006 = arith.constant 16 : i32
          %add3A_1007 = vector.broadcast %add3A_1006 : i32 to vector<16xi32>
          %add3A_1008 = arith.addi %select_n3A_1005, %add3A_1007 : vector<16xi32>
          %gather3A_1009 = tpu.vector_load_idx %arg9[%add3A_1008] : memref<80xi32, #tpu.memory_space<vmem>>[vector<16xi32>], vector<16xi32>,
          %le3A_1010 = arith.cmpi sle, %gather3A_1009, %add3A_995 : vector<16xi32>
          %select_n3A_1011 = arith.select %le3A_1010, %add3A_1008, %select_n3A_1005 : vector<16xi1>, vector<16xi32>
          %add3A_1012 = arith.constant 8 : i32
          %add3A_1013 = vector.broadcast %add3A_1012 : i32 to vector<16xi32>
          %add3A_1014 = arith.addi %select_n3A_1011, %add3A_1013 : vector<16xi32>
          %gather3A_1015 = tpu.vector_load_idx %arg9[%add3A_1014] : memref<80xi32, #tpu.memory_space<vmem>>[vector<16xi32>], vector<16xi32>,
          %le3A_1016 = arith.cmpi sle, %gather3A_1015, %add3A_995 : vector<16xi32>
          %select_n3A_1017 = arith.select %le3A_1016, %add3A_1014, %select_n3A_1011 : vector<16xi1>, vector<16xi32>
          %add3A_1018 = arith.constant 4 : i32
          %add3A_1019 = vector.broadcast %add3A_1018 : i32 to vector<16xi32>
          %add3A_1020 = arith.addi %select_n3A_1017, %add3A_1019 : vector<16xi32>
          %gather3A_1021 = tpu.vector_load_idx %arg9[%add3A_1020] : memref<80xi32, #tpu.memory_space<vmem>>[vector<16xi32>], vector<16xi32>,
          %le3A_1022 = arith.cmpi sle, %gather3A_1021, %add3A_995 : vector<16xi32>
          %select_n3A_1023 = arith.select %le3A_1022, %add3A_1020, %select_n3A_1017 : vector<16xi1>, vector<16xi32>
          %add3A_1024 = arith.constant 2 : i32
          %add3A_1025 = vector.broadcast %add3A_1024 : i32 to vector<16xi32>
          %add3A_1026 = arith.addi %select_n3A_1023, %add3A_1025 : vector<16xi32>
          %gather3A_1027 = tpu.vector_load_idx %arg9[%add3A_1026] : memref<80xi32, #tpu.memory_space<vmem>>[vector<16xi32>], vector<16xi32>,
          %le3A_1028 = arith.cmpi sle, %gather3A_1027, %add3A_995 : vector<16xi32>
          %select_n3A_1029 = arith.select %le3A_1028, %add3A_1026, %select_n3A_1023 : vector<16xi1>, vector<16xi32>
          %add3A_1030 = arith.constant 1 : i32
          %add3A_1031 = vector.broadcast %add3A_1030 : i32 to vector<16xi32>
          %add3A_1032 = arith.addi %select_n3A_1029, %add3A_1031 : vector<16xi32>
          %gather3A_1033 = tpu.vector_load_idx %arg9[%add3A_1032] : memref<80xi32, #tpu.memory_space<vmem>>[vector<16xi32>], vector<16xi32>,
          %le3A_1034 = arith.cmpi sle, %gather3A_1033, %add3A_995 : vector<16xi32>
          %select_n3A_1035 = arith.select %le3A_1034, %add3A_1032, %select_n3A_1029 : vector<16xi1>, vector<16xi32>
          %ge3A_1036 = vector.broadcast %squeeze3A : i32 to vector<16xi32>
          %ge3A_1037 = arith.cmpi sge, %add3A_995, %ge3A_1036 : vector<16xi32>
          %lt3A_1038 = vector.broadcast %squeeze3A_537 : i32 to vector<16xi32>
          %lt3A_1039 = arith.cmpi slt, %add3A_995, %lt3A_1038 : vector<16xi32>
          %and3A_1040 = arith.andi %ge3A_1037, %lt3A_1039 : vector<16xi1>
          %mul3A_1041 = arith.constant 9 : i32
          %mul3A_1042 = vector.broadcast %mul3A_1041 : i32 to vector<16xi32>
          %mul3A_1043 = arith.muli %select_n3A_1035, %mul3A_1042 : vector<16xi32>
          %add3A_1044 = arith.addi %mul3A_1043, %get3A_997 : vector<16xi32>
          %jit3A_1045 = arith.constant 576 : i32
          %broadcast_in_dim3A_1046 = vector.broadcast %jit3A_1045 : i32 to vector<16xi32>
          %select_n3A_1047 = arith.select %and3A_1040, %add3A_1044, %broadcast_in_dim3A_1046 : vector<16xi1>, vector<16xi32>
          %add3A_1048 = vector.broadcast %mul3A_2 : i32 to vector<16xi32>
          %add3A_1049 = arith.addi %select_n3A_1047, %add3A_1048 : vector<16xi32>
          %swap3A_1050 = arith.constant 48 : index
          %swap3A_1051 = tpu.vector_load %arg12[%swap3A_1050] {strides = array<i32>} : memref<128xi32, #tpu.memory_space<vmem>>, vector<16xi32>,
          tpu.vector_store %arg12[%swap3A_1050], %add3A_1049 {strides = array<i32>} : memref<128xi32, #tpu.memory_space<vmem>>, vector<16xi32>,
          %add3A_1052 = arith.constant 64 : i32
          %add3A_1053 = arith.addi %add3A_805, %add3A_1052 : i32
          %iota3A_1054 = tpu.iota {dimensions = array<i32: 0>} : vector<16xi32>
          %add3A_1055 = vector.broadcast %add3A_1053 : i32 to vector<16xi32>
          %add3A_1056 = arith.addi %add3A_1055, %iota3A_1054 : vector<16xi32>
          %get3A_1057 = arith.constant 64 : index
          %get3A_1058 = tpu.vector_load %arg11[%get3A_1057] {strides = array<i32>} : memref<512xi32, #tpu.memory_space<vmem>>, vector<16xi32>,
          %broadcast_in_dim3A_1059 = arith.constant 0 : i32
          %broadcast_in_dim3A_1060 = vector.broadcast %broadcast_in_dim3A_1059 : i32 to vector<16xi32>
          %add3A_1061 = arith.constant 32 : i32
          %add3A_1062 = vector.broadcast %add3A_1061 : i32 to vector<16xi32>
          %add3A_1063 = arith.addi %broadcast_in_dim3A_1060, %add3A_1062 : vector<16xi32>
          %gather3A_1064 = tpu.vector_load_idx %arg9[%add3A_1063] : memref<80xi32, #tpu.memory_space<vmem>>[vector<16xi32>], vector<16xi32>,
          %le3A_1065 = arith.cmpi sle, %gather3A_1064, %add3A_1056 : vector<16xi32>
          %select_n3A_1066 = arith.select %le3A_1065, %add3A_1063, %broadcast_in_dim3A_1060 : vector<16xi1>, vector<16xi32>
          %add3A_1067 = arith.constant 16 : i32
          %add3A_1068 = vector.broadcast %add3A_1067 : i32 to vector<16xi32>
          %add3A_1069 = arith.addi %select_n3A_1066, %add3A_1068 : vector<16xi32>
          %gather3A_1070 = tpu.vector_load_idx %arg9[%add3A_1069] : memref<80xi32, #tpu.memory_space<vmem>>[vector<16xi32>], vector<16xi32>,
          %le3A_1071 = arith.cmpi sle, %gather3A_1070, %add3A_1056 : vector<16xi32>
          %select_n3A_1072 = arith.select %le3A_1071, %add3A_1069, %select_n3A_1066 : vector<16xi1>, vector<16xi32>
          %add3A_1073 = arith.constant 8 : i32
          %add3A_1074 = vector.broadcast %add3A_1073 : i32 to vector<16xi32>
          %add3A_1075 = arith.addi %select_n3A_1072, %add3A_1074 : vector<16xi32>
          %gather3A_1076 = tpu.vector_load_idx %arg9[%add3A_1075] : memref<80xi32, #tpu.memory_space<vmem>>[vector<16xi32>], vector<16xi32>,
          %le3A_1077 = arith.cmpi sle, %gather3A_1076, %add3A_1056 : vector<16xi32>
          %select_n3A_1078 = arith.select %le3A_1077, %add3A_1075, %select_n3A_1072 : vector<16xi1>, vector<16xi32>
          %add3A_1079 = arith.constant 4 : i32
          %add3A_1080 = vector.broadcast %add3A_1079 : i32 to vector<16xi32>
          %add3A_1081 = arith.addi %select_n3A_1078, %add3A_1080 : vector<16xi32>
          %gather3A_1082 = tpu.vector_load_idx %arg9[%add3A_1081] : memref<80xi32, #tpu.memory_space<vmem>>[vector<16xi32>], vector<16xi32>,
          %le3A_1083 = arith.cmpi sle, %gather3A_1082, %add3A_1056 : vector<16xi32>
          %select_n3A_1084 = arith.select %le3A_1083, %add3A_1081, %select_n3A_1078 : vector<16xi1>, vector<16xi32>
          %add3A_1085 = arith.constant 2 : i32
          %add3A_1086 = vector.broadcast %add3A_1085 : i32 to vector<16xi32>
          %add3A_1087 = arith.addi %select_n3A_1084, %add3A_1086 : vector<16xi32>
          %gather3A_1088 = tpu.vector_load_idx %arg9[%add3A_1087] : memref<80xi32, #tpu.memory_space<vmem>>[vector<16xi32>], vector<16xi32>,
          %le3A_1089 = arith.cmpi sle, %gather3A_1088, %add3A_1056 : vector<16xi32>
          %select_n3A_1090 = arith.select %le3A_1089, %add3A_1087, %select_n3A_1084 : vector<16xi1>, vector<16xi32>
          %add3A_1091 = arith.constant 1 : i32
          %add3A_1092 = vector.broadcast %add3A_1091 : i32 to vector<16xi32>
          %add3A_1093 = arith.addi %select_n3A_1090, %add3A_1092 : vector<16xi32>
          %gather3A_1094 = tpu.vector_load_idx %arg9[%add3A_1093] : memref<80xi32, #tpu.memory_space<vmem>>[vector<16xi32>], vector<16xi32>,
          %le3A_1095 = arith.cmpi sle, %gather3A_1094, %add3A_1056 : vector<16xi32>
          %select_n3A_1096 = arith.select %le3A_1095, %add3A_1093, %select_n3A_1090 : vector<16xi1>, vector<16xi32>
          %ge3A_1097 = vector.broadcast %squeeze3A : i32 to vector<16xi32>
          %ge3A_1098 = arith.cmpi sge, %add3A_1056, %ge3A_1097 : vector<16xi32>
          %lt3A_1099 = vector.broadcast %squeeze3A_537 : i32 to vector<16xi32>
          %lt3A_1100 = arith.cmpi slt, %add3A_1056, %lt3A_1099 : vector<16xi32>
          %and3A_1101 = arith.andi %ge3A_1098, %lt3A_1100 : vector<16xi1>
          %mul3A_1102 = arith.constant 9 : i32
          %mul3A_1103 = vector.broadcast %mul3A_1102 : i32 to vector<16xi32>
          %mul3A_1104 = arith.muli %select_n3A_1096, %mul3A_1103 : vector<16xi32>
          %add3A_1105 = arith.addi %mul3A_1104, %get3A_1058 : vector<16xi32>
          %jit3A_1106 = arith.constant 576 : i32
          %broadcast_in_dim3A_1107 = vector.broadcast %jit3A_1106 : i32 to vector<16xi32>
          %select_n3A_1108 = arith.select %and3A_1101, %add3A_1105, %broadcast_in_dim3A_1107 : vector<16xi1>, vector<16xi32>
          %add3A_1109 = vector.broadcast %mul3A_2 : i32 to vector<16xi32>
          %add3A_1110 = arith.addi %select_n3A_1108, %add3A_1109 : vector<16xi32>
          %swap3A_1111 = arith.constant 64 : index
          %swap3A_1112 = tpu.vector_load %arg12[%swap3A_1111] {strides = array<i32>} : memref<128xi32, #tpu.memory_space<vmem>>, vector<16xi32>,
          tpu.vector_store %arg12[%swap3A_1111], %add3A_1110 {strides = array<i32>} : memref<128xi32, #tpu.memory_space<vmem>>, vector<16xi32>,
          %add3A_1113 = arith.constant 80 : i32
          %add3A_1114 = arith.addi %add3A_805, %add3A_1113 : i32
          %iota3A_1115 = tpu.iota {dimensions = array<i32: 0>} : vector<16xi32>
          %add3A_1116 = vector.broadcast %add3A_1114 : i32 to vector<16xi32>
          %add3A_1117 = arith.addi %add3A_1116, %iota3A_1115 : vector<16xi32>
          %get3A_1118 = arith.constant 80 : index
          %get3A_1119 = tpu.vector_load %arg11[%get3A_1118] {strides = array<i32>} : memref<512xi32, #tpu.memory_space<vmem>>, vector<16xi32>,
          %broadcast_in_dim3A_1120 = arith.constant 0 : i32
          %broadcast_in_dim3A_1121 = vector.broadcast %broadcast_in_dim3A_1120 : i32 to vector<16xi32>
          %add3A_1122 = arith.constant 32 : i32
          %add3A_1123 = vector.broadcast %add3A_1122 : i32 to vector<16xi32>
          %add3A_1124 = arith.addi %broadcast_in_dim3A_1121, %add3A_1123 : vector<16xi32>
          %gather3A_1125 = tpu.vector_load_idx %arg9[%add3A_1124] : memref<80xi32, #tpu.memory_space<vmem>>[vector<16xi32>], vector<16xi32>,
          %le3A_1126 = arith.cmpi sle, %gather3A_1125, %add3A_1117 : vector<16xi32>
          %select_n3A_1127 = arith.select %le3A_1126, %add3A_1124, %broadcast_in_dim3A_1121 : vector<16xi1>, vector<16xi32>
          %add3A_1128 = arith.constant 16 : i32
          %add3A_1129 = vector.broadcast %add3A_1128 : i32 to vector<16xi32>
          %add3A_1130 = arith.addi %select_n3A_1127, %add3A_1129 : vector<16xi32>
          %gather3A_1131 = tpu.vector_load_idx %arg9[%add3A_1130] : memref<80xi32, #tpu.memory_space<vmem>>[vector<16xi32>], vector<16xi32>,
          %le3A_1132 = arith.cmpi sle, %gather3A_1131, %add3A_1117 : vector<16xi32>
          %select_n3A_1133 = arith.select %le3A_1132, %add3A_1130, %select_n3A_1127 : vector<16xi1>, vector<16xi32>
          %add3A_1134 = arith.constant 8 : i32
          %add3A_1135 = vector.broadcast %add3A_1134 : i32 to vector<16xi32>
          %add3A_1136 = arith.addi %select_n3A_1133, %add3A_1135 : vector<16xi32>
          %gather3A_1137 = tpu.vector_load_idx %arg9[%add3A_1136] : memref<80xi32, #tpu.memory_space<vmem>>[vector<16xi32>], vector<16xi32>,
          %le3A_1138 = arith.cmpi sle, %gather3A_1137, %add3A_1117 : vector<16xi32>
          %select_n3A_1139 = arith.select %le3A_1138, %add3A_1136, %select_n3A_1133 : vector<16xi1>, vector<16xi32>
          %add3A_1140 = arith.constant 4 : i32
          %add3A_1141 = vector.broadcast %add3A_1140 : i32 to vector<16xi32>
          %add3A_1142 = arith.addi %select_n3A_1139, %add3A_1141 : vector<16xi32>
          %gather3A_1143 = tpu.vector_load_idx %arg9[%add3A_1142] : memref<80xi32, #tpu.memory_space<vmem>>[vector<16xi32>], vector<16xi32>,
          %le3A_1144 = arith.cmpi sle, %gather3A_1143, %add3A_1117 : vector<16xi32>
          %select_n3A_1145 = arith.select %le3A_1144, %add3A_1142, %select_n3A_1139 : vector<16xi1>, vector<16xi32>
          %add3A_1146 = arith.constant 2 : i32
          %add3A_1147 = vector.broadcast %add3A_1146 : i32 to vector<16xi32>
          %add3A_1148 = arith.addi %select_n3A_1145, %add3A_1147 : vector<16xi32>
          %gather3A_1149 = tpu.vector_load_idx %arg9[%add3A_1148] : memref<80xi32, #tpu.memory_space<vmem>>[vector<16xi32>], vector<16xi32>,
          %le3A_1150 = arith.cmpi sle, %gather3A_1149, %add3A_1117 : vector<16xi32>
          %select_n3A_1151 = arith.select %le3A_1150, %add3A_1148, %select_n3A_1145 : vector<16xi1>, vector<16xi32>
          %add3A_1152 = arith.constant 1 : i32
          %add3A_1153 = vector.broadcast %add3A_1152 : i32 to vector<16xi32>
          %add3A_1154 = arith.addi %select_n3A_1151, %add3A_1153 : vector<16xi32>
          %gather3A_1155 = tpu.vector_load_idx %arg9[%add3A_1154] : memref<80xi32, #tpu.memory_space<vmem>>[vector<16xi32>], vector<16xi32>,
          %le3A_1156 = arith.cmpi sle, %gather3A_1155, %add3A_1117 : vector<16xi32>
          %select_n3A_1157 = arith.select %le3A_1156, %add3A_1154, %select_n3A_1151 : vector<16xi1>, vector<16xi32>
          %ge3A_1158 = vector.broadcast %squeeze3A : i32 to vector<16xi32>
          %ge3A_1159 = arith.cmpi sge, %add3A_1117, %ge3A_1158 : vector<16xi32>
          %lt3A_1160 = vector.broadcast %squeeze3A_537 : i32 to vector<16xi32>
          %lt3A_1161 = arith.cmpi slt, %add3A_1117, %lt3A_1160 : vector<16xi32>
          %and3A_1162 = arith.andi %ge3A_1159, %lt3A_1161 : vector<16xi1>
          %mul3A_1163 = arith.constant 9 : i32
          %mul3A_1164 = vector.broadcast %mul3A_1163 : i32 to vector<16xi32>
          %mul3A_1165 = arith.muli %select_n3A_1157, %mul3A_1164 : vector<16xi32>
          %add3A_1166 = arith.addi %mul3A_1165, %get3A_1119 : vector<16xi32>
          %jit3A_1167 = arith.constant 576 : i32
          %broadcast_in_dim3A_1168 = vector.broadcast %jit3A_1167 : i32 to vector<16xi32>
          %select_n3A_1169 = arith.select %and3A_1162, %add3A_1166, %broadcast_in_dim3A_1168 : vector<16xi1>, vector<16xi32>
          %add3A_1170 = vector.broadcast %mul3A_2 : i32 to vector<16xi32>
          %add3A_1171 = arith.addi %select_n3A_1169, %add3A_1170 : vector<16xi32>
          %swap3A_1172 = arith.constant 80 : index
          %swap3A_1173 = tpu.vector_load %arg12[%swap3A_1172] {strides = array<i32>} : memref<128xi32, #tpu.memory_space<vmem>>, vector<16xi32>,
          tpu.vector_store %arg12[%swap3A_1172], %add3A_1171 {strides = array<i32>} : memref<128xi32, #tpu.memory_space<vmem>>, vector<16xi32>,
          %add3A_1174 = arith.constant 96 : i32
          %add3A_1175 = arith.addi %add3A_805, %add3A_1174 : i32
          %iota3A_1176 = tpu.iota {dimensions = array<i32: 0>} : vector<16xi32>
          %add3A_1177 = vector.broadcast %add3A_1175 : i32 to vector<16xi32>
          %add3A_1178 = arith.addi %add3A_1177, %iota3A_1176 : vector<16xi32>
          %get3A_1179 = arith.constant 96 : index
          %get3A_1180 = tpu.vector_load %arg11[%get3A_1179] {strides = array<i32>} : memref<512xi32, #tpu.memory_space<vmem>>, vector<16xi32>,
          %broadcast_in_dim3A_1181 = arith.constant 0 : i32
          %broadcast_in_dim3A_1182 = vector.broadcast %broadcast_in_dim3A_1181 : i32 to vector<16xi32>
          %add3A_1183 = arith.constant 32 : i32
          %add3A_1184 = vector.broadcast %add3A_1183 : i32 to vector<16xi32>
          %add3A_1185 = arith.addi %broadcast_in_dim3A_1182, %add3A_1184 : vector<16xi32>
          %gather3A_1186 = tpu.vector_load_idx %arg9[%add3A_1185] : memref<80xi32, #tpu.memory_space<vmem>>[vector<16xi32>], vector<16xi32>,
          %le3A_1187 = arith.cmpi sle, %gather3A_1186, %add3A_1178 : vector<16xi32>
          %select_n3A_1188 = arith.select %le3A_1187, %add3A_1185, %broadcast_in_dim3A_1182 : vector<16xi1>, vector<16xi32>
          %add3A_1189 = arith.constant 16 : i32
          %add3A_1190 = vector.broadcast %add3A_1189 : i32 to vector<16xi32>
          %add3A_1191 = arith.addi %select_n3A_1188, %add3A_1190 : vector<16xi32>
          %gather3A_1192 = tpu.vector_load_idx %arg9[%add3A_1191] : memref<80xi32, #tpu.memory_space<vmem>>[vector<16xi32>], vector<16xi32>,
          %le3A_1193 = arith.cmpi sle, %gather3A_1192, %add3A_1178 : vector<16xi32>
          %select_n3A_1194 = arith.select %le3A_1193, %add3A_1191, %select_n3A_1188 : vector<16xi1>, vector<16xi32>
          %add3A_1195 = arith.constant 8 : i32
          %add3A_1196 = vector.broadcast %add3A_1195 : i32 to vector<16xi32>
          %add3A_1197 = arith.addi %select_n3A_1194, %add3A_1196 : vector<16xi32>
          %gather3A_1198 = tpu.vector_load_idx %arg9[%add3A_1197] : memref<80xi32, #tpu.memory_space<vmem>>[vector<16xi32>], vector<16xi32>,
          %le3A_1199 = arith.cmpi sle, %gather3A_1198, %add3A_1178 : vector<16xi32>
          %select_n3A_1200 = arith.select %le3A_1199, %add3A_1197, %select_n3A_1194 : vector<16xi1>, vector<16xi32>
          %add3A_1201 = arith.constant 4 : i32
          %add3A_1202 = vector.broadcast %add3A_1201 : i32 to vector<16xi32>
          %add3A_1203 = arith.addi %select_n3A_1200, %add3A_1202 : vector<16xi32>
          %gather3A_1204 = tpu.vector_load_idx %arg9[%add3A_1203] : memref<80xi32, #tpu.memory_space<vmem>>[vector<16xi32>], vector<16xi32>,
          %le3A_1205 = arith.cmpi sle, %gather3A_1204, %add3A_1178 : vector<16xi32>
          %select_n3A_1206 = arith.select %le3A_1205, %add3A_1203, %select_n3A_1200 : vector<16xi1>, vector<16xi32>
          %add3A_1207 = arith.constant 2 : i32
          %add3A_1208 = vector.broadcast %add3A_1207 : i32 to vector<16xi32>
          %add3A_1209 = arith.addi %select_n3A_1206, %add3A_1208 : vector<16xi32>
          %gather3A_1210 = tpu.vector_load_idx %arg9[%add3A_1209] : memref<80xi32, #tpu.memory_space<vmem>>[vector<16xi32>], vector<16xi32>,
          %le3A_1211 = arith.cmpi sle, %gather3A_1210, %add3A_1178 : vector<16xi32>
          %select_n3A_1212 = arith.select %le3A_1211, %add3A_1209, %select_n3A_1206 : vector<16xi1>, vector<16xi32>
          %add3A_1213 = arith.constant 1 : i32
          %add3A_1214 = vector.broadcast %add3A_1213 : i32 to vector<16xi32>
          %add3A_1215 = arith.addi %select_n3A_1212, %add3A_1214 : vector<16xi32>
          %gather3A_1216 = tpu.vector_load_idx %arg9[%add3A_1215] : memref<80xi32, #tpu.memory_space<vmem>>[vector<16xi32>], vector<16xi32>,
          %le3A_1217 = arith.cmpi sle, %gather3A_1216, %add3A_1178 : vector<16xi32>
          %select_n3A_1218 = arith.select %le3A_1217, %add3A_1215, %select_n3A_1212 : vector<16xi1>, vector<16xi32>
          %ge3A_1219 = vector.broadcast %squeeze3A : i32 to vector<16xi32>
          %ge3A_1220 = arith.cmpi sge, %add3A_1178, %ge3A_1219 : vector<16xi32>
          %lt3A_1221 = vector.broadcast %squeeze3A_537 : i32 to vector<16xi32>
          %lt3A_1222 = arith.cmpi slt, %add3A_1178, %lt3A_1221 : vector<16xi32>
          %and3A_1223 = arith.andi %ge3A_1220, %lt3A_1222 : vector<16xi1>
          %mul3A_1224 = arith.constant 9 : i32
          %mul3A_1225 = vector.broadcast %mul3A_1224 : i32 to vector<16xi32>
          %mul3A_1226 = arith.muli %select_n3A_1218, %mul3A_1225 : vector<16xi32>
          %add3A_1227 = arith.addi %mul3A_1226, %get3A_1180 : vector<16xi32>
          %jit3A_1228 = arith.constant 576 : i32
          %broadcast_in_dim3A_1229 = vector.broadcast %jit3A_1228 : i32 to vector<16xi32>
          %select_n3A_1230 = arith.select %and3A_1223, %add3A_1227, %broadcast_in_dim3A_1229 : vector<16xi1>, vector<16xi32>
          %add3A_1231 = vector.broadcast %mul3A_2 : i32 to vector<16xi32>
          %add3A_1232 = arith.addi %select_n3A_1230, %add3A_1231 : vector<16xi32>
          %swap3A_1233 = arith.constant 96 : index
          %swap3A_1234 = tpu.vector_load %arg12[%swap3A_1233] {strides = array<i32>} : memref<128xi32, #tpu.memory_space<vmem>>, vector<16xi32>,
          tpu.vector_store %arg12[%swap3A_1233], %add3A_1232 {strides = array<i32>} : memref<128xi32, #tpu.memory_space<vmem>>, vector<16xi32>,
          %add3A_1235 = arith.constant 112 : i32
          %add3A_1236 = arith.addi %add3A_805, %add3A_1235 : i32
          %iota3A_1237 = tpu.iota {dimensions = array<i32: 0>} : vector<16xi32>
          %add3A_1238 = vector.broadcast %add3A_1236 : i32 to vector<16xi32>
          %add3A_1239 = arith.addi %add3A_1238, %iota3A_1237 : vector<16xi32>
          %get3A_1240 = arith.constant 112 : index
          %get3A_1241 = tpu.vector_load %arg11[%get3A_1240] {strides = array<i32>} : memref<512xi32, #tpu.memory_space<vmem>>, vector<16xi32>,
          %broadcast_in_dim3A_1242 = arith.constant 0 : i32
          %broadcast_in_dim3A_1243 = vector.broadcast %broadcast_in_dim3A_1242 : i32 to vector<16xi32>
          %add3A_1244 = arith.constant 32 : i32
          %add3A_1245 = vector.broadcast %add3A_1244 : i32 to vector<16xi32>
          %add3A_1246 = arith.addi %broadcast_in_dim3A_1243, %add3A_1245 : vector<16xi32>
          %gather3A_1247 = tpu.vector_load_idx %arg9[%add3A_1246] : memref<80xi32, #tpu.memory_space<vmem>>[vector<16xi32>], vector<16xi32>,
          %le3A_1248 = arith.cmpi sle, %gather3A_1247, %add3A_1239 : vector<16xi32>
          %select_n3A_1249 = arith.select %le3A_1248, %add3A_1246, %broadcast_in_dim3A_1243 : vector<16xi1>, vector<16xi32>
          %add3A_1250 = arith.constant 16 : i32
          %add3A_1251 = vector.broadcast %add3A_1250 : i32 to vector<16xi32>
          %add3A_1252 = arith.addi %select_n3A_1249, %add3A_1251 : vector<16xi32>
          %gather3A_1253 = tpu.vector_load_idx %arg9[%add3A_1252] : memref<80xi32, #tpu.memory_space<vmem>>[vector<16xi32>], vector<16xi32>,
          %le3A_1254 = arith.cmpi sle, %gather3A_1253, %add3A_1239 : vector<16xi32>
          %select_n3A_1255 = arith.select %le3A_1254, %add3A_1252, %select_n3A_1249 : vector<16xi1>, vector<16xi32>
          %add3A_1256 = arith.constant 8 : i32
          %add3A_1257 = vector.broadcast %add3A_1256 : i32 to vector<16xi32>
          %add3A_1258 = arith.addi %select_n3A_1255, %add3A_1257 : vector<16xi32>
          %gather3A_1259 = tpu.vector_load_idx %arg9[%add3A_1258] : memref<80xi32, #tpu.memory_space<vmem>>[vector<16xi32>], vector<16xi32>,
          %le3A_1260 = arith.cmpi sle, %gather3A_1259, %add3A_1239 : vector<16xi32>
          %select_n3A_1261 = arith.select %le3A_1260, %add3A_1258, %select_n3A_1255 : vector<16xi1>, vector<16xi32>
          %add3A_1262 = arith.constant 4 : i32
          %add3A_1263 = vector.broadcast %add3A_1262 : i32 to vector<16xi32>
          %add3A_1264 = arith.addi %select_n3A_1261, %add3A_1263 : vector<16xi32>
          %gather3A_1265 = tpu.vector_load_idx %arg9[%add3A_1264] : memref<80xi32, #tpu.memory_space<vmem>>[vector<16xi32>], vector<16xi32>,
          %le3A_1266 = arith.cmpi sle, %gather3A_1265, %add3A_1239 : vector<16xi32>
          %select_n3A_1267 = arith.select %le3A_1266, %add3A_1264, %select_n3A_1261 : vector<16xi1>, vector<16xi32>
          %add3A_1268 = arith.constant 2 : i32
          %add3A_1269 = vector.broadcast %add3A_1268 : i32 to vector<16xi32>
          %add3A_1270 = arith.addi %select_n3A_1267, %add3A_1269 : vector<16xi32>
          %gather3A_1271 = tpu.vector_load_idx %arg9[%add3A_1270] : memref<80xi32, #tpu.memory_space<vmem>>[vector<16xi32>], vector<16xi32>,
          %le3A_1272 = arith.cmpi sle, %gather3A_1271, %add3A_1239 : vector<16xi32>
          %select_n3A_1273 = arith.select %le3A_1272, %add3A_1270, %select_n3A_1267 : vector<16xi1>, vector<16xi32>
          %add3A_1274 = arith.constant 1 : i32
          %add3A_1275 = vector.broadcast %add3A_1274 : i32 to vector<16xi32>
          %add3A_1276 = arith.addi %select_n3A_1273, %add3A_1275 : vector<16xi32>
          %gather3A_1277 = tpu.vector_load_idx %arg9[%add3A_1276] : memref<80xi32, #tpu.memory_space<vmem>>[vector<16xi32>], vector<16xi32>,
          %le3A_1278 = arith.cmpi sle, %gather3A_1277, %add3A_1239 : vector<16xi32>
          %select_n3A_1279 = arith.select %le3A_1278, %add3A_1276, %select_n3A_1273 : vector<16xi1>, vector<16xi32>
          %ge3A_1280 = vector.broadcast %squeeze3A : i32 to vector<16xi32>
          %ge3A_1281 = arith.cmpi sge, %add3A_1239, %ge3A_1280 : vector<16xi32>
          %lt3A_1282 = vector.broadcast %squeeze3A_537 : i32 to vector<16xi32>
          %lt3A_1283 = arith.cmpi slt, %add3A_1239, %lt3A_1282 : vector<16xi32>
          %and3A_1284 = arith.andi %ge3A_1281, %lt3A_1283 : vector<16xi1>
          %mul3A_1285 = arith.constant 9 : i32
          %mul3A_1286 = vector.broadcast %mul3A_1285 : i32 to vector<16xi32>
          %mul3A_1287 = arith.muli %select_n3A_1279, %mul3A_1286 : vector<16xi32>
          %add3A_1288 = arith.addi %mul3A_1287, %get3A_1241 : vector<16xi32>
          %jit3A_1289 = arith.constant 576 : i32
          %broadcast_in_dim3A_1290 = vector.broadcast %jit3A_1289 : i32 to vector<16xi32>
          %select_n3A_1291 = arith.select %and3A_1284, %add3A_1288, %broadcast_in_dim3A_1290 : vector<16xi1>, vector<16xi32>
          %add3A_1292 = vector.broadcast %mul3A_2 : i32 to vector<16xi32>
          %add3A_1293 = arith.addi %select_n3A_1291, %add3A_1292 : vector<16xi32>
          %swap3A_1294 = arith.constant 112 : index
          %swap3A_1295 = tpu.vector_load %arg12[%swap3A_1294] {strides = array<i32>} : memref<128xi32, #tpu.memory_space<vmem>>, vector<16xi32>,
          tpu.vector_store %arg12[%swap3A_1294], %add3A_1293 {strides = array<i32>} : memref<128xi32, #tpu.memory_space<vmem>>, vector<16xi32>,
        } else {
        }
        %add3A_770 = arith.constant 0 : i32
        %add3A_771 = arith.addi %mul3A_765, %add3A_770 : i32
        %lt3A_772 = arith.cmpi slt, %add3A_771, %select_n3A : i32
        %convert_element_type3A_773 = arith.extui %lt3A_772 : i1 to i32
        %cond3A_774 = arith.constant 0 : i32
        %cond3A_775 = arith.cmpi ne, %convert_element_type3A_773, %cond3A_774 : i32
        scf.if %cond3A_775 {
          %add3A_794 = arith.constant 0 : i32
          %add3A_795 = arith.addi %mul3A_765, %add3A_794 : i32
          %add3A_796 = arith.constant 1 : i32
          %add3A_797 = arith.addi %add3A_795, %add3A_796 : i32
          %lt3A_798 = arith.cmpi slt, %add3A_797, %select_n3A : i32
          %convert_element_type3A_799 = arith.extui %lt3A_798 : i1 to i32
          %cond3A_800 = arith.constant 0 : i32
          %cond3A_801 = arith.cmpi ne, %convert_element_type3A_799, %cond3A_800 : i32
          scf.if %cond3A_801 {
            %add3A_810 = arith.constant 1 : i32
            %add3A_811 = arith.addi %mul3A_765, %add3A_810 : i32
            %ge3A_812 = arith.constant 2 : i32
            %ge3A_813 = arith.cmpi sge, %add3A_811, %ge3A_812 : i32
            %convert_element_type3A_814 = arith.extui %ge3A_813 : i1 to i32
            %cond3A_815 = arith.constant 0 : i32
            %cond3A_816 = arith.cmpi ne, %convert_element_type3A_814, %cond3A_815 : i32
            scf.if %cond3A_816 {
              %dma_wait3A_1312 = arith.constant 0 : i32
              %dma_wait3A_1313 = arith.constant 0 : i32
              %dma_wait3A_1314 = tpu.memref_slice %arg8[%dma_wait3A_1312, %dma_wait3A_1313] : memref<9344x128xf32, #tpu.memory_space<vmem_shared>> -> memref<9344x128xf32, #tpu.memory_space<vmem_shared>>
              tpu.wait_indirect_dma semaphore(%arg21 : memref<!tpu.dma_semaphore, #tpu.memory_space<semaphore_mem>>) src(%arg16 : memref<128x128xf32, #tpu.memory_space<vmem>>) dst(%dma_wait3A_1314 : memref<9344x128xf32, #tpu.memory_space<vmem_shared>>)
            } else {
            }
            %add3A_817 = arith.constant 1 : i32
            %add3A_818 = arith.addi %mul3A_765, %add3A_817 : i32
            %mul3A_819 = arith.constant 128 : i32
            %mul3A_820 = arith.muli %add3A_818, %mul3A_819 : i32
            %add3A_821 = arith.addi %and3A_538, %mul3A_820 : i32
            %dma_start3A_822 = arith.constant 128 : i32
            %dma_start3A_823 = tpu.memref_slice %arg10[%dma_start3A_822] : memref<512xi32, #tpu.memory_space<vmem>> -> memref<128xi32, #tpu.memory_space<vmem>>
            %dma_start3A_824 = arith.constant 0 : i32
            %dma_start3A_825 = arith.constant 0 : i32
            %dma_start3A_826 = tpu.memref_slice %arg2[%dma_start3A_824, %dma_start3A_825] : memref<10000x128xf32, #tpu.memory_space<hbm>> -> memref<10000x128xf32, #tpu.memory_space<hbm>>
            tpu.enqueue_indirect_dma source(%dma_start3A_826 : memref<10000x128xf32, #tpu.memory_space<hbm>>) target(%arg16 : memref<128x128xf32, #tpu.memory_space<vmem>>) offsets(%dma_start3A_823 : memref<128xi32, #tpu.memory_space<vmem>>) semaphore(%arg19 : memref<!tpu.dma_semaphore, #tpu.memory_space<semaphore_mem>>)
            %add3A_827 = arith.constant 0 : i32
            %add3A_828 = arith.addi %add3A_821, %add3A_827 : i32
            %iota3A_829 = tpu.iota {dimensions = array<i32: 0>} : vector<16xi32>
            %add3A_830 = vector.broadcast %add3A_828 : i32 to vector<16xi32>
            %add3A_831 = arith.addi %add3A_830, %iota3A_829 : vector<16xi32>
            %get3A_832 = arith.constant 128 : index
            %get3A_833 = tpu.vector_load %arg11[%get3A_832] {strides = array<i32>} : memref<512xi32, #tpu.memory_space<vmem>>, vector<16xi32>,
            %broadcast_in_dim3A = arith.constant 0 : i32
            %broadcast_in_dim3A_834 = vector.broadcast %broadcast_in_dim3A : i32 to vector<16xi32>
            %add3A_835 = arith.constant 32 : i32
            %add3A_836 = vector.broadcast %add3A_835 : i32 to vector<16xi32>
            %add3A_837 = arith.addi %broadcast_in_dim3A_834, %add3A_836 : vector<16xi32>
            %gather3A = tpu.vector_load_idx %arg9[%add3A_837] : memref<80xi32, #tpu.memory_space<vmem>>[vector<16xi32>], vector<16xi32>,
            %le3A = arith.cmpi sle, %gather3A, %add3A_831 : vector<16xi32>
            %select_n3A_838 = arith.select %le3A, %add3A_837, %broadcast_in_dim3A_834 : vector<16xi1>, vector<16xi32>
            %add3A_839 = arith.constant 16 : i32
            %add3A_840 = vector.broadcast %add3A_839 : i32 to vector<16xi32>
            %add3A_841 = arith.addi %select_n3A_838, %add3A_840 : vector<16xi32>
            %gather3A_842 = tpu.vector_load_idx %arg9[%add3A_841] : memref<80xi32, #tpu.memory_space<vmem>>[vector<16xi32>], vector<16xi32>,
            %le3A_843 = arith.cmpi sle, %gather3A_842, %add3A_831 : vector<16xi32>
            %select_n3A_844 = arith.select %le3A_843, %add3A_841, %select_n3A_838 : vector<16xi1>, vector<16xi32>
            %add3A_845 = arith.constant 8 : i32
            %add3A_846 = vector.broadcast %add3A_845 : i32 to vector<16xi32>
            %add3A_847 = arith.addi %select_n3A_844, %add3A_846 : vector<16xi32>
            %gather3A_848 = tpu.vector_load_idx %arg9[%add3A_847] : memref<80xi32, #tpu.memory_space<vmem>>[vector<16xi32>], vector<16xi32>,
            %le3A_849 = arith.cmpi sle, %gather3A_848, %add3A_831 : vector<16xi32>
            %select_n3A_850 = arith.select %le3A_849, %add3A_847, %select_n3A_844 : vector<16xi1>, vector<16xi32>
            %add3A_851 = arith.constant 4 : i32
            %add3A_852 = vector.broadcast %add3A_851 : i32 to vector<16xi32>
            %add3A_853 = arith.addi %select_n3A_850, %add3A_852 : vector<16xi32>
            %gather3A_854 = tpu.vector_load_idx %arg9[%add3A_853] : memref<80xi32, #tpu.memory_space<vmem>>[vector<16xi32>], vector<16xi32>,
            %le3A_855 = arith.cmpi sle, %gather3A_854, %add3A_831 : vector<16xi32>
            %select_n3A_856 = arith.select %le3A_855, %add3A_853, %select_n3A_850 : vector<16xi1>, vector<16xi32>
            %add3A_857 = arith.constant 2 : i32
            %add3A_858 = vector.broadcast %add3A_857 : i32 to vector<16xi32>
            %add3A_859 = arith.addi %select_n3A_856, %add3A_858 : vector<16xi32>
            %gather3A_860 = tpu.vector_load_idx %arg9[%add3A_859] : memref<80xi32, #tpu.memory_space<vmem>>[vector<16xi32>], vector<16xi32>,
            %le3A_861 = arith.cmpi sle, %gather3A_860, %add3A_831 : vector<16xi32>
            %select_n3A_862 = arith.select %le3A_861, %add3A_859, %select_n3A_856 : vector<16xi1>, vector<16xi32>
            %add3A_863 = arith.constant 1 : i32
            %add3A_864 = vector.broadcast %add3A_863 : i32 to vector<16xi32>
            %add3A_865 = arith.addi %select_n3A_862, %add3A_864 : vector<16xi32>
            %gather3A_866 = tpu.vector_load_idx %arg9[%add3A_865] : memref<80xi32, #tpu.memory_space<vmem>>[vector<16xi32>], vector<16xi32>,
            %le3A_867 = arith.cmpi sle, %gather3A_866, %add3A_831 : vector<16xi32>
            %select_n3A_868 = arith.select %le3A_867, %add3A_865, %select_n3A_862 : vector<16xi1>, vector<16xi32>
            %ge3A_869 = vector.broadcast %squeeze3A : i32 to vector<16xi32>
            %ge3A_870 = arith.cmpi sge, %add3A_831, %ge3A_869 : vector<16xi32>
            %lt3A_871 = vector.broadcast %squeeze3A_537 : i32 to vector<16xi32>
            %lt3A_872 = arith.cmpi slt, %add3A_831, %lt3A_871 : vector<16xi32>
            %and3A_873 = arith.andi %ge3A_870, %lt3A_872 : vector<16xi1>
            %mul3A_874 = arith.constant 9 : i32
            %mul3A_875 = vector.broadcast %mul3A_874 : i32 to vector<16xi32>
            %mul3A_876 = arith.muli %select_n3A_868, %mul3A_875 : vector<16xi32>
            %add3A_877 = arith.addi %mul3A_876, %get3A_833 : vector<16xi32>
            %jit3A_878 = arith.constant 576 : i32
            %broadcast_in_dim3A_879 = vector.broadcast %jit3A_878 : i32 to vector<16xi32>
            %select_n3A_880 = arith.select %and3A_873, %add3A_877, %broadcast_in_dim3A_879 : vector<16xi1>, vector<16xi32>
            %add3A_881 = vector.broadcast %mul3A_2 : i32 to vector<16xi32>
            %add3A_882 = arith.addi %select_n3A_880, %add3A_881 : vector<16xi32>
            %swap3A_883 = arith.constant 0 : index
            %swap3A_884 = tpu.vector_load %arg13[%swap3A_883] {strides = array<i32>} : memref<128xi32, #tpu.memory_space<vmem>>, vector<16xi32>,
            tpu.vector_store %arg13[%swap3A_883], %add3A_882 {strides = array<i32>} : memref<128xi32, #tpu.memory_space<vmem>>, vector<16xi32>,
            %add3A_885 = arith.constant 16 : i32
            %add3A_886 = arith.addi %add3A_821, %add3A_885 : i32
            %iota3A_887 = tpu.iota {dimensions = array<i32: 0>} : vector<16xi32>
            %add3A_888 = vector.broadcast %add3A_886 : i32 to vector<16xi32>
            %add3A_889 = arith.addi %add3A_888, %iota3A_887 : vector<16xi32>
            %get3A_890 = arith.constant 144 : index
            %get3A_891 = tpu.vector_load %arg11[%get3A_890] {strides = array<i32>} : memref<512xi32, #tpu.memory_space<vmem>>, vector<16xi32>,
            %broadcast_in_dim3A_892 = arith.constant 0 : i32
            %broadcast_in_dim3A_893 = vector.broadcast %broadcast_in_dim3A_892 : i32 to vector<16xi32>
            %add3A_894 = arith.constant 32 : i32
            %add3A_895 = vector.broadcast %add3A_894 : i32 to vector<16xi32>
            %add3A_896 = arith.addi %broadcast_in_dim3A_893, %add3A_895 : vector<16xi32>
            %gather3A_897 = tpu.vector_load_idx %arg9[%add3A_896] : memref<80xi32, #tpu.memory_space<vmem>>[vector<16xi32>], vector<16xi32>,
            %le3A_898 = arith.cmpi sle, %gather3A_897, %add3A_889 : vector<16xi32>
            %select_n3A_899 = arith.select %le3A_898, %add3A_896, %broadcast_in_dim3A_893 : vector<16xi1>, vector<16xi32>
            %add3A_900 = arith.constant 16 : i32
            %add3A_901 = vector.broadcast %add3A_900 : i32 to vector<16xi32>
            %add3A_902 = arith.addi %select_n3A_899, %add3A_901 : vector<16xi32>
            %gather3A_903 = tpu.vector_load_idx %arg9[%add3A_902] : memref<80xi32, #tpu.memory_space<vmem>>[vector<16xi32>], vector<16xi32>,
            %le3A_904 = arith.cmpi sle, %gather3A_903, %add3A_889 : vector<16xi32>
            %select_n3A_905 = arith.select %le3A_904, %add3A_902, %select_n3A_899 : vector<16xi1>, vector<16xi32>
            %add3A_906 = arith.constant 8 : i32
            %add3A_907 = vector.broadcast %add3A_906 : i32 to vector<16xi32>
            %add3A_908 = arith.addi %select_n3A_905, %add3A_907 : vector<16xi32>
            %gather3A_909 = tpu.vector_load_idx %arg9[%add3A_908] : memref<80xi32, #tpu.memory_space<vmem>>[vector<16xi32>], vector<16xi32>,
            %le3A_910 = arith.cmpi sle, %gather3A_909, %add3A_889 : vector<16xi32>
            %select_n3A_911 = arith.select %le3A_910, %add3A_908, %select_n3A_905 : vector<16xi1>, vector<16xi32>
            %add3A_912 = arith.constant 4 : i32
            %add3A_913 = vector.broadcast %add3A_912 : i32 to vector<16xi32>
            %add3A_914 = arith.addi %select_n3A_911, %add3A_913 : vector<16xi32>
            %gather3A_915 = tpu.vector_load_idx %arg9[%add3A_914] : memref<80xi32, #tpu.memory_space<vmem>>[vector<16xi32>], vector<16xi32>,
            %le3A_916 = arith.cmpi sle, %gather3A_915, %add3A_889 : vector<16xi32>
            %select_n3A_917 = arith.select %le3A_916, %add3A_914, %select_n3A_911 : vector<16xi1>, vector<16xi32>
            %add3A_918 = arith.constant 2 : i32
            %add3A_919 = vector.broadcast %add3A_918 : i32 to vector<16xi32>
            %add3A_920 = arith.addi %select_n3A_917, %add3A_919 : vector<16xi32>
            %gather3A_921 = tpu.vector_load_idx %arg9[%add3A_920] : memref<80xi32, #tpu.memory_space<vmem>>[vector<16xi32>], vector<16xi32>,
            %le3A_922 = arith.cmpi sle, %gather3A_921, %add3A_889 : vector<16xi32>
            %select_n3A_923 = arith.select %le3A_922, %add3A_920, %select_n3A_917 : vector<16xi1>, vector<16xi32>
            %add3A_924 = arith.constant 1 : i32
            %add3A_925 = vector.broadcast %add3A_924 : i32 to vector<16xi32>
            %add3A_926 = arith.addi %select_n3A_923, %add3A_925 : vector<16xi32>
            %gather3A_927 = tpu.vector_load_idx %arg9[%add3A_926] : memref<80xi32, #tpu.memory_space<vmem>>[vector<16xi32>], vector<16xi32>,
            %le3A_928 = arith.cmpi sle, %gather3A_927, %add3A_889 : vector<16xi32>
            %select_n3A_929 = arith.select %le3A_928, %add3A_926, %select_n3A_923 : vector<16xi1>, vector<16xi32>
            %ge3A_930 = vector.broadcast %squeeze3A : i32 to vector<16xi32>
            %ge3A_931 = arith.cmpi sge, %add3A_889, %ge3A_930 : vector<16xi32>
            %lt3A_932 = vector.broadcast %squeeze3A_537 : i32 to vector<16xi32>
            %lt3A_933 = arith.cmpi slt, %add3A_889, %lt3A_932 : vector<16xi32>
            %and3A_934 = arith.andi %ge3A_931, %lt3A_933 : vector<16xi1>
            %mul3A_935 = arith.constant 9 : i32
            %mul3A_936 = vector.broadcast %mul3A_935 : i32 to vector<16xi32>
            %mul3A_937 = arith.muli %select_n3A_929, %mul3A_936 : vector<16xi32>
            %add3A_938 = arith.addi %mul3A_937, %get3A_891 : vector<16xi32>
            %jit3A_939 = arith.constant 576 : i32
            %broadcast_in_dim3A_940 = vector.broadcast %jit3A_939 : i32 to vector<16xi32>
            %select_n3A_941 = arith.select %and3A_934, %add3A_938, %broadcast_in_dim3A_940 : vector<16xi1>, vector<16xi32>
            %add3A_942 = vector.broadcast %mul3A_2 : i32 to vector<16xi32>
            %add3A_943 = arith.addi %select_n3A_941, %add3A_942 : vector<16xi32>
            %swap3A_944 = arith.constant 16 : index
            %swap3A_945 = tpu.vector_load %arg13[%swap3A_944] {strides = array<i32>} : memref<128xi32, #tpu.memory_space<vmem>>, vector<16xi32>,
            tpu.vector_store %arg13[%swap3A_944], %add3A_943 {strides = array<i32>} : memref<128xi32, #tpu.memory_space<vmem>>, vector<16xi32>,
            %add3A_946 = arith.constant 32 : i32
            %add3A_947 = arith.addi %add3A_821, %add3A_946 : i32
            %iota3A_948 = tpu.iota {dimensions = array<i32: 0>} : vector<16xi32>
            %add3A_949 = vector.broadcast %add3A_947 : i32 to vector<16xi32>
            %add3A_950 = arith.addi %add3A_949, %iota3A_948 : vector<16xi32>
            %get3A_951 = arith.constant 160 : index
            %get3A_952 = tpu.vector_load %arg11[%get3A_951] {strides = array<i32>} : memref<512xi32, #tpu.memory_space<vmem>>, vector<16xi32>,
            %broadcast_in_dim3A_953 = arith.constant 0 : i32
            %broadcast_in_dim3A_954 = vector.broadcast %broadcast_in_dim3A_953 : i32 to vector<16xi32>
            %add3A_955 = arith.constant 32 : i32
            %add3A_956 = vector.broadcast %add3A_955 : i32 to vector<16xi32>
            %add3A_957 = arith.addi %broadcast_in_dim3A_954, %add3A_956 : vector<16xi32>
            %gather3A_958 = tpu.vector_load_idx %arg9[%add3A_957] : memref<80xi32, #tpu.memory_space<vmem>>[vector<16xi32>], vector<16xi32>,
            %le3A_959 = arith.cmpi sle, %gather3A_958, %add3A_950 : vector<16xi32>
            %select_n3A_960 = arith.select %le3A_959, %add3A_957, %broadcast_in_dim3A_954 : vector<16xi1>, vector<16xi32>
            %add3A_961 = arith.constant 16 : i32
            %add3A_962 = vector.broadcast %add3A_961 : i32 to vector<16xi32>
            %add3A_963 = arith.addi %select_n3A_960, %add3A_962 : vector<16xi32>
            %gather3A_964 = tpu.vector_load_idx %arg9[%add3A_963] : memref<80xi32, #tpu.memory_space<vmem>>[vector<16xi32>], vector<16xi32>,
            %le3A_965 = arith.cmpi sle, %gather3A_964, %add3A_950 : vector<16xi32>
            %select_n3A_966 = arith.select %le3A_965, %add3A_963, %select_n3A_960 : vector<16xi1>, vector<16xi32>
            %add3A_967 = arith.constant 8 : i32
            %add3A_968 = vector.broadcast %add3A_967 : i32 to vector<16xi32>
            %add3A_969 = arith.addi %select_n3A_966, %add3A_968 : vector<16xi32>
            %gather3A_970 = tpu.vector_load_idx %arg9[%add3A_969] : memref<80xi32, #tpu.memory_space<vmem>>[vector<16xi32>], vector<16xi32>,
            %le3A_971 = arith.cmpi sle, %gather3A_970, %add3A_950 : vector<16xi32>
            %select_n3A_972 = arith.select %le3A_971, %add3A_969, %select_n3A_966 : vector<16xi1>, vector<16xi32>
            %add3A_973 = arith.constant 4 : i32
            %add3A_974 = vector.broadcast %add3A_973 : i32 to vector<16xi32>
            %add3A_975 = arith.addi %select_n3A_972, %add3A_974 : vector<16xi32>
            %gather3A_976 = tpu.vector_load_idx %arg9[%add3A_975] : memref<80xi32, #tpu.memory_space<vmem>>[vector<16xi32>], vector<16xi32>,
            %le3A_977 = arith.cmpi sle, %gather3A_976, %add3A_950 : vector<16xi32>
            %select_n3A_978 = arith.select %le3A_977, %add3A_975, %select_n3A_972 : vector<16xi1>, vector<16xi32>
            %add3A_979 = arith.constant 2 : i32
            %add3A_980 = vector.broadcast %add3A_979 : i32 to vector<16xi32>
            %add3A_981 = arith.addi %select_n3A_978, %add3A_980 : vector<16xi32>
            %gather3A_982 = tpu.vector_load_idx %arg9[%add3A_981] : memref<80xi32, #tpu.memory_space<vmem>>[vector<16xi32>], vector<16xi32>,
            %le3A_983 = arith.cmpi sle, %gather3A_982, %add3A_950 : vector<16xi32>
            %select_n3A_984 = arith.select %le3A_983, %add3A_981, %select_n3A_978 : vector<16xi1>, vector<16xi32>
            %add3A_985 = arith.constant 1 : i32
            %add3A_986 = vector.broadcast %add3A_985 : i32 to vector<16xi32>
            %add3A_987 = arith.addi %select_n3A_984, %add3A_986 : vector<16xi32>
            %gather3A_988 = tpu.vector_load_idx %arg9[%add3A_987] : memref<80xi32, #tpu.memory_space<vmem>>[vector<16xi32>], vector<16xi32>,
            %le3A_989 = arith.cmpi sle, %gather3A_988, %add3A_950 : vector<16xi32>
            %select_n3A_990 = arith.select %le3A_989, %add3A_987, %select_n3A_984 : vector<16xi1>, vector<16xi32>
            %ge3A_991 = vector.broadcast %squeeze3A : i32 to vector<16xi32>
            %ge3A_992 = arith.cmpi sge, %add3A_950, %ge3A_991 : vector<16xi32>
            %lt3A_993 = vector.broadcast %squeeze3A_537 : i32 to vector<16xi32>
            %lt3A_994 = arith.cmpi slt, %add3A_950, %lt3A_993 : vector<16xi32>
            %and3A_995 = arith.andi %ge3A_992, %lt3A_994 : vector<16xi1>
            %mul3A_996 = arith.constant 9 : i32
            %mul3A_997 = vector.broadcast %mul3A_996 : i32 to vector<16xi32>
            %mul3A_998 = arith.muli %select_n3A_990, %mul3A_997 : vector<16xi32>
            %add3A_999 = arith.addi %mul3A_998, %get3A_952 : vector<16xi32>
            %jit3A_1000 = arith.constant 576 : i32
            %broadcast_in_dim3A_1001 = vector.broadcast %jit3A_1000 : i32 to vector<16xi32>
            %select_n3A_1002 = arith.select %and3A_995, %add3A_999, %broadcast_in_dim3A_1001 : vector<16xi1>, vector<16xi32>
            %add3A_1003 = vector.broadcast %mul3A_2 : i32 to vector<16xi32>
            %add3A_1004 = arith.addi %select_n3A_1002, %add3A_1003 : vector<16xi32>
            %swap3A_1005 = arith.constant 32 : index
            %swap3A_1006 = tpu.vector_load %arg13[%swap3A_1005] {strides = array<i32>} : memref<128xi32, #tpu.memory_space<vmem>>, vector<16xi32>,
            tpu.vector_store %arg13[%swap3A_1005], %add3A_1004 {strides = array<i32>} : memref<128xi32, #tpu.memory_space<vmem>>, vector<16xi32>,
            %add3A_1007 = arith.constant 48 : i32
            %add3A_1008 = arith.addi %add3A_821, %add3A_1007 : i32
            %iota3A_1009 = tpu.iota {dimensions = array<i32: 0>} : vector<16xi32>
            %add3A_1010 = vector.broadcast %add3A_1008 : i32 to vector<16xi32>
            %add3A_1011 = arith.addi %add3A_1010, %iota3A_1009 : vector<16xi32>
            %get3A_1012 = arith.constant 176 : index
            %get3A_1013 = tpu.vector_load %arg11[%get3A_1012] {strides = array<i32>} : memref<512xi32, #tpu.memory_space<vmem>>, vector<16xi32>,
            %broadcast_in_dim3A_1014 = arith.constant 0 : i32
            %broadcast_in_dim3A_1015 = vector.broadcast %broadcast_in_dim3A_1014 : i32 to vector<16xi32>
            %add3A_1016 = arith.constant 32 : i32
            %add3A_1017 = vector.broadcast %add3A_1016 : i32 to vector<16xi32>
            %add3A_1018 = arith.addi %broadcast_in_dim3A_1015, %add3A_1017 : vector<16xi32>
            %gather3A_1019 = tpu.vector_load_idx %arg9[%add3A_1018] : memref<80xi32, #tpu.memory_space<vmem>>[vector<16xi32>], vector<16xi32>,
            %le3A_1020 = arith.cmpi sle, %gather3A_1019, %add3A_1011 : vector<16xi32>
            %select_n3A_1021 = arith.select %le3A_1020, %add3A_1018, %broadcast_in_dim3A_1015 : vector<16xi1>, vector<16xi32>
            %add3A_1022 = arith.constant 16 : i32
            %add3A_1023 = vector.broadcast %add3A_1022 : i32 to vector<16xi32>
            %add3A_1024 = arith.addi %select_n3A_1021, %add3A_1023 : vector<16xi32>
            %gather3A_1025 = tpu.vector_load_idx %arg9[%add3A_1024] : memref<80xi32, #tpu.memory_space<vmem>>[vector<16xi32>], vector<16xi32>,
            %le3A_1026 = arith.cmpi sle, %gather3A_1025, %add3A_1011 : vector<16xi32>
            %select_n3A_1027 = arith.select %le3A_1026, %add3A_1024, %select_n3A_1021 : vector<16xi1>, vector<16xi32>
            %add3A_1028 = arith.constant 8 : i32
            %add3A_1029 = vector.broadcast %add3A_1028 : i32 to vector<16xi32>
            %add3A_1030 = arith.addi %select_n3A_1027, %add3A_1029 : vector<16xi32>
            %gather3A_1031 = tpu.vector_load_idx %arg9[%add3A_1030] : memref<80xi32, #tpu.memory_space<vmem>>[vector<16xi32>], vector<16xi32>,
            %le3A_1032 = arith.cmpi sle, %gather3A_1031, %add3A_1011 : vector<16xi32>
            %select_n3A_1033 = arith.select %le3A_1032, %add3A_1030, %select_n3A_1027 : vector<16xi1>, vector<16xi32>
            %add3A_1034 = arith.constant 4 : i32
            %add3A_1035 = vector.broadcast %add3A_1034 : i32 to vector<16xi32>
            %add3A_1036 = arith.addi %select_n3A_1033, %add3A_1035 : vector<16xi32>
            %gather3A_1037 = tpu.vector_load_idx %arg9[%add3A_1036] : memref<80xi32, #tpu.memory_space<vmem>>[vector<16xi32>], vector<16xi32>,
            %le3A_1038 = arith.cmpi sle, %gather3A_1037, %add3A_1011 : vector<16xi32>
            %select_n3A_1039 = arith.select %le3A_1038, %add3A_1036, %select_n3A_1033 : vector<16xi1>, vector<16xi32>
            %add3A_1040 = arith.constant 2 : i32
            %add3A_1041 = vector.broadcast %add3A_1040 : i32 to vector<16xi32>
            %add3A_1042 = arith.addi %select_n3A_1039, %add3A_1041 : vector<16xi32>
            %gather3A_1043 = tpu.vector_load_idx %arg9[%add3A_1042] : memref<80xi32, #tpu.memory_space<vmem>>[vector<16xi32>], vector<16xi32>,
            %le3A_1044 = arith.cmpi sle, %gather3A_1043, %add3A_1011 : vector<16xi32>
            %select_n3A_1045 = arith.select %le3A_1044, %add3A_1042, %select_n3A_1039 : vector<16xi1>, vector<16xi32>
            %add3A_1046 = arith.constant 1 : i32
            %add3A_1047 = vector.broadcast %add3A_1046 : i32 to vector<16xi32>
            %add3A_1048 = arith.addi %select_n3A_1045, %add3A_1047 : vector<16xi32>
            %gather3A_1049 = tpu.vector_load_idx %arg9[%add3A_1048] : memref<80xi32, #tpu.memory_space<vmem>>[vector<16xi32>], vector<16xi32>,
            %le3A_1050 = arith.cmpi sle, %gather3A_1049, %add3A_1011 : vector<16xi32>
            %select_n3A_1051 = arith.select %le3A_1050, %add3A_1048, %select_n3A_1045 : vector<16xi1>, vector<16xi32>
            %ge3A_1052 = vector.broadcast %squeeze3A : i32 to vector<16xi32>
            %ge3A_1053 = arith.cmpi sge, %add3A_1011, %ge3A_1052 : vector<16xi32>
            %lt3A_1054 = vector.broadcast %squeeze3A_537 : i32 to vector<16xi32>
            %lt3A_1055 = arith.cmpi slt, %add3A_1011, %lt3A_1054 : vector<16xi32>
            %and3A_1056 = arith.andi %ge3A_1053, %lt3A_1055 : vector<16xi1>
            %mul3A_1057 = arith.constant 9 : i32
            %mul3A_1058 = vector.broadcast %mul3A_1057 : i32 to vector<16xi32>
            %mul3A_1059 = arith.muli %select_n3A_1051, %mul3A_1058 : vector<16xi32>
            %add3A_1060 = arith.addi %mul3A_1059, %get3A_1013 : vector<16xi32>
            %jit3A_1061 = arith.constant 576 : i32
            %broadcast_in_dim3A_1062 = vector.broadcast %jit3A_1061 : i32 to vector<16xi32>
            %select_n3A_1063 = arith.select %and3A_1056, %add3A_1060, %broadcast_in_dim3A_1062 : vector<16xi1>, vector<16xi32>
            %add3A_1064 = vector.broadcast %mul3A_2 : i32 to vector<16xi32>
            %add3A_1065 = arith.addi %select_n3A_1063, %add3A_1064 : vector<16xi32>
            %swap3A_1066 = arith.constant 48 : index
            %swap3A_1067 = tpu.vector_load %arg13[%swap3A_1066] {strides = array<i32>} : memref<128xi32, #tpu.memory_space<vmem>>, vector<16xi32>,
            tpu.vector_store %arg13[%swap3A_1066], %add3A_1065 {strides = array<i32>} : memref<128xi32, #tpu.memory_space<vmem>>, vector<16xi32>,
            %add3A_1068 = arith.constant 64 : i32
            %add3A_1069 = arith.addi %add3A_821, %add3A_1068 : i32
            %iota3A_1070 = tpu.iota {dimensions = array<i32: 0>} : vector<16xi32>
            %add3A_1071 = vector.broadcast %add3A_1069 : i32 to vector<16xi32>
            %add3A_1072 = arith.addi %add3A_1071, %iota3A_1070 : vector<16xi32>
            %get3A_1073 = arith.constant 192 : index
            %get3A_1074 = tpu.vector_load %arg11[%get3A_1073] {strides = array<i32>} : memref<512xi32, #tpu.memory_space<vmem>>, vector<16xi32>,
            %broadcast_in_dim3A_1075 = arith.constant 0 : i32
            %broadcast_in_dim3A_1076 = vector.broadcast %broadcast_in_dim3A_1075 : i32 to vector<16xi32>
            %add3A_1077 = arith.constant 32 : i32
            %add3A_1078 = vector.broadcast %add3A_1077 : i32 to vector<16xi32>
            %add3A_1079 = arith.addi %broadcast_in_dim3A_1076, %add3A_1078 : vector<16xi32>
            %gather3A_1080 = tpu.vector_load_idx %arg9[%add3A_1079] : memref<80xi32, #tpu.memory_space<vmem>>[vector<16xi32>], vector<16xi32>,
            %le3A_1081 = arith.cmpi sle, %gather3A_1080, %add3A_1072 : vector<16xi32>
            %select_n3A_1082 = arith.select %le3A_1081, %add3A_1079, %broadcast_in_dim3A_1076 : vector<16xi1>, vector<16xi32>
            %add3A_1083 = arith.constant 16 : i32
            %add3A_1084 = vector.broadcast %add3A_1083 : i32 to vector<16xi32>
            %add3A_1085 = arith.addi %select_n3A_1082, %add3A_1084 : vector<16xi32>
            %gather3A_1086 = tpu.vector_load_idx %arg9[%add3A_1085] : memref<80xi32, #tpu.memory_space<vmem>>[vector<16xi32>], vector<16xi32>,
            %le3A_1087 = arith.cmpi sle, %gather3A_1086, %add3A_1072 : vector<16xi32>
            %select_n3A_1088 = arith.select %le3A_1087, %add3A_1085, %select_n3A_1082 : vector<16xi1>, vector<16xi32>
            %add3A_1089 = arith.constant 8 : i32
            %add3A_1090 = vector.broadcast %add3A_1089 : i32 to vector<16xi32>
            %add3A_1091 = arith.addi %select_n3A_1088, %add3A_1090 : vector<16xi32>
            %gather3A_1092 = tpu.vector_load_idx %arg9[%add3A_1091] : memref<80xi32, #tpu.memory_space<vmem>>[vector<16xi32>], vector<16xi32>,
            %le3A_1093 = arith.cmpi sle, %gather3A_1092, %add3A_1072 : vector<16xi32>
            %select_n3A_1094 = arith.select %le3A_1093, %add3A_1091, %select_n3A_1088 : vector<16xi1>, vector<16xi32>
            %add3A_1095 = arith.constant 4 : i32
            %add3A_1096 = vector.broadcast %add3A_1095 : i32 to vector<16xi32>
            %add3A_1097 = arith.addi %select_n3A_1094, %add3A_1096 : vector<16xi32>
            %gather3A_1098 = tpu.vector_load_idx %arg9[%add3A_1097] : memref<80xi32, #tpu.memory_space<vmem>>[vector<16xi32>], vector<16xi32>,
            %le3A_1099 = arith.cmpi sle, %gather3A_1098, %add3A_1072 : vector<16xi32>
            %select_n3A_1100 = arith.select %le3A_1099, %add3A_1097, %select_n3A_1094 : vector<16xi1>, vector<16xi32>
            %add3A_1101 = arith.constant 2 : i32
            %add3A_1102 = vector.broadcast %add3A_1101 : i32 to vector<16xi32>
            %add3A_1103 = arith.addi %select_n3A_1100, %add3A_1102 : vector<16xi32>
            %gather3A_1104 = tpu.vector_load_idx %arg9[%add3A_1103] : memref<80xi32, #tpu.memory_space<vmem>>[vector<16xi32>], vector<16xi32>,
            %le3A_1105 = arith.cmpi sle, %gather3A_1104, %add3A_1072 : vector<16xi32>
            %select_n3A_1106 = arith.select %le3A_1105, %add3A_1103, %select_n3A_1100 : vector<16xi1>, vector<16xi32>
            %add3A_1107 = arith.constant 1 : i32
            %add3A_1108 = vector.broadcast %add3A_1107 : i32 to vector<16xi32>
            %add3A_1109 = arith.addi %select_n3A_1106, %add3A_1108 : vector<16xi32>
            %gather3A_1110 = tpu.vector_load_idx %arg9[%add3A_1109] : memref<80xi32, #tpu.memory_space<vmem>>[vector<16xi32>], vector<16xi32>,
            %le3A_1111 = arith.cmpi sle, %gather3A_1110, %add3A_1072 : vector<16xi32>
            %select_n3A_1112 = arith.select %le3A_1111, %add3A_1109, %select_n3A_1106 : vector<16xi1>, vector<16xi32>
            %ge3A_1113 = vector.broadcast %squeeze3A : i32 to vector<16xi32>
            %ge3A_1114 = arith.cmpi sge, %add3A_1072, %ge3A_1113 : vector<16xi32>
            %lt3A_1115 = vector.broadcast %squeeze3A_537 : i32 to vector<16xi32>
            %lt3A_1116 = arith.cmpi slt, %add3A_1072, %lt3A_1115 : vector<16xi32>
            %and3A_1117 = arith.andi %ge3A_1114, %lt3A_1116 : vector<16xi1>
            %mul3A_1118 = arith.constant 9 : i32
            %mul3A_1119 = vector.broadcast %mul3A_1118 : i32 to vector<16xi32>
            %mul3A_1120 = arith.muli %select_n3A_1112, %mul3A_1119 : vector<16xi32>
            %add3A_1121 = arith.addi %mul3A_1120, %get3A_1074 : vector<16xi32>
            %jit3A_1122 = arith.constant 576 : i32
            %broadcast_in_dim3A_1123 = vector.broadcast %jit3A_1122 : i32 to vector<16xi32>
            %select_n3A_1124 = arith.select %and3A_1117, %add3A_1121, %broadcast_in_dim3A_1123 : vector<16xi1>, vector<16xi32>
            %add3A_1125 = vector.broadcast %mul3A_2 : i32 to vector<16xi32>
            %add3A_1126 = arith.addi %select_n3A_1124, %add3A_1125 : vector<16xi32>
            %swap3A_1127 = arith.constant 64 : index
            %swap3A_1128 = tpu.vector_load %arg13[%swap3A_1127] {strides = array<i32>} : memref<128xi32, #tpu.memory_space<vmem>>, vector<16xi32>,
            tpu.vector_store %arg13[%swap3A_1127], %add3A_1126 {strides = array<i32>} : memref<128xi32, #tpu.memory_space<vmem>>, vector<16xi32>,
            %add3A_1129 = arith.constant 80 : i32
            %add3A_1130 = arith.addi %add3A_821, %add3A_1129 : i32
            %iota3A_1131 = tpu.iota {dimensions = array<i32: 0>} : vector<16xi32>
            %add3A_1132 = vector.broadcast %add3A_1130 : i32 to vector<16xi32>
            %add3A_1133 = arith.addi %add3A_1132, %iota3A_1131 : vector<16xi32>
            %get3A_1134 = arith.constant 208 : index
            %get3A_1135 = tpu.vector_load %arg11[%get3A_1134] {strides = array<i32>} : memref<512xi32, #tpu.memory_space<vmem>>, vector<16xi32>,
            %broadcast_in_dim3A_1136 = arith.constant 0 : i32
            %broadcast_in_dim3A_1137 = vector.broadcast %broadcast_in_dim3A_1136 : i32 to vector<16xi32>
            %add3A_1138 = arith.constant 32 : i32
            %add3A_1139 = vector.broadcast %add3A_1138 : i32 to vector<16xi32>
            %add3A_1140 = arith.addi %broadcast_in_dim3A_1137, %add3A_1139 : vector<16xi32>
            %gather3A_1141 = tpu.vector_load_idx %arg9[%add3A_1140] : memref<80xi32, #tpu.memory_space<vmem>>[vector<16xi32>], vector<16xi32>,
            %le3A_1142 = arith.cmpi sle, %gather3A_1141, %add3A_1133 : vector<16xi32>
            %select_n3A_1143 = arith.select %le3A_1142, %add3A_1140, %broadcast_in_dim3A_1137 : vector<16xi1>, vector<16xi32>
            %add3A_1144 = arith.constant 16 : i32
            %add3A_1145 = vector.broadcast %add3A_1144 : i32 to vector<16xi32>
            %add3A_1146 = arith.addi %select_n3A_1143, %add3A_1145 : vector<16xi32>
            %gather3A_1147 = tpu.vector_load_idx %arg9[%add3A_1146] : memref<80xi32, #tpu.memory_space<vmem>>[vector<16xi32>], vector<16xi32>,
            %le3A_1148 = arith.cmpi sle, %gather3A_1147, %add3A_1133 : vector<16xi32>
            %select_n3A_1149 = arith.select %le3A_1148, %add3A_1146, %select_n3A_1143 : vector<16xi1>, vector<16xi32>
            %add3A_1150 = arith.constant 8 : i32
            %add3A_1151 = vector.broadcast %add3A_1150 : i32 to vector<16xi32>
            %add3A_1152 = arith.addi %select_n3A_1149, %add3A_1151 : vector<16xi32>
            %gather3A_1153 = tpu.vector_load_idx %arg9[%add3A_1152] : memref<80xi32, #tpu.memory_space<vmem>>[vector<16xi32>], vector<16xi32>,
            %le3A_1154 = arith.cmpi sle, %gather3A_1153, %add3A_1133 : vector<16xi32>
            %select_n3A_1155 = arith.select %le3A_1154, %add3A_1152, %select_n3A_1149 : vector<16xi1>, vector<16xi32>
            %add3A_1156 = arith.constant 4 : i32
            %add3A_1157 = vector.broadcast %add3A_1156 : i32 to vector<16xi32>
            %add3A_1158 = arith.addi %select_n3A_1155, %add3A_1157 : vector<16xi32>
            %gather3A_1159 = tpu.vector_load_idx %arg9[%add3A_1158] : memref<80xi32, #tpu.memory_space<vmem>>[vector<16xi32>], vector<16xi32>,
            %le3A_1160 = arith.cmpi sle, %gather3A_1159, %add3A_1133 : vector<16xi32>
            %select_n3A_1161 = arith.select %le3A_1160, %add3A_1158, %select_n3A_1155 : vector<16xi1>, vector<16xi32>
            %add3A_1162 = arith.constant 2 : i32
            %add3A_1163 = vector.broadcast %add3A_1162 : i32 to vector<16xi32>
            %add3A_1164 = arith.addi %select_n3A_1161, %add3A_1163 : vector<16xi32>
            %gather3A_1165 = tpu.vector_load_idx %arg9[%add3A_1164] : memref<80xi32, #tpu.memory_space<vmem>>[vector<16xi32>], vector<16xi32>,
            %le3A_1166 = arith.cmpi sle, %gather3A_1165, %add3A_1133 : vector<16xi32>
            %select_n3A_1167 = arith.select %le3A_1166, %add3A_1164, %select_n3A_1161 : vector<16xi1>, vector<16xi32>
            %add3A_1168 = arith.constant 1 : i32
            %add3A_1169 = vector.broadcast %add3A_1168 : i32 to vector<16xi32>
            %add3A_1170 = arith.addi %select_n3A_1167, %add3A_1169 : vector<16xi32>
            %gather3A_1171 = tpu.vector_load_idx %arg9[%add3A_1170] : memref<80xi32, #tpu.memory_space<vmem>>[vector<16xi32>], vector<16xi32>,
            %le3A_1172 = arith.cmpi sle, %gather3A_1171, %add3A_1133 : vector<16xi32>
            %select_n3A_1173 = arith.select %le3A_1172, %add3A_1170, %select_n3A_1167 : vector<16xi1>, vector<16xi32>
            %ge3A_1174 = vector.broadcast %squeeze3A : i32 to vector<16xi32>
            %ge3A_1175 = arith.cmpi sge, %add3A_1133, %ge3A_1174 : vector<16xi32>
            %lt3A_1176 = vector.broadcast %squeeze3A_537 : i32 to vector<16xi32>
            %lt3A_1177 = arith.cmpi slt, %add3A_1133, %lt3A_1176 : vector<16xi32>
            %and3A_1178 = arith.andi %ge3A_1175, %lt3A_1177 : vector<16xi1>
            %mul3A_1179 = arith.constant 9 : i32
            %mul3A_1180 = vector.broadcast %mul3A_1179 : i32 to vector<16xi32>
            %mul3A_1181 = arith.muli %select_n3A_1173, %mul3A_1180 : vector<16xi32>
            %add3A_1182 = arith.addi %mul3A_1181, %get3A_1135 : vector<16xi32>
            %jit3A_1183 = arith.constant 576 : i32
            %broadcast_in_dim3A_1184 = vector.broadcast %jit3A_1183 : i32 to vector<16xi32>
            %select_n3A_1185 = arith.select %and3A_1178, %add3A_1182, %broadcast_in_dim3A_1184 : vector<16xi1>, vector<16xi32>
            %add3A_1186 = vector.broadcast %mul3A_2 : i32 to vector<16xi32>
            %add3A_1187 = arith.addi %select_n3A_1185, %add3A_1186 : vector<16xi32>
            %swap3A_1188 = arith.constant 80 : index
            %swap3A_1189 = tpu.vector_load %arg13[%swap3A_1188] {strides = array<i32>} : memref<128xi32, #tpu.memory_space<vmem>>, vector<16xi32>,
            tpu.vector_store %arg13[%swap3A_1188], %add3A_1187 {strides = array<i32>} : memref<128xi32, #tpu.memory_space<vmem>>, vector<16xi32>,
            %add3A_1190 = arith.constant 96 : i32
            %add3A_1191 = arith.addi %add3A_821, %add3A_1190 : i32
            %iota3A_1192 = tpu.iota {dimensions = array<i32: 0>} : vector<16xi32>
            %add3A_1193 = vector.broadcast %add3A_1191 : i32 to vector<16xi32>
            %add3A_1194 = arith.addi %add3A_1193, %iota3A_1192 : vector<16xi32>
            %get3A_1195 = arith.constant 224 : index
            %get3A_1196 = tpu.vector_load %arg11[%get3A_1195] {strides = array<i32>} : memref<512xi32, #tpu.memory_space<vmem>>, vector<16xi32>,
            %broadcast_in_dim3A_1197 = arith.constant 0 : i32
            %broadcast_in_dim3A_1198 = vector.broadcast %broadcast_in_dim3A_1197 : i32 to vector<16xi32>
            %add3A_1199 = arith.constant 32 : i32
            %add3A_1200 = vector.broadcast %add3A_1199 : i32 to vector<16xi32>
            %add3A_1201 = arith.addi %broadcast_in_dim3A_1198, %add3A_1200 : vector<16xi32>
            %gather3A_1202 = tpu.vector_load_idx %arg9[%add3A_1201] : memref<80xi32, #tpu.memory_space<vmem>>[vector<16xi32>], vector<16xi32>,
            %le3A_1203 = arith.cmpi sle, %gather3A_1202, %add3A_1194 : vector<16xi32>
            %select_n3A_1204 = arith.select %le3A_1203, %add3A_1201, %broadcast_in_dim3A_1198 : vector<16xi1>, vector<16xi32>
            %add3A_1205 = arith.constant 16 : i32
            %add3A_1206 = vector.broadcast %add3A_1205 : i32 to vector<16xi32>
            %add3A_1207 = arith.addi %select_n3A_1204, %add3A_1206 : vector<16xi32>
            %gather3A_1208 = tpu.vector_load_idx %arg9[%add3A_1207] : memref<80xi32, #tpu.memory_space<vmem>>[vector<16xi32>], vector<16xi32>,
            %le3A_1209 = arith.cmpi sle, %gather3A_1208, %add3A_1194 : vector<16xi32>
            %select_n3A_1210 = arith.select %le3A_1209, %add3A_1207, %select_n3A_1204 : vector<16xi1>, vector<16xi32>
            %add3A_1211 = arith.constant 8 : i32
            %add3A_1212 = vector.broadcast %add3A_1211 : i32 to vector<16xi32>
            %add3A_1213 = arith.addi %select_n3A_1210, %add3A_1212 : vector<16xi32>
            %gather3A_1214 = tpu.vector_load_idx %arg9[%add3A_1213] : memref<80xi32, #tpu.memory_space<vmem>>[vector<16xi32>], vector<16xi32>,
            %le3A_1215 = arith.cmpi sle, %gather3A_1214, %add3A_1194 : vector<16xi32>
            %select_n3A_1216 = arith.select %le3A_1215, %add3A_1213, %select_n3A_1210 : vector<16xi1>, vector<16xi32>
            %add3A_1217 = arith.constant 4 : i32
            %add3A_1218 = vector.broadcast %add3A_1217 : i32 to vector<16xi32>
            %add3A_1219 = arith.addi %select_n3A_1216, %add3A_1218 : vector<16xi32>
            %gather3A_1220 = tpu.vector_load_idx %arg9[%add3A_1219] : memref<80xi32, #tpu.memory_space<vmem>>[vector<16xi32>], vector<16xi32>,
            %le3A_1221 = arith.cmpi sle, %gather3A_1220, %add3A_1194 : vector<16xi32>
            %select_n3A_1222 = arith.select %le3A_1221, %add3A_1219, %select_n3A_1216 : vector<16xi1>, vector<16xi32>
            %add3A_1223 = arith.constant 2 : i32
            %add3A_1224 = vector.broadcast %add3A_1223 : i32 to vector<16xi32>
            %add3A_1225 = arith.addi %select_n3A_1222, %add3A_1224 : vector<16xi32>
            %gather3A_1226 = tpu.vector_load_idx %arg9[%add3A_1225] : memref<80xi32, #tpu.memory_space<vmem>>[vector<16xi32>], vector<16xi32>,
            %le3A_1227 = arith.cmpi sle, %gather3A_1226, %add3A_1194 : vector<16xi32>
            %select_n3A_1228 = arith.select %le3A_1227, %add3A_1225, %select_n3A_1222 : vector<16xi1>, vector<16xi32>
            %add3A_1229 = arith.constant 1 : i32
            %add3A_1230 = vector.broadcast %add3A_1229 : i32 to vector<16xi32>
            %add3A_1231 = arith.addi %select_n3A_1228, %add3A_1230 : vector<16xi32>
            %gather3A_1232 = tpu.vector_load_idx %arg9[%add3A_1231] : memref<80xi32, #tpu.memory_space<vmem>>[vector<16xi32>], vector<16xi32>,
            %le3A_1233 = arith.cmpi sle, %gather3A_1232, %add3A_1194 : vector<16xi32>
            %select_n3A_1234 = arith.select %le3A_1233, %add3A_1231, %select_n3A_1228 : vector<16xi1>, vector<16xi32>
            %ge3A_1235 = vector.broadcast %squeeze3A : i32 to vector<16xi32>
            %ge3A_1236 = arith.cmpi sge, %add3A_1194, %ge3A_1235 : vector<16xi32>
            %lt3A_1237 = vector.broadcast %squeeze3A_537 : i32 to vector<16xi32>
            %lt3A_1238 = arith.cmpi slt, %add3A_1194, %lt3A_1237 : vector<16xi32>
            %and3A_1239 = arith.andi %ge3A_1236, %lt3A_1238 : vector<16xi1>
            %mul3A_1240 = arith.constant 9 : i32
            %mul3A_1241 = vector.broadcast %mul3A_1240 : i32 to vector<16xi32>
            %mul3A_1242 = arith.muli %select_n3A_1234, %mul3A_1241 : vector<16xi32>
            %add3A_1243 = arith.addi %mul3A_1242, %get3A_1196 : vector<16xi32>
            %jit3A_1244 = arith.constant 576 : i32
            %broadcast_in_dim3A_1245 = vector.broadcast %jit3A_1244 : i32 to vector<16xi32>
            %select_n3A_1246 = arith.select %and3A_1239, %add3A_1243, %broadcast_in_dim3A_1245 : vector<16xi1>, vector<16xi32>
            %add3A_1247 = vector.broadcast %mul3A_2 : i32 to vector<16xi32>
            %add3A_1248 = arith.addi %select_n3A_1246, %add3A_1247 : vector<16xi32>
            %swap3A_1249 = arith.constant 96 : index
            %swap3A_1250 = tpu.vector_load %arg13[%swap3A_1249] {strides = array<i32>} : memref<128xi32, #tpu.memory_space<vmem>>, vector<16xi32>,
            tpu.vector_store %arg13[%swap3A_1249], %add3A_1248 {strides = array<i32>} : memref<128xi32, #tpu.memory_space<vmem>>, vector<16xi32>,
            %add3A_1251 = arith.constant 112 : i32
            %add3A_1252 = arith.addi %add3A_821, %add3A_1251 : i32
            %iota3A_1253 = tpu.iota {dimensions = array<i32: 0>} : vector<16xi32>
            %add3A_1254 = vector.broadcast %add3A_1252 : i32 to vector<16xi32>
            %add3A_1255 = arith.addi %add3A_1254, %iota3A_1253 : vector<16xi32>
            %get3A_1256 = arith.constant 240 : index
            %get3A_1257 = tpu.vector_load %arg11[%get3A_1256] {strides = array<i32>} : memref<512xi32, #tpu.memory_space<vmem>>, vector<16xi32>,
            %broadcast_in_dim3A_1258 = arith.constant 0 : i32
            %broadcast_in_dim3A_1259 = vector.broadcast %broadcast_in_dim3A_1258 : i32 to vector<16xi32>
            %add3A_1260 = arith.constant 32 : i32
            %add3A_1261 = vector.broadcast %add3A_1260 : i32 to vector<16xi32>
            %add3A_1262 = arith.addi %broadcast_in_dim3A_1259, %add3A_1261 : vector<16xi32>
            %gather3A_1263 = tpu.vector_load_idx %arg9[%add3A_1262] : memref<80xi32, #tpu.memory_space<vmem>>[vector<16xi32>], vector<16xi32>,
            %le3A_1264 = arith.cmpi sle, %gather3A_1263, %add3A_1255 : vector<16xi32>
            %select_n3A_1265 = arith.select %le3A_1264, %add3A_1262, %broadcast_in_dim3A_1259 : vector<16xi1>, vector<16xi32>
            %add3A_1266 = arith.constant 16 : i32
            %add3A_1267 = vector.broadcast %add3A_1266 : i32 to vector<16xi32>
            %add3A_1268 = arith.addi %select_n3A_1265, %add3A_1267 : vector<16xi32>
            %gather3A_1269 = tpu.vector_load_idx %arg9[%add3A_1268] : memref<80xi32, #tpu.memory_space<vmem>>[vector<16xi32>], vector<16xi32>,
            %le3A_1270 = arith.cmpi sle, %gather3A_1269, %add3A_1255 : vector<16xi32>
            %select_n3A_1271 = arith.select %le3A_1270, %add3A_1268, %select_n3A_1265 : vector<16xi1>, vector<16xi32>
            %add3A_1272 = arith.constant 8 : i32
            %add3A_1273 = vector.broadcast %add3A_1272 : i32 to vector<16xi32>
            %add3A_1274 = arith.addi %select_n3A_1271, %add3A_1273 : vector<16xi32>
            %gather3A_1275 = tpu.vector_load_idx %arg9[%add3A_1274] : memref<80xi32, #tpu.memory_space<vmem>>[vector<16xi32>], vector<16xi32>,
            %le3A_1276 = arith.cmpi sle, %gather3A_1275, %add3A_1255 : vector<16xi32>
            %select_n3A_1277 = arith.select %le3A_1276, %add3A_1274, %select_n3A_1271 : vector<16xi1>, vector<16xi32>
            %add3A_1278 = arith.constant 4 : i32
            %add3A_1279 = vector.broadcast %add3A_1278 : i32 to vector<16xi32>
            %add3A_1280 = arith.addi %select_n3A_1277, %add3A_1279 : vector<16xi32>
            %gather3A_1281 = tpu.vector_load_idx %arg9[%add3A_1280] : memref<80xi32, #tpu.memory_space<vmem>>[vector<16xi32>], vector<16xi32>,
            %le3A_1282 = arith.cmpi sle, %gather3A_1281, %add3A_1255 : vector<16xi32>
            %select_n3A_1283 = arith.select %le3A_1282, %add3A_1280, %select_n3A_1277 : vector<16xi1>, vector<16xi32>
            %add3A_1284 = arith.constant 2 : i32
            %add3A_1285 = vector.broadcast %add3A_1284 : i32 to vector<16xi32>
            %add3A_1286 = arith.addi %select_n3A_1283, %add3A_1285 : vector<16xi32>
            %gather3A_1287 = tpu.vector_load_idx %arg9[%add3A_1286] : memref<80xi32, #tpu.memory_space<vmem>>[vector<16xi32>], vector<16xi32>,
            %le3A_1288 = arith.cmpi sle, %gather3A_1287, %add3A_1255 : vector<16xi32>
            %select_n3A_1289 = arith.select %le3A_1288, %add3A_1286, %select_n3A_1283 : vector<16xi1>, vector<16xi32>
            %add3A_1290 = arith.constant 1 : i32
            %add3A_1291 = vector.broadcast %add3A_1290 : i32 to vector<16xi32>
            %add3A_1292 = arith.addi %select_n3A_1289, %add3A_1291 : vector<16xi32>
            %gather3A_1293 = tpu.vector_load_idx %arg9[%add3A_1292] : memref<80xi32, #tpu.memory_space<vmem>>[vector<16xi32>], vector<16xi32>,
            %le3A_1294 = arith.cmpi sle, %gather3A_1293, %add3A_1255 : vector<16xi32>
            %select_n3A_1295 = arith.select %le3A_1294, %add3A_1292, %select_n3A_1289 : vector<16xi1>, vector<16xi32>
            %ge3A_1296 = vector.broadcast %squeeze3A : i32 to vector<16xi32>
            %ge3A_1297 = arith.cmpi sge, %add3A_1255, %ge3A_1296 : vector<16xi32>
            %lt3A_1298 = vector.broadcast %squeeze3A_537 : i32 to vector<16xi32>
            %lt3A_1299 = arith.cmpi slt, %add3A_1255, %lt3A_1298 : vector<16xi32>
            %and3A_1300 = arith.andi %ge3A_1297, %lt3A_1299 : vector<16xi1>
            %mul3A_1301 = arith.constant 9 : i32
            %mul3A_1302 = vector.broadcast %mul3A_1301 : i32 to vector<16xi32>
            %mul3A_1303 = arith.muli %select_n3A_1295, %mul3A_1302 : vector<16xi32>
            %add3A_1304 = arith.addi %mul3A_1303, %get3A_1257 : vector<16xi32>
            %jit3A_1305 = arith.constant 576 : i32
            %broadcast_in_dim3A_1306 = vector.broadcast %jit3A_1305 : i32 to vector<16xi32>
            %select_n3A_1307 = arith.select %and3A_1300, %add3A_1304, %broadcast_in_dim3A_1306 : vector<16xi1>, vector<16xi32>
            %add3A_1308 = vector.broadcast %mul3A_2 : i32 to vector<16xi32>
            %add3A_1309 = arith.addi %select_n3A_1307, %add3A_1308 : vector<16xi32>
            %swap3A_1310 = arith.constant 112 : index
            %swap3A_1311 = tpu.vector_load %arg13[%swap3A_1310] {strides = array<i32>} : memref<128xi32, #tpu.memory_space<vmem>>, vector<16xi32>,
            tpu.vector_store %arg13[%swap3A_1310], %add3A_1309 {strides = array<i32>} : memref<128xi32, #tpu.memory_space<vmem>>, vector<16xi32>,
          } else {
          }
          %dma_wait3A_802 = arith.constant 0 : i32
          %dma_wait3A_803 = tpu.memref_slice %arg10[%dma_wait3A_802] : memref<512xi32, #tpu.memory_space<vmem>> -> memref<128xi32, #tpu.memory_space<vmem>>
          %dma_wait3A_804 = arith.constant 0 : i32
          %dma_wait3A_805 = arith.constant 0 : i32
          %dma_wait3A_806 = tpu.memref_slice %arg2[%dma_wait3A_804, %dma_wait3A_805] : memref<10000x128xf32, #tpu.memory_space<hbm>> -> memref<10000x128xf32, #tpu.memory_space<hbm>>
          tpu.wait_indirect_dma semaphore(%arg18 : memref<!tpu.dma_semaphore, #tpu.memory_space<semaphore_mem>>) src(%dma_wait3A_806 : memref<10000x128xf32, #tpu.memory_space<hbm>>) dst(%arg15 : memref<128x128xf32, #tpu.memory_space<vmem>>)
          %dma_start3A_807 = arith.constant 0 : i32
          %dma_start3A_808 = arith.constant 0 : i32
          %dma_start3A_809 = tpu.memref_slice %arg8[%dma_start3A_807, %dma_start3A_808] : memref<9344x128xf32, #tpu.memory_space<vmem_shared>> -> memref<9344x128xf32, #tpu.memory_space<vmem_shared>>
          tpu.enqueue_indirect_dma source(%arg15 : memref<128x128xf32, #tpu.memory_space<vmem>>) target(%dma_start3A_809 : memref<9344x128xf32, #tpu.memory_space<vmem_shared>>) offsets(%arg12 : memref<128xi32, #tpu.memory_space<vmem>>) semaphore(%arg20 : memref<!tpu.dma_semaphore, #tpu.memory_space<semaphore_mem>>) {add = true}
        } else {
        }
        %add3A_776 = arith.constant 1 : i32
        %add3A_777 = arith.addi %mul3A_765, %add3A_776 : i32
        %lt3A_778 = arith.cmpi slt, %add3A_777, %select_n3A : i32
        %convert_element_type3A_779 = arith.extui %lt3A_778 : i1 to i32
        %cond3A_780 = arith.constant 0 : i32
        %cond3A_781 = arith.cmpi ne, %convert_element_type3A_779, %cond3A_780 : i32
        scf.if %cond3A_781 {
          %add3A_794 = arith.constant 1 : i32
          %add3A_795 = arith.addi %mul3A_765, %add3A_794 : i32
          %add3A_796 = arith.constant 1 : i32
          %add3A_797 = arith.addi %add3A_795, %add3A_796 : i32
          %lt3A_798 = arith.cmpi slt, %add3A_797, %select_n3A : i32
          %convert_element_type3A_799 = arith.extui %lt3A_798 : i1 to i32
          %cond3A_800 = arith.constant 0 : i32
          %cond3A_801 = arith.cmpi ne, %convert_element_type3A_799, %cond3A_800 : i32
          scf.if %cond3A_801 {
            %add3A_810 = arith.constant 2 : i32
            %add3A_811 = arith.addi %mul3A_765, %add3A_810 : i32
            %ge3A_812 = arith.constant 2 : i32
            %ge3A_813 = arith.cmpi sge, %add3A_811, %ge3A_812 : i32
            %convert_element_type3A_814 = arith.extui %ge3A_813 : i1 to i32
            %cond3A_815 = arith.constant 0 : i32
            %cond3A_816 = arith.cmpi ne, %convert_element_type3A_814, %cond3A_815 : i32
            scf.if %cond3A_816 {
              %dma_wait3A_1312 = arith.constant 0 : i32
              %dma_wait3A_1313 = arith.constant 0 : i32
              %dma_wait3A_1314 = tpu.memref_slice %arg8[%dma_wait3A_1312, %dma_wait3A_1313] : memref<9344x128xf32, #tpu.memory_space<vmem_shared>> -> memref<9344x128xf32, #tpu.memory_space<vmem_shared>>
              tpu.wait_indirect_dma semaphore(%arg20 : memref<!tpu.dma_semaphore, #tpu.memory_space<semaphore_mem>>) src(%arg15 : memref<128x128xf32, #tpu.memory_space<vmem>>) dst(%dma_wait3A_1314 : memref<9344x128xf32, #tpu.memory_space<vmem_shared>>)
            } else {
            }
            %add3A_817 = arith.constant 2 : i32
            %add3A_818 = arith.addi %mul3A_765, %add3A_817 : i32
            %mul3A_819 = arith.constant 128 : i32
            %mul3A_820 = arith.muli %add3A_818, %mul3A_819 : i32
            %add3A_821 = arith.addi %and3A_538, %mul3A_820 : i32
            %dma_start3A_822 = arith.constant 256 : i32
            %dma_start3A_823 = tpu.memref_slice %arg10[%dma_start3A_822] : memref<512xi32, #tpu.memory_space<vmem>> -> memref<128xi32, #tpu.memory_space<vmem>>
            %dma_start3A_824 = arith.constant 0 : i32
            %dma_start3A_825 = arith.constant 0 : i32
            %dma_start3A_826 = tpu.memref_slice %arg2[%dma_start3A_824, %dma_start3A_825] : memref<10000x128xf32, #tpu.memory_space<hbm>> -> memref<10000x128xf32, #tpu.memory_space<hbm>>
            tpu.enqueue_indirect_dma source(%dma_start3A_826 : memref<10000x128xf32, #tpu.memory_space<hbm>>) target(%arg15 : memref<128x128xf32, #tpu.memory_space<vmem>>) offsets(%dma_start3A_823 : memref<128xi32, #tpu.memory_space<vmem>>) semaphore(%arg18 : memref<!tpu.dma_semaphore, #tpu.memory_space<semaphore_mem>>)
            %add3A_827 = arith.constant 0 : i32
            %add3A_828 = arith.addi %add3A_821, %add3A_827 : i32
            %iota3A_829 = tpu.iota {dimensions = array<i32: 0>} : vector<16xi32>
            %add3A_830 = vector.broadcast %add3A_828 : i32 to vector<16xi32>
            %add3A_831 = arith.addi %add3A_830, %iota3A_829 : vector<16xi32>
            %get3A_832 = arith.constant 256 : index
            %get3A_833 = tpu.vector_load %arg11[%get3A_832] {strides = array<i32>} : memref<512xi32, #tpu.memory_space<vmem>>, vector<16xi32>,
            %broadcast_in_dim3A = arith.constant 0 : i32
            %broadcast_in_dim3A_834 = vector.broadcast %broadcast_in_dim3A : i32 to vector<16xi32>
            %add3A_835 = arith.constant 32 : i32
            %add3A_836 = vector.broadcast %add3A_835 : i32 to vector<16xi32>
            %add3A_837 = arith.addi %broadcast_in_dim3A_834, %add3A_836 : vector<16xi32>
            %gather3A = tpu.vector_load_idx %arg9[%add3A_837] : memref<80xi32, #tpu.memory_space<vmem>>[vector<16xi32>], vector<16xi32>,
            %le3A = arith.cmpi sle, %gather3A, %add3A_831 : vector<16xi32>
            %select_n3A_838 = arith.select %le3A, %add3A_837, %broadcast_in_dim3A_834 : vector<16xi1>, vector<16xi32>
            %add3A_839 = arith.constant 16 : i32
            %add3A_840 = vector.broadcast %add3A_839 : i32 to vector<16xi32>
            %add3A_841 = arith.addi %select_n3A_838, %add3A_840 : vector<16xi32>
            %gather3A_842 = tpu.vector_load_idx %arg9[%add3A_841] : memref<80xi32, #tpu.memory_space<vmem>>[vector<16xi32>], vector<16xi32>,
            %le3A_843 = arith.cmpi sle, %gather3A_842, %add3A_831 : vector<16xi32>
            %select_n3A_844 = arith.select %le3A_843, %add3A_841, %select_n3A_838 : vector<16xi1>, vector<16xi32>
            %add3A_845 = arith.constant 8 : i32
            %add3A_846 = vector.broadcast %add3A_845 : i32 to vector<16xi32>
            %add3A_847 = arith.addi %select_n3A_844, %add3A_846 : vector<16xi32>
            %gather3A_848 = tpu.vector_load_idx %arg9[%add3A_847] : memref<80xi32, #tpu.memory_space<vmem>>[vector<16xi32>], vector<16xi32>,
            %le3A_849 = arith.cmpi sle, %gather3A_848, %add3A_831 : vector<16xi32>
            %select_n3A_850 = arith.select %le3A_849, %add3A_847, %select_n3A_844 : vector<16xi1>, vector<16xi32>
            %add3A_851 = arith.constant 4 : i32
            %add3A_852 = vector.broadcast %add3A_851 : i32 to vector<16xi32>
            %add3A_853 = arith.addi %select_n3A_850, %add3A_852 : vector<16xi32>
            %gather3A_854 = tpu.vector_load_idx %arg9[%add3A_853] : memref<80xi32, #tpu.memory_space<vmem>>[vector<16xi32>], vector<16xi32>,
            %le3A_855 = arith.cmpi sle, %gather3A_854, %add3A_831 : vector<16xi32>
            %select_n3A_856 = arith.select %le3A_855, %add3A_853, %select_n3A_850 : vector<16xi1>, vector<16xi32>
            %add3A_857 = arith.constant 2 : i32
            %add3A_858 = vector.broadcast %add3A_857 : i32 to vector<16xi32>
            %add3A_859 = arith.addi %select_n3A_856, %add3A_858 : vector<16xi32>
            %gather3A_860 = tpu.vector_load_idx %arg9[%add3A_859] : memref<80xi32, #tpu.memory_space<vmem>>[vector<16xi32>], vector<16xi32>,
            %le3A_861 = arith.cmpi sle, %gather3A_860, %add3A_831 : vector<16xi32>
            %select_n3A_862 = arith.select %le3A_861, %add3A_859, %select_n3A_856 : vector<16xi1>, vector<16xi32>
            %add3A_863 = arith.constant 1 : i32
            %add3A_864 = vector.broadcast %add3A_863 : i32 to vector<16xi32>
            %add3A_865 = arith.addi %select_n3A_862, %add3A_864 : vector<16xi32>
            %gather3A_866 = tpu.vector_load_idx %arg9[%add3A_865] : memref<80xi32, #tpu.memory_space<vmem>>[vector<16xi32>], vector<16xi32>,
            %le3A_867 = arith.cmpi sle, %gather3A_866, %add3A_831 : vector<16xi32>
            %select_n3A_868 = arith.select %le3A_867, %add3A_865, %select_n3A_862 : vector<16xi1>, vector<16xi32>
            %ge3A_869 = vector.broadcast %squeeze3A : i32 to vector<16xi32>
            %ge3A_870 = arith.cmpi sge, %add3A_831, %ge3A_869 : vector<16xi32>
            %lt3A_871 = vector.broadcast %squeeze3A_537 : i32 to vector<16xi32>
            %lt3A_872 = arith.cmpi slt, %add3A_831, %lt3A_871 : vector<16xi32>
            %and3A_873 = arith.andi %ge3A_870, %lt3A_872 : vector<16xi1>
            %mul3A_874 = arith.constant 9 : i32
            %mul3A_875 = vector.broadcast %mul3A_874 : i32 to vector<16xi32>
            %mul3A_876 = arith.muli %select_n3A_868, %mul3A_875 : vector<16xi32>
            %add3A_877 = arith.addi %mul3A_876, %get3A_833 : vector<16xi32>
            %jit3A_878 = arith.constant 576 : i32
            %broadcast_in_dim3A_879 = vector.broadcast %jit3A_878 : i32 to vector<16xi32>
            %select_n3A_880 = arith.select %and3A_873, %add3A_877, %broadcast_in_dim3A_879 : vector<16xi1>, vector<16xi32>
            %add3A_881 = vector.broadcast %mul3A_2 : i32 to vector<16xi32>
            %add3A_882 = arith.addi %select_n3A_880, %add3A_881 : vector<16xi32>
            %swap3A_883 = arith.constant 0 : index
            %swap3A_884 = tpu.vector_load %arg12[%swap3A_883] {strides = array<i32>} : memref<128xi32, #tpu.memory_space<vmem>>, vector<16xi32>,
            tpu.vector_store %arg12[%swap3A_883], %add3A_882 {strides = array<i32>} : memref<128xi32, #tpu.memory_space<vmem>>, vector<16xi32>,
            %add3A_885 = arith.constant 16 : i32
            %add3A_886 = arith.addi %add3A_821, %add3A_885 : i32
            %iota3A_887 = tpu.iota {dimensions = array<i32: 0>} : vector<16xi32>
            %add3A_888 = vector.broadcast %add3A_886 : i32 to vector<16xi32>
            %add3A_889 = arith.addi %add3A_888, %iota3A_887 : vector<16xi32>
            %get3A_890 = arith.constant 272 : index
            %get3A_891 = tpu.vector_load %arg11[%get3A_890] {strides = array<i32>} : memref<512xi32, #tpu.memory_space<vmem>>, vector<16xi32>,
            %broadcast_in_dim3A_892 = arith.constant 0 : i32
            %broadcast_in_dim3A_893 = vector.broadcast %broadcast_in_dim3A_892 : i32 to vector<16xi32>
            %add3A_894 = arith.constant 32 : i32
            %add3A_895 = vector.broadcast %add3A_894 : i32 to vector<16xi32>
            %add3A_896 = arith.addi %broadcast_in_dim3A_893, %add3A_895 : vector<16xi32>
            %gather3A_897 = tpu.vector_load_idx %arg9[%add3A_896] : memref<80xi32, #tpu.memory_space<vmem>>[vector<16xi32>], vector<16xi32>,
            %le3A_898 = arith.cmpi sle, %gather3A_897, %add3A_889 : vector<16xi32>
            %select_n3A_899 = arith.select %le3A_898, %add3A_896, %broadcast_in_dim3A_893 : vector<16xi1>, vector<16xi32>
            %add3A_900 = arith.constant 16 : i32
            %add3A_901 = vector.broadcast %add3A_900 : i32 to vector<16xi32>
            %add3A_902 = arith.addi %select_n3A_899, %add3A_901 : vector<16xi32>
            %gather3A_903 = tpu.vector_load_idx %arg9[%add3A_902] : memref<80xi32, #tpu.memory_space<vmem>>[vector<16xi32>], vector<16xi32>,
            %le3A_904 = arith.cmpi sle, %gather3A_903, %add3A_889 : vector<16xi32>
            %select_n3A_905 = arith.select %le3A_904, %add3A_902, %select_n3A_899 : vector<16xi1>, vector<16xi32>
            %add3A_906 = arith.constant 8 : i32
            %add3A_907 = vector.broadcast %add3A_906 : i32 to vector<16xi32>
            %add3A_908 = arith.addi %select_n3A_905, %add3A_907 : vector<16xi32>
            %gather3A_909 = tpu.vector_load_idx %arg9[%add3A_908] : memref<80xi32, #tpu.memory_space<vmem>>[vector<16xi32>], vector<16xi32>,
            %le3A_910 = arith.cmpi sle, %gather3A_909, %add3A_889 : vector<16xi32>
            %select_n3A_911 = arith.select %le3A_910, %add3A_908, %select_n3A_905 : vector<16xi1>, vector<16xi32>
            %add3A_912 = arith.constant 4 : i32
            %add3A_913 = vector.broadcast %add3A_912 : i32 to vector<16xi32>
            %add3A_914 = arith.addi %select_n3A_911, %add3A_913 : vector<16xi32>
            %gather3A_915 = tpu.vector_load_idx %arg9[%add3A_914] : memref<80xi32, #tpu.memory_space<vmem>>[vector<16xi32>], vector<16xi32>,
            %le3A_916 = arith.cmpi sle, %gather3A_915, %add3A_889 : vector<16xi32>
            %select_n3A_917 = arith.select %le3A_916, %add3A_914, %select_n3A_911 : vector<16xi1>, vector<16xi32>
            %add3A_918 = arith.constant 2 : i32
            %add3A_919 = vector.broadcast %add3A_918 : i32 to vector<16xi32>
            %add3A_920 = arith.addi %select_n3A_917, %add3A_919 : vector<16xi32>
            %gather3A_921 = tpu.vector_load_idx %arg9[%add3A_920] : memref<80xi32, #tpu.memory_space<vmem>>[vector<16xi32>], vector<16xi32>,
            %le3A_922 = arith.cmpi sle, %gather3A_921, %add3A_889 : vector<16xi32>
            %select_n3A_923 = arith.select %le3A_922, %add3A_920, %select_n3A_917 : vector<16xi1>, vector<16xi32>
            %add3A_924 = arith.constant 1 : i32
            %add3A_925 = vector.broadcast %add3A_924 : i32 to vector<16xi32>
            %add3A_926 = arith.addi %select_n3A_923, %add3A_925 : vector<16xi32>
            %gather3A_927 = tpu.vector_load_idx %arg9[%add3A_926] : memref<80xi32, #tpu.memory_space<vmem>>[vector<16xi32>], vector<16xi32>,
            %le3A_928 = arith.cmpi sle, %gather3A_927, %add3A_889 : vector<16xi32>
            %select_n3A_929 = arith.select %le3A_928, %add3A_926, %select_n3A_923 : vector<16xi1>, vector<16xi32>
            %ge3A_930 = vector.broadcast %squeeze3A : i32 to vector<16xi32>
            %ge3A_931 = arith.cmpi sge, %add3A_889, %ge3A_930 : vector<16xi32>
            %lt3A_932 = vector.broadcast %squeeze3A_537 : i32 to vector<16xi32>
            %lt3A_933 = arith.cmpi slt, %add3A_889, %lt3A_932 : vector<16xi32>
            %and3A_934 = arith.andi %ge3A_931, %lt3A_933 : vector<16xi1>
            %mul3A_935 = arith.constant 9 : i32
            %mul3A_936 = vector.broadcast %mul3A_935 : i32 to vector<16xi32>
            %mul3A_937 = arith.muli %select_n3A_929, %mul3A_936 : vector<16xi32>
            %add3A_938 = arith.addi %mul3A_937, %get3A_891 : vector<16xi32>
            %jit3A_939 = arith.constant 576 : i32
            %broadcast_in_dim3A_940 = vector.broadcast %jit3A_939 : i32 to vector<16xi32>
            %select_n3A_941 = arith.select %and3A_934, %add3A_938, %broadcast_in_dim3A_940 : vector<16xi1>, vector<16xi32>
            %add3A_942 = vector.broadcast %mul3A_2 : i32 to vector<16xi32>
            %add3A_943 = arith.addi %select_n3A_941, %add3A_942 : vector<16xi32>
            %swap3A_944 = arith.constant 16 : index
            %swap3A_945 = tpu.vector_load %arg12[%swap3A_944] {strides = array<i32>} : memref<128xi32, #tpu.memory_space<vmem>>, vector<16xi32>,
            tpu.vector_store %arg12[%swap3A_944], %add3A_943 {strides = array<i32>} : memref<128xi32, #tpu.memory_space<vmem>>, vector<16xi32>,
            %add3A_946 = arith.constant 32 : i32
            %add3A_947 = arith.addi %add3A_821, %add3A_946 : i32
            %iota3A_948 = tpu.iota {dimensions = array<i32: 0>} : vector<16xi32>
            %add3A_949 = vector.broadcast %add3A_947 : i32 to vector<16xi32>
            %add3A_950 = arith.addi %add3A_949, %iota3A_948 : vector<16xi32>
            %get3A_951 = arith.constant 288 : index
            %get3A_952 = tpu.vector_load %arg11[%get3A_951] {strides = array<i32>} : memref<512xi32, #tpu.memory_space<vmem>>, vector<16xi32>,
            %broadcast_in_dim3A_953 = arith.constant 0 : i32
            %broadcast_in_dim3A_954 = vector.broadcast %broadcast_in_dim3A_953 : i32 to vector<16xi32>
            %add3A_955 = arith.constant 32 : i32
            %add3A_956 = vector.broadcast %add3A_955 : i32 to vector<16xi32>
            %add3A_957 = arith.addi %broadcast_in_dim3A_954, %add3A_956 : vector<16xi32>
            %gather3A_958 = tpu.vector_load_idx %arg9[%add3A_957] : memref<80xi32, #tpu.memory_space<vmem>>[vector<16xi32>], vector<16xi32>,
            %le3A_959 = arith.cmpi sle, %gather3A_958, %add3A_950 : vector<16xi32>
            %select_n3A_960 = arith.select %le3A_959, %add3A_957, %broadcast_in_dim3A_954 : vector<16xi1>, vector<16xi32>
            %add3A_961 = arith.constant 16 : i32
            %add3A_962 = vector.broadcast %add3A_961 : i32 to vector<16xi32>
            %add3A_963 = arith.addi %select_n3A_960, %add3A_962 : vector<16xi32>
            %gather3A_964 = tpu.vector_load_idx %arg9[%add3A_963] : memref<80xi32, #tpu.memory_space<vmem>>[vector<16xi32>], vector<16xi32>,
            %le3A_965 = arith.cmpi sle, %gather3A_964, %add3A_950 : vector<16xi32>
            %select_n3A_966 = arith.select %le3A_965, %add3A_963, %select_n3A_960 : vector<16xi1>, vector<16xi32>
            %add3A_967 = arith.constant 8 : i32
            %add3A_968 = vector.broadcast %add3A_967 : i32 to vector<16xi32>
            %add3A_969 = arith.addi %select_n3A_966, %add3A_968 : vector<16xi32>
            %gather3A_970 = tpu.vector_load_idx %arg9[%add3A_969] : memref<80xi32, #tpu.memory_space<vmem>>[vector<16xi32>], vector<16xi32>,
            %le3A_971 = arith.cmpi sle, %gather3A_970, %add3A_950 : vector<16xi32>
            %select_n3A_972 = arith.select %le3A_971, %add3A_969, %select_n3A_966 : vector<16xi1>, vector<16xi32>
            %add3A_973 = arith.constant 4 : i32
            %add3A_974 = vector.broadcast %add3A_973 : i32 to vector<16xi32>
            %add3A_975 = arith.addi %select_n3A_972, %add3A_974 : vector<16xi32>
            %gather3A_976 = tpu.vector_load_idx %arg9[%add3A_975] : memref<80xi32, #tpu.memory_space<vmem>>[vector<16xi32>], vector<16xi32>,
            %le3A_977 = arith.cmpi sle, %gather3A_976, %add3A_950 : vector<16xi32>
            %select_n3A_978 = arith.select %le3A_977, %add3A_975, %select_n3A_972 : vector<16xi1>, vector<16xi32>
            %add3A_979 = arith.constant 2 : i32
            %add3A_980 = vector.broadcast %add3A_979 : i32 to vector<16xi32>
            %add3A_981 = arith.addi %select_n3A_978, %add3A_980 : vector<16xi32>
            %gather3A_982 = tpu.vector_load_idx %arg9[%add3A_981] : memref<80xi32, #tpu.memory_space<vmem>>[vector<16xi32>], vector<16xi32>,
            %le3A_983 = arith.cmpi sle, %gather3A_982, %add3A_950 : vector<16xi32>
            %select_n3A_984 = arith.select %le3A_983, %add3A_981, %select_n3A_978 : vector<16xi1>, vector<16xi32>
            %add3A_985 = arith.constant 1 : i32
            %add3A_986 = vector.broadcast %add3A_985 : i32 to vector<16xi32>
            %add3A_987 = arith.addi %select_n3A_984, %add3A_986 : vector<16xi32>
            %gather3A_988 = tpu.vector_load_idx %arg9[%add3A_987] : memref<80xi32, #tpu.memory_space<vmem>>[vector<16xi32>], vector<16xi32>,
            %le3A_989 = arith.cmpi sle, %gather3A_988, %add3A_950 : vector<16xi32>
            %select_n3A_990 = arith.select %le3A_989, %add3A_987, %select_n3A_984 : vector<16xi1>, vector<16xi32>
            %ge3A_991 = vector.broadcast %squeeze3A : i32 to vector<16xi32>
            %ge3A_992 = arith.cmpi sge, %add3A_950, %ge3A_991 : vector<16xi32>
            %lt3A_993 = vector.broadcast %squeeze3A_537 : i32 to vector<16xi32>
            %lt3A_994 = arith.cmpi slt, %add3A_950, %lt3A_993 : vector<16xi32>
            %and3A_995 = arith.andi %ge3A_992, %lt3A_994 : vector<16xi1>
            %mul3A_996 = arith.constant 9 : i32
            %mul3A_997 = vector.broadcast %mul3A_996 : i32 to vector<16xi32>
            %mul3A_998 = arith.muli %select_n3A_990, %mul3A_997 : vector<16xi32>
            %add3A_999 = arith.addi %mul3A_998, %get3A_952 : vector<16xi32>
            %jit3A_1000 = arith.constant 576 : i32
            %broadcast_in_dim3A_1001 = vector.broadcast %jit3A_1000 : i32 to vector<16xi32>
            %select_n3A_1002 = arith.select %and3A_995, %add3A_999, %broadcast_in_dim3A_1001 : vector<16xi1>, vector<16xi32>
            %add3A_1003 = vector.broadcast %mul3A_2 : i32 to vector<16xi32>
            %add3A_1004 = arith.addi %select_n3A_1002, %add3A_1003 : vector<16xi32>
            %swap3A_1005 = arith.constant 32 : index
            %swap3A_1006 = tpu.vector_load %arg12[%swap3A_1005] {strides = array<i32>} : memref<128xi32, #tpu.memory_space<vmem>>, vector<16xi32>,
            tpu.vector_store %arg12[%swap3A_1005], %add3A_1004 {strides = array<i32>} : memref<128xi32, #tpu.memory_space<vmem>>, vector<16xi32>,
            %add3A_1007 = arith.constant 48 : i32
            %add3A_1008 = arith.addi %add3A_821, %add3A_1007 : i32
            %iota3A_1009 = tpu.iota {dimensions = array<i32: 0>} : vector<16xi32>
            %add3A_1010 = vector.broadcast %add3A_1008 : i32 to vector<16xi32>
            %add3A_1011 = arith.addi %add3A_1010, %iota3A_1009 : vector<16xi32>
            %get3A_1012 = arith.constant 304 : index
            %get3A_1013 = tpu.vector_load %arg11[%get3A_1012] {strides = array<i32>} : memref<512xi32, #tpu.memory_space<vmem>>, vector<16xi32>,
            %broadcast_in_dim3A_1014 = arith.constant 0 : i32
            %broadcast_in_dim3A_1015 = vector.broadcast %broadcast_in_dim3A_1014 : i32 to vector<16xi32>
            %add3A_1016 = arith.constant 32 : i32
            %add3A_1017 = vector.broadcast %add3A_1016 : i32 to vector<16xi32>
            %add3A_1018 = arith.addi %broadcast_in_dim3A_1015, %add3A_1017 : vector<16xi32>
            %gather3A_1019 = tpu.vector_load_idx %arg9[%add3A_1018] : memref<80xi32, #tpu.memory_space<vmem>>[vector<16xi32>], vector<16xi32>,
            %le3A_1020 = arith.cmpi sle, %gather3A_1019, %add3A_1011 : vector<16xi32>
            %select_n3A_1021 = arith.select %le3A_1020, %add3A_1018, %broadcast_in_dim3A_1015 : vector<16xi1>, vector<16xi32>
            %add3A_1022 = arith.constant 16 : i32
            %add3A_1023 = vector.broadcast %add3A_1022 : i32 to vector<16xi32>
            %add3A_1024 = arith.addi %select_n3A_1021, %add3A_1023 : vector<16xi32>
            %gather3A_1025 = tpu.vector_load_idx %arg9[%add3A_1024] : memref<80xi32, #tpu.memory_space<vmem>>[vector<16xi32>], vector<16xi32>,
            %le3A_1026 = arith.cmpi sle, %gather3A_1025, %add3A_1011 : vector<16xi32>
            %select_n3A_1027 = arith.select %le3A_1026, %add3A_1024, %select_n3A_1021 : vector<16xi1>, vector<16xi32>
            %add3A_1028 = arith.constant 8 : i32
            %add3A_1029 = vector.broadcast %add3A_1028 : i32 to vector<16xi32>
            %add3A_1030 = arith.addi %select_n3A_1027, %add3A_1029 : vector<16xi32>
            %gather3A_1031 = tpu.vector_load_idx %arg9[%add3A_1030] : memref<80xi32, #tpu.memory_space<vmem>>[vector<16xi32>], vector<16xi32>,
            %le3A_1032 = arith.cmpi sle, %gather3A_1031, %add3A_1011 : vector<16xi32>
            %select_n3A_1033 = arith.select %le3A_1032, %add3A_1030, %select_n3A_1027 : vector<16xi1>, vector<16xi32>
            %add3A_1034 = arith.constant 4 : i32
            %add3A_1035 = vector.broadcast %add3A_1034 : i32 to vector<16xi32>
            %add3A_1036 = arith.addi %select_n3A_1033, %add3A_1035 : vector<16xi32>
            %gather3A_1037 = tpu.vector_load_idx %arg9[%add3A_1036] : memref<80xi32, #tpu.memory_space<vmem>>[vector<16xi32>], vector<16xi32>,
            %le3A_1038 = arith.cmpi sle, %gather3A_1037, %add3A_1011 : vector<16xi32>
            %select_n3A_1039 = arith.select %le3A_1038, %add3A_1036, %select_n3A_1033 : vector<16xi1>, vector<16xi32>
            %add3A_1040 = arith.constant 2 : i32
            %add3A_1041 = vector.broadcast %add3A_1040 : i32 to vector<16xi32>
            %add3A_1042 = arith.addi %select_n3A_1039, %add3A_1041 : vector<16xi32>
            %gather3A_1043 = tpu.vector_load_idx %arg9[%add3A_1042] : memref<80xi32, #tpu.memory_space<vmem>>[vector<16xi32>], vector<16xi32>,
            %le3A_1044 = arith.cmpi sle, %gather3A_1043, %add3A_1011 : vector<16xi32>
            %select_n3A_1045 = arith.select %le3A_1044, %add3A_1042, %select_n3A_1039 : vector<16xi1>, vector<16xi32>
            %add3A_1046 = arith.constant 1 : i32
            %add3A_1047 = vector.broadcast %add3A_1046 : i32 to vector<16xi32>
            %add3A_1048 = arith.addi %select_n3A_1045, %add3A_1047 : vector<16xi32>
            %gather3A_1049 = tpu.vector_load_idx %arg9[%add3A_1048] : memref<80xi32, #tpu.memory_space<vmem>>[vector<16xi32>], vector<16xi32>,
            %le3A_1050 = arith.cmpi sle, %gather3A_1049, %add3A_1011 : vector<16xi32>
            %select_n3A_1051 = arith.select %le3A_1050, %add3A_1048, %select_n3A_1045 : vector<16xi1>, vector<16xi32>
            %ge3A_1052 = vector.broadcast %squeeze3A : i32 to vector<16xi32>
            %ge3A_1053 = arith.cmpi sge, %add3A_1011, %ge3A_1052 : vector<16xi32>
            %lt3A_1054 = vector.broadcast %squeeze3A_537 : i32 to vector<16xi32>
            %lt3A_1055 = arith.cmpi slt, %add3A_1011, %lt3A_1054 : vector<16xi32>
            %and3A_1056 = arith.andi %ge3A_1053, %lt3A_1055 : vector<16xi1>
            %mul3A_1057 = arith.constant 9 : i32
            %mul3A_1058 = vector.broadcast %mul3A_1057 : i32 to vector<16xi32>
            %mul3A_1059 = arith.muli %select_n3A_1051, %mul3A_1058 : vector<16xi32>
            %add3A_1060 = arith.addi %mul3A_1059, %get3A_1013 : vector<16xi32>
            %jit3A_1061 = arith.constant 576 : i32
            %broadcast_in_dim3A_1062 = vector.broadcast %jit3A_1061 : i32 to vector<16xi32>
            %select_n3A_1063 = arith.select %and3A_1056, %add3A_1060, %broadcast_in_dim3A_1062 : vector<16xi1>, vector<16xi32>
            %add3A_1064 = vector.broadcast %mul3A_2 : i32 to vector<16xi32>
            %add3A_1065 = arith.addi %select_n3A_1063, %add3A_1064 : vector<16xi32>
            %swap3A_1066 = arith.constant 48 : index
            %swap3A_1067 = tpu.vector_load %arg12[%swap3A_1066] {strides = array<i32>} : memref<128xi32, #tpu.memory_space<vmem>>, vector<16xi32>,
            tpu.vector_store %arg12[%swap3A_1066], %add3A_1065 {strides = array<i32>} : memref<128xi32, #tpu.memory_space<vmem>>, vector<16xi32>,
            %add3A_1068 = arith.constant 64 : i32
            %add3A_1069 = arith.addi %add3A_821, %add3A_1068 : i32
            %iota3A_1070 = tpu.iota {dimensions = array<i32: 0>} : vector<16xi32>
            %add3A_1071 = vector.broadcast %add3A_1069 : i32 to vector<16xi32>
            %add3A_1072 = arith.addi %add3A_1071, %iota3A_1070 : vector<16xi32>
            %get3A_1073 = arith.constant 320 : index
            %get3A_1074 = tpu.vector_load %arg11[%get3A_1073] {strides = array<i32>} : memref<512xi32, #tpu.memory_space<vmem>>, vector<16xi32>,
            %broadcast_in_dim3A_1075 = arith.constant 0 : i32
            %broadcast_in_dim3A_1076 = vector.broadcast %broadcast_in_dim3A_1075 : i32 to vector<16xi32>
            %add3A_1077 = arith.constant 32 : i32
            %add3A_1078 = vector.broadcast %add3A_1077 : i32 to vector<16xi32>
            %add3A_1079 = arith.addi %broadcast_in_dim3A_1076, %add3A_1078 : vector<16xi32>
            %gather3A_1080 = tpu.vector_load_idx %arg9[%add3A_1079] : memref<80xi32, #tpu.memory_space<vmem>>[vector<16xi32>], vector<16xi32>,
            %le3A_1081 = arith.cmpi sle, %gather3A_1080, %add3A_1072 : vector<16xi32>
            %select_n3A_1082 = arith.select %le3A_1081, %add3A_1079, %broadcast_in_dim3A_1076 : vector<16xi1>, vector<16xi32>
            %add3A_1083 = arith.constant 16 : i32
            %add3A_1084 = vector.broadcast %add3A_1083 : i32 to vector<16xi32>
            %add3A_1085 = arith.addi %select_n3A_1082, %add3A_1084 : vector<16xi32>
            %gather3A_1086 = tpu.vector_load_idx %arg9[%add3A_1085] : memref<80xi32, #tpu.memory_space<vmem>>[vector<16xi32>], vector<16xi32>,
            %le3A_1087 = arith.cmpi sle, %gather3A_1086, %add3A_1072 : vector<16xi32>
            %select_n3A_1088 = arith.select %le3A_1087, %add3A_1085, %select_n3A_1082 : vector<16xi1>, vector<16xi32>
            %add3A_1089 = arith.constant 8 : i32
            %add3A_1090 = vector.broadcast %add3A_1089 : i32 to vector<16xi32>
            %add3A_1091 = arith.addi %select_n3A_1088, %add3A_1090 : vector<16xi32>
            %gather3A_1092 = tpu.vector_load_idx %arg9[%add3A_1091] : memref<80xi32, #tpu.memory_space<vmem>>[vector<16xi32>], vector<16xi32>,
            %le3A_1093 = arith.cmpi sle, %gather3A_1092, %add3A_1072 : vector<16xi32>
            %select_n3A_1094 = arith.select %le3A_1093, %add3A_1091, %select_n3A_1088 : vector<16xi1>, vector<16xi32>
            %add3A_1095 = arith.constant 4 : i32
            %add3A_1096 = vector.broadcast %add3A_1095 : i32 to vector<16xi32>
            %add3A_1097 = arith.addi %select_n3A_1094, %add3A_1096 : vector<16xi32>
            %gather3A_1098 = tpu.vector_load_idx %arg9[%add3A_1097] : memref<80xi32, #tpu.memory_space<vmem>>[vector<16xi32>], vector<16xi32>,
            %le3A_1099 = arith.cmpi sle, %gather3A_1098, %add3A_1072 : vector<16xi32>
            %select_n3A_1100 = arith.select %le3A_1099, %add3A_1097, %select_n3A_1094 : vector<16xi1>, vector<16xi32>
            %add3A_1101 = arith.constant 2 : i32
            %add3A_1102 = vector.broadcast %add3A_1101 : i32 to vector<16xi32>
            %add3A_1103 = arith.addi %select_n3A_1100, %add3A_1102 : vector<16xi32>
            %gather3A_1104 = tpu.vector_load_idx %arg9[%add3A_1103] : memref<80xi32, #tpu.memory_space<vmem>>[vector<16xi32>], vector<16xi32>,
            %le3A_1105 = arith.cmpi sle, %gather3A_1104, %add3A_1072 : vector<16xi32>
            %select_n3A_1106 = arith.select %le3A_1105, %add3A_1103, %select_n3A_1100 : vector<16xi1>, vector<16xi32>
            %add3A_1107 = arith.constant 1 : i32
            %add3A_1108 = vector.broadcast %add3A_1107 : i32 to vector<16xi32>
            %add3A_1109 = arith.addi %select_n3A_1106, %add3A_1108 : vector<16xi32>
            %gather3A_1110 = tpu.vector_load_idx %arg9[%add3A_1109] : memref<80xi32, #tpu.memory_space<vmem>>[vector<16xi32>], vector<16xi32>,
            %le3A_1111 = arith.cmpi sle, %gather3A_1110, %add3A_1072 : vector<16xi32>
            %select_n3A_1112 = arith.select %le3A_1111, %add3A_1109, %select_n3A_1106 : vector<16xi1>, vector<16xi32>
            %ge3A_1113 = vector.broadcast %squeeze3A : i32 to vector<16xi32>
            %ge3A_1114 = arith.cmpi sge, %add3A_1072, %ge3A_1113 : vector<16xi32>
            %lt3A_1115 = vector.broadcast %squeeze3A_537 : i32 to vector<16xi32>
            %lt3A_1116 = arith.cmpi slt, %add3A_1072, %lt3A_1115 : vector<16xi32>
            %and3A_1117 = arith.andi %ge3A_1114, %lt3A_1116 : vector<16xi1>
            %mul3A_1118 = arith.constant 9 : i32
            %mul3A_1119 = vector.broadcast %mul3A_1118 : i32 to vector<16xi32>
            %mul3A_1120 = arith.muli %select_n3A_1112, %mul3A_1119 : vector<16xi32>
            %add3A_1121 = arith.addi %mul3A_1120, %get3A_1074 : vector<16xi32>
            %jit3A_1122 = arith.constant 576 : i32
            %broadcast_in_dim3A_1123 = vector.broadcast %jit3A_1122 : i32 to vector<16xi32>
            %select_n3A_1124 = arith.select %and3A_1117, %add3A_1121, %broadcast_in_dim3A_1123 : vector<16xi1>, vector<16xi32>
            %add3A_1125 = vector.broadcast %mul3A_2 : i32 to vector<16xi32>
            %add3A_1126 = arith.addi %select_n3A_1124, %add3A_1125 : vector<16xi32>
            %swap3A_1127 = arith.constant 64 : index
            %swap3A_1128 = tpu.vector_load %arg12[%swap3A_1127] {strides = array<i32>} : memref<128xi32, #tpu.memory_space<vmem>>, vector<16xi32>,
            tpu.vector_store %arg12[%swap3A_1127], %add3A_1126 {strides = array<i32>} : memref<128xi32, #tpu.memory_space<vmem>>, vector<16xi32>,
            %add3A_1129 = arith.constant 80 : i32
            %add3A_1130 = arith.addi %add3A_821, %add3A_1129 : i32
            %iota3A_1131 = tpu.iota {dimensions = array<i32: 0>} : vector<16xi32>
            %add3A_1132 = vector.broadcast %add3A_1130 : i32 to vector<16xi32>
            %add3A_1133 = arith.addi %add3A_1132, %iota3A_1131 : vector<16xi32>
            %get3A_1134 = arith.constant 336 : index
            %get3A_1135 = tpu.vector_load %arg11[%get3A_1134] {strides = array<i32>} : memref<512xi32, #tpu.memory_space<vmem>>, vector<16xi32>,
            %broadcast_in_dim3A_1136 = arith.constant 0 : i32
            %broadcast_in_dim3A_1137 = vector.broadcast %broadcast_in_dim3A_1136 : i32 to vector<16xi32>
            %add3A_1138 = arith.constant 32 : i32
            %add3A_1139 = vector.broadcast %add3A_1138 : i32 to vector<16xi32>
            %add3A_1140 = arith.addi %broadcast_in_dim3A_1137, %add3A_1139 : vector<16xi32>
            %gather3A_1141 = tpu.vector_load_idx %arg9[%add3A_1140] : memref<80xi32, #tpu.memory_space<vmem>>[vector<16xi32>], vector<16xi32>,
            %le3A_1142 = arith.cmpi sle, %gather3A_1141, %add3A_1133 : vector<16xi32>
            %select_n3A_1143 = arith.select %le3A_1142, %add3A_1140, %broadcast_in_dim3A_1137 : vector<16xi1>, vector<16xi32>
            %add3A_1144 = arith.constant 16 : i32
            %add3A_1145 = vector.broadcast %add3A_1144 : i32 to vector<16xi32>
            %add3A_1146 = arith.addi %select_n3A_1143, %add3A_1145 : vector<16xi32>
            %gather3A_1147 = tpu.vector_load_idx %arg9[%add3A_1146] : memref<80xi32, #tpu.memory_space<vmem>>[vector<16xi32>], vector<16xi32>,
            %le3A_1148 = arith.cmpi sle, %gather3A_1147, %add3A_1133 : vector<16xi32>
            %select_n3A_1149 = arith.select %le3A_1148, %add3A_1146, %select_n3A_1143 : vector<16xi1>, vector<16xi32>
            %add3A_1150 = arith.constant 8 : i32
            %add3A_1151 = vector.broadcast %add3A_1150 : i32 to vector<16xi32>
            %add3A_1152 = arith.addi %select_n3A_1149, %add3A_1151 : vector<16xi32>
            %gather3A_1153 = tpu.vector_load_idx %arg9[%add3A_1152] : memref<80xi32, #tpu.memory_space<vmem>>[vector<16xi32>], vector<16xi32>,
            %le3A_1154 = arith.cmpi sle, %gather3A_1153, %add3A_1133 : vector<16xi32>
            %select_n3A_1155 = arith.select %le3A_1154, %add3A_1152, %select_n3A_1149 : vector<16xi1>, vector<16xi32>
            %add3A_1156 = arith.constant 4 : i32
            %add3A_1157 = vector.broadcast %add3A_1156 : i32 to vector<16xi32>
            %add3A_1158 = arith.addi %select_n3A_1155, %add3A_1157 : vector<16xi32>
            %gather3A_1159 = tpu.vector_load_idx %arg9[%add3A_1158] : memref<80xi32, #tpu.memory_space<vmem>>[vector<16xi32>], vector<16xi32>,
            %le3A_1160 = arith.cmpi sle, %gather3A_1159, %add3A_1133 : vector<16xi32>
            %select_n3A_1161 = arith.select %le3A_1160, %add3A_1158, %select_n3A_1155 : vector<16xi1>, vector<16xi32>
            %add3A_1162 = arith.constant 2 : i32
            %add3A_1163 = vector.broadcast %add3A_1162 : i32 to vector<16xi32>
            %add3A_1164 = arith.addi %select_n3A_1161, %add3A_1163 : vector<16xi32>
            %gather3A_1165 = tpu.vector_load_idx %arg9[%add3A_1164] : memref<80xi32, #tpu.memory_space<vmem>>[vector<16xi32>], vector<16xi32>,
            %le3A_1166 = arith.cmpi sle, %gather3A_1165, %add3A_1133 : vector<16xi32>
            %select_n3A_1167 = arith.select %le3A_1166, %add3A_1164, %select_n3A_1161 : vector<16xi1>, vector<16xi32>
            %add3A_1168 = arith.constant 1 : i32
            %add3A_1169 = vector.broadcast %add3A_1168 : i32 to vector<16xi32>
            %add3A_1170 = arith.addi %select_n3A_1167, %add3A_1169 : vector<16xi32>
            %gather3A_1171 = tpu.vector_load_idx %arg9[%add3A_1170] : memref<80xi32, #tpu.memory_space<vmem>>[vector<16xi32>], vector<16xi32>,
            %le3A_1172 = arith.cmpi sle, %gather3A_1171, %add3A_1133 : vector<16xi32>
            %select_n3A_1173 = arith.select %le3A_1172, %add3A_1170, %select_n3A_1167 : vector<16xi1>, vector<16xi32>
            %ge3A_1174 = vector.broadcast %squeeze3A : i32 to vector<16xi32>
            %ge3A_1175 = arith.cmpi sge, %add3A_1133, %ge3A_1174 : vector<16xi32>
            %lt3A_1176 = vector.broadcast %squeeze3A_537 : i32 to vector<16xi32>
            %lt3A_1177 = arith.cmpi slt, %add3A_1133, %lt3A_1176 : vector<16xi32>
            %and3A_1178 = arith.andi %ge3A_1175, %lt3A_1177 : vector<16xi1>
            %mul3A_1179 = arith.constant 9 : i32
            %mul3A_1180 = vector.broadcast %mul3A_1179 : i32 to vector<16xi32>
            %mul3A_1181 = arith.muli %select_n3A_1173, %mul3A_1180 : vector<16xi32>
            %add3A_1182 = arith.addi %mul3A_1181, %get3A_1135 : vector<16xi32>
            %jit3A_1183 = arith.constant 576 : i32
            %broadcast_in_dim3A_1184 = vector.broadcast %jit3A_1183 : i32 to vector<16xi32>
            %select_n3A_1185 = arith.select %and3A_1178, %add3A_1182, %broadcast_in_dim3A_1184 : vector<16xi1>, vector<16xi32>
            %add3A_1186 = vector.broadcast %mul3A_2 : i32 to vector<16xi32>
            %add3A_1187 = arith.addi %select_n3A_1185, %add3A_1186 : vector<16xi32>
            %swap3A_1188 = arith.constant 80 : index
            %swap3A_1189 = tpu.vector_load %arg12[%swap3A_1188] {strides = array<i32>} : memref<128xi32, #tpu.memory_space<vmem>>, vector<16xi32>,
            tpu.vector_store %arg12[%swap3A_1188], %add3A_1187 {strides = array<i32>} : memref<128xi32, #tpu.memory_space<vmem>>, vector<16xi32>,
            %add3A_1190 = arith.constant 96 : i32
            %add3A_1191 = arith.addi %add3A_821, %add3A_1190 : i32
            %iota3A_1192 = tpu.iota {dimensions = array<i32: 0>} : vector<16xi32>
            %add3A_1193 = vector.broadcast %add3A_1191 : i32 to vector<16xi32>
            %add3A_1194 = arith.addi %add3A_1193, %iota3A_1192 : vector<16xi32>
            %get3A_1195 = arith.constant 352 : index
            %get3A_1196 = tpu.vector_load %arg11[%get3A_1195] {strides = array<i32>} : memref<512xi32, #tpu.memory_space<vmem>>, vector<16xi32>,
            %broadcast_in_dim3A_1197 = arith.constant 0 : i32
            %broadcast_in_dim3A_1198 = vector.broadcast %broadcast_in_dim3A_1197 : i32 to vector<16xi32>
            %add3A_1199 = arith.constant 32 : i32
            %add3A_1200 = vector.broadcast %add3A_1199 : i32 to vector<16xi32>
            %add3A_1201 = arith.addi %broadcast_in_dim3A_1198, %add3A_1200 : vector<16xi32>
            %gather3A_1202 = tpu.vector_load_idx %arg9[%add3A_1201] : memref<80xi32, #tpu.memory_space<vmem>>[vector<16xi32>], vector<16xi32>,
            %le3A_1203 = arith.cmpi sle, %gather3A_1202, %add3A_1194 : vector<16xi32>
            %select_n3A_1204 = arith.select %le3A_1203, %add3A_1201, %broadcast_in_dim3A_1198 : vector<16xi1>, vector<16xi32>
            %add3A_1205 = arith.constant 16 : i32
            %add3A_1206 = vector.broadcast %add3A_1205 : i32 to vector<16xi32>
            %add3A_1207 = arith.addi %select_n3A_1204, %add3A_1206 : vector<16xi32>
            %gather3A_1208 = tpu.vector_load_idx %arg9[%add3A_1207] : memref<80xi32, #tpu.memory_space<vmem>>[vector<16xi32>], vector<16xi32>,
            %le3A_1209 = arith.cmpi sle, %gather3A_1208, %add3A_1194 : vector<16xi32>
            %select_n3A_1210 = arith.select %le3A_1209, %add3A_1207, %select_n3A_1204 : vector<16xi1>, vector<16xi32>
            %add3A_1211 = arith.constant 8 : i32
            %add3A_1212 = vector.broadcast %add3A_1211 : i32 to vector<16xi32>
            %add3A_1213 = arith.addi %select_n3A_1210, %add3A_1212 : vector<16xi32>
            %gather3A_1214 = tpu.vector_load_idx %arg9[%add3A_1213] : memref<80xi32, #tpu.memory_space<vmem>>[vector<16xi32>], vector<16xi32>,
            %le3A_1215 = arith.cmpi sle, %gather3A_1214, %add3A_1194 : vector<16xi32>
            %select_n3A_1216 = arith.select %le3A_1215, %add3A_1213, %select_n3A_1210 : vector<16xi1>, vector<16xi32>
            %add3A_1217 = arith.constant 4 : i32
            %add3A_1218 = vector.broadcast %add3A_1217 : i32 to vector<16xi32>
            %add3A_1219 = arith.addi %select_n3A_1216, %add3A_1218 : vector<16xi32>
            %gather3A_1220 = tpu.vector_load_idx %arg9[%add3A_1219] : memref<80xi32, #tpu.memory_space<vmem>>[vector<16xi32>], vector<16xi32>,
            %le3A_1221 = arith.cmpi sle, %gather3A_1220, %add3A_1194 : vector<16xi32>
            %select_n3A_1222 = arith.select %le3A_1221, %add3A_1219, %select_n3A_1216 : vector<16xi1>, vector<16xi32>
            %add3A_1223 = arith.constant 2 : i32
            %add3A_1224 = vector.broadcast %add3A_1223 : i32 to vector<16xi32>
            %add3A_1225 = arith.addi %select_n3A_1222, %add3A_1224 : vector<16xi32>
            %gather3A_1226 = tpu.vector_load_idx %arg9[%add3A_1225] : memref<80xi32, #tpu.memory_space<vmem>>[vector<16xi32>], vector<16xi32>,
            %le3A_1227 = arith.cmpi sle, %gather3A_1226, %add3A_1194 : vector<16xi32>
            %select_n3A_1228 = arith.select %le3A_1227, %add3A_1225, %select_n3A_1222 : vector<16xi1>, vector<16xi32>
            %add3A_1229 = arith.constant 1 : i32
            %add3A_1230 = vector.broadcast %add3A_1229 : i32 to vector<16xi32>
            %add3A_1231 = arith.addi %select_n3A_1228, %add3A_1230 : vector<16xi32>
            %gather3A_1232 = tpu.vector_load_idx %arg9[%add3A_1231] : memref<80xi32, #tpu.memory_space<vmem>>[vector<16xi32>], vector<16xi32>,
            %le3A_1233 = arith.cmpi sle, %gather3A_1232, %add3A_1194 : vector<16xi32>
            %select_n3A_1234 = arith.select %le3A_1233, %add3A_1231, %select_n3A_1228 : vector<16xi1>, vector<16xi32>
            %ge3A_1235 = vector.broadcast %squeeze3A : i32 to vector<16xi32>
            %ge3A_1236 = arith.cmpi sge, %add3A_1194, %ge3A_1235 : vector<16xi32>
            %lt3A_1237 = vector.broadcast %squeeze3A_537 : i32 to vector<16xi32>
            %lt3A_1238 = arith.cmpi slt, %add3A_1194, %lt3A_1237 : vector<16xi32>
            %and3A_1239 = arith.andi %ge3A_1236, %lt3A_1238 : vector<16xi1>
            %mul3A_1240 = arith.constant 9 : i32
            %mul3A_1241 = vector.broadcast %mul3A_1240 : i32 to vector<16xi32>
            %mul3A_1242 = arith.muli %select_n3A_1234, %mul3A_1241 : vector<16xi32>
            %add3A_1243 = arith.addi %mul3A_1242, %get3A_1196 : vector<16xi32>
            %jit3A_1244 = arith.constant 576 : i32
            %broadcast_in_dim3A_1245 = vector.broadcast %jit3A_1244 : i32 to vector<16xi32>
            %select_n3A_1246 = arith.select %and3A_1239, %add3A_1243, %broadcast_in_dim3A_1245 : vector<16xi1>, vector<16xi32>
            %add3A_1247 = vector.broadcast %mul3A_2 : i32 to vector<16xi32>
            %add3A_1248 = arith.addi %select_n3A_1246, %add3A_1247 : vector<16xi32>
            %swap3A_1249 = arith.constant 96 : index
            %swap3A_1250 = tpu.vector_load %arg12[%swap3A_1249] {strides = array<i32>} : memref<128xi32, #tpu.memory_space<vmem>>, vector<16xi32>,
            tpu.vector_store %arg12[%swap3A_1249], %add3A_1248 {strides = array<i32>} : memref<128xi32, #tpu.memory_space<vmem>>, vector<16xi32>,
            %add3A_1251 = arith.constant 112 : i32
            %add3A_1252 = arith.addi %add3A_821, %add3A_1251 : i32
            %iota3A_1253 = tpu.iota {dimensions = array<i32: 0>} : vector<16xi32>
            %add3A_1254 = vector.broadcast %add3A_1252 : i32 to vector<16xi32>
            %add3A_1255 = arith.addi %add3A_1254, %iota3A_1253 : vector<16xi32>
            %get3A_1256 = arith.constant 368 : index
            %get3A_1257 = tpu.vector_load %arg11[%get3A_1256] {strides = array<i32>} : memref<512xi32, #tpu.memory_space<vmem>>, vector<16xi32>,
            %broadcast_in_dim3A_1258 = arith.constant 0 : i32
            %broadcast_in_dim3A_1259 = vector.broadcast %broadcast_in_dim3A_1258 : i32 to vector<16xi32>
            %add3A_1260 = arith.constant 32 : i32
            %add3A_1261 = vector.broadcast %add3A_1260 : i32 to vector<16xi32>
            %add3A_1262 = arith.addi %broadcast_in_dim3A_1259, %add3A_1261 : vector<16xi32>
            %gather3A_1263 = tpu.vector_load_idx %arg9[%add3A_1262] : memref<80xi32, #tpu.memory_space<vmem>>[vector<16xi32>], vector<16xi32>,
            %le3A_1264 = arith.cmpi sle, %gather3A_1263, %add3A_1255 : vector<16xi32>
            %select_n3A_1265 = arith.select %le3A_1264, %add3A_1262, %broadcast_in_dim3A_1259 : vector<16xi1>, vector<16xi32>
            %add3A_1266 = arith.constant 16 : i32
            %add3A_1267 = vector.broadcast %add3A_1266 : i32 to vector<16xi32>
            %add3A_1268 = arith.addi %select_n3A_1265, %add3A_1267 : vector<16xi32>
            %gather3A_1269 = tpu.vector_load_idx %arg9[%add3A_1268] : memref<80xi32, #tpu.memory_space<vmem>>[vector<16xi32>], vector<16xi32>,
            %le3A_1270 = arith.cmpi sle, %gather3A_1269, %add3A_1255 : vector<16xi32>
            %select_n3A_1271 = arith.select %le3A_1270, %add3A_1268, %select_n3A_1265 : vector<16xi1>, vector<16xi32>
            %add3A_1272 = arith.constant 8 : i32
            %add3A_1273 = vector.broadcast %add3A_1272 : i32 to vector<16xi32>
            %add3A_1274 = arith.addi %select_n3A_1271, %add3A_1273 : vector<16xi32>
            %gather3A_1275 = tpu.vector_load_idx %arg9[%add3A_1274] : memref<80xi32, #tpu.memory_space<vmem>>[vector<16xi32>], vector<16xi32>,
            %le3A_1276 = arith.cmpi sle, %gather3A_1275, %add3A_1255 : vector<16xi32>
            %select_n3A_1277 = arith.select %le3A_1276, %add3A_1274, %select_n3A_1271 : vector<16xi1>, vector<16xi32>
            %add3A_1278 = arith.constant 4 : i32
            %add3A_1279 = vector.broadcast %add3A_1278 : i32 to vector<16xi32>
            %add3A_1280 = arith.addi %select_n3A_1277, %add3A_1279 : vector<16xi32>
            %gather3A_1281 = tpu.vector_load_idx %arg9[%add3A_1280] : memref<80xi32, #tpu.memory_space<vmem>>[vector<16xi32>], vector<16xi32>,
            %le3A_1282 = arith.cmpi sle, %gather3A_1281, %add3A_1255 : vector<16xi32>
            %select_n3A_1283 = arith.select %le3A_1282, %add3A_1280, %select_n3A_1277 : vector<16xi1>, vector<16xi32>
            %add3A_1284 = arith.constant 2 : i32
            %add3A_1285 = vector.broadcast %add3A_1284 : i32 to vector<16xi32>
            %add3A_1286 = arith.addi %select_n3A_1283, %add3A_1285 : vector<16xi32>
            %gather3A_1287 = tpu.vector_load_idx %arg9[%add3A_1286] : memref<80xi32, #tpu.memory_space<vmem>>[vector<16xi32>], vector<16xi32>,
            %le3A_1288 = arith.cmpi sle, %gather3A_1287, %add3A_1255 : vector<16xi32>
            %select_n3A_1289 = arith.select %le3A_1288, %add3A_1286, %select_n3A_1283 : vector<16xi1>, vector<16xi32>
            %add3A_1290 = arith.constant 1 : i32
            %add3A_1291 = vector.broadcast %add3A_1290 : i32 to vector<16xi32>
            %add3A_1292 = arith.addi %select_n3A_1289, %add3A_1291 : vector<16xi32>
            %gather3A_1293 = tpu.vector_load_idx %arg9[%add3A_1292] : memref<80xi32, #tpu.memory_space<vmem>>[vector<16xi32>], vector<16xi32>,
            %le3A_1294 = arith.cmpi sle, %gather3A_1293, %add3A_1255 : vector<16xi32>
            %select_n3A_1295 = arith.select %le3A_1294, %add3A_1292, %select_n3A_1289 : vector<16xi1>, vector<16xi32>
            %ge3A_1296 = vector.broadcast %squeeze3A : i32 to vector<16xi32>
            %ge3A_1297 = arith.cmpi sge, %add3A_1255, %ge3A_1296 : vector<16xi32>
            %lt3A_1298 = vector.broadcast %squeeze3A_537 : i32 to vector<16xi32>
            %lt3A_1299 = arith.cmpi slt, %add3A_1255, %lt3A_1298 : vector<16xi32>
            %and3A_1300 = arith.andi %ge3A_1297, %lt3A_1299 : vector<16xi1>
            %mul3A_1301 = arith.constant 9 : i32
            %mul3A_1302 = vector.broadcast %mul3A_1301 : i32 to vector<16xi32>
            %mul3A_1303 = arith.muli %select_n3A_1295, %mul3A_1302 : vector<16xi32>
            %add3A_1304 = arith.addi %mul3A_1303, %get3A_1257 : vector<16xi32>
            %jit3A_1305 = arith.constant 576 : i32
            %broadcast_in_dim3A_1306 = vector.broadcast %jit3A_1305 : i32 to vector<16xi32>
            %select_n3A_1307 = arith.select %and3A_1300, %add3A_1304, %broadcast_in_dim3A_1306 : vector<16xi1>, vector<16xi32>
            %add3A_1308 = vector.broadcast %mul3A_2 : i32 to vector<16xi32>
            %add3A_1309 = arith.addi %select_n3A_1307, %add3A_1308 : vector<16xi32>
            %swap3A_1310 = arith.constant 112 : index
            %swap3A_1311 = tpu.vector_load %arg12[%swap3A_1310] {strides = array<i32>} : memref<128xi32, #tpu.memory_space<vmem>>, vector<16xi32>,
            tpu.vector_store %arg12[%swap3A_1310], %add3A_1309 {strides = array<i32>} : memref<128xi32, #tpu.memory_space<vmem>>, vector<16xi32>,
          } else {
          }
          %dma_wait3A_802 = arith.constant 128 : i32
          %dma_wait3A_803 = tpu.memref_slice %arg10[%dma_wait3A_802] : memref<512xi32, #tpu.memory_space<vmem>> -> memref<128xi32, #tpu.memory_space<vmem>>
          %dma_wait3A_804 = arith.constant 0 : i32
          %dma_wait3A_805 = arith.constant 0 : i32
          %dma_wait3A_806 = tpu.memref_slice %arg2[%dma_wait3A_804, %dma_wait3A_805] : memref<10000x128xf32, #tpu.memory_space<hbm>> -> memref<10000x128xf32, #tpu.memory_space<hbm>>
          tpu.wait_indirect_dma semaphore(%arg19 : memref<!tpu.dma_semaphore, #tpu.memory_space<semaphore_mem>>) src(%dma_wait3A_806 : memref<10000x128xf32, #tpu.memory_space<hbm>>) dst(%arg16 : memref<128x128xf32, #tpu.memory_space<vmem>>)
          %dma_start3A_807 = arith.constant 0 : i32
          %dma_start3A_808 = arith.constant 0 : i32
          %dma_start3A_809 = tpu.memref_slice %arg8[%dma_start3A_807, %dma_start3A_808] : memref<9344x128xf32, #tpu.memory_space<vmem_shared>> -> memref<9344x128xf32, #tpu.memory_space<vmem_shared>>
          tpu.enqueue_indirect_dma source(%arg16 : memref<128x128xf32, #tpu.memory_space<vmem>>) target(%dma_start3A_809 : memref<9344x128xf32, #tpu.memory_space<vmem_shared>>) offsets(%arg13 : memref<128xi32, #tpu.memory_space<vmem>>) semaphore(%arg21 : memref<!tpu.dma_semaphore, #tpu.memory_space<semaphore_mem>>) {add = true}
        } else {
        }
        %add3A_782 = arith.constant 2 : i32
        %add3A_783 = arith.addi %mul3A_765, %add3A_782 : i32
        %lt3A_784 = arith.cmpi slt, %add3A_783, %select_n3A : i32
        %convert_element_type3A_785 = arith.extui %lt3A_784 : i1 to i32
        %cond3A_786 = arith.constant 0 : i32
        %cond3A_787 = arith.cmpi ne, %convert_element_type3A_785, %cond3A_786 : i32
        scf.if %cond3A_787 {
          %add3A_794 = arith.constant 2 : i32
          %add3A_795 = arith.addi %mul3A_765, %add3A_794 : i32
          %add3A_796 = arith.constant 1 : i32
          %add3A_797 = arith.addi %add3A_795, %add3A_796 : i32
          %lt3A_798 = arith.cmpi slt, %add3A_797, %select_n3A : i32
          %convert_element_type3A_799 = arith.extui %lt3A_798 : i1 to i32
          %cond3A_800 = arith.constant 0 : i32
          %cond3A_801 = arith.cmpi ne, %convert_element_type3A_799, %cond3A_800 : i32
          scf.if %cond3A_801 {
            %add3A_810 = arith.constant 3 : i32
            %add3A_811 = arith.addi %mul3A_765, %add3A_810 : i32
            %ge3A_812 = arith.constant 2 : i32
            %ge3A_813 = arith.cmpi sge, %add3A_811, %ge3A_812 : i32
            %convert_element_type3A_814 = arith.extui %ge3A_813 : i1 to i32
            %cond3A_815 = arith.constant 0 : i32
            %cond3A_816 = arith.cmpi ne, %convert_element_type3A_814, %cond3A_815 : i32
            scf.if %cond3A_816 {
              %dma_wait3A_1312 = arith.constant 0 : i32
              %dma_wait3A_1313 = arith.constant 0 : i32
              %dma_wait3A_1314 = tpu.memref_slice %arg8[%dma_wait3A_1312, %dma_wait3A_1313] : memref<9344x128xf32, #tpu.memory_space<vmem_shared>> -> memref<9344x128xf32, #tpu.memory_space<vmem_shared>>
              tpu.wait_indirect_dma semaphore(%arg21 : memref<!tpu.dma_semaphore, #tpu.memory_space<semaphore_mem>>) src(%arg16 : memref<128x128xf32, #tpu.memory_space<vmem>>) dst(%dma_wait3A_1314 : memref<9344x128xf32, #tpu.memory_space<vmem_shared>>)
            } else {
            }
            %add3A_817 = arith.constant 3 : i32
            %add3A_818 = arith.addi %mul3A_765, %add3A_817 : i32
            %mul3A_819 = arith.constant 128 : i32
            %mul3A_820 = arith.muli %add3A_818, %mul3A_819 : i32
            %add3A_821 = arith.addi %and3A_538, %mul3A_820 : i32
            %dma_start3A_822 = arith.constant 384 : i32
            %dma_start3A_823 = tpu.memref_slice %arg10[%dma_start3A_822] : memref<512xi32, #tpu.memory_space<vmem>> -> memref<128xi32, #tpu.memory_space<vmem>>
            %dma_start3A_824 = arith.constant 0 : i32
            %dma_start3A_825 = arith.constant 0 : i32
            %dma_start3A_826 = tpu.memref_slice %arg2[%dma_start3A_824, %dma_start3A_825] : memref<10000x128xf32, #tpu.memory_space<hbm>> -> memref<10000x128xf32, #tpu.memory_space<hbm>>
            tpu.enqueue_indirect_dma source(%dma_start3A_826 : memref<10000x128xf32, #tpu.memory_space<hbm>>) target(%arg16 : memref<128x128xf32, #tpu.memory_space<vmem>>) offsets(%dma_start3A_823 : memref<128xi32, #tpu.memory_space<vmem>>) semaphore(%arg19 : memref<!tpu.dma_semaphore, #tpu.memory_space<semaphore_mem>>)
            %add3A_827 = arith.constant 0 : i32
            %add3A_828 = arith.addi %add3A_821, %add3A_827 : i32
            %iota3A_829 = tpu.iota {dimensions = array<i32: 0>} : vector<16xi32>
            %add3A_830 = vector.broadcast %add3A_828 : i32 to vector<16xi32>
            %add3A_831 = arith.addi %add3A_830, %iota3A_829 : vector<16xi32>
            %get3A_832 = arith.constant 384 : index
            %get3A_833 = tpu.vector_load %arg11[%get3A_832] {strides = array<i32>} : memref<512xi32, #tpu.memory_space<vmem>>, vector<16xi32>,
            %broadcast_in_dim3A = arith.constant 0 : i32
            %broadcast_in_dim3A_834 = vector.broadcast %broadcast_in_dim3A : i32 to vector<16xi32>
            %add3A_835 = arith.constant 32 : i32
            %add3A_836 = vector.broadcast %add3A_835 : i32 to vector<16xi32>
            %add3A_837 = arith.addi %broadcast_in_dim3A_834, %add3A_836 : vector<16xi32>
            %gather3A = tpu.vector_load_idx %arg9[%add3A_837] : memref<80xi32, #tpu.memory_space<vmem>>[vector<16xi32>], vector<16xi32>,
            %le3A = arith.cmpi sle, %gather3A, %add3A_831 : vector<16xi32>
            %select_n3A_838 = arith.select %le3A, %add3A_837, %broadcast_in_dim3A_834 : vector<16xi1>, vector<16xi32>
            %add3A_839 = arith.constant 16 : i32
            %add3A_840 = vector.broadcast %add3A_839 : i32 to vector<16xi32>
            %add3A_841 = arith.addi %select_n3A_838, %add3A_840 : vector<16xi32>
            %gather3A_842 = tpu.vector_load_idx %arg9[%add3A_841] : memref<80xi32, #tpu.memory_space<vmem>>[vector<16xi32>], vector<16xi32>,
            %le3A_843 = arith.cmpi sle, %gather3A_842, %add3A_831 : vector<16xi32>
            %select_n3A_844 = arith.select %le3A_843, %add3A_841, %select_n3A_838 : vector<16xi1>, vector<16xi32>
            %add3A_845 = arith.constant 8 : i32
            %add3A_846 = vector.broadcast %add3A_845 : i32 to vector<16xi32>
            %add3A_847 = arith.addi %select_n3A_844, %add3A_846 : vector<16xi32>
            %gather3A_848 = tpu.vector_load_idx %arg9[%add3A_847] : memref<80xi32, #tpu.memory_space<vmem>>[vector<16xi32>], vector<16xi32>,
            %le3A_849 = arith.cmpi sle, %gather3A_848, %add3A_831 : vector<16xi32>
            %select_n3A_850 = arith.select %le3A_849, %add3A_847, %select_n3A_844 : vector<16xi1>, vector<16xi32>
            %add3A_851 = arith.constant 4 : i32
            %add3A_852 = vector.broadcast %add3A_851 : i32 to vector<16xi32>
            %add3A_853 = arith.addi %select_n3A_850, %add3A_852 : vector<16xi32>
            %gather3A_854 = tpu.vector_load_idx %arg9[%add3A_853] : memref<80xi32, #tpu.memory_space<vmem>>[vector<16xi32>], vector<16xi32>,
            %le3A_855 = arith.cmpi sle, %gather3A_854, %add3A_831 : vector<16xi32>
            %select_n3A_856 = arith.select %le3A_855, %add3A_853, %select_n3A_850 : vector<16xi1>, vector<16xi32>
            %add3A_857 = arith.constant 2 : i32
            %add3A_858 = vector.broadcast %add3A_857 : i32 to vector<16xi32>
            %add3A_859 = arith.addi %select_n3A_856, %add3A_858 : vector<16xi32>
            %gather3A_860 = tpu.vector_load_idx %arg9[%add3A_859] : memref<80xi32, #tpu.memory_space<vmem>>[vector<16xi32>], vector<16xi32>,
            %le3A_861 = arith.cmpi sle, %gather3A_860, %add3A_831 : vector<16xi32>
            %select_n3A_862 = arith.select %le3A_861, %add3A_859, %select_n3A_856 : vector<16xi1>, vector<16xi32>
            %add3A_863 = arith.constant 1 : i32
            %add3A_864 = vector.broadcast %add3A_863 : i32 to vector<16xi32>
            %add3A_865 = arith.addi %select_n3A_862, %add3A_864 : vector<16xi32>
            %gather3A_866 = tpu.vector_load_idx %arg9[%add3A_865] : memref<80xi32, #tpu.memory_space<vmem>>[vector<16xi32>], vector<16xi32>,
            %le3A_867 = arith.cmpi sle, %gather3A_866, %add3A_831 : vector<16xi32>
            %select_n3A_868 = arith.select %le3A_867, %add3A_865, %select_n3A_862 : vector<16xi1>, vector<16xi32>
            %ge3A_869 = vector.broadcast %squeeze3A : i32 to vector<16xi32>
            %ge3A_870 = arith.cmpi sge, %add3A_831, %ge3A_869 : vector<16xi32>
            %lt3A_871 = vector.broadcast %squeeze3A_537 : i32 to vector<16xi32>
            %lt3A_872 = arith.cmpi slt, %add3A_831, %lt3A_871 : vector<16xi32>
            %and3A_873 = arith.andi %ge3A_870, %lt3A_872 : vector<16xi1>
            %mul3A_874 = arith.constant 9 : i32
            %mul3A_875 = vector.broadcast %mul3A_874 : i32 to vector<16xi32>
            %mul3A_876 = arith.muli %select_n3A_868, %mul3A_875 : vector<16xi32>
            %add3A_877 = arith.addi %mul3A_876, %get3A_833 : vector<16xi32>
            %jit3A_878 = arith.constant 576 : i32
            %broadcast_in_dim3A_879 = vector.broadcast %jit3A_878 : i32 to vector<16xi32>
            %select_n3A_880 = arith.select %and3A_873, %add3A_877, %broadcast_in_dim3A_879 : vector<16xi1>, vector<16xi32>
            %add3A_881 = vector.broadcast %mul3A_2 : i32 to vector<16xi32>
            %add3A_882 = arith.addi %select_n3A_880, %add3A_881 : vector<16xi32>
            %swap3A_883 = arith.constant 0 : index
            %swap3A_884 = tpu.vector_load %arg13[%swap3A_883] {strides = array<i32>} : memref<128xi32, #tpu.memory_space<vmem>>, vector<16xi32>,
            tpu.vector_store %arg13[%swap3A_883], %add3A_882 {strides = array<i32>} : memref<128xi32, #tpu.memory_space<vmem>>, vector<16xi32>,
            %add3A_885 = arith.constant 16 : i32
            %add3A_886 = arith.addi %add3A_821, %add3A_885 : i32
            %iota3A_887 = tpu.iota {dimensions = array<i32: 0>} : vector<16xi32>
            %add3A_888 = vector.broadcast %add3A_886 : i32 to vector<16xi32>
            %add3A_889 = arith.addi %add3A_888, %iota3A_887 : vector<16xi32>
            %get3A_890 = arith.constant 400 : index
            %get3A_891 = tpu.vector_load %arg11[%get3A_890] {strides = array<i32>} : memref<512xi32, #tpu.memory_space<vmem>>, vector<16xi32>,
            %broadcast_in_dim3A_892 = arith.constant 0 : i32
            %broadcast_in_dim3A_893 = vector.broadcast %broadcast_in_dim3A_892 : i32 to vector<16xi32>
            %add3A_894 = arith.constant 32 : i32
            %add3A_895 = vector.broadcast %add3A_894 : i32 to vector<16xi32>
            %add3A_896 = arith.addi %broadcast_in_dim3A_893, %add3A_895 : vector<16xi32>
            %gather3A_897 = tpu.vector_load_idx %arg9[%add3A_896] : memref<80xi32, #tpu.memory_space<vmem>>[vector<16xi32>], vector<16xi32>,
            %le3A_898 = arith.cmpi sle, %gather3A_897, %add3A_889 : vector<16xi32>
            %select_n3A_899 = arith.select %le3A_898, %add3A_896, %broadcast_in_dim3A_893 : vector<16xi1>, vector<16xi32>
            %add3A_900 = arith.constant 16 : i32
            %add3A_901 = vector.broadcast %add3A_900 : i32 to vector<16xi32>
            %add3A_902 = arith.addi %select_n3A_899, %add3A_901 : vector<16xi32>
            %gather3A_903 = tpu.vector_load_idx %arg9[%add3A_902] : memref<80xi32, #tpu.memory_space<vmem>>[vector<16xi32>], vector<16xi32>,
            %le3A_904 = arith.cmpi sle, %gather3A_903, %add3A_889 : vector<16xi32>
            %select_n3A_905 = arith.select %le3A_904, %add3A_902, %select_n3A_899 : vector<16xi1>, vector<16xi32>
            %add3A_906 = arith.constant 8 : i32
            %add3A_907 = vector.broadcast %add3A_906 : i32 to vector<16xi32>
            %add3A_908 = arith.addi %select_n3A_905, %add3A_907 : vector<16xi32>
            %gather3A_909 = tpu.vector_load_idx %arg9[%add3A_908] : memref<80xi32, #tpu.memory_space<vmem>>[vector<16xi32>], vector<16xi32>,
            %le3A_910 = arith.cmpi sle, %gather3A_909, %add3A_889 : vector<16xi32>
            %select_n3A_911 = arith.select %le3A_910, %add3A_908, %select_n3A_905 : vector<16xi1>, vector<16xi32>
            %add3A_912 = arith.constant 4 : i32
            %add3A_913 = vector.broadcast %add3A_912 : i32 to vector<16xi32>
            %add3A_914 = arith.addi %select_n3A_911, %add3A_913 : vector<16xi32>
            %gather3A_915 = tpu.vector_load_idx %arg9[%add3A_914] : memref<80xi32, #tpu.memory_space<vmem>>[vector<16xi32>], vector<16xi32>,
            %le3A_916 = arith.cmpi sle, %gather3A_915, %add3A_889 : vector<16xi32>
            %select_n3A_917 = arith.select %le3A_916, %add3A_914, %select_n3A_911 : vector<16xi1>, vector<16xi32>
            %add3A_918 = arith.constant 2 : i32
            %add3A_919 = vector.broadcast %add3A_918 : i32 to vector<16xi32>
            %add3A_920 = arith.addi %select_n3A_917, %add3A_919 : vector<16xi32>
            %gather3A_921 = tpu.vector_load_idx %arg9[%add3A_920] : memref<80xi32, #tpu.memory_space<vmem>>[vector<16xi32>], vector<16xi32>,
            %le3A_922 = arith.cmpi sle, %gather3A_921, %add3A_889 : vector<16xi32>
            %select_n3A_923 = arith.select %le3A_922, %add3A_920, %select_n3A_917 : vector<16xi1>, vector<16xi32>
            %add3A_924 = arith.constant 1 : i32
            %add3A_925 = vector.broadcast %add3A_924 : i32 to vector<16xi32>
            %add3A_926 = arith.addi %select_n3A_923, %add3A_925 : vector<16xi32>
            %gather3A_927 = tpu.vector_load_idx %arg9[%add3A_926] : memref<80xi32, #tpu.memory_space<vmem>>[vector<16xi32>], vector<16xi32>,
            %le3A_928 = arith.cmpi sle, %gather3A_927, %add3A_889 : vector<16xi32>
            %select_n3A_929 = arith.select %le3A_928, %add3A_926, %select_n3A_923 : vector<16xi1>, vector<16xi32>
            %ge3A_930 = vector.broadcast %squeeze3A : i32 to vector<16xi32>
            %ge3A_931 = arith.cmpi sge, %add3A_889, %ge3A_930 : vector<16xi32>
            %lt3A_932 = vector.broadcast %squeeze3A_537 : i32 to vector<16xi32>
            %lt3A_933 = arith.cmpi slt, %add3A_889, %lt3A_932 : vector<16xi32>
            %and3A_934 = arith.andi %ge3A_931, %lt3A_933 : vector<16xi1>
            %mul3A_935 = arith.constant 9 : i32
            %mul3A_936 = vector.broadcast %mul3A_935 : i32 to vector<16xi32>
            %mul3A_937 = arith.muli %select_n3A_929, %mul3A_936 : vector<16xi32>
            %add3A_938 = arith.addi %mul3A_937, %get3A_891 : vector<16xi32>
            %jit3A_939 = arith.constant 576 : i32
            %broadcast_in_dim3A_940 = vector.broadcast %jit3A_939 : i32 to vector<16xi32>
            %select_n3A_941 = arith.select %and3A_934, %add3A_938, %broadcast_in_dim3A_940 : vector<16xi1>, vector<16xi32>
            %add3A_942 = vector.broadcast %mul3A_2 : i32 to vector<16xi32>
            %add3A_943 = arith.addi %select_n3A_941, %add3A_942 : vector<16xi32>
            %swap3A_944 = arith.constant 16 : index
            %swap3A_945 = tpu.vector_load %arg13[%swap3A_944] {strides = array<i32>} : memref<128xi32, #tpu.memory_space<vmem>>, vector<16xi32>,
            tpu.vector_store %arg13[%swap3A_944], %add3A_943 {strides = array<i32>} : memref<128xi32, #tpu.memory_space<vmem>>, vector<16xi32>,
            %add3A_946 = arith.constant 32 : i32
            %add3A_947 = arith.addi %add3A_821, %add3A_946 : i32
            %iota3A_948 = tpu.iota {dimensions = array<i32: 0>} : vector<16xi32>
            %add3A_949 = vector.broadcast %add3A_947 : i32 to vector<16xi32>
            %add3A_950 = arith.addi %add3A_949, %iota3A_948 : vector<16xi32>
            %get3A_951 = arith.constant 416 : index
            %get3A_952 = tpu.vector_load %arg11[%get3A_951] {strides = array<i32>} : memref<512xi32, #tpu.memory_space<vmem>>, vector<16xi32>,
            %broadcast_in_dim3A_953 = arith.constant 0 : i32
            %broadcast_in_dim3A_954 = vector.broadcast %broadcast_in_dim3A_953 : i32 to vector<16xi32>
            %add3A_955 = arith.constant 32 : i32
            %add3A_956 = vector.broadcast %add3A_955 : i32 to vector<16xi32>
            %add3A_957 = arith.addi %broadcast_in_dim3A_954, %add3A_956 : vector<16xi32>
            %gather3A_958 = tpu.vector_load_idx %arg9[%add3A_957] : memref<80xi32, #tpu.memory_space<vmem>>[vector<16xi32>], vector<16xi32>,
            %le3A_959 = arith.cmpi sle, %gather3A_958, %add3A_950 : vector<16xi32>
            %select_n3A_960 = arith.select %le3A_959, %add3A_957, %broadcast_in_dim3A_954 : vector<16xi1>, vector<16xi32>
            %add3A_961 = arith.constant 16 : i32
            %add3A_962 = vector.broadcast %add3A_961 : i32 to vector<16xi32>
            %add3A_963 = arith.addi %select_n3A_960, %add3A_962 : vector<16xi32>
            %gather3A_964 = tpu.vector_load_idx %arg9[%add3A_963] : memref<80xi32, #tpu.memory_space<vmem>>[vector<16xi32>], vector<16xi32>,
            %le3A_965 = arith.cmpi sle, %gather3A_964, %add3A_950 : vector<16xi32>
            %select_n3A_966 = arith.select %le3A_965, %add3A_963, %select_n3A_960 : vector<16xi1>, vector<16xi32>
            %add3A_967 = arith.constant 8 : i32
            %add3A_968 = vector.broadcast %add3A_967 : i32 to vector<16xi32>
            %add3A_969 = arith.addi %select_n3A_966, %add3A_968 : vector<16xi32>
            %gather3A_970 = tpu.vector_load_idx %arg9[%add3A_969] : memref<80xi32, #tpu.memory_space<vmem>>[vector<16xi32>], vector<16xi32>,
            %le3A_971 = arith.cmpi sle, %gather3A_970, %add3A_950 : vector<16xi32>
            %select_n3A_972 = arith.select %le3A_971, %add3A_969, %select_n3A_966 : vector<16xi1>, vector<16xi32>
            %add3A_973 = arith.constant 4 : i32
            %add3A_974 = vector.broadcast %add3A_973 : i32 to vector<16xi32>
            %add3A_975 = arith.addi %select_n3A_972, %add3A_974 : vector<16xi32>
            %gather3A_976 = tpu.vector_load_idx %arg9[%add3A_975] : memref<80xi32, #tpu.memory_space<vmem>>[vector<16xi32>], vector<16xi32>,
            %le3A_977 = arith.cmpi sle, %gather3A_976, %add3A_950 : vector<16xi32>
            %select_n3A_978 = arith.select %le3A_977, %add3A_975, %select_n3A_972 : vector<16xi1>, vector<16xi32>
            %add3A_979 = arith.constant 2 : i32
            %add3A_980 = vector.broadcast %add3A_979 : i32 to vector<16xi32>
            %add3A_981 = arith.addi %select_n3A_978, %add3A_980 : vector<16xi32>
            %gather3A_982 = tpu.vector_load_idx %arg9[%add3A_981] : memref<80xi32, #tpu.memory_space<vmem>>[vector<16xi32>], vector<16xi32>,
            %le3A_983 = arith.cmpi sle, %gather3A_982, %add3A_950 : vector<16xi32>
            %select_n3A_984 = arith.select %le3A_983, %add3A_981, %select_n3A_978 : vector<16xi1>, vector<16xi32>
            %add3A_985 = arith.constant 1 : i32
            %add3A_986 = vector.broadcast %add3A_985 : i32 to vector<16xi32>
            %add3A_987 = arith.addi %select_n3A_984, %add3A_986 : vector<16xi32>
            %gather3A_988 = tpu.vector_load_idx %arg9[%add3A_987] : memref<80xi32, #tpu.memory_space<vmem>>[vector<16xi32>], vector<16xi32>,
            %le3A_989 = arith.cmpi sle, %gather3A_988, %add3A_950 : vector<16xi32>
            %select_n3A_990 = arith.select %le3A_989, %add3A_987, %select_n3A_984 : vector<16xi1>, vector<16xi32>
            %ge3A_991 = vector.broadcast %squeeze3A : i32 to vector<16xi32>
            %ge3A_992 = arith.cmpi sge, %add3A_950, %ge3A_991 : vector<16xi32>
            %lt3A_993 = vector.broadcast %squeeze3A_537 : i32 to vector<16xi32>
            %lt3A_994 = arith.cmpi slt, %add3A_950, %lt3A_993 : vector<16xi32>
            %and3A_995 = arith.andi %ge3A_992, %lt3A_994 : vector<16xi1>
            %mul3A_996 = arith.constant 9 : i32
            %mul3A_997 = vector.broadcast %mul3A_996 : i32 to vector<16xi32>
            %mul3A_998 = arith.muli %select_n3A_990, %mul3A_997 : vector<16xi32>
            %add3A_999 = arith.addi %mul3A_998, %get3A_952 : vector<16xi32>
            %jit3A_1000 = arith.constant 576 : i32
            %broadcast_in_dim3A_1001 = vector.broadcast %jit3A_1000 : i32 to vector<16xi32>
            %select_n3A_1002 = arith.select %and3A_995, %add3A_999, %broadcast_in_dim3A_1001 : vector<16xi1>, vector<16xi32>
            %add3A_1003 = vector.broadcast %mul3A_2 : i32 to vector<16xi32>
            %add3A_1004 = arith.addi %select_n3A_1002, %add3A_1003 : vector<16xi32>
            %swap3A_1005 = arith.constant 32 : index
            %swap3A_1006 = tpu.vector_load %arg13[%swap3A_1005] {strides = array<i32>} : memref<128xi32, #tpu.memory_space<vmem>>, vector<16xi32>,
            tpu.vector_store %arg13[%swap3A_1005], %add3A_1004 {strides = array<i32>} : memref<128xi32, #tpu.memory_space<vmem>>, vector<16xi32>,
            %add3A_1007 = arith.constant 48 : i32
            %add3A_1008 = arith.addi %add3A_821, %add3A_1007 : i32
            %iota3A_1009 = tpu.iota {dimensions = array<i32: 0>} : vector<16xi32>
            %add3A_1010 = vector.broadcast %add3A_1008 : i32 to vector<16xi32>
            %add3A_1011 = arith.addi %add3A_1010, %iota3A_1009 : vector<16xi32>
            %get3A_1012 = arith.constant 432 : index
            %get3A_1013 = tpu.vector_load %arg11[%get3A_1012] {strides = array<i32>} : memref<512xi32, #tpu.memory_space<vmem>>, vector<16xi32>,
            %broadcast_in_dim3A_1014 = arith.constant 0 : i32
            %broadcast_in_dim3A_1015 = vector.broadcast %broadcast_in_dim3A_1014 : i32 to vector<16xi32>
            %add3A_1016 = arith.constant 32 : i32
            %add3A_1017 = vector.broadcast %add3A_1016 : i32 to vector<16xi32>
            %add3A_1018 = arith.addi %broadcast_in_dim3A_1015, %add3A_1017 : vector<16xi32>
            %gather3A_1019 = tpu.vector_load_idx %arg9[%add3A_1018] : memref<80xi32, #tpu.memory_space<vmem>>[vector<16xi32>], vector<16xi32>,
            %le3A_1020 = arith.cmpi sle, %gather3A_1019, %add3A_1011 : vector<16xi32>
            %select_n3A_1021 = arith.select %le3A_1020, %add3A_1018, %broadcast_in_dim3A_1015 : vector<16xi1>, vector<16xi32>
            %add3A_1022 = arith.constant 16 : i32
            %add3A_1023 = vector.broadcast %add3A_1022 : i32 to vector<16xi32>
            %add3A_1024 = arith.addi %select_n3A_1021, %add3A_1023 : vector<16xi32>
            %gather3A_1025 = tpu.vector_load_idx %arg9[%add3A_1024] : memref<80xi32, #tpu.memory_space<vmem>>[vector<16xi32>], vector<16xi32>,
            %le3A_1026 = arith.cmpi sle, %gather3A_1025, %add3A_1011 : vector<16xi32>
            %select_n3A_1027 = arith.select %le3A_1026, %add3A_1024, %select_n3A_1021 : vector<16xi1>, vector<16xi32>
            %add3A_1028 = arith.constant 8 : i32
            %add3A_1029 = vector.broadcast %add3A_1028 : i32 to vector<16xi32>
            %add3A_1030 = arith.addi %select_n3A_1027, %add3A_1029 : vector<16xi32>
            %gather3A_1031 = tpu.vector_load_idx %arg9[%add3A_1030] : memref<80xi32, #tpu.memory_space<vmem>>[vector<16xi32>], vector<16xi32>,
            %le3A_1032 = arith.cmpi sle, %gather3A_1031, %add3A_1011 : vector<16xi32>
            %select_n3A_1033 = arith.select %le3A_1032, %add3A_1030, %select_n3A_1027 : vector<16xi1>, vector<16xi32>
            %add3A_1034 = arith.constant 4 : i32
            %add3A_1035 = vector.broadcast %add3A_1034 : i32 to vector<16xi32>
            %add3A_1036 = arith.addi %select_n3A_1033, %add3A_1035 : vector<16xi32>
            %gather3A_1037 = tpu.vector_load_idx %arg9[%add3A_1036] : memref<80xi32, #tpu.memory_space<vmem>>[vector<16xi32>], vector<16xi32>,
            %le3A_1038 = arith.cmpi sle, %gather3A_1037, %add3A_1011 : vector<16xi32>
            %select_n3A_1039 = arith.select %le3A_1038, %add3A_1036, %select_n3A_1033 : vector<16xi1>, vector<16xi32>
            %add3A_1040 = arith.constant 2 : i32
            %add3A_1041 = vector.broadcast %add3A_1040 : i32 to vector<16xi32>
            %add3A_1042 = arith.addi %select_n3A_1039, %add3A_1041 : vector<16xi32>
            %gather3A_1043 = tpu.vector_load_idx %arg9[%add3A_1042] : memref<80xi32, #tpu.memory_space<vmem>>[vector<16xi32>], vector<16xi32>,
            %le3A_1044 = arith.cmpi sle, %gather3A_1043, %add3A_1011 : vector<16xi32>
            %select_n3A_1045 = arith.select %le3A_1044, %add3A_1042, %select_n3A_1039 : vector<16xi1>, vector<16xi32>
            %add3A_1046 = arith.constant 1 : i32
            %add3A_1047 = vector.broadcast %add3A_1046 : i32 to vector<16xi32>
            %add3A_1048 = arith.addi %select_n3A_1045, %add3A_1047 : vector<16xi32>
            %gather3A_1049 = tpu.vector_load_idx %arg9[%add3A_1048] : memref<80xi32, #tpu.memory_space<vmem>>[vector<16xi32>], vector<16xi32>,
            %le3A_1050 = arith.cmpi sle, %gather3A_1049, %add3A_1011 : vector<16xi32>
            %select_n3A_1051 = arith.select %le3A_1050, %add3A_1048, %select_n3A_1045 : vector<16xi1>, vector<16xi32>
            %ge3A_1052 = vector.broadcast %squeeze3A : i32 to vector<16xi32>
            %ge3A_1053 = arith.cmpi sge, %add3A_1011, %ge3A_1052 : vector<16xi32>
            %lt3A_1054 = vector.broadcast %squeeze3A_537 : i32 to vector<16xi32>
            %lt3A_1055 = arith.cmpi slt, %add3A_1011, %lt3A_1054 : vector<16xi32>
            %and3A_1056 = arith.andi %ge3A_1053, %lt3A_1055 : vector<16xi1>
            %mul3A_1057 = arith.constant 9 : i32
            %mul3A_1058 = vector.broadcast %mul3A_1057 : i32 to vector<16xi32>
            %mul3A_1059 = arith.muli %select_n3A_1051, %mul3A_1058 : vector<16xi32>
            %add3A_1060 = arith.addi %mul3A_1059, %get3A_1013 : vector<16xi32>
            %jit3A_1061 = arith.constant 576 : i32
            %broadcast_in_dim3A_1062 = vector.broadcast %jit3A_1061 : i32 to vector<16xi32>
            %select_n3A_1063 = arith.select %and3A_1056, %add3A_1060, %broadcast_in_dim3A_1062 : vector<16xi1>, vector<16xi32>
            %add3A_1064 = vector.broadcast %mul3A_2 : i32 to vector<16xi32>
            %add3A_1065 = arith.addi %select_n3A_1063, %add3A_1064 : vector<16xi32>
            %swap3A_1066 = arith.constant 48 : index
            %swap3A_1067 = tpu.vector_load %arg13[%swap3A_1066] {strides = array<i32>} : memref<128xi32, #tpu.memory_space<vmem>>, vector<16xi32>,
            tpu.vector_store %arg13[%swap3A_1066], %add3A_1065 {strides = array<i32>} : memref<128xi32, #tpu.memory_space<vmem>>, vector<16xi32>,
            %add3A_1068 = arith.constant 64 : i32
            %add3A_1069 = arith.addi %add3A_821, %add3A_1068 : i32
            %iota3A_1070 = tpu.iota {dimensions = array<i32: 0>} : vector<16xi32>
            %add3A_1071 = vector.broadcast %add3A_1069 : i32 to vector<16xi32>
            %add3A_1072 = arith.addi %add3A_1071, %iota3A_1070 : vector<16xi32>
            %get3A_1073 = arith.constant 448 : index
            %get3A_1074 = tpu.vector_load %arg11[%get3A_1073] {strides = array<i32>} : memref<512xi32, #tpu.memory_space<vmem>>, vector<16xi32>,
            %broadcast_in_dim3A_1075 = arith.constant 0 : i32
            %broadcast_in_dim3A_1076 = vector.broadcast %broadcast_in_dim3A_1075 : i32 to vector<16xi32>
            %add3A_1077 = arith.constant 32 : i32
            %add3A_1078 = vector.broadcast %add3A_1077 : i32 to vector<16xi32>
            %add3A_1079 = arith.addi %broadcast_in_dim3A_1076, %add3A_1078 : vector<16xi32>
            %gather3A_1080 = tpu.vector_load_idx %arg9[%add3A_1079] : memref<80xi32, #tpu.memory_space<vmem>>[vector<16xi32>], vector<16xi32>,
            %le3A_1081 = arith.cmpi sle, %gather3A_1080, %add3A_1072 : vector<16xi32>
            %select_n3A_1082 = arith.select %le3A_1081, %add3A_1079, %broadcast_in_dim3A_1076 : vector<16xi1>, vector<16xi32>
            %add3A_1083 = arith.constant 16 : i32
            %add3A_1084 = vector.broadcast %add3A_1083 : i32 to vector<16xi32>
            %add3A_1085 = arith.addi %select_n3A_1082, %add3A_1084 : vector<16xi32>
            %gather3A_1086 = tpu.vector_load_idx %arg9[%add3A_1085] : memref<80xi32, #tpu.memory_space<vmem>>[vector<16xi32>], vector<16xi32>,
            %le3A_1087 = arith.cmpi sle, %gather3A_1086, %add3A_1072 : vector<16xi32>
            %select_n3A_1088 = arith.select %le3A_1087, %add3A_1085, %select_n3A_1082 : vector<16xi1>, vector<16xi32>
            %add3A_1089 = arith.constant 8 : i32
            %add3A_1090 = vector.broadcast %add3A_1089 : i32 to vector<16xi32>
            %add3A_1091 = arith.addi %select_n3A_1088, %add3A_1090 : vector<16xi32>
            %gather3A_1092 = tpu.vector_load_idx %arg9[%add3A_1091] : memref<80xi32, #tpu.memory_space<vmem>>[vector<16xi32>], vector<16xi32>,
            %le3A_1093 = arith.cmpi sle, %gather3A_1092, %add3A_1072 : vector<16xi32>
            %select_n3A_1094 = arith.select %le3A_1093, %add3A_1091, %select_n3A_1088 : vector<16xi1>, vector<16xi32>
            %add3A_1095 = arith.constant 4 : i32
            %add3A_1096 = vector.broadcast %add3A_1095 : i32 to vector<16xi32>
            %add3A_1097 = arith.addi %select_n3A_1094, %add3A_1096 : vector<16xi32>
            %gather3A_1098 = tpu.vector_load_idx %arg9[%add3A_1097] : memref<80xi32, #tpu.memory_space<vmem>>[vector<16xi32>], vector<16xi32>,
            %le3A_1099 = arith.cmpi sle, %gather3A_1098, %add3A_1072 : vector<16xi32>
            %select_n3A_1100 = arith.select %le3A_1099, %add3A_1097, %select_n3A_1094 : vector<16xi1>, vector<16xi32>
            %add3A_1101 = arith.constant 2 : i32
            %add3A_1102 = vector.broadcast %add3A_1101 : i32 to vector<16xi32>
            %add3A_1103 = arith.addi %select_n3A_1100, %add3A_1102 : vector<16xi32>
            %gather3A_1104 = tpu.vector_load_idx %arg9[%add3A_1103] : memref<80xi32, #tpu.memory_space<vmem>>[vector<16xi32>], vector<16xi32>,
            %le3A_1105 = arith.cmpi sle, %gather3A_1104, %add3A_1072 : vector<16xi32>
            %select_n3A_1106 = arith.select %le3A_1105, %add3A_1103, %select_n3A_1100 : vector<16xi1>, vector<16xi32>
            %add3A_1107 = arith.constant 1 : i32
            %add3A_1108 = vector.broadcast %add3A_1107 : i32 to vector<16xi32>
            %add3A_1109 = arith.addi %select_n3A_1106, %add3A_1108 : vector<16xi32>
            %gather3A_1110 = tpu.vector_load_idx %arg9[%add3A_1109] : memref<80xi32, #tpu.memory_space<vmem>>[vector<16xi32>], vector<16xi32>,
            %le3A_1111 = arith.cmpi sle, %gather3A_1110, %add3A_1072 : vector<16xi32>
            %select_n3A_1112 = arith.select %le3A_1111, %add3A_1109, %select_n3A_1106 : vector<16xi1>, vector<16xi32>
            %ge3A_1113 = vector.broadcast %squeeze3A : i32 to vector<16xi32>
            %ge3A_1114 = arith.cmpi sge, %add3A_1072, %ge3A_1113 : vector<16xi32>
            %lt3A_1115 = vector.broadcast %squeeze3A_537 : i32 to vector<16xi32>
            %lt3A_1116 = arith.cmpi slt, %add3A_1072, %lt3A_1115 : vector<16xi32>
            %and3A_1117 = arith.andi %ge3A_1114, %lt3A_1116 : vector<16xi1>
            %mul3A_1118 = arith.constant 9 : i32
            %mul3A_1119 = vector.broadcast %mul3A_1118 : i32 to vector<16xi32>
            %mul3A_1120 = arith.muli %select_n3A_1112, %mul3A_1119 : vector<16xi32>
            %add3A_1121 = arith.addi %mul3A_1120, %get3A_1074 : vector<16xi32>
            %jit3A_1122 = arith.constant 576 : i32
            %broadcast_in_dim3A_1123 = vector.broadcast %jit3A_1122 : i32 to vector<16xi32>
            %select_n3A_1124 = arith.select %and3A_1117, %add3A_1121, %broadcast_in_dim3A_1123 : vector<16xi1>, vector<16xi32>
            %add3A_1125 = vector.broadcast %mul3A_2 : i32 to vector<16xi32>
            %add3A_1126 = arith.addi %select_n3A_1124, %add3A_1125 : vector<16xi32>
            %swap3A_1127 = arith.constant 64 : index
            %swap3A_1128 = tpu.vector_load %arg13[%swap3A_1127] {strides = array<i32>} : memref<128xi32, #tpu.memory_space<vmem>>, vector<16xi32>,
            tpu.vector_store %arg13[%swap3A_1127], %add3A_1126 {strides = array<i32>} : memref<128xi32, #tpu.memory_space<vmem>>, vector<16xi32>,
            %add3A_1129 = arith.constant 80 : i32
            %add3A_1130 = arith.addi %add3A_821, %add3A_1129 : i32
            %iota3A_1131 = tpu.iota {dimensions = array<i32: 0>} : vector<16xi32>
            %add3A_1132 = vector.broadcast %add3A_1130 : i32 to vector<16xi32>
            %add3A_1133 = arith.addi %add3A_1132, %iota3A_1131 : vector<16xi32>
            %get3A_1134 = arith.constant 464 : index
            %get3A_1135 = tpu.vector_load %arg11[%get3A_1134] {strides = array<i32>} : memref<512xi32, #tpu.memory_space<vmem>>, vector<16xi32>,
            %broadcast_in_dim3A_1136 = arith.constant 0 : i32
            %broadcast_in_dim3A_1137 = vector.broadcast %broadcast_in_dim3A_1136 : i32 to vector<16xi32>
            %add3A_1138 = arith.constant 32 : i32
            %add3A_1139 = vector.broadcast %add3A_1138 : i32 to vector<16xi32>
            %add3A_1140 = arith.addi %broadcast_in_dim3A_1137, %add3A_1139 : vector<16xi32>
            %gather3A_1141 = tpu.vector_load_idx %arg9[%add3A_1140] : memref<80xi32, #tpu.memory_space<vmem>>[vector<16xi32>], vector<16xi32>,
            %le3A_1142 = arith.cmpi sle, %gather3A_1141, %add3A_1133 : vector<16xi32>
            %select_n3A_1143 = arith.select %le3A_1142, %add3A_1140, %broadcast_in_dim3A_1137 : vector<16xi1>, vector<16xi32>
            %add3A_1144 = arith.constant 16 : i32
            %add3A_1145 = vector.broadcast %add3A_1144 : i32 to vector<16xi32>
            %add3A_1146 = arith.addi %select_n3A_1143, %add3A_1145 : vector<16xi32>
            %gather3A_1147 = tpu.vector_load_idx %arg9[%add3A_1146] : memref<80xi32, #tpu.memory_space<vmem>>[vector<16xi32>], vector<16xi32>,
            %le3A_1148 = arith.cmpi sle, %gather3A_1147, %add3A_1133 : vector<16xi32>
            %select_n3A_1149 = arith.select %le3A_1148, %add3A_1146, %select_n3A_1143 : vector<16xi1>, vector<16xi32>
            %add3A_1150 = arith.constant 8 : i32
            %add3A_1151 = vector.broadcast %add3A_1150 : i32 to vector<16xi32>
            %add3A_1152 = arith.addi %select_n3A_1149, %add3A_1151 : vector<16xi32>
            %gather3A_1153 = tpu.vector_load_idx %arg9[%add3A_1152] : memref<80xi32, #tpu.memory_space<vmem>>[vector<16xi32>], vector<16xi32>,
            %le3A_1154 = arith.cmpi sle, %gather3A_1153, %add3A_1133 : vector<16xi32>
            %select_n3A_1155 = arith.select %le3A_1154, %add3A_1152, %select_n3A_1149 : vector<16xi1>, vector<16xi32>
            %add3A_1156 = arith.constant 4 : i32
            %add3A_1157 = vector.broadcast %add3A_1156 : i32 to vector<16xi32>
            %add3A_1158 = arith.addi %select_n3A_1155, %add3A_1157 : vector<16xi32>
            %gather3A_1159 = tpu.vector_load_idx %arg9[%add3A_1158] : memref<80xi32, #tpu.memory_space<vmem>>[vector<16xi32>], vector<16xi32>,
            %le3A_1160 = arith.cmpi sle, %gather3A_1159, %add3A_1133 : vector<16xi32>
            %select_n3A_1161 = arith.select %le3A_1160, %add3A_1158, %select_n3A_1155 : vector<16xi1>, vector<16xi32>
            %add3A_1162 = arith.constant 2 : i32
            %add3A_1163 = vector.broadcast %add3A_1162 : i32 to vector<16xi32>
            %add3A_1164 = arith.addi %select_n3A_1161, %add3A_1163 : vector<16xi32>
            %gather3A_1165 = tpu.vector_load_idx %arg9[%add3A_1164] : memref<80xi32, #tpu.memory_space<vmem>>[vector<16xi32>], vector<16xi32>,
            %le3A_1166 = arith.cmpi sle, %gather3A_1165, %add3A_1133 : vector<16xi32>
            %select_n3A_1167 = arith.select %le3A_1166, %add3A_1164, %select_n3A_1161 : vector<16xi1>, vector<16xi32>
            %add3A_1168 = arith.constant 1 : i32
            %add3A_1169 = vector.broadcast %add3A_1168 : i32 to vector<16xi32>
            %add3A_1170 = arith.addi %select_n3A_1167, %add3A_1169 : vector<16xi32>
            %gather3A_1171 = tpu.vector_load_idx %arg9[%add3A_1170] : memref<80xi32, #tpu.memory_space<vmem>>[vector<16xi32>], vector<16xi32>,
            %le3A_1172 = arith.cmpi sle, %gather3A_1171, %add3A_1133 : vector<16xi32>
            %select_n3A_1173 = arith.select %le3A_1172, %add3A_1170, %select_n3A_1167 : vector<16xi1>, vector<16xi32>
            %ge3A_1174 = vector.broadcast %squeeze3A : i32 to vector<16xi32>
            %ge3A_1175 = arith.cmpi sge, %add3A_1133, %ge3A_1174 : vector<16xi32>
            %lt3A_1176 = vector.broadcast %squeeze3A_537 : i32 to vector<16xi32>
            %lt3A_1177 = arith.cmpi slt, %add3A_1133, %lt3A_1176 : vector<16xi32>
            %and3A_1178 = arith.andi %ge3A_1175, %lt3A_1177 : vector<16xi1>
            %mul3A_1179 = arith.constant 9 : i32
            %mul3A_1180 = vector.broadcast %mul3A_1179 : i32 to vector<16xi32>
            %mul3A_1181 = arith.muli %select_n3A_1173, %mul3A_1180 : vector<16xi32>
            %add3A_1182 = arith.addi %mul3A_1181, %get3A_1135 : vector<16xi32>
            %jit3A_1183 = arith.constant 576 : i32
            %broadcast_in_dim3A_1184 = vector.broadcast %jit3A_1183 : i32 to vector<16xi32>
            %select_n3A_1185 = arith.select %and3A_1178, %add3A_1182, %broadcast_in_dim3A_1184 : vector<16xi1>, vector<16xi32>
            %add3A_1186 = vector.broadcast %mul3A_2 : i32 to vector<16xi32>
            %add3A_1187 = arith.addi %select_n3A_1185, %add3A_1186 : vector<16xi32>
            %swap3A_1188 = arith.constant 80 : index
            %swap3A_1189 = tpu.vector_load %arg13[%swap3A_1188] {strides = array<i32>} : memref<128xi32, #tpu.memory_space<vmem>>, vector<16xi32>,
            tpu.vector_store %arg13[%swap3A_1188], %add3A_1187 {strides = array<i32>} : memref<128xi32, #tpu.memory_space<vmem>>, vector<16xi32>,
            %add3A_1190 = arith.constant 96 : i32
            %add3A_1191 = arith.addi %add3A_821, %add3A_1190 : i32
            %iota3A_1192 = tpu.iota {dimensions = array<i32: 0>} : vector<16xi32>
            %add3A_1193 = vector.broadcast %add3A_1191 : i32 to vector<16xi32>
            %add3A_1194 = arith.addi %add3A_1193, %iota3A_1192 : vector<16xi32>
            %get3A_1195 = arith.constant 480 : index
            %get3A_1196 = tpu.vector_load %arg11[%get3A_1195] {strides = array<i32>} : memref<512xi32, #tpu.memory_space<vmem>>, vector<16xi32>,
            %broadcast_in_dim3A_1197 = arith.constant 0 : i32
            %broadcast_in_dim3A_1198 = vector.broadcast %broadcast_in_dim3A_1197 : i32 to vector<16xi32>
            %add3A_1199 = arith.constant 32 : i32
            %add3A_1200 = vector.broadcast %add3A_1199 : i32 to vector<16xi32>
            %add3A_1201 = arith.addi %broadcast_in_dim3A_1198, %add3A_1200 : vector<16xi32>
            %gather3A_1202 = tpu.vector_load_idx %arg9[%add3A_1201] : memref<80xi32, #tpu.memory_space<vmem>>[vector<16xi32>], vector<16xi32>,
            %le3A_1203 = arith.cmpi sle, %gather3A_1202, %add3A_1194 : vector<16xi32>
            %select_n3A_1204 = arith.select %le3A_1203, %add3A_1201, %broadcast_in_dim3A_1198 : vector<16xi1>, vector<16xi32>
            %add3A_1205 = arith.constant 16 : i32
            %add3A_1206 = vector.broadcast %add3A_1205 : i32 to vector<16xi32>
            %add3A_1207 = arith.addi %select_n3A_1204, %add3A_1206 : vector<16xi32>
            %gather3A_1208 = tpu.vector_load_idx %arg9[%add3A_1207] : memref<80xi32, #tpu.memory_space<vmem>>[vector<16xi32>], vector<16xi32>,
            %le3A_1209 = arith.cmpi sle, %gather3A_1208, %add3A_1194 : vector<16xi32>
            %select_n3A_1210 = arith.select %le3A_1209, %add3A_1207, %select_n3A_1204 : vector<16xi1>, vector<16xi32>
            %add3A_1211 = arith.constant 8 : i32
            %add3A_1212 = vector.broadcast %add3A_1211 : i32 to vector<16xi32>
            %add3A_1213 = arith.addi %select_n3A_1210, %add3A_1212 : vector<16xi32>
            %gather3A_1214 = tpu.vector_load_idx %arg9[%add3A_1213] : memref<80xi32, #tpu.memory_space<vmem>>[vector<16xi32>], vector<16xi32>,
            %le3A_1215 = arith.cmpi sle, %gather3A_1214, %add3A_1194 : vector<16xi32>
            %select_n3A_1216 = arith.select %le3A_1215, %add3A_1213, %select_n3A_1210 : vector<16xi1>, vector<16xi32>
            %add3A_1217 = arith.constant 4 : i32
            %add3A_1218 = vector.broadcast %add3A_1217 : i32 to vector<16xi32>
            %add3A_1219 = arith.addi %select_n3A_1216, %add3A_1218 : vector<16xi32>
            %gather3A_1220 = tpu.vector_load_idx %arg9[%add3A_1219] : memref<80xi32, #tpu.memory_space<vmem>>[vector<16xi32>], vector<16xi32>,
            %le3A_1221 = arith.cmpi sle, %gather3A_1220, %add3A_1194 : vector<16xi32>
            %select_n3A_1222 = arith.select %le3A_1221, %add3A_1219, %select_n3A_1216 : vector<16xi1>, vector<16xi32>
            %add3A_1223 = arith.constant 2 : i32
            %add3A_1224 = vector.broadcast %add3A_1223 : i32 to vector<16xi32>
            %add3A_1225 = arith.addi %select_n3A_1222, %add3A_1224 : vector<16xi32>
            %gather3A_1226 = tpu.vector_load_idx %arg9[%add3A_1225] : memref<80xi32, #tpu.memory_space<vmem>>[vector<16xi32>], vector<16xi32>,
            %le3A_1227 = arith.cmpi sle, %gather3A_1226, %add3A_1194 : vector<16xi32>
            %select_n3A_1228 = arith.select %le3A_1227, %add3A_1225, %select_n3A_1222 : vector<16xi1>, vector<16xi32>
            %add3A_1229 = arith.constant 1 : i32
            %add3A_1230 = vector.broadcast %add3A_1229 : i32 to vector<16xi32>
            %add3A_1231 = arith.addi %select_n3A_1228, %add3A_1230 : vector<16xi32>
            %gather3A_1232 = tpu.vector_load_idx %arg9[%add3A_1231] : memref<80xi32, #tpu.memory_space<vmem>>[vector<16xi32>], vector<16xi32>,
            %le3A_1233 = arith.cmpi sle, %gather3A_1232, %add3A_1194 : vector<16xi32>
            %select_n3A_1234 = arith.select %le3A_1233, %add3A_1231, %select_n3A_1228 : vector<16xi1>, vector<16xi32>
            %ge3A_1235 = vector.broadcast %squeeze3A : i32 to vector<16xi32>
            %ge3A_1236 = arith.cmpi sge, %add3A_1194, %ge3A_1235 : vector<16xi32>
            %lt3A_1237 = vector.broadcast %squeeze3A_537 : i32 to vector<16xi32>
            %lt3A_1238 = arith.cmpi slt, %add3A_1194, %lt3A_1237 : vector<16xi32>
            %and3A_1239 = arith.andi %ge3A_1236, %lt3A_1238 : vector<16xi1>
            %mul3A_1240 = arith.constant 9 : i32
            %mul3A_1241 = vector.broadcast %mul3A_1240 : i32 to vector<16xi32>
            %mul3A_1242 = arith.muli %select_n3A_1234, %mul3A_1241 : vector<16xi32>
            %add3A_1243 = arith.addi %mul3A_1242, %get3A_1196 : vector<16xi32>
            %jit3A_1244 = arith.constant 576 : i32
            %broadcast_in_dim3A_1245 = vector.broadcast %jit3A_1244 : i32 to vector<16xi32>
            %select_n3A_1246 = arith.select %and3A_1239, %add3A_1243, %broadcast_in_dim3A_1245 : vector<16xi1>, vector<16xi32>
            %add3A_1247 = vector.broadcast %mul3A_2 : i32 to vector<16xi32>
            %add3A_1248 = arith.addi %select_n3A_1246, %add3A_1247 : vector<16xi32>
            %swap3A_1249 = arith.constant 96 : index
            %swap3A_1250 = tpu.vector_load %arg13[%swap3A_1249] {strides = array<i32>} : memref<128xi32, #tpu.memory_space<vmem>>, vector<16xi32>,
            tpu.vector_store %arg13[%swap3A_1249], %add3A_1248 {strides = array<i32>} : memref<128xi32, #tpu.memory_space<vmem>>, vector<16xi32>,
            %add3A_1251 = arith.constant 112 : i32
            %add3A_1252 = arith.addi %add3A_821, %add3A_1251 : i32
            %iota3A_1253 = tpu.iota {dimensions = array<i32: 0>} : vector<16xi32>
            %add3A_1254 = vector.broadcast %add3A_1252 : i32 to vector<16xi32>
            %add3A_1255 = arith.addi %add3A_1254, %iota3A_1253 : vector<16xi32>
            %get3A_1256 = arith.constant 496 : index
            %get3A_1257 = tpu.vector_load %arg11[%get3A_1256] {strides = array<i32>} : memref<512xi32, #tpu.memory_space<vmem>>, vector<16xi32>,
            %broadcast_in_dim3A_1258 = arith.constant 0 : i32
            %broadcast_in_dim3A_1259 = vector.broadcast %broadcast_in_dim3A_1258 : i32 to vector<16xi32>
            %add3A_1260 = arith.constant 32 : i32
            %add3A_1261 = vector.broadcast %add3A_1260 : i32 to vector<16xi32>
            %add3A_1262 = arith.addi %broadcast_in_dim3A_1259, %add3A_1261 : vector<16xi32>
            %gather3A_1263 = tpu.vector_load_idx %arg9[%add3A_1262] : memref<80xi32, #tpu.memory_space<vmem>>[vector<16xi32>], vector<16xi32>,
            %le3A_1264 = arith.cmpi sle, %gather3A_1263, %add3A_1255 : vector<16xi32>
            %select_n3A_1265 = arith.select %le3A_1264, %add3A_1262, %broadcast_in_dim3A_1259 : vector<16xi1>, vector<16xi32>
            %add3A_1266 = arith.constant 16 : i32
            %add3A_1267 = vector.broadcast %add3A_1266 : i32 to vector<16xi32>
            %add3A_1268 = arith.addi %select_n3A_1265, %add3A_1267 : vector<16xi32>
            %gather3A_1269 = tpu.vector_load_idx %arg9[%add3A_1268] : memref<80xi32, #tpu.memory_space<vmem>>[vector<16xi32>], vector<16xi32>,
            %le3A_1270 = arith.cmpi sle, %gather3A_1269, %add3A_1255 : vector<16xi32>
            %select_n3A_1271 = arith.select %le3A_1270, %add3A_1268, %select_n3A_1265 : vector<16xi1>, vector<16xi32>
            %add3A_1272 = arith.constant 8 : i32
            %add3A_1273 = vector.broadcast %add3A_1272 : i32 to vector<16xi32>
            %add3A_1274 = arith.addi %select_n3A_1271, %add3A_1273 : vector<16xi32>
            %gather3A_1275 = tpu.vector_load_idx %arg9[%add3A_1274] : memref<80xi32, #tpu.memory_space<vmem>>[vector<16xi32>], vector<16xi32>,
            %le3A_1276 = arith.cmpi sle, %gather3A_1275, %add3A_1255 : vector<16xi32>
            %select_n3A_1277 = arith.select %le3A_1276, %add3A_1274, %select_n3A_1271 : vector<16xi1>, vector<16xi32>
            %add3A_1278 = arith.constant 4 : i32
            %add3A_1279 = vector.broadcast %add3A_1278 : i32 to vector<16xi32>
            %add3A_1280 = arith.addi %select_n3A_1277, %add3A_1279 : vector<16xi32>
            %gather3A_1281 = tpu.vector_load_idx %arg9[%add3A_1280] : memref<80xi32, #tpu.memory_space<vmem>>[vector<16xi32>], vector<16xi32>,
            %le3A_1282 = arith.cmpi sle, %gather3A_1281, %add3A_1255 : vector<16xi32>
            %select_n3A_1283 = arith.select %le3A_1282, %add3A_1280, %select_n3A_1277 : vector<16xi1>, vector<16xi32>
            %add3A_1284 = arith.constant 2 : i32
            %add3A_1285 = vector.broadcast %add3A_1284 : i32 to vector<16xi32>
            %add3A_1286 = arith.addi %select_n3A_1283, %add3A_1285 : vector<16xi32>
            %gather3A_1287 = tpu.vector_load_idx %arg9[%add3A_1286] : memref<80xi32, #tpu.memory_space<vmem>>[vector<16xi32>], vector<16xi32>,
            %le3A_1288 = arith.cmpi sle, %gather3A_1287, %add3A_1255 : vector<16xi32>
            %select_n3A_1289 = arith.select %le3A_1288, %add3A_1286, %select_n3A_1283 : vector<16xi1>, vector<16xi32>
            %add3A_1290 = arith.constant 1 : i32
            %add3A_1291 = vector.broadcast %add3A_1290 : i32 to vector<16xi32>
            %add3A_1292 = arith.addi %select_n3A_1289, %add3A_1291 : vector<16xi32>
            %gather3A_1293 = tpu.vector_load_idx %arg9[%add3A_1292] : memref<80xi32, #tpu.memory_space<vmem>>[vector<16xi32>], vector<16xi32>,
            %le3A_1294 = arith.cmpi sle, %gather3A_1293, %add3A_1255 : vector<16xi32>
            %select_n3A_1295 = arith.select %le3A_1294, %add3A_1292, %select_n3A_1289 : vector<16xi1>, vector<16xi32>
            %ge3A_1296 = vector.broadcast %squeeze3A : i32 to vector<16xi32>
            %ge3A_1297 = arith.cmpi sge, %add3A_1255, %ge3A_1296 : vector<16xi32>
            %lt3A_1298 = vector.broadcast %squeeze3A_537 : i32 to vector<16xi32>
            %lt3A_1299 = arith.cmpi slt, %add3A_1255, %lt3A_1298 : vector<16xi32>
            %and3A_1300 = arith.andi %ge3A_1297, %lt3A_1299 : vector<16xi1>
            %mul3A_1301 = arith.constant 9 : i32
            %mul3A_1302 = vector.broadcast %mul3A_1301 : i32 to vector<16xi32>
            %mul3A_1303 = arith.muli %select_n3A_1295, %mul3A_1302 : vector<16xi32>
            %add3A_1304 = arith.addi %mul3A_1303, %get3A_1257 : vector<16xi32>
            %jit3A_1305 = arith.constant 576 : i32
            %broadcast_in_dim3A_1306 = vector.broadcast %jit3A_1305 : i32 to vector<16xi32>
            %select_n3A_1307 = arith.select %and3A_1300, %add3A_1304, %broadcast_in_dim3A_1306 : vector<16xi1>, vector<16xi32>
            %add3A_1308 = vector.broadcast %mul3A_2 : i32 to vector<16xi32>
            %add3A_1309 = arith.addi %select_n3A_1307, %add3A_1308 : vector<16xi32>
            %swap3A_1310 = arith.constant 112 : index
            %swap3A_1311 = tpu.vector_load %arg13[%swap3A_1310] {strides = array<i32>} : memref<128xi32, #tpu.memory_space<vmem>>, vector<16xi32>,
            tpu.vector_store %arg13[%swap3A_1310], %add3A_1309 {strides = array<i32>} : memref<128xi32, #tpu.memory_space<vmem>>, vector<16xi32>,
          } else {
          }
          %dma_wait3A_802 = arith.constant 256 : i32
          %dma_wait3A_803 = tpu.memref_slice %arg10[%dma_wait3A_802] : memref<512xi32, #tpu.memory_space<vmem>> -> memref<128xi32, #tpu.memory_space<vmem>>
          %dma_wait3A_804 = arith.constant 0 : i32
          %dma_wait3A_805 = arith.constant 0 : i32
          %dma_wait3A_806 = tpu.memref_slice %arg2[%dma_wait3A_804, %dma_wait3A_805] : memref<10000x128xf32, #tpu.memory_space<hbm>> -> memref<10000x128xf32, #tpu.memory_space<hbm>>
          tpu.wait_indirect_dma semaphore(%arg18 : memref<!tpu.dma_semaphore, #tpu.memory_space<semaphore_mem>>) src(%dma_wait3A_806 : memref<10000x128xf32, #tpu.memory_space<hbm>>) dst(%arg15 : memref<128x128xf32, #tpu.memory_space<vmem>>)
          %dma_start3A_807 = arith.constant 0 : i32
          %dma_start3A_808 = arith.constant 0 : i32
          %dma_start3A_809 = tpu.memref_slice %arg8[%dma_start3A_807, %dma_start3A_808] : memref<9344x128xf32, #tpu.memory_space<vmem_shared>> -> memref<9344x128xf32, #tpu.memory_space<vmem_shared>>
          tpu.enqueue_indirect_dma source(%arg15 : memref<128x128xf32, #tpu.memory_space<vmem>>) target(%dma_start3A_809 : memref<9344x128xf32, #tpu.memory_space<vmem_shared>>) offsets(%arg12 : memref<128xi32, #tpu.memory_space<vmem>>) semaphore(%arg20 : memref<!tpu.dma_semaphore, #tpu.memory_space<semaphore_mem>>) {add = true}
        } else {
        }
        %add3A_788 = arith.constant 3 : i32
        %add3A_789 = arith.addi %mul3A_765, %add3A_788 : i32
        %lt3A_790 = arith.cmpi slt, %add3A_789, %select_n3A : i32
        %convert_element_type3A_791 = arith.extui %lt3A_790 : i1 to i32
        %cond3A_792 = arith.constant 0 : i32
        %cond3A_793 = arith.cmpi ne, %convert_element_type3A_791, %cond3A_792 : i32
        scf.if %cond3A_793 {
          %dma_wait3A_794 = arith.constant 384 : i32
          %dma_wait3A_795 = tpu.memref_slice %arg10[%dma_wait3A_794] : memref<512xi32, #tpu.memory_space<vmem>> -> memref<128xi32, #tpu.memory_space<vmem>>
          %dma_wait3A_796 = arith.constant 0 : i32
          %dma_wait3A_797 = arith.constant 0 : i32
          %dma_wait3A_798 = tpu.memref_slice %arg2[%dma_wait3A_796, %dma_wait3A_797] : memref<10000x128xf32, #tpu.memory_space<hbm>> -> memref<10000x128xf32, #tpu.memory_space<hbm>>
          tpu.wait_indirect_dma semaphore(%arg19 : memref<!tpu.dma_semaphore, #tpu.memory_space<semaphore_mem>>) src(%dma_wait3A_798 : memref<10000x128xf32, #tpu.memory_space<hbm>>) dst(%arg16 : memref<128x128xf32, #tpu.memory_space<vmem>>)
          %dma_start3A_799 = arith.constant 0 : i32
          %dma_start3A_800 = arith.constant 0 : i32
          %dma_start3A_801 = tpu.memref_slice %arg8[%dma_start3A_799, %dma_start3A_800] : memref<9344x128xf32, #tpu.memory_space<vmem_shared>> -> memref<9344x128xf32, #tpu.memory_space<vmem_shared>>
          tpu.enqueue_indirect_dma source(%arg16 : memref<128x128xf32, #tpu.memory_space<vmem>>) target(%dma_start3A_801 : memref<9344x128xf32, #tpu.memory_space<vmem_shared>>) offsets(%arg13 : memref<128xi32, #tpu.memory_space<vmem>>) semaphore(%arg21 : memref<!tpu.dma_semaphore, #tpu.memory_space<semaphore_mem>>) {add = true}
        } else {
        }
      }
      %while3A_661 = arith.constant 1 : i32
      scf.for %while3A_759 = %while3A_659 to %while3A_655 step %while3A_661  : i32 {
        %mul3A_760 = arith.constant 512 : i32
        %mul3A_761 = arith.muli %while3A_759, %mul3A_760 : i32
        %add3A_762 = arith.addi %and3A_538, %mul3A_761 : i32
        %multiple_of3A_763 = tpu.assume_multiple %add3A_762, 8 : i32
        "tpu.region"() ({
          %run_scoped3A_794 = tpu.sem_alloc : memref<!tpu.dma_semaphore, #tpu.memory_space<semaphore_mem>>
          %dma_start3A_795 = tpu.memref_slice %arg3[%multiple_of3A_763] : memref<321024xi32, #tpu.memory_space<hbm>> -> memref<512xi32, #tpu.memory_space<hbm>>
          %dma_start3A_796 = tpu.memref_slice %arg3[%multiple_of3A_763] : memref<321024xi32, #tpu.memory_space<hbm>> -> memref<512xi32, #tpu.memory_space<hbm>>
          tpu.enqueue_dma source(%dma_start3A_796 : memref<512xi32, #tpu.memory_space<hbm>>) target(%arg10 : memref<512xi32, #tpu.memory_space<vmem>>) target_semaphore(%run_scoped3A_794 : memref<!tpu.dma_semaphore, #tpu.memory_space<semaphore_mem>>)
          %dma_wait3A_797 = tpu.memref_slice %arg3[%multiple_of3A_763] : memref<321024xi32, #tpu.memory_space<hbm>> -> memref<512xi32, #tpu.memory_space<hbm>>
          %dma_wait3A_798 = tpu.memref_slice %arg3[%multiple_of3A_763] : memref<321024xi32, #tpu.memory_space<hbm>> -> memref<512xi32, #tpu.memory_space<hbm>>
          tpu.wait_dma2 semaphore(%run_scoped3A_794 : memref<!tpu.dma_semaphore, #tpu.memory_space<semaphore_mem>>) src(%dma_wait3A_798 : memref<512xi32, #tpu.memory_space<hbm>>) dst(%arg10 : memref<512xi32, #tpu.memory_space<vmem>>)
          tpu.yield
        }) : () -> ()
        "tpu.region"() ({
          %run_scoped3A_794 = tpu.sem_alloc : memref<!tpu.dma_semaphore, #tpu.memory_space<semaphore_mem>>
          %dma_start3A_795 = tpu.memref_slice %arg4[%multiple_of3A_763] : memref<321024xi32, #tpu.memory_space<hbm>> -> memref<512xi32, #tpu.memory_space<hbm>>
          %dma_start3A_796 = tpu.memref_slice %arg4[%multiple_of3A_763] : memref<321024xi32, #tpu.memory_space<hbm>> -> memref<512xi32, #tpu.memory_space<hbm>>
          tpu.enqueue_dma source(%dma_start3A_796 : memref<512xi32, #tpu.memory_space<hbm>>) target(%arg11 : memref<512xi32, #tpu.memory_space<vmem>>) target_semaphore(%run_scoped3A_794 : memref<!tpu.dma_semaphore, #tpu.memory_space<semaphore_mem>>)
          %dma_wait3A_797 = tpu.memref_slice %arg4[%multiple_of3A_763] : memref<321024xi32, #tpu.memory_space<hbm>> -> memref<512xi32, #tpu.memory_space<hbm>>
          %dma_wait3A_798 = tpu.memref_slice %arg4[%multiple_of3A_763] : memref<321024xi32, #tpu.memory_space<hbm>> -> memref<512xi32, #tpu.memory_space<hbm>>
          tpu.wait_dma2 semaphore(%run_scoped3A_794 : memref<!tpu.dma_semaphore, #tpu.memory_space<semaphore_mem>>) src(%dma_wait3A_798 : memref<512xi32, #tpu.memory_space<hbm>>) dst(%arg11 : memref<512xi32, #tpu.memory_space<vmem>>)
          tpu.yield
        }) : () -> ()
        %mul3A_764 = arith.constant 4 : i32
        %mul3A_765 = arith.muli %while3A_759, %mul3A_764 : i32
        %lt3A_766 = arith.cmpi slt, %mul3A_765, %select_n3A : i32
        %convert_element_type3A_767 = arith.extui %lt3A_766 : i1 to i32
        %cond3A_768 = arith.constant 0 : i32
        %cond3A_769 = arith.cmpi ne, %convert_element_type3A_767, %cond3A_768 : i32
        scf.if %cond3A_769 {
          %add3A_794 = arith.constant 0 : i32
          %add3A_795 = arith.addi %mul3A_765, %add3A_794 : i32
          %ge3A_796 = arith.constant 2 : i32
          %ge3A_797 = arith.cmpi sge, %add3A_795, %ge3A_796 : i32
          %convert_element_type3A_798 = arith.extui %ge3A_797 : i1 to i32
          %cond3A_799 = arith.constant 0 : i32
          %cond3A_800 = arith.cmpi ne, %convert_element_type3A_798, %cond3A_799 : i32
          scf.if %cond3A_800 {
            %dma_wait3A_1296 = arith.constant 0 : i32
            %dma_wait3A_1297 = arith.constant 0 : i32
            %dma_wait3A_1298 = tpu.memref_slice %arg8[%dma_wait3A_1296, %dma_wait3A_1297] : memref<9344x128xf32, #tpu.memory_space<vmem_shared>> -> memref<9344x128xf32, #tpu.memory_space<vmem_shared>>
            tpu.wait_indirect_dma semaphore(%arg20 : memref<!tpu.dma_semaphore, #tpu.memory_space<semaphore_mem>>) src(%arg15 : memref<128x128xf32, #tpu.memory_space<vmem>>) dst(%dma_wait3A_1298 : memref<9344x128xf32, #tpu.memory_space<vmem_shared>>)
          } else {
          }
          %add3A_801 = arith.constant 0 : i32
          %add3A_802 = arith.addi %mul3A_765, %add3A_801 : i32
          %mul3A_803 = arith.constant 128 : i32
          %mul3A_804 = arith.muli %add3A_802, %mul3A_803 : i32
          %add3A_805 = arith.addi %and3A_538, %mul3A_804 : i32
          %dma_start3A_806 = arith.constant 0 : i32
          %dma_start3A_807 = tpu.memref_slice %arg10[%dma_start3A_806] : memref<512xi32, #tpu.memory_space<vmem>> -> memref<128xi32, #tpu.memory_space<vmem>>
          %dma_start3A_808 = arith.constant 0 : i32
          %dma_start3A_809 = arith.constant 0 : i32
          %dma_start3A_810 = tpu.memref_slice %arg2[%dma_start3A_808, %dma_start3A_809] : memref<10000x128xf32, #tpu.memory_space<hbm>> -> memref<10000x128xf32, #tpu.memory_space<hbm>>
          tpu.enqueue_indirect_dma source(%dma_start3A_810 : memref<10000x128xf32, #tpu.memory_space<hbm>>) target(%arg15 : memref<128x128xf32, #tpu.memory_space<vmem>>) offsets(%dma_start3A_807 : memref<128xi32, #tpu.memory_space<vmem>>) semaphore(%arg18 : memref<!tpu.dma_semaphore, #tpu.memory_space<semaphore_mem>>)
          %add3A_811 = arith.constant 0 : i32
          %add3A_812 = arith.addi %add3A_805, %add3A_811 : i32
          %iota3A_813 = tpu.iota {dimensions = array<i32: 0>} : vector<16xi32>
          %add3A_814 = vector.broadcast %add3A_812 : i32 to vector<16xi32>
          %add3A_815 = arith.addi %add3A_814, %iota3A_813 : vector<16xi32>
          %get3A_816 = arith.constant 0 : index
          %get3A_817 = tpu.vector_load %arg11[%get3A_816] {strides = array<i32>} : memref<512xi32, #tpu.memory_space<vmem>>, vector<16xi32>,
          %broadcast_in_dim3A = arith.constant 0 : i32
          %broadcast_in_dim3A_818 = vector.broadcast %broadcast_in_dim3A : i32 to vector<16xi32>
          %add3A_819 = arith.constant 32 : i32
          %add3A_820 = vector.broadcast %add3A_819 : i32 to vector<16xi32>
          %add3A_821 = arith.addi %broadcast_in_dim3A_818, %add3A_820 : vector<16xi32>
          %gather3A = tpu.vector_load_idx %arg9[%add3A_821] : memref<80xi32, #tpu.memory_space<vmem>>[vector<16xi32>], vector<16xi32>,
          %le3A = arith.cmpi sle, %gather3A, %add3A_815 : vector<16xi32>
          %select_n3A_822 = arith.select %le3A, %add3A_821, %broadcast_in_dim3A_818 : vector<16xi1>, vector<16xi32>
          %add3A_823 = arith.constant 16 : i32
          %add3A_824 = vector.broadcast %add3A_823 : i32 to vector<16xi32>
          %add3A_825 = arith.addi %select_n3A_822, %add3A_824 : vector<16xi32>
          %gather3A_826 = tpu.vector_load_idx %arg9[%add3A_825] : memref<80xi32, #tpu.memory_space<vmem>>[vector<16xi32>], vector<16xi32>,
          %le3A_827 = arith.cmpi sle, %gather3A_826, %add3A_815 : vector<16xi32>
          %select_n3A_828 = arith.select %le3A_827, %add3A_825, %select_n3A_822 : vector<16xi1>, vector<16xi32>
          %add3A_829 = arith.constant 8 : i32
          %add3A_830 = vector.broadcast %add3A_829 : i32 to vector<16xi32>
          %add3A_831 = arith.addi %select_n3A_828, %add3A_830 : vector<16xi32>
          %gather3A_832 = tpu.vector_load_idx %arg9[%add3A_831] : memref<80xi32, #tpu.memory_space<vmem>>[vector<16xi32>], vector<16xi32>,
          %le3A_833 = arith.cmpi sle, %gather3A_832, %add3A_815 : vector<16xi32>
          %select_n3A_834 = arith.select %le3A_833, %add3A_831, %select_n3A_828 : vector<16xi1>, vector<16xi32>
          %add3A_835 = arith.constant 4 : i32
          %add3A_836 = vector.broadcast %add3A_835 : i32 to vector<16xi32>
          %add3A_837 = arith.addi %select_n3A_834, %add3A_836 : vector<16xi32>
          %gather3A_838 = tpu.vector_load_idx %arg9[%add3A_837] : memref<80xi32, #tpu.memory_space<vmem>>[vector<16xi32>], vector<16xi32>,
          %le3A_839 = arith.cmpi sle, %gather3A_838, %add3A_815 : vector<16xi32>
          %select_n3A_840 = arith.select %le3A_839, %add3A_837, %select_n3A_834 : vector<16xi1>, vector<16xi32>
          %add3A_841 = arith.constant 2 : i32
          %add3A_842 = vector.broadcast %add3A_841 : i32 to vector<16xi32>
          %add3A_843 = arith.addi %select_n3A_840, %add3A_842 : vector<16xi32>
          %gather3A_844 = tpu.vector_load_idx %arg9[%add3A_843] : memref<80xi32, #tpu.memory_space<vmem>>[vector<16xi32>], vector<16xi32>,
          %le3A_845 = arith.cmpi sle, %gather3A_844, %add3A_815 : vector<16xi32>
          %select_n3A_846 = arith.select %le3A_845, %add3A_843, %select_n3A_840 : vector<16xi1>, vector<16xi32>
          %add3A_847 = arith.constant 1 : i32
          %add3A_848 = vector.broadcast %add3A_847 : i32 to vector<16xi32>
          %add3A_849 = arith.addi %select_n3A_846, %add3A_848 : vector<16xi32>
          %gather3A_850 = tpu.vector_load_idx %arg9[%add3A_849] : memref<80xi32, #tpu.memory_space<vmem>>[vector<16xi32>], vector<16xi32>,
          %le3A_851 = arith.cmpi sle, %gather3A_850, %add3A_815 : vector<16xi32>
          %select_n3A_852 = arith.select %le3A_851, %add3A_849, %select_n3A_846 : vector<16xi1>, vector<16xi32>
          %ge3A_853 = vector.broadcast %squeeze3A : i32 to vector<16xi32>
          %ge3A_854 = arith.cmpi sge, %add3A_815, %ge3A_853 : vector<16xi32>
          %lt3A_855 = vector.broadcast %squeeze3A_537 : i32 to vector<16xi32>
          %lt3A_856 = arith.cmpi slt, %add3A_815, %lt3A_855 : vector<16xi32>
          %and3A_857 = arith.andi %ge3A_854, %lt3A_856 : vector<16xi1>
          %mul3A_858 = arith.constant 9 : i32
          %mul3A_859 = vector.broadcast %mul3A_858 : i32 to vector<16xi32>
          %mul3A_860 = arith.muli %select_n3A_852, %mul3A_859 : vector<16xi32>
          %add3A_861 = arith.addi %mul3A_860, %get3A_817 : vector<16xi32>
          %jit3A_862 = arith.constant 576 : i32
          %broadcast_in_dim3A_863 = vector.broadcast %jit3A_862 : i32 to vector<16xi32>
          %select_n3A_864 = arith.select %and3A_857, %add3A_861, %broadcast_in_dim3A_863 : vector<16xi1>, vector<16xi32>
          %add3A_865 = vector.broadcast %mul3A_2 : i32 to vector<16xi32>
          %add3A_866 = arith.addi %select_n3A_864, %add3A_865 : vector<16xi32>
          %swap3A_867 = arith.constant 0 : index
          %swap3A_868 = tpu.vector_load %arg12[%swap3A_867] {strides = array<i32>} : memref<128xi32, #tpu.memory_space<vmem>>, vector<16xi32>,
          tpu.vector_store %arg12[%swap3A_867], %add3A_866 {strides = array<i32>} : memref<128xi32, #tpu.memory_space<vmem>>, vector<16xi32>,
          %add3A_869 = arith.constant 16 : i32
          %add3A_870 = arith.addi %add3A_805, %add3A_869 : i32
          %iota3A_871 = tpu.iota {dimensions = array<i32: 0>} : vector<16xi32>
          %add3A_872 = vector.broadcast %add3A_870 : i32 to vector<16xi32>
          %add3A_873 = arith.addi %add3A_872, %iota3A_871 : vector<16xi32>
          %get3A_874 = arith.constant 16 : index
          %get3A_875 = tpu.vector_load %arg11[%get3A_874] {strides = array<i32>} : memref<512xi32, #tpu.memory_space<vmem>>, vector<16xi32>,
          %broadcast_in_dim3A_876 = arith.constant 0 : i32
          %broadcast_in_dim3A_877 = vector.broadcast %broadcast_in_dim3A_876 : i32 to vector<16xi32>
          %add3A_878 = arith.constant 32 : i32
          %add3A_879 = vector.broadcast %add3A_878 : i32 to vector<16xi32>
          %add3A_880 = arith.addi %broadcast_in_dim3A_877, %add3A_879 : vector<16xi32>
          %gather3A_881 = tpu.vector_load_idx %arg9[%add3A_880] : memref<80xi32, #tpu.memory_space<vmem>>[vector<16xi32>], vector<16xi32>,
          %le3A_882 = arith.cmpi sle, %gather3A_881, %add3A_873 : vector<16xi32>
          %select_n3A_883 = arith.select %le3A_882, %add3A_880, %broadcast_in_dim3A_877 : vector<16xi1>, vector<16xi32>
          %add3A_884 = arith.constant 16 : i32
          %add3A_885 = vector.broadcast %add3A_884 : i32 to vector<16xi32>
          %add3A_886 = arith.addi %select_n3A_883, %add3A_885 : vector<16xi32>
          %gather3A_887 = tpu.vector_load_idx %arg9[%add3A_886] : memref<80xi32, #tpu.memory_space<vmem>>[vector<16xi32>], vector<16xi32>,
          %le3A_888 = arith.cmpi sle, %gather3A_887, %add3A_873 : vector<16xi32>
          %select_n3A_889 = arith.select %le3A_888, %add3A_886, %select_n3A_883 : vector<16xi1>, vector<16xi32>
          %add3A_890 = arith.constant 8 : i32
          %add3A_891 = vector.broadcast %add3A_890 : i32 to vector<16xi32>
          %add3A_892 = arith.addi %select_n3A_889, %add3A_891 : vector<16xi32>
          %gather3A_893 = tpu.vector_load_idx %arg9[%add3A_892] : memref<80xi32, #tpu.memory_space<vmem>>[vector<16xi32>], vector<16xi32>,
          %le3A_894 = arith.cmpi sle, %gather3A_893, %add3A_873 : vector<16xi32>
          %select_n3A_895 = arith.select %le3A_894, %add3A_892, %select_n3A_889 : vector<16xi1>, vector<16xi32>
          %add3A_896 = arith.constant 4 : i32
          %add3A_897 = vector.broadcast %add3A_896 : i32 to vector<16xi32>
          %add3A_898 = arith.addi %select_n3A_895, %add3A_897 : vector<16xi32>
          %gather3A_899 = tpu.vector_load_idx %arg9[%add3A_898] : memref<80xi32, #tpu.memory_space<vmem>>[vector<16xi32>], vector<16xi32>,
          %le3A_900 = arith.cmpi sle, %gather3A_899, %add3A_873 : vector<16xi32>
          %select_n3A_901 = arith.select %le3A_900, %add3A_898, %select_n3A_895 : vector<16xi1>, vector<16xi32>
          %add3A_902 = arith.constant 2 : i32
          %add3A_903 = vector.broadcast %add3A_902 : i32 to vector<16xi32>
          %add3A_904 = arith.addi %select_n3A_901, %add3A_903 : vector<16xi32>
          %gather3A_905 = tpu.vector_load_idx %arg9[%add3A_904] : memref<80xi32, #tpu.memory_space<vmem>>[vector<16xi32>], vector<16xi32>,
          %le3A_906 = arith.cmpi sle, %gather3A_905, %add3A_873 : vector<16xi32>
          %select_n3A_907 = arith.select %le3A_906, %add3A_904, %select_n3A_901 : vector<16xi1>, vector<16xi32>
          %add3A_908 = arith.constant 1 : i32
          %add3A_909 = vector.broadcast %add3A_908 : i32 to vector<16xi32>
          %add3A_910 = arith.addi %select_n3A_907, %add3A_909 : vector<16xi32>
          %gather3A_911 = tpu.vector_load_idx %arg9[%add3A_910] : memref<80xi32, #tpu.memory_space<vmem>>[vector<16xi32>], vector<16xi32>,
          %le3A_912 = arith.cmpi sle, %gather3A_911, %add3A_873 : vector<16xi32>
          %select_n3A_913 = arith.select %le3A_912, %add3A_910, %select_n3A_907 : vector<16xi1>, vector<16xi32>
          %ge3A_914 = vector.broadcast %squeeze3A : i32 to vector<16xi32>
          %ge3A_915 = arith.cmpi sge, %add3A_873, %ge3A_914 : vector<16xi32>
          %lt3A_916 = vector.broadcast %squeeze3A_537 : i32 to vector<16xi32>
          %lt3A_917 = arith.cmpi slt, %add3A_873, %lt3A_916 : vector<16xi32>
          %and3A_918 = arith.andi %ge3A_915, %lt3A_917 : vector<16xi1>
          %mul3A_919 = arith.constant 9 : i32
          %mul3A_920 = vector.broadcast %mul3A_919 : i32 to vector<16xi32>
          %mul3A_921 = arith.muli %select_n3A_913, %mul3A_920 : vector<16xi32>
          %add3A_922 = arith.addi %mul3A_921, %get3A_875 : vector<16xi32>
          %jit3A_923 = arith.constant 576 : i32
          %broadcast_in_dim3A_924 = vector.broadcast %jit3A_923 : i32 to vector<16xi32>
          %select_n3A_925 = arith.select %and3A_918, %add3A_922, %broadcast_in_dim3A_924 : vector<16xi1>, vector<16xi32>
          %add3A_926 = vector.broadcast %mul3A_2 : i32 to vector<16xi32>
          %add3A_927 = arith.addi %select_n3A_925, %add3A_926 : vector<16xi32>
          %swap3A_928 = arith.constant 16 : index
          %swap3A_929 = tpu.vector_load %arg12[%swap3A_928] {strides = array<i32>} : memref<128xi32, #tpu.memory_space<vmem>>, vector<16xi32>,
          tpu.vector_store %arg12[%swap3A_928], %add3A_927 {strides = array<i32>} : memref<128xi32, #tpu.memory_space<vmem>>, vector<16xi32>,
          %add3A_930 = arith.constant 32 : i32
          %add3A_931 = arith.addi %add3A_805, %add3A_930 : i32
          %iota3A_932 = tpu.iota {dimensions = array<i32: 0>} : vector<16xi32>
          %add3A_933 = vector.broadcast %add3A_931 : i32 to vector<16xi32>
          %add3A_934 = arith.addi %add3A_933, %iota3A_932 : vector<16xi32>
          %get3A_935 = arith.constant 32 : index
          %get3A_936 = tpu.vector_load %arg11[%get3A_935] {strides = array<i32>} : memref<512xi32, #tpu.memory_space<vmem>>, vector<16xi32>,
          %broadcast_in_dim3A_937 = arith.constant 0 : i32
          %broadcast_in_dim3A_938 = vector.broadcast %broadcast_in_dim3A_937 : i32 to vector<16xi32>
          %add3A_939 = arith.constant 32 : i32
          %add3A_940 = vector.broadcast %add3A_939 : i32 to vector<16xi32>
          %add3A_941 = arith.addi %broadcast_in_dim3A_938, %add3A_940 : vector<16xi32>
          %gather3A_942 = tpu.vector_load_idx %arg9[%add3A_941] : memref<80xi32, #tpu.memory_space<vmem>>[vector<16xi32>], vector<16xi32>,
          %le3A_943 = arith.cmpi sle, %gather3A_942, %add3A_934 : vector<16xi32>
          %select_n3A_944 = arith.select %le3A_943, %add3A_941, %broadcast_in_dim3A_938 : vector<16xi1>, vector<16xi32>
          %add3A_945 = arith.constant 16 : i32
          %add3A_946 = vector.broadcast %add3A_945 : i32 to vector<16xi32>
          %add3A_947 = arith.addi %select_n3A_944, %add3A_946 : vector<16xi32>
          %gather3A_948 = tpu.vector_load_idx %arg9[%add3A_947] : memref<80xi32, #tpu.memory_space<vmem>>[vector<16xi32>], vector<16xi32>,
          %le3A_949 = arith.cmpi sle, %gather3A_948, %add3A_934 : vector<16xi32>
          %select_n3A_950 = arith.select %le3A_949, %add3A_947, %select_n3A_944 : vector<16xi1>, vector<16xi32>
          %add3A_951 = arith.constant 8 : i32
          %add3A_952 = vector.broadcast %add3A_951 : i32 to vector<16xi32>
          %add3A_953 = arith.addi %select_n3A_950, %add3A_952 : vector<16xi32>
          %gather3A_954 = tpu.vector_load_idx %arg9[%add3A_953] : memref<80xi32, #tpu.memory_space<vmem>>[vector<16xi32>], vector<16xi32>,
          %le3A_955 = arith.cmpi sle, %gather3A_954, %add3A_934 : vector<16xi32>
          %select_n3A_956 = arith.select %le3A_955, %add3A_953, %select_n3A_950 : vector<16xi1>, vector<16xi32>
          %add3A_957 = arith.constant 4 : i32
          %add3A_958 = vector.broadcast %add3A_957 : i32 to vector<16xi32>
          %add3A_959 = arith.addi %select_n3A_956, %add3A_958 : vector<16xi32>
          %gather3A_960 = tpu.vector_load_idx %arg9[%add3A_959] : memref<80xi32, #tpu.memory_space<vmem>>[vector<16xi32>], vector<16xi32>,
          %le3A_961 = arith.cmpi sle, %gather3A_960, %add3A_934 : vector<16xi32>
          %select_n3A_962 = arith.select %le3A_961, %add3A_959, %select_n3A_956 : vector<16xi1>, vector<16xi32>
          %add3A_963 = arith.constant 2 : i32
          %add3A_964 = vector.broadcast %add3A_963 : i32 to vector<16xi32>
          %add3A_965 = arith.addi %select_n3A_962, %add3A_964 : vector<16xi32>
          %gather3A_966 = tpu.vector_load_idx %arg9[%add3A_965] : memref<80xi32, #tpu.memory_space<vmem>>[vector<16xi32>], vector<16xi32>,
          %le3A_967 = arith.cmpi sle, %gather3A_966, %add3A_934 : vector<16xi32>
          %select_n3A_968 = arith.select %le3A_967, %add3A_965, %select_n3A_962 : vector<16xi1>, vector<16xi32>
          %add3A_969 = arith.constant 1 : i32
          %add3A_970 = vector.broadcast %add3A_969 : i32 to vector<16xi32>
          %add3A_971 = arith.addi %select_n3A_968, %add3A_970 : vector<16xi32>
          %gather3A_972 = tpu.vector_load_idx %arg9[%add3A_971] : memref<80xi32, #tpu.memory_space<vmem>>[vector<16xi32>], vector<16xi32>,
          %le3A_973 = arith.cmpi sle, %gather3A_972, %add3A_934 : vector<16xi32>
          %select_n3A_974 = arith.select %le3A_973, %add3A_971, %select_n3A_968 : vector<16xi1>, vector<16xi32>
          %ge3A_975 = vector.broadcast %squeeze3A : i32 to vector<16xi32>
          %ge3A_976 = arith.cmpi sge, %add3A_934, %ge3A_975 : vector<16xi32>
          %lt3A_977 = vector.broadcast %squeeze3A_537 : i32 to vector<16xi32>
          %lt3A_978 = arith.cmpi slt, %add3A_934, %lt3A_977 : vector<16xi32>
          %and3A_979 = arith.andi %ge3A_976, %lt3A_978 : vector<16xi1>
          %mul3A_980 = arith.constant 9 : i32
          %mul3A_981 = vector.broadcast %mul3A_980 : i32 to vector<16xi32>
          %mul3A_982 = arith.muli %select_n3A_974, %mul3A_981 : vector<16xi32>
          %add3A_983 = arith.addi %mul3A_982, %get3A_936 : vector<16xi32>
          %jit3A_984 = arith.constant 576 : i32
          %broadcast_in_dim3A_985 = vector.broadcast %jit3A_984 : i32 to vector<16xi32>
          %select_n3A_986 = arith.select %and3A_979, %add3A_983, %broadcast_in_dim3A_985 : vector<16xi1>, vector<16xi32>
          %add3A_987 = vector.broadcast %mul3A_2 : i32 to vector<16xi32>
          %add3A_988 = arith.addi %select_n3A_986, %add3A_987 : vector<16xi32>
          %swap3A_989 = arith.constant 32 : index
          %swap3A_990 = tpu.vector_load %arg12[%swap3A_989] {strides = array<i32>} : memref<128xi32, #tpu.memory_space<vmem>>, vector<16xi32>,
          tpu.vector_store %arg12[%swap3A_989], %add3A_988 {strides = array<i32>} : memref<128xi32, #tpu.memory_space<vmem>>, vector<16xi32>,
          %add3A_991 = arith.constant 48 : i32
          %add3A_992 = arith.addi %add3A_805, %add3A_991 : i32
          %iota3A_993 = tpu.iota {dimensions = array<i32: 0>} : vector<16xi32>
          %add3A_994 = vector.broadcast %add3A_992 : i32 to vector<16xi32>
          %add3A_995 = arith.addi %add3A_994, %iota3A_993 : vector<16xi32>
          %get3A_996 = arith.constant 48 : index
          %get3A_997 = tpu.vector_load %arg11[%get3A_996] {strides = array<i32>} : memref<512xi32, #tpu.memory_space<vmem>>, vector<16xi32>,
          %broadcast_in_dim3A_998 = arith.constant 0 : i32
          %broadcast_in_dim3A_999 = vector.broadcast %broadcast_in_dim3A_998 : i32 to vector<16xi32>
          %add3A_1000 = arith.constant 32 : i32
          %add3A_1001 = vector.broadcast %add3A_1000 : i32 to vector<16xi32>
          %add3A_1002 = arith.addi %broadcast_in_dim3A_999, %add3A_1001 : vector<16xi32>
          %gather3A_1003 = tpu.vector_load_idx %arg9[%add3A_1002] : memref<80xi32, #tpu.memory_space<vmem>>[vector<16xi32>], vector<16xi32>,
          %le3A_1004 = arith.cmpi sle, %gather3A_1003, %add3A_995 : vector<16xi32>
          %select_n3A_1005 = arith.select %le3A_1004, %add3A_1002, %broadcast_in_dim3A_999 : vector<16xi1>, vector<16xi32>
          %add3A_1006 = arith.constant 16 : i32
          %add3A_1007 = vector.broadcast %add3A_1006 : i32 to vector<16xi32>
          %add3A_1008 = arith.addi %select_n3A_1005, %add3A_1007 : vector<16xi32>
          %gather3A_1009 = tpu.vector_load_idx %arg9[%add3A_1008] : memref<80xi32, #tpu.memory_space<vmem>>[vector<16xi32>], vector<16xi32>,
          %le3A_1010 = arith.cmpi sle, %gather3A_1009, %add3A_995 : vector<16xi32>
          %select_n3A_1011 = arith.select %le3A_1010, %add3A_1008, %select_n3A_1005 : vector<16xi1>, vector<16xi32>
          %add3A_1012 = arith.constant 8 : i32
          %add3A_1013 = vector.broadcast %add3A_1012 : i32 to vector<16xi32>
          %add3A_1014 = arith.addi %select_n3A_1011, %add3A_1013 : vector<16xi32>
          %gather3A_1015 = tpu.vector_load_idx %arg9[%add3A_1014] : memref<80xi32, #tpu.memory_space<vmem>>[vector<16xi32>], vector<16xi32>,
          %le3A_1016 = arith.cmpi sle, %gather3A_1015, %add3A_995 : vector<16xi32>
          %select_n3A_1017 = arith.select %le3A_1016, %add3A_1014, %select_n3A_1011 : vector<16xi1>, vector<16xi32>
          %add3A_1018 = arith.constant 4 : i32
          %add3A_1019 = vector.broadcast %add3A_1018 : i32 to vector<16xi32>
          %add3A_1020 = arith.addi %select_n3A_1017, %add3A_1019 : vector<16xi32>
          %gather3A_1021 = tpu.vector_load_idx %arg9[%add3A_1020] : memref<80xi32, #tpu.memory_space<vmem>>[vector<16xi32>], vector<16xi32>,
          %le3A_1022 = arith.cmpi sle, %gather3A_1021, %add3A_995 : vector<16xi32>
          %select_n3A_1023 = arith.select %le3A_1022, %add3A_1020, %select_n3A_1017 : vector<16xi1>, vector<16xi32>
          %add3A_1024 = arith.constant 2 : i32
          %add3A_1025 = vector.broadcast %add3A_1024 : i32 to vector<16xi32>
          %add3A_1026 = arith.addi %select_n3A_1023, %add3A_1025 : vector<16xi32>
          %gather3A_1027 = tpu.vector_load_idx %arg9[%add3A_1026] : memref<80xi32, #tpu.memory_space<vmem>>[vector<16xi32>], vector<16xi32>,
          %le3A_1028 = arith.cmpi sle, %gather3A_1027, %add3A_995 : vector<16xi32>
          %select_n3A_1029 = arith.select %le3A_1028, %add3A_1026, %select_n3A_1023 : vector<16xi1>, vector<16xi32>
          %add3A_1030 = arith.constant 1 : i32
          %add3A_1031 = vector.broadcast %add3A_1030 : i32 to vector<16xi32>
          %add3A_1032 = arith.addi %select_n3A_1029, %add3A_1031 : vector<16xi32>
          %gather3A_1033 = tpu.vector_load_idx %arg9[%add3A_1032] : memref<80xi32, #tpu.memory_space<vmem>>[vector<16xi32>], vector<16xi32>,
          %le3A_1034 = arith.cmpi sle, %gather3A_1033, %add3A_995 : vector<16xi32>
          %select_n3A_1035 = arith.select %le3A_1034, %add3A_1032, %select_n3A_1029 : vector<16xi1>, vector<16xi32>
          %ge3A_1036 = vector.broadcast %squeeze3A : i32 to vector<16xi32>
          %ge3A_1037 = arith.cmpi sge, %add3A_995, %ge3A_1036 : vector<16xi32>
          %lt3A_1038 = vector.broadcast %squeeze3A_537 : i32 to vector<16xi32>
          %lt3A_1039 = arith.cmpi slt, %add3A_995, %lt3A_1038 : vector<16xi32>
          %and3A_1040 = arith.andi %ge3A_1037, %lt3A_1039 : vector<16xi1>
          %mul3A_1041 = arith.constant 9 : i32
          %mul3A_1042 = vector.broadcast %mul3A_1041 : i32 to vector<16xi32>
          %mul3A_1043 = arith.muli %select_n3A_1035, %mul3A_1042 : vector<16xi32>
          %add3A_1044 = arith.addi %mul3A_1043, %get3A_997 : vector<16xi32>
          %jit3A_1045 = arith.constant 576 : i32
          %broadcast_in_dim3A_1046 = vector.broadcast %jit3A_1045 : i32 to vector<16xi32>
          %select_n3A_1047 = arith.select %and3A_1040, %add3A_1044, %broadcast_in_dim3A_1046 : vector<16xi1>, vector<16xi32>
          %add3A_1048 = vector.broadcast %mul3A_2 : i32 to vector<16xi32>
          %add3A_1049 = arith.addi %select_n3A_1047, %add3A_1048 : vector<16xi32>
          %swap3A_1050 = arith.constant 48 : index
          %swap3A_1051 = tpu.vector_load %arg12[%swap3A_1050] {strides = array<i32>} : memref<128xi32, #tpu.memory_space<vmem>>, vector<16xi32>,
          tpu.vector_store %arg12[%swap3A_1050], %add3A_1049 {strides = array<i32>} : memref<128xi32, #tpu.memory_space<vmem>>, vector<16xi32>,
          %add3A_1052 = arith.constant 64 : i32
          %add3A_1053 = arith.addi %add3A_805, %add3A_1052 : i32
          %iota3A_1054 = tpu.iota {dimensions = array<i32: 0>} : vector<16xi32>
          %add3A_1055 = vector.broadcast %add3A_1053 : i32 to vector<16xi32>
          %add3A_1056 = arith.addi %add3A_1055, %iota3A_1054 : vector<16xi32>
          %get3A_1057 = arith.constant 64 : index
          %get3A_1058 = tpu.vector_load %arg11[%get3A_1057] {strides = array<i32>} : memref<512xi32, #tpu.memory_space<vmem>>, vector<16xi32>,
          %broadcast_in_dim3A_1059 = arith.constant 0 : i32
          %broadcast_in_dim3A_1060 = vector.broadcast %broadcast_in_dim3A_1059 : i32 to vector<16xi32>
          %add3A_1061 = arith.constant 32 : i32
          %add3A_1062 = vector.broadcast %add3A_1061 : i32 to vector<16xi32>
          %add3A_1063 = arith.addi %broadcast_in_dim3A_1060, %add3A_1062 : vector<16xi32>
          %gather3A_1064 = tpu.vector_load_idx %arg9[%add3A_1063] : memref<80xi32, #tpu.memory_space<vmem>>[vector<16xi32>], vector<16xi32>,
          %le3A_1065 = arith.cmpi sle, %gather3A_1064, %add3A_1056 : vector<16xi32>
          %select_n3A_1066 = arith.select %le3A_1065, %add3A_1063, %broadcast_in_dim3A_1060 : vector<16xi1>, vector<16xi32>
          %add3A_1067 = arith.constant 16 : i32
          %add3A_1068 = vector.broadcast %add3A_1067 : i32 to vector<16xi32>
          %add3A_1069 = arith.addi %select_n3A_1066, %add3A_1068 : vector<16xi32>
          %gather3A_1070 = tpu.vector_load_idx %arg9[%add3A_1069] : memref<80xi32, #tpu.memory_space<vmem>>[vector<16xi32>], vector<16xi32>,
          %le3A_1071 = arith.cmpi sle, %gather3A_1070, %add3A_1056 : vector<16xi32>
          %select_n3A_1072 = arith.select %le3A_1071, %add3A_1069, %select_n3A_1066 : vector<16xi1>, vector<16xi32>
          %add3A_1073 = arith.constant 8 : i32
          %add3A_1074 = vector.broadcast %add3A_1073 : i32 to vector<16xi32>
          %add3A_1075 = arith.addi %select_n3A_1072, %add3A_1074 : vector<16xi32>
          %gather3A_1076 = tpu.vector_load_idx %arg9[%add3A_1075] : memref<80xi32, #tpu.memory_space<vmem>>[vector<16xi32>], vector<16xi32>,
          %le3A_1077 = arith.cmpi sle, %gather3A_1076, %add3A_1056 : vector<16xi32>
          %select_n3A_1078 = arith.select %le3A_1077, %add3A_1075, %select_n3A_1072 : vector<16xi1>, vector<16xi32>
          %add3A_1079 = arith.constant 4 : i32
          %add3A_1080 = vector.broadcast %add3A_1079 : i32 to vector<16xi32>
          %add3A_1081 = arith.addi %select_n3A_1078, %add3A_1080 : vector<16xi32>
          %gather3A_1082 = tpu.vector_load_idx %arg9[%add3A_1081] : memref<80xi32, #tpu.memory_space<vmem>>[vector<16xi32>], vector<16xi32>,
          %le3A_1083 = arith.cmpi sle, %gather3A_1082, %add3A_1056 : vector<16xi32>
          %select_n3A_1084 = arith.select %le3A_1083, %add3A_1081, %select_n3A_1078 : vector<16xi1>, vector<16xi32>
          %add3A_1085 = arith.constant 2 : i32
          %add3A_1086 = vector.broadcast %add3A_1085 : i32 to vector<16xi32>
          %add3A_1087 = arith.addi %select_n3A_1084, %add3A_1086 : vector<16xi32>
          %gather3A_1088 = tpu.vector_load_idx %arg9[%add3A_1087] : memref<80xi32, #tpu.memory_space<vmem>>[vector<16xi32>], vector<16xi32>,
          %le3A_1089 = arith.cmpi sle, %gather3A_1088, %add3A_1056 : vector<16xi32>
          %select_n3A_1090 = arith.select %le3A_1089, %add3A_1087, %select_n3A_1084 : vector<16xi1>, vector<16xi32>
          %add3A_1091 = arith.constant 1 : i32
          %add3A_1092 = vector.broadcast %add3A_1091 : i32 to vector<16xi32>
          %add3A_1093 = arith.addi %select_n3A_1090, %add3A_1092 : vector<16xi32>
          %gather3A_1094 = tpu.vector_load_idx %arg9[%add3A_1093] : memref<80xi32, #tpu.memory_space<vmem>>[vector<16xi32>], vector<16xi32>,
          %le3A_1095 = arith.cmpi sle, %gather3A_1094, %add3A_1056 : vector<16xi32>
          %select_n3A_1096 = arith.select %le3A_1095, %add3A_1093, %select_n3A_1090 : vector<16xi1>, vector<16xi32>
          %ge3A_1097 = vector.broadcast %squeeze3A : i32 to vector<16xi32>
          %ge3A_1098 = arith.cmpi sge, %add3A_1056, %ge3A_1097 : vector<16xi32>
          %lt3A_1099 = vector.broadcast %squeeze3A_537 : i32 to vector<16xi32>
          %lt3A_1100 = arith.cmpi slt, %add3A_1056, %lt3A_1099 : vector<16xi32>
          %and3A_1101 = arith.andi %ge3A_1098, %lt3A_1100 : vector<16xi1>
          %mul3A_1102 = arith.constant 9 : i32
          %mul3A_1103 = vector.broadcast %mul3A_1102 : i32 to vector<16xi32>
          %mul3A_1104 = arith.muli %select_n3A_1096, %mul3A_1103 : vector<16xi32>
          %add3A_1105 = arith.addi %mul3A_1104, %get3A_1058 : vector<16xi32>
          %jit3A_1106 = arith.constant 576 : i32
          %broadcast_in_dim3A_1107 = vector.broadcast %jit3A_1106 : i32 to vector<16xi32>
          %select_n3A_1108 = arith.select %and3A_1101, %add3A_1105, %broadcast_in_dim3A_1107 : vector<16xi1>, vector<16xi32>
          %add3A_1109 = vector.broadcast %mul3A_2 : i32 to vector<16xi32>
          %add3A_1110 = arith.addi %select_n3A_1108, %add3A_1109 : vector<16xi32>
          %swap3A_1111 = arith.constant 64 : index
          %swap3A_1112 = tpu.vector_load %arg12[%swap3A_1111] {strides = array<i32>} : memref<128xi32, #tpu.memory_space<vmem>>, vector<16xi32>,
          tpu.vector_store %arg12[%swap3A_1111], %add3A_1110 {strides = array<i32>} : memref<128xi32, #tpu.memory_space<vmem>>, vector<16xi32>,
          %add3A_1113 = arith.constant 80 : i32
          %add3A_1114 = arith.addi %add3A_805, %add3A_1113 : i32
          %iota3A_1115 = tpu.iota {dimensions = array<i32: 0>} : vector<16xi32>
          %add3A_1116 = vector.broadcast %add3A_1114 : i32 to vector<16xi32>
          %add3A_1117 = arith.addi %add3A_1116, %iota3A_1115 : vector<16xi32>
          %get3A_1118 = arith.constant 80 : index
          %get3A_1119 = tpu.vector_load %arg11[%get3A_1118] {strides = array<i32>} : memref<512xi32, #tpu.memory_space<vmem>>, vector<16xi32>,
          %broadcast_in_dim3A_1120 = arith.constant 0 : i32
          %broadcast_in_dim3A_1121 = vector.broadcast %broadcast_in_dim3A_1120 : i32 to vector<16xi32>
          %add3A_1122 = arith.constant 32 : i32
          %add3A_1123 = vector.broadcast %add3A_1122 : i32 to vector<16xi32>
          %add3A_1124 = arith.addi %broadcast_in_dim3A_1121, %add3A_1123 : vector<16xi32>
          %gather3A_1125 = tpu.vector_load_idx %arg9[%add3A_1124] : memref<80xi32, #tpu.memory_space<vmem>>[vector<16xi32>], vector<16xi32>,
          %le3A_1126 = arith.cmpi sle, %gather3A_1125, %add3A_1117 : vector<16xi32>
          %select_n3A_1127 = arith.select %le3A_1126, %add3A_1124, %broadcast_in_dim3A_1121 : vector<16xi1>, vector<16xi32>
          %add3A_1128 = arith.constant 16 : i32
          %add3A_1129 = vector.broadcast %add3A_1128 : i32 to vector<16xi32>
          %add3A_1130 = arith.addi %select_n3A_1127, %add3A_1129 : vector<16xi32>
          %gather3A_1131 = tpu.vector_load_idx %arg9[%add3A_1130] : memref<80xi32, #tpu.memory_space<vmem>>[vector<16xi32>], vector<16xi32>,
          %le3A_1132 = arith.cmpi sle, %gather3A_1131, %add3A_1117 : vector<16xi32>
          %select_n3A_1133 = arith.select %le3A_1132, %add3A_1130, %select_n3A_1127 : vector<16xi1>, vector<16xi32>
          %add3A_1134 = arith.constant 8 : i32
          %add3A_1135 = vector.broadcast %add3A_1134 : i32 to vector<16xi32>
          %add3A_1136 = arith.addi %select_n3A_1133, %add3A_1135 : vector<16xi32>
          %gather3A_1137 = tpu.vector_load_idx %arg9[%add3A_1136] : memref<80xi32, #tpu.memory_space<vmem>>[vector<16xi32>], vector<16xi32>,
          %le3A_1138 = arith.cmpi sle, %gather3A_1137, %add3A_1117 : vector<16xi32>
          %select_n3A_1139 = arith.select %le3A_1138, %add3A_1136, %select_n3A_1133 : vector<16xi1>, vector<16xi32>
          %add3A_1140 = arith.constant 4 : i32
          %add3A_1141 = vector.broadcast %add3A_1140 : i32 to vector<16xi32>
          %add3A_1142 = arith.addi %select_n3A_1139, %add3A_1141 : vector<16xi32>
          %gather3A_1143 = tpu.vector_load_idx %arg9[%add3A_1142] : memref<80xi32, #tpu.memory_space<vmem>>[vector<16xi32>], vector<16xi32>,
          %le3A_1144 = arith.cmpi sle, %gather3A_1143, %add3A_1117 : vector<16xi32>
          %select_n3A_1145 = arith.select %le3A_1144, %add3A_1142, %select_n3A_1139 : vector<16xi1>, vector<16xi32>
          %add3A_1146 = arith.constant 2 : i32
          %add3A_1147 = vector.broadcast %add3A_1146 : i32 to vector<16xi32>
          %add3A_1148 = arith.addi %select_n3A_1145, %add3A_1147 : vector<16xi32>
          %gather3A_1149 = tpu.vector_load_idx %arg9[%add3A_1148] : memref<80xi32, #tpu.memory_space<vmem>>[vector<16xi32>], vector<16xi32>,
          %le3A_1150 = arith.cmpi sle, %gather3A_1149, %add3A_1117 : vector<16xi32>
          %select_n3A_1151 = arith.select %le3A_1150, %add3A_1148, %select_n3A_1145 : vector<16xi1>, vector<16xi32>
          %add3A_1152 = arith.constant 1 : i32
          %add3A_1153 = vector.broadcast %add3A_1152 : i32 to vector<16xi32>
          %add3A_1154 = arith.addi %select_n3A_1151, %add3A_1153 : vector<16xi32>
          %gather3A_1155 = tpu.vector_load_idx %arg9[%add3A_1154] : memref<80xi32, #tpu.memory_space<vmem>>[vector<16xi32>], vector<16xi32>,
          %le3A_1156 = arith.cmpi sle, %gather3A_1155, %add3A_1117 : vector<16xi32>
          %select_n3A_1157 = arith.select %le3A_1156, %add3A_1154, %select_n3A_1151 : vector<16xi1>, vector<16xi32>
          %ge3A_1158 = vector.broadcast %squeeze3A : i32 to vector<16xi32>
          %ge3A_1159 = arith.cmpi sge, %add3A_1117, %ge3A_1158 : vector<16xi32>
          %lt3A_1160 = vector.broadcast %squeeze3A_537 : i32 to vector<16xi32>
          %lt3A_1161 = arith.cmpi slt, %add3A_1117, %lt3A_1160 : vector<16xi32>
          %and3A_1162 = arith.andi %ge3A_1159, %lt3A_1161 : vector<16xi1>
          %mul3A_1163 = arith.constant 9 : i32
          %mul3A_1164 = vector.broadcast %mul3A_1163 : i32 to vector<16xi32>
          %mul3A_1165 = arith.muli %select_n3A_1157, %mul3A_1164 : vector<16xi32>
          %add3A_1166 = arith.addi %mul3A_1165, %get3A_1119 : vector<16xi32>
          %jit3A_1167 = arith.constant 576 : i32
          %broadcast_in_dim3A_1168 = vector.broadcast %jit3A_1167 : i32 to vector<16xi32>
          %select_n3A_1169 = arith.select %and3A_1162, %add3A_1166, %broadcast_in_dim3A_1168 : vector<16xi1>, vector<16xi32>
          %add3A_1170 = vector.broadcast %mul3A_2 : i32 to vector<16xi32>
          %add3A_1171 = arith.addi %select_n3A_1169, %add3A_1170 : vector<16xi32>
          %swap3A_1172 = arith.constant 80 : index
          %swap3A_1173 = tpu.vector_load %arg12[%swap3A_1172] {strides = array<i32>} : memref<128xi32, #tpu.memory_space<vmem>>, vector<16xi32>,
          tpu.vector_store %arg12[%swap3A_1172], %add3A_1171 {strides = array<i32>} : memref<128xi32, #tpu.memory_space<vmem>>, vector<16xi32>,
          %add3A_1174 = arith.constant 96 : i32
          %add3A_1175 = arith.addi %add3A_805, %add3A_1174 : i32
          %iota3A_1176 = tpu.iota {dimensions = array<i32: 0>} : vector<16xi32>
          %add3A_1177 = vector.broadcast %add3A_1175 : i32 to vector<16xi32>
          %add3A_1178 = arith.addi %add3A_1177, %iota3A_1176 : vector<16xi32>
          %get3A_1179 = arith.constant 96 : index
          %get3A_1180 = tpu.vector_load %arg11[%get3A_1179] {strides = array<i32>} : memref<512xi32, #tpu.memory_space<vmem>>, vector<16xi32>,
          %broadcast_in_dim3A_1181 = arith.constant 0 : i32
          %broadcast_in_dim3A_1182 = vector.broadcast %broadcast_in_dim3A_1181 : i32 to vector<16xi32>
          %add3A_1183 = arith.constant 32 : i32
          %add3A_1184 = vector.broadcast %add3A_1183 : i32 to vector<16xi32>
          %add3A_1185 = arith.addi %broadcast_in_dim3A_1182, %add3A_1184 : vector<16xi32>
          %gather3A_1186 = tpu.vector_load_idx %arg9[%add3A_1185] : memref<80xi32, #tpu.memory_space<vmem>>[vector<16xi32>], vector<16xi32>,
          %le3A_1187 = arith.cmpi sle, %gather3A_1186, %add3A_1178 : vector<16xi32>
          %select_n3A_1188 = arith.select %le3A_1187, %add3A_1185, %broadcast_in_dim3A_1182 : vector<16xi1>, vector<16xi32>
          %add3A_1189 = arith.constant 16 : i32
          %add3A_1190 = vector.broadcast %add3A_1189 : i32 to vector<16xi32>
          %add3A_1191 = arith.addi %select_n3A_1188, %add3A_1190 : vector<16xi32>
          %gather3A_1192 = tpu.vector_load_idx %arg9[%add3A_1191] : memref<80xi32, #tpu.memory_space<vmem>>[vector<16xi32>], vector<16xi32>,
          %le3A_1193 = arith.cmpi sle, %gather3A_1192, %add3A_1178 : vector<16xi32>
          %select_n3A_1194 = arith.select %le3A_1193, %add3A_1191, %select_n3A_1188 : vector<16xi1>, vector<16xi32>
          %add3A_1195 = arith.constant 8 : i32
          %add3A_1196 = vector.broadcast %add3A_1195 : i32 to vector<16xi32>
          %add3A_1197 = arith.addi %select_n3A_1194, %add3A_1196 : vector<16xi32>
          %gather3A_1198 = tpu.vector_load_idx %arg9[%add3A_1197] : memref<80xi32, #tpu.memory_space<vmem>>[vector<16xi32>], vector<16xi32>,
          %le3A_1199 = arith.cmpi sle, %gather3A_1198, %add3A_1178 : vector<16xi32>
          %select_n3A_1200 = arith.select %le3A_1199, %add3A_1197, %select_n3A_1194 : vector<16xi1>, vector<16xi32>
          %add3A_1201 = arith.constant 4 : i32
          %add3A_1202 = vector.broadcast %add3A_1201 : i32 to vector<16xi32>
          %add3A_1203 = arith.addi %select_n3A_1200, %add3A_1202 : vector<16xi32>
          %gather3A_1204 = tpu.vector_load_idx %arg9[%add3A_1203] : memref<80xi32, #tpu.memory_space<vmem>>[vector<16xi32>], vector<16xi32>,
          %le3A_1205 = arith.cmpi sle, %gather3A_1204, %add3A_1178 : vector<16xi32>
          %select_n3A_1206 = arith.select %le3A_1205, %add3A_1203, %select_n3A_1200 : vector<16xi1>, vector<16xi32>
          %add3A_1207 = arith.constant 2 : i32
          %add3A_1208 = vector.broadcast %add3A_1207 : i32 to vector<16xi32>
          %add3A_1209 = arith.addi %select_n3A_1206, %add3A_1208 : vector<16xi32>
          %gather3A_1210 = tpu.vector_load_idx %arg9[%add3A_1209] : memref<80xi32, #tpu.memory_space<vmem>>[vector<16xi32>], vector<16xi32>,
          %le3A_1211 = arith.cmpi sle, %gather3A_1210, %add3A_1178 : vector<16xi32>
          %select_n3A_1212 = arith.select %le3A_1211, %add3A_1209, %select_n3A_1206 : vector<16xi1>, vector<16xi32>
          %add3A_1213 = arith.constant 1 : i32
          %add3A_1214 = vector.broadcast %add3A_1213 : i32 to vector<16xi32>
          %add3A_1215 = arith.addi %select_n3A_1212, %add3A_1214 : vector<16xi32>
          %gather3A_1216 = tpu.vector_load_idx %arg9[%add3A_1215] : memref<80xi32, #tpu.memory_space<vmem>>[vector<16xi32>], vector<16xi32>,
          %le3A_1217 = arith.cmpi sle, %gather3A_1216, %add3A_1178 : vector<16xi32>
          %select_n3A_1218 = arith.select %le3A_1217, %add3A_1215, %select_n3A_1212 : vector<16xi1>, vector<16xi32>
          %ge3A_1219 = vector.broadcast %squeeze3A : i32 to vector<16xi32>
          %ge3A_1220 = arith.cmpi sge, %add3A_1178, %ge3A_1219 : vector<16xi32>
          %lt3A_1221 = vector.broadcast %squeeze3A_537 : i32 to vector<16xi32>
          %lt3A_1222 = arith.cmpi slt, %add3A_1178, %lt3A_1221 : vector<16xi32>
          %and3A_1223 = arith.andi %ge3A_1220, %lt3A_1222 : vector<16xi1>
          %mul3A_1224 = arith.constant 9 : i32
          %mul3A_1225 = vector.broadcast %mul3A_1224 : i32 to vector<16xi32>
          %mul3A_1226 = arith.muli %select_n3A_1218, %mul3A_1225 : vector<16xi32>
          %add3A_1227 = arith.addi %mul3A_1226, %get3A_1180 : vector<16xi32>
          %jit3A_1228 = arith.constant 576 : i32
          %broadcast_in_dim3A_1229 = vector.broadcast %jit3A_1228 : i32 to vector<16xi32>
          %select_n3A_1230 = arith.select %and3A_1223, %add3A_1227, %broadcast_in_dim3A_1229 : vector<16xi1>, vector<16xi32>
          %add3A_1231 = vector.broadcast %mul3A_2 : i32 to vector<16xi32>
          %add3A_1232 = arith.addi %select_n3A_1230, %add3A_1231 : vector<16xi32>
          %swap3A_1233 = arith.constant 96 : index
          %swap3A_1234 = tpu.vector_load %arg12[%swap3A_1233] {strides = array<i32>} : memref<128xi32, #tpu.memory_space<vmem>>, vector<16xi32>,
          tpu.vector_store %arg12[%swap3A_1233], %add3A_1232 {strides = array<i32>} : memref<128xi32, #tpu.memory_space<vmem>>, vector<16xi32>,
          %add3A_1235 = arith.constant 112 : i32
          %add3A_1236 = arith.addi %add3A_805, %add3A_1235 : i32
          %iota3A_1237 = tpu.iota {dimensions = array<i32: 0>} : vector<16xi32>
          %add3A_1238 = vector.broadcast %add3A_1236 : i32 to vector<16xi32>
          %add3A_1239 = arith.addi %add3A_1238, %iota3A_1237 : vector<16xi32>
          %get3A_1240 = arith.constant 112 : index
          %get3A_1241 = tpu.vector_load %arg11[%get3A_1240] {strides = array<i32>} : memref<512xi32, #tpu.memory_space<vmem>>, vector<16xi32>,
          %broadcast_in_dim3A_1242 = arith.constant 0 : i32
          %broadcast_in_dim3A_1243 = vector.broadcast %broadcast_in_dim3A_1242 : i32 to vector<16xi32>
          %add3A_1244 = arith.constant 32 : i32
          %add3A_1245 = vector.broadcast %add3A_1244 : i32 to vector<16xi32>
          %add3A_1246 = arith.addi %broadcast_in_dim3A_1243, %add3A_1245 : vector<16xi32>
          %gather3A_1247 = tpu.vector_load_idx %arg9[%add3A_1246] : memref<80xi32, #tpu.memory_space<vmem>>[vector<16xi32>], vector<16xi32>,
          %le3A_1248 = arith.cmpi sle, %gather3A_1247, %add3A_1239 : vector<16xi32>
          %select_n3A_1249 = arith.select %le3A_1248, %add3A_1246, %broadcast_in_dim3A_1243 : vector<16xi1>, vector<16xi32>
          %add3A_1250 = arith.constant 16 : i32
          %add3A_1251 = vector.broadcast %add3A_1250 : i32 to vector<16xi32>
          %add3A_1252 = arith.addi %select_n3A_1249, %add3A_1251 : vector<16xi32>
          %gather3A_1253 = tpu.vector_load_idx %arg9[%add3A_1252] : memref<80xi32, #tpu.memory_space<vmem>>[vector<16xi32>], vector<16xi32>,
          %le3A_1254 = arith.cmpi sle, %gather3A_1253, %add3A_1239 : vector<16xi32>
          %select_n3A_1255 = arith.select %le3A_1254, %add3A_1252, %select_n3A_1249 : vector<16xi1>, vector<16xi32>
          %add3A_1256 = arith.constant 8 : i32
          %add3A_1257 = vector.broadcast %add3A_1256 : i32 to vector<16xi32>
          %add3A_1258 = arith.addi %select_n3A_1255, %add3A_1257 : vector<16xi32>
          %gather3A_1259 = tpu.vector_load_idx %arg9[%add3A_1258] : memref<80xi32, #tpu.memory_space<vmem>>[vector<16xi32>], vector<16xi32>,
          %le3A_1260 = arith.cmpi sle, %gather3A_1259, %add3A_1239 : vector<16xi32>
          %select_n3A_1261 = arith.select %le3A_1260, %add3A_1258, %select_n3A_1255 : vector<16xi1>, vector<16xi32>
          %add3A_1262 = arith.constant 4 : i32
          %add3A_1263 = vector.broadcast %add3A_1262 : i32 to vector<16xi32>
          %add3A_1264 = arith.addi %select_n3A_1261, %add3A_1263 : vector<16xi32>
          %gather3A_1265 = tpu.vector_load_idx %arg9[%add3A_1264] : memref<80xi32, #tpu.memory_space<vmem>>[vector<16xi32>], vector<16xi32>,
          %le3A_1266 = arith.cmpi sle, %gather3A_1265, %add3A_1239 : vector<16xi32>
          %select_n3A_1267 = arith.select %le3A_1266, %add3A_1264, %select_n3A_1261 : vector<16xi1>, vector<16xi32>
          %add3A_1268 = arith.constant 2 : i32
          %add3A_1269 = vector.broadcast %add3A_1268 : i32 to vector<16xi32>
          %add3A_1270 = arith.addi %select_n3A_1267, %add3A_1269 : vector<16xi32>
          %gather3A_1271 = tpu.vector_load_idx %arg9[%add3A_1270] : memref<80xi32, #tpu.memory_space<vmem>>[vector<16xi32>], vector<16xi32>,
          %le3A_1272 = arith.cmpi sle, %gather3A_1271, %add3A_1239 : vector<16xi32>
          %select_n3A_1273 = arith.select %le3A_1272, %add3A_1270, %select_n3A_1267 : vector<16xi1>, vector<16xi32>
          %add3A_1274 = arith.constant 1 : i32
          %add3A_1275 = vector.broadcast %add3A_1274 : i32 to vector<16xi32>
          %add3A_1276 = arith.addi %select_n3A_1273, %add3A_1275 : vector<16xi32>
          %gather3A_1277 = tpu.vector_load_idx %arg9[%add3A_1276] : memref<80xi32, #tpu.memory_space<vmem>>[vector<16xi32>], vector<16xi32>,
          %le3A_1278 = arith.cmpi sle, %gather3A_1277, %add3A_1239 : vector<16xi32>
          %select_n3A_1279 = arith.select %le3A_1278, %add3A_1276, %select_n3A_1273 : vector<16xi1>, vector<16xi32>
          %ge3A_1280 = vector.broadcast %squeeze3A : i32 to vector<16xi32>
          %ge3A_1281 = arith.cmpi sge, %add3A_1239, %ge3A_1280 : vector<16xi32>
          %lt3A_1282 = vector.broadcast %squeeze3A_537 : i32 to vector<16xi32>
          %lt3A_1283 = arith.cmpi slt, %add3A_1239, %lt3A_1282 : vector<16xi32>
          %and3A_1284 = arith.andi %ge3A_1281, %lt3A_1283 : vector<16xi1>
          %mul3A_1285 = arith.constant 9 : i32
          %mul3A_1286 = vector.broadcast %mul3A_1285 : i32 to vector<16xi32>
          %mul3A_1287 = arith.muli %select_n3A_1279, %mul3A_1286 : vector<16xi32>
          %add3A_1288 = arith.addi %mul3A_1287, %get3A_1241 : vector<16xi32>
          %jit3A_1289 = arith.constant 576 : i32
          %broadcast_in_dim3A_1290 = vector.broadcast %jit3A_1289 : i32 to vector<16xi32>
          %select_n3A_1291 = arith.select %and3A_1284, %add3A_1288, %broadcast_in_dim3A_1290 : vector<16xi1>, vector<16xi32>
          %add3A_1292 = vector.broadcast %mul3A_2 : i32 to vector<16xi32>
          %add3A_1293 = arith.addi %select_n3A_1291, %add3A_1292 : vector<16xi32>
          %swap3A_1294 = arith.constant 112 : index
          %swap3A_1295 = tpu.vector_load %arg12[%swap3A_1294] {strides = array<i32>} : memref<128xi32, #tpu.memory_space<vmem>>, vector<16xi32>,
          tpu.vector_store %arg12[%swap3A_1294], %add3A_1293 {strides = array<i32>} : memref<128xi32, #tpu.memory_space<vmem>>, vector<16xi32>,
        } else {
        }
        %add3A_770 = arith.constant 0 : i32
        %add3A_771 = arith.addi %mul3A_765, %add3A_770 : i32
        %lt3A_772 = arith.cmpi slt, %add3A_771, %select_n3A : i32
        %convert_element_type3A_773 = arith.extui %lt3A_772 : i1 to i32
        %cond3A_774 = arith.constant 0 : i32
        %cond3A_775 = arith.cmpi ne, %convert_element_type3A_773, %cond3A_774 : i32
        scf.if %cond3A_775 {
          %add3A_794 = arith.constant 0 : i32
          %add3A_795 = arith.addi %mul3A_765, %add3A_794 : i32
          %add3A_796 = arith.constant 1 : i32
          %add3A_797 = arith.addi %add3A_795, %add3A_796 : i32
          %lt3A_798 = arith.cmpi slt, %add3A_797, %select_n3A : i32
          %convert_element_type3A_799 = arith.extui %lt3A_798 : i1 to i32
          %cond3A_800 = arith.constant 0 : i32
          %cond3A_801 = arith.cmpi ne, %convert_element_type3A_799, %cond3A_800 : i32
          scf.if %cond3A_801 {
            %add3A_810 = arith.constant 1 : i32
            %add3A_811 = arith.addi %mul3A_765, %add3A_810 : i32
            %ge3A_812 = arith.constant 2 : i32
            %ge3A_813 = arith.cmpi sge, %add3A_811, %ge3A_812 : i32
            %convert_element_type3A_814 = arith.extui %ge3A_813 : i1 to i32
            %cond3A_815 = arith.constant 0 : i32
            %cond3A_816 = arith.cmpi ne, %convert_element_type3A_814, %cond3A_815 : i32
            scf.if %cond3A_816 {
              %dma_wait3A_1312 = arith.constant 0 : i32
              %dma_wait3A_1313 = arith.constant 0 : i32
              %dma_wait3A_1314 = tpu.memref_slice %arg8[%dma_wait3A_1312, %dma_wait3A_1313] : memref<9344x128xf32, #tpu.memory_space<vmem_shared>> -> memref<9344x128xf32, #tpu.memory_space<vmem_shared>>
              tpu.wait_indirect_dma semaphore(%arg21 : memref<!tpu.dma_semaphore, #tpu.memory_space<semaphore_mem>>) src(%arg16 : memref<128x128xf32, #tpu.memory_space<vmem>>) dst(%dma_wait3A_1314 : memref<9344x128xf32, #tpu.memory_space<vmem_shared>>)
            } else {
            }
            %add3A_817 = arith.constant 1 : i32
            %add3A_818 = arith.addi %mul3A_765, %add3A_817 : i32
            %mul3A_819 = arith.constant 128 : i32
            %mul3A_820 = arith.muli %add3A_818, %mul3A_819 : i32
            %add3A_821 = arith.addi %and3A_538, %mul3A_820 : i32
            %dma_start3A_822 = arith.constant 128 : i32
            %dma_start3A_823 = tpu.memref_slice %arg10[%dma_start3A_822] : memref<512xi32, #tpu.memory_space<vmem>> -> memref<128xi32, #tpu.memory_space<vmem>>
            %dma_start3A_824 = arith.constant 0 : i32
            %dma_start3A_825 = arith.constant 0 : i32
            %dma_start3A_826 = tpu.memref_slice %arg2[%dma_start3A_824, %dma_start3A_825] : memref<10000x128xf32, #tpu.memory_space<hbm>> -> memref<10000x128xf32, #tpu.memory_space<hbm>>
            tpu.enqueue_indirect_dma source(%dma_start3A_826 : memref<10000x128xf32, #tpu.memory_space<hbm>>) target(%arg16 : memref<128x128xf32, #tpu.memory_space<vmem>>) offsets(%dma_start3A_823 : memref<128xi32, #tpu.memory_space<vmem>>) semaphore(%arg19 : memref<!tpu.dma_semaphore, #tpu.memory_space<semaphore_mem>>)
            %add3A_827 = arith.constant 0 : i32
            %add3A_828 = arith.addi %add3A_821, %add3A_827 : i32
            %iota3A_829 = tpu.iota {dimensions = array<i32: 0>} : vector<16xi32>
            %add3A_830 = vector.broadcast %add3A_828 : i32 to vector<16xi32>
            %add3A_831 = arith.addi %add3A_830, %iota3A_829 : vector<16xi32>
            %get3A_832 = arith.constant 128 : index
            %get3A_833 = tpu.vector_load %arg11[%get3A_832] {strides = array<i32>} : memref<512xi32, #tpu.memory_space<vmem>>, vector<16xi32>,
            %broadcast_in_dim3A = arith.constant 0 : i32
            %broadcast_in_dim3A_834 = vector.broadcast %broadcast_in_dim3A : i32 to vector<16xi32>
            %add3A_835 = arith.constant 32 : i32
            %add3A_836 = vector.broadcast %add3A_835 : i32 to vector<16xi32>
            %add3A_837 = arith.addi %broadcast_in_dim3A_834, %add3A_836 : vector<16xi32>
            %gather3A = tpu.vector_load_idx %arg9[%add3A_837] : memref<80xi32, #tpu.memory_space<vmem>>[vector<16xi32>], vector<16xi32>,
            %le3A = arith.cmpi sle, %gather3A, %add3A_831 : vector<16xi32>
            %select_n3A_838 = arith.select %le3A, %add3A_837, %broadcast_in_dim3A_834 : vector<16xi1>, vector<16xi32>
            %add3A_839 = arith.constant 16 : i32
            %add3A_840 = vector.broadcast %add3A_839 : i32 to vector<16xi32>
            %add3A_841 = arith.addi %select_n3A_838, %add3A_840 : vector<16xi32>
            %gather3A_842 = tpu.vector_load_idx %arg9[%add3A_841] : memref<80xi32, #tpu.memory_space<vmem>>[vector<16xi32>], vector<16xi32>,
            %le3A_843 = arith.cmpi sle, %gather3A_842, %add3A_831 : vector<16xi32>
            %select_n3A_844 = arith.select %le3A_843, %add3A_841, %select_n3A_838 : vector<16xi1>, vector<16xi32>
            %add3A_845 = arith.constant 8 : i32
            %add3A_846 = vector.broadcast %add3A_845 : i32 to vector<16xi32>
            %add3A_847 = arith.addi %select_n3A_844, %add3A_846 : vector<16xi32>
            %gather3A_848 = tpu.vector_load_idx %arg9[%add3A_847] : memref<80xi32, #tpu.memory_space<vmem>>[vector<16xi32>], vector<16xi32>,
            %le3A_849 = arith.cmpi sle, %gather3A_848, %add3A_831 : vector<16xi32>
            %select_n3A_850 = arith.select %le3A_849, %add3A_847, %select_n3A_844 : vector<16xi1>, vector<16xi32>
            %add3A_851 = arith.constant 4 : i32
            %add3A_852 = vector.broadcast %add3A_851 : i32 to vector<16xi32>
            %add3A_853 = arith.addi %select_n3A_850, %add3A_852 : vector<16xi32>
            %gather3A_854 = tpu.vector_load_idx %arg9[%add3A_853] : memref<80xi32, #tpu.memory_space<vmem>>[vector<16xi32>], vector<16xi32>,
            %le3A_855 = arith.cmpi sle, %gather3A_854, %add3A_831 : vector<16xi32>
            %select_n3A_856 = arith.select %le3A_855, %add3A_853, %select_n3A_850 : vector<16xi1>, vector<16xi32>
            %add3A_857 = arith.constant 2 : i32
            %add3A_858 = vector.broadcast %add3A_857 : i32 to vector<16xi32>
            %add3A_859 = arith.addi %select_n3A_856, %add3A_858 : vector<16xi32>
            %gather3A_860 = tpu.vector_load_idx %arg9[%add3A_859] : memref<80xi32, #tpu.memory_space<vmem>>[vector<16xi32>], vector<16xi32>,
            %le3A_861 = arith.cmpi sle, %gather3A_860, %add3A_831 : vector<16xi32>
            %select_n3A_862 = arith.select %le3A_861, %add3A_859, %select_n3A_856 : vector<16xi1>, vector<16xi32>
            %add3A_863 = arith.constant 1 : i32
            %add3A_864 = vector.broadcast %add3A_863 : i32 to vector<16xi32>
            %add3A_865 = arith.addi %select_n3A_862, %add3A_864 : vector<16xi32>
            %gather3A_866 = tpu.vector_load_idx %arg9[%add3A_865] : memref<80xi32, #tpu.memory_space<vmem>>[vector<16xi32>], vector<16xi32>,
            %le3A_867 = arith.cmpi sle, %gather3A_866, %add3A_831 : vector<16xi32>
            %select_n3A_868 = arith.select %le3A_867, %add3A_865, %select_n3A_862 : vector<16xi1>, vector<16xi32>
            %ge3A_869 = vector.broadcast %squeeze3A : i32 to vector<16xi32>
            %ge3A_870 = arith.cmpi sge, %add3A_831, %ge3A_869 : vector<16xi32>
            %lt3A_871 = vector.broadcast %squeeze3A_537 : i32 to vector<16xi32>
            %lt3A_872 = arith.cmpi slt, %add3A_831, %lt3A_871 : vector<16xi32>
            %and3A_873 = arith.andi %ge3A_870, %lt3A_872 : vector<16xi1>
            %mul3A_874 = arith.constant 9 : i32
            %mul3A_875 = vector.broadcast %mul3A_874 : i32 to vector<16xi32>
            %mul3A_876 = arith.muli %select_n3A_868, %mul3A_875 : vector<16xi32>
            %add3A_877 = arith.addi %mul3A_876, %get3A_833 : vector<16xi32>
            %jit3A_878 = arith.constant 576 : i32
            %broadcast_in_dim3A_879 = vector.broadcast %jit3A_878 : i32 to vector<16xi32>
            %select_n3A_880 = arith.select %and3A_873, %add3A_877, %broadcast_in_dim3A_879 : vector<16xi1>, vector<16xi32>
            %add3A_881 = vector.broadcast %mul3A_2 : i32 to vector<16xi32>
            %add3A_882 = arith.addi %select_n3A_880, %add3A_881 : vector<16xi32>
            %swap3A_883 = arith.constant 0 : index
            %swap3A_884 = tpu.vector_load %arg13[%swap3A_883] {strides = array<i32>} : memref<128xi32, #tpu.memory_space<vmem>>, vector<16xi32>,
            tpu.vector_store %arg13[%swap3A_883], %add3A_882 {strides = array<i32>} : memref<128xi32, #tpu.memory_space<vmem>>, vector<16xi32>,
            %add3A_885 = arith.constant 16 : i32
            %add3A_886 = arith.addi %add3A_821, %add3A_885 : i32
            %iota3A_887 = tpu.iota {dimensions = array<i32: 0>} : vector<16xi32>
            %add3A_888 = vector.broadcast %add3A_886 : i32 to vector<16xi32>
            %add3A_889 = arith.addi %add3A_888, %iota3A_887 : vector<16xi32>
            %get3A_890 = arith.constant 144 : index
            %get3A_891 = tpu.vector_load %arg11[%get3A_890] {strides = array<i32>} : memref<512xi32, #tpu.memory_space<vmem>>, vector<16xi32>,
            %broadcast_in_dim3A_892 = arith.constant 0 : i32
            %broadcast_in_dim3A_893 = vector.broadcast %broadcast_in_dim3A_892 : i32 to vector<16xi32>
            %add3A_894 = arith.constant 32 : i32
            %add3A_895 = vector.broadcast %add3A_894 : i32 to vector<16xi32>
            %add3A_896 = arith.addi %broadcast_in_dim3A_893, %add3A_895 : vector<16xi32>
            %gather3A_897 = tpu.vector_load_idx %arg9[%add3A_896] : memref<80xi32, #tpu.memory_space<vmem>>[vector<16xi32>], vector<16xi32>,
            %le3A_898 = arith.cmpi sle, %gather3A_897, %add3A_889 : vector<16xi32>
            %select_n3A_899 = arith.select %le3A_898, %add3A_896, %broadcast_in_dim3A_893 : vector<16xi1>, vector<16xi32>
            %add3A_900 = arith.constant 16 : i32
            %add3A_901 = vector.broadcast %add3A_900 : i32 to vector<16xi32>
            %add3A_902 = arith.addi %select_n3A_899, %add3A_901 : vector<16xi32>
            %gather3A_903 = tpu.vector_load_idx %arg9[%add3A_902] : memref<80xi32, #tpu.memory_space<vmem>>[vector<16xi32>], vector<16xi32>,
            %le3A_904 = arith.cmpi sle, %gather3A_903, %add3A_889 : vector<16xi32>
            %select_n3A_905 = arith.select %le3A_904, %add3A_902, %select_n3A_899 : vector<16xi1>, vector<16xi32>
            %add3A_906 = arith.constant 8 : i32
            %add3A_907 = vector.broadcast %add3A_906 : i32 to vector<16xi32>
            %add3A_908 = arith.addi %select_n3A_905, %add3A_907 : vector<16xi32>
            %gather3A_909 = tpu.vector_load_idx %arg9[%add3A_908] : memref<80xi32, #tpu.memory_space<vmem>>[vector<16xi32>], vector<16xi32>,
            %le3A_910 = arith.cmpi sle, %gather3A_909, %add3A_889 : vector<16xi32>
            %select_n3A_911 = arith.select %le3A_910, %add3A_908, %select_n3A_905 : vector<16xi1>, vector<16xi32>
            %add3A_912 = arith.constant 4 : i32
            %add3A_913 = vector.broadcast %add3A_912 : i32 to vector<16xi32>
            %add3A_914 = arith.addi %select_n3A_911, %add3A_913 : vector<16xi32>
            %gather3A_915 = tpu.vector_load_idx %arg9[%add3A_914] : memref<80xi32, #tpu.memory_space<vmem>>[vector<16xi32>], vector<16xi32>,
            %le3A_916 = arith.cmpi sle, %gather3A_915, %add3A_889 : vector<16xi32>
            %select_n3A_917 = arith.select %le3A_916, %add3A_914, %select_n3A_911 : vector<16xi1>, vector<16xi32>
            %add3A_918 = arith.constant 2 : i32
            %add3A_919 = vector.broadcast %add3A_918 : i32 to vector<16xi32>
            %add3A_920 = arith.addi %select_n3A_917, %add3A_919 : vector<16xi32>
            %gather3A_921 = tpu.vector_load_idx %arg9[%add3A_920] : memref<80xi32, #tpu.memory_space<vmem>>[vector<16xi32>], vector<16xi32>,
            %le3A_922 = arith.cmpi sle, %gather3A_921, %add3A_889 : vector<16xi32>
            %select_n3A_923 = arith.select %le3A_922, %add3A_920, %select_n3A_917 : vector<16xi1>, vector<16xi32>
            %add3A_924 = arith.constant 1 : i32
            %add3A_925 = vector.broadcast %add3A_924 : i32 to vector<16xi32>
            %add3A_926 = arith.addi %select_n3A_923, %add3A_925 : vector<16xi32>
            %gather3A_927 = tpu.vector_load_idx %arg9[%add3A_926] : memref<80xi32, #tpu.memory_space<vmem>>[vector<16xi32>], vector<16xi32>,
            %le3A_928 = arith.cmpi sle, %gather3A_927, %add3A_889 : vector<16xi32>
            %select_n3A_929 = arith.select %le3A_928, %add3A_926, %select_n3A_923 : vector<16xi1>, vector<16xi32>
            %ge3A_930 = vector.broadcast %squeeze3A : i32 to vector<16xi32>
            %ge3A_931 = arith.cmpi sge, %add3A_889, %ge3A_930 : vector<16xi32>
            %lt3A_932 = vector.broadcast %squeeze3A_537 : i32 to vector<16xi32>
            %lt3A_933 = arith.cmpi slt, %add3A_889, %lt3A_932 : vector<16xi32>
            %and3A_934 = arith.andi %ge3A_931, %lt3A_933 : vector<16xi1>
            %mul3A_935 = arith.constant 9 : i32
            %mul3A_936 = vector.broadcast %mul3A_935 : i32 to vector<16xi32>
            %mul3A_937 = arith.muli %select_n3A_929, %mul3A_936 : vector<16xi32>
            %add3A_938 = arith.addi %mul3A_937, %get3A_891 : vector<16xi32>
            %jit3A_939 = arith.constant 576 : i32
            %broadcast_in_dim3A_940 = vector.broadcast %jit3A_939 : i32 to vector<16xi32>
            %select_n3A_941 = arith.select %and3A_934, %add3A_938, %broadcast_in_dim3A_940 : vector<16xi1>, vector<16xi32>
            %add3A_942 = vector.broadcast %mul3A_2 : i32 to vector<16xi32>
            %add3A_943 = arith.addi %select_n3A_941, %add3A_942 : vector<16xi32>
            %swap3A_944 = arith.constant 16 : index
            %swap3A_945 = tpu.vector_load %arg13[%swap3A_944] {strides = array<i32>} : memref<128xi32, #tpu.memory_space<vmem>>, vector<16xi32>,
            tpu.vector_store %arg13[%swap3A_944], %add3A_943 {strides = array<i32>} : memref<128xi32, #tpu.memory_space<vmem>>, vector<16xi32>,
            %add3A_946 = arith.constant 32 : i32
            %add3A_947 = arith.addi %add3A_821, %add3A_946 : i32
            %iota3A_948 = tpu.iota {dimensions = array<i32: 0>} : vector<16xi32>
            %add3A_949 = vector.broadcast %add3A_947 : i32 to vector<16xi32>
            %add3A_950 = arith.addi %add3A_949, %iota3A_948 : vector<16xi32>
            %get3A_951 = arith.constant 160 : index
            %get3A_952 = tpu.vector_load %arg11[%get3A_951] {strides = array<i32>} : memref<512xi32, #tpu.memory_space<vmem>>, vector<16xi32>,
            %broadcast_in_dim3A_953 = arith.constant 0 : i32
            %broadcast_in_dim3A_954 = vector.broadcast %broadcast_in_dim3A_953 : i32 to vector<16xi32>
            %add3A_955 = arith.constant 32 : i32
            %add3A_956 = vector.broadcast %add3A_955 : i32 to vector<16xi32>
            %add3A_957 = arith.addi %broadcast_in_dim3A_954, %add3A_956 : vector<16xi32>
            %gather3A_958 = tpu.vector_load_idx %arg9[%add3A_957] : memref<80xi32, #tpu.memory_space<vmem>>[vector<16xi32>], vector<16xi32>,
            %le3A_959 = arith.cmpi sle, %gather3A_958, %add3A_950 : vector<16xi32>
            %select_n3A_960 = arith.select %le3A_959, %add3A_957, %broadcast_in_dim3A_954 : vector<16xi1>, vector<16xi32>
            %add3A_961 = arith.constant 16 : i32
            %add3A_962 = vector.broadcast %add3A_961 : i32 to vector<16xi32>
            %add3A_963 = arith.addi %select_n3A_960, %add3A_962 : vector<16xi32>
            %gather3A_964 = tpu.vector_load_idx %arg9[%add3A_963] : memref<80xi32, #tpu.memory_space<vmem>>[vector<16xi32>], vector<16xi32>,
            %le3A_965 = arith.cmpi sle, %gather3A_964, %add3A_950 : vector<16xi32>
            %select_n3A_966 = arith.select %le3A_965, %add3A_963, %select_n3A_960 : vector<16xi1>, vector<16xi32>
            %add3A_967 = arith.constant 8 : i32
            %add3A_968 = vector.broadcast %add3A_967 : i32 to vector<16xi32>
            %add3A_969 = arith.addi %select_n3A_966, %add3A_968 : vector<16xi32>
            %gather3A_970 = tpu.vector_load_idx %arg9[%add3A_969] : memref<80xi32, #tpu.memory_space<vmem>>[vector<16xi32>], vector<16xi32>,
            %le3A_971 = arith.cmpi sle, %gather3A_970, %add3A_950 : vector<16xi32>
            %select_n3A_972 = arith.select %le3A_971, %add3A_969, %select_n3A_966 : vector<16xi1>, vector<16xi32>
            %add3A_973 = arith.constant 4 : i32
            %add3A_974 = vector.broadcast %add3A_973 : i32 to vector<16xi32>
            %add3A_975 = arith.addi %select_n3A_972, %add3A_974 : vector<16xi32>
            %gather3A_976 = tpu.vector_load_idx %arg9[%add3A_975] : memref<80xi32, #tpu.memory_space<vmem>>[vector<16xi32>], vector<16xi32>,
            %le3A_977 = arith.cmpi sle, %gather3A_976, %add3A_950 : vector<16xi32>
            %select_n3A_978 = arith.select %le3A_977, %add3A_975, %select_n3A_972 : vector<16xi1>, vector<16xi32>
            %add3A_979 = arith.constant 2 : i32
            %add3A_980 = vector.broadcast %add3A_979 : i32 to vector<16xi32>
            %add3A_981 = arith.addi %select_n3A_978, %add3A_980 : vector<16xi32>
            %gather3A_982 = tpu.vector_load_idx %arg9[%add3A_981] : memref<80xi32, #tpu.memory_space<vmem>>[vector<16xi32>], vector<16xi32>,
            %le3A_983 = arith.cmpi sle, %gather3A_982, %add3A_950 : vector<16xi32>
            %select_n3A_984 = arith.select %le3A_983, %add3A_981, %select_n3A_978 : vector<16xi1>, vector<16xi32>
            %add3A_985 = arith.constant 1 : i32
            %add3A_986 = vector.broadcast %add3A_985 : i32 to vector<16xi32>
            %add3A_987 = arith.addi %select_n3A_984, %add3A_986 : vector<16xi32>
            %gather3A_988 = tpu.vector_load_idx %arg9[%add3A_987] : memref<80xi32, #tpu.memory_space<vmem>>[vector<16xi32>], vector<16xi32>,
            %le3A_989 = arith.cmpi sle, %gather3A_988, %add3A_950 : vector<16xi32>
            %select_n3A_990 = arith.select %le3A_989, %add3A_987, %select_n3A_984 : vector<16xi1>, vector<16xi32>
            %ge3A_991 = vector.broadcast %squeeze3A : i32 to vector<16xi32>
            %ge3A_992 = arith.cmpi sge, %add3A_950, %ge3A_991 : vector<16xi32>
            %lt3A_993 = vector.broadcast %squeeze3A_537 : i32 to vector<16xi32>
            %lt3A_994 = arith.cmpi slt, %add3A_950, %lt3A_993 : vector<16xi32>
            %and3A_995 = arith.andi %ge3A_992, %lt3A_994 : vector<16xi1>
            %mul3A_996 = arith.constant 9 : i32
            %mul3A_997 = vector.broadcast %mul3A_996 : i32 to vector<16xi32>
            %mul3A_998 = arith.muli %select_n3A_990, %mul3A_997 : vector<16xi32>
            %add3A_999 = arith.addi %mul3A_998, %get3A_952 : vector<16xi32>
            %jit3A_1000 = arith.constant 576 : i32
            %broadcast_in_dim3A_1001 = vector.broadcast %jit3A_1000 : i32 to vector<16xi32>
            %select_n3A_1002 = arith.select %and3A_995, %add3A_999, %broadcast_in_dim3A_1001 : vector<16xi1>, vector<16xi32>
            %add3A_1003 = vector.broadcast %mul3A_2 : i32 to vector<16xi32>
            %add3A_1004 = arith.addi %select_n3A_1002, %add3A_1003 : vector<16xi32>
            %swap3A_1005 = arith.constant 32 : index
            %swap3A_1006 = tpu.vector_load %arg13[%swap3A_1005] {strides = array<i32>} : memref<128xi32, #tpu.memory_space<vmem>>, vector<16xi32>,
            tpu.vector_store %arg13[%swap3A_1005], %add3A_1004 {strides = array<i32>} : memref<128xi32, #tpu.memory_space<vmem>>, vector<16xi32>,
            %add3A_1007 = arith.constant 48 : i32
            %add3A_1008 = arith.addi %add3A_821, %add3A_1007 : i32
            %iota3A_1009 = tpu.iota {dimensions = array<i32: 0>} : vector<16xi32>
            %add3A_1010 = vector.broadcast %add3A_1008 : i32 to vector<16xi32>
            %add3A_1011 = arith.addi %add3A_1010, %iota3A_1009 : vector<16xi32>
            %get3A_1012 = arith.constant 176 : index
            %get3A_1013 = tpu.vector_load %arg11[%get3A_1012] {strides = array<i32>} : memref<512xi32, #tpu.memory_space<vmem>>, vector<16xi32>,
            %broadcast_in_dim3A_1014 = arith.constant 0 : i32
            %broadcast_in_dim3A_1015 = vector.broadcast %broadcast_in_dim3A_1014 : i32 to vector<16xi32>
            %add3A_1016 = arith.constant 32 : i32
            %add3A_1017 = vector.broadcast %add3A_1016 : i32 to vector<16xi32>
            %add3A_1018 = arith.addi %broadcast_in_dim3A_1015, %add3A_1017 : vector<16xi32>
            %gather3A_1019 = tpu.vector_load_idx %arg9[%add3A_1018] : memref<80xi32, #tpu.memory_space<vmem>>[vector<16xi32>], vector<16xi32>,
            %le3A_1020 = arith.cmpi sle, %gather3A_1019, %add3A_1011 : vector<16xi32>
            %select_n3A_1021 = arith.select %le3A_1020, %add3A_1018, %broadcast_in_dim3A_1015 : vector<16xi1>, vector<16xi32>
            %add3A_1022 = arith.constant 16 : i32
            %add3A_1023 = vector.broadcast %add3A_1022 : i32 to vector<16xi32>
            %add3A_1024 = arith.addi %select_n3A_1021, %add3A_1023 : vector<16xi32>
            %gather3A_1025 = tpu.vector_load_idx %arg9[%add3A_1024] : memref<80xi32, #tpu.memory_space<vmem>>[vector<16xi32>], vector<16xi32>,
            %le3A_1026 = arith.cmpi sle, %gather3A_1025, %add3A_1011 : vector<16xi32>
            %select_n3A_1027 = arith.select %le3A_1026, %add3A_1024, %select_n3A_1021 : vector<16xi1>, vector<16xi32>
            %add3A_1028 = arith.constant 8 : i32
            %add3A_1029 = vector.broadcast %add3A_1028 : i32 to vector<16xi32>
            %add3A_1030 = arith.addi %select_n3A_1027, %add3A_1029 : vector<16xi32>
            %gather3A_1031 = tpu.vector_load_idx %arg9[%add3A_1030] : memref<80xi32, #tpu.memory_space<vmem>>[vector<16xi32>], vector<16xi32>,
            %le3A_1032 = arith.cmpi sle, %gather3A_1031, %add3A_1011 : vector<16xi32>
            %select_n3A_1033 = arith.select %le3A_1032, %add3A_1030, %select_n3A_1027 : vector<16xi1>, vector<16xi32>
            %add3A_1034 = arith.constant 4 : i32
            %add3A_1035 = vector.broadcast %add3A_1034 : i32 to vector<16xi32>
            %add3A_1036 = arith.addi %select_n3A_1033, %add3A_1035 : vector<16xi32>
            %gather3A_1037 = tpu.vector_load_idx %arg9[%add3A_1036] : memref<80xi32, #tpu.memory_space<vmem>>[vector<16xi32>], vector<16xi32>,
            %le3A_1038 = arith.cmpi sle, %gather3A_1037, %add3A_1011 : vector<16xi32>
            %select_n3A_1039 = arith.select %le3A_1038, %add3A_1036, %select_n3A_1033 : vector<16xi1>, vector<16xi32>
            %add3A_1040 = arith.constant 2 : i32
            %add3A_1041 = vector.broadcast %add3A_1040 : i32 to vector<16xi32>
            %add3A_1042 = arith.addi %select_n3A_1039, %add3A_1041 : vector<16xi32>
            %gather3A_1043 = tpu.vector_load_idx %arg9[%add3A_1042] : memref<80xi32, #tpu.memory_space<vmem>>[vector<16xi32>], vector<16xi32>,
            %le3A_1044 = arith.cmpi sle, %gather3A_1043, %add3A_1011 : vector<16xi32>
            %select_n3A_1045 = arith.select %le3A_1044, %add3A_1042, %select_n3A_1039 : vector<16xi1>, vector<16xi32>
            %add3A_1046 = arith.constant 1 : i32
            %add3A_1047 = vector.broadcast %add3A_1046 : i32 to vector<16xi32>
            %add3A_1048 = arith.addi %select_n3A_1045, %add3A_1047 : vector<16xi32>
            %gather3A_1049 = tpu.vector_load_idx %arg9[%add3A_1048] : memref<80xi32, #tpu.memory_space<vmem>>[vector<16xi32>], vector<16xi32>,
            %le3A_1050 = arith.cmpi sle, %gather3A_1049, %add3A_1011 : vector<16xi32>
            %select_n3A_1051 = arith.select %le3A_1050, %add3A_1048, %select_n3A_1045 : vector<16xi1>, vector<16xi32>
            %ge3A_1052 = vector.broadcast %squeeze3A : i32 to vector<16xi32>
            %ge3A_1053 = arith.cmpi sge, %add3A_1011, %ge3A_1052 : vector<16xi32>
            %lt3A_1054 = vector.broadcast %squeeze3A_537 : i32 to vector<16xi32>
            %lt3A_1055 = arith.cmpi slt, %add3A_1011, %lt3A_1054 : vector<16xi32>
            %and3A_1056 = arith.andi %ge3A_1053, %lt3A_1055 : vector<16xi1>
            %mul3A_1057 = arith.constant 9 : i32
            %mul3A_1058 = vector.broadcast %mul3A_1057 : i32 to vector<16xi32>
            %mul3A_1059 = arith.muli %select_n3A_1051, %mul3A_1058 : vector<16xi32>
            %add3A_1060 = arith.addi %mul3A_1059, %get3A_1013 : vector<16xi32>
            %jit3A_1061 = arith.constant 576 : i32
            %broadcast_in_dim3A_1062 = vector.broadcast %jit3A_1061 : i32 to vector<16xi32>
            %select_n3A_1063 = arith.select %and3A_1056, %add3A_1060, %broadcast_in_dim3A_1062 : vector<16xi1>, vector<16xi32>
            %add3A_1064 = vector.broadcast %mul3A_2 : i32 to vector<16xi32>
            %add3A_1065 = arith.addi %select_n3A_1063, %add3A_1064 : vector<16xi32>
            %swap3A_1066 = arith.constant 48 : index
            %swap3A_1067 = tpu.vector_load %arg13[%swap3A_1066] {strides = array<i32>} : memref<128xi32, #tpu.memory_space<vmem>>, vector<16xi32>,
            tpu.vector_store %arg13[%swap3A_1066], %add3A_1065 {strides = array<i32>} : memref<128xi32, #tpu.memory_space<vmem>>, vector<16xi32>,
            %add3A_1068 = arith.constant 64 : i32
            %add3A_1069 = arith.addi %add3A_821, %add3A_1068 : i32
            %iota3A_1070 = tpu.iota {dimensions = array<i32: 0>} : vector<16xi32>
            %add3A_1071 = vector.broadcast %add3A_1069 : i32 to vector<16xi32>
            %add3A_1072 = arith.addi %add3A_1071, %iota3A_1070 : vector<16xi32>
            %get3A_1073 = arith.constant 192 : index
            %get3A_1074 = tpu.vector_load %arg11[%get3A_1073] {strides = array<i32>} : memref<512xi32, #tpu.memory_space<vmem>>, vector<16xi32>,
            %broadcast_in_dim3A_1075 = arith.constant 0 : i32
            %broadcast_in_dim3A_1076 = vector.broadcast %broadcast_in_dim3A_1075 : i32 to vector<16xi32>
            %add3A_1077 = arith.constant 32 : i32
            %add3A_1078 = vector.broadcast %add3A_1077 : i32 to vector<16xi32>
            %add3A_1079 = arith.addi %broadcast_in_dim3A_1076, %add3A_1078 : vector<16xi32>
            %gather3A_1080 = tpu.vector_load_idx %arg9[%add3A_1079] : memref<80xi32, #tpu.memory_space<vmem>>[vector<16xi32>], vector<16xi32>,
            %le3A_1081 = arith.cmpi sle, %gather3A_1080, %add3A_1072 : vector<16xi32>
            %select_n3A_1082 = arith.select %le3A_1081, %add3A_1079, %broadcast_in_dim3A_1076 : vector<16xi1>, vector<16xi32>
            %add3A_1083 = arith.constant 16 : i32
            %add3A_1084 = vector.broadcast %add3A_1083 : i32 to vector<16xi32>
            %add3A_1085 = arith.addi %select_n3A_1082, %add3A_1084 : vector<16xi32>
            %gather3A_1086 = tpu.vector_load_idx %arg9[%add3A_1085] : memref<80xi32, #tpu.memory_space<vmem>>[vector<16xi32>], vector<16xi32>,
            %le3A_1087 = arith.cmpi sle, %gather3A_1086, %add3A_1072 : vector<16xi32>
            %select_n3A_1088 = arith.select %le3A_1087, %add3A_1085, %select_n3A_1082 : vector<16xi1>, vector<16xi32>
            %add3A_1089 = arith.constant 8 : i32
            %add3A_1090 = vector.broadcast %add3A_1089 : i32 to vector<16xi32>
            %add3A_1091 = arith.addi %select_n3A_1088, %add3A_1090 : vector<16xi32>
            %gather3A_1092 = tpu.vector_load_idx %arg9[%add3A_1091] : memref<80xi32, #tpu.memory_space<vmem>>[vector<16xi32>], vector<16xi32>,
            %le3A_1093 = arith.cmpi sle, %gather3A_1092, %add3A_1072 : vector<16xi32>
            %select_n3A_1094 = arith.select %le3A_1093, %add3A_1091, %select_n3A_1088 : vector<16xi1>, vector<16xi32>
            %add3A_1095 = arith.constant 4 : i32
            %add3A_1096 = vector.broadcast %add3A_1095 : i32 to vector<16xi32>
            %add3A_1097 = arith.addi %select_n3A_1094, %add3A_1096 : vector<16xi32>
            %gather3A_1098 = tpu.vector_load_idx %arg9[%add3A_1097] : memref<80xi32, #tpu.memory_space<vmem>>[vector<16xi32>], vector<16xi32>,
            %le3A_1099 = arith.cmpi sle, %gather3A_1098, %add3A_1072 : vector<16xi32>
            %select_n3A_1100 = arith.select %le3A_1099, %add3A_1097, %select_n3A_1094 : vector<16xi1>, vector<16xi32>
            %add3A_1101 = arith.constant 2 : i32
            %add3A_1102 = vector.broadcast %add3A_1101 : i32 to vector<16xi32>
            %add3A_1103 = arith.addi %select_n3A_1100, %add3A_1102 : vector<16xi32>
            %gather3A_1104 = tpu.vector_load_idx %arg9[%add3A_1103] : memref<80xi32, #tpu.memory_space<vmem>>[vector<16xi32>], vector<16xi32>,
            %le3A_1105 = arith.cmpi sle, %gather3A_1104, %add3A_1072 : vector<16xi32>
            %select_n3A_1106 = arith.select %le3A_1105, %add3A_1103, %select_n3A_1100 : vector<16xi1>, vector<16xi32>
            %add3A_1107 = arith.constant 1 : i32
            %add3A_1108 = vector.broadcast %add3A_1107 : i32 to vector<16xi32>
            %add3A_1109 = arith.addi %select_n3A_1106, %add3A_1108 : vector<16xi32>
            %gather3A_1110 = tpu.vector_load_idx %arg9[%add3A_1109] : memref<80xi32, #tpu.memory_space<vmem>>[vector<16xi32>], vector<16xi32>,
            %le3A_1111 = arith.cmpi sle, %gather3A_1110, %add3A_1072 : vector<16xi32>
            %select_n3A_1112 = arith.select %le3A_1111, %add3A_1109, %select_n3A_1106 : vector<16xi1>, vector<16xi32>
            %ge3A_1113 = vector.broadcast %squeeze3A : i32 to vector<16xi32>
            %ge3A_1114 = arith.cmpi sge, %add3A_1072, %ge3A_1113 : vector<16xi32>
            %lt3A_1115 = vector.broadcast %squeeze3A_537 : i32 to vector<16xi32>
            %lt3A_1116 = arith.cmpi slt, %add3A_1072, %lt3A_1115 : vector<16xi32>
            %and3A_1117 = arith.andi %ge3A_1114, %lt3A_1116 : vector<16xi1>
            %mul3A_1118 = arith.constant 9 : i32
            %mul3A_1119 = vector.broadcast %mul3A_1118 : i32 to vector<16xi32>
            %mul3A_1120 = arith.muli %select_n3A_1112, %mul3A_1119 : vector<16xi32>
            %add3A_1121 = arith.addi %mul3A_1120, %get3A_1074 : vector<16xi32>
            %jit3A_1122 = arith.constant 576 : i32
            %broadcast_in_dim3A_1123 = vector.broadcast %jit3A_1122 : i32 to vector<16xi32>
            %select_n3A_1124 = arith.select %and3A_1117, %add3A_1121, %broadcast_in_dim3A_1123 : vector<16xi1>, vector<16xi32>
            %add3A_1125 = vector.broadcast %mul3A_2 : i32 to vector<16xi32>
            %add3A_1126 = arith.addi %select_n3A_1124, %add3A_1125 : vector<16xi32>
            %swap3A_1127 = arith.constant 64 : index
            %swap3A_1128 = tpu.vector_load %arg13[%swap3A_1127] {strides = array<i32>} : memref<128xi32, #tpu.memory_space<vmem>>, vector<16xi32>,
            tpu.vector_store %arg13[%swap3A_1127], %add3A_1126 {strides = array<i32>} : memref<128xi32, #tpu.memory_space<vmem>>, vector<16xi32>,
            %add3A_1129 = arith.constant 80 : i32
            %add3A_1130 = arith.addi %add3A_821, %add3A_1129 : i32
            %iota3A_1131 = tpu.iota {dimensions = array<i32: 0>} : vector<16xi32>
            %add3A_1132 = vector.broadcast %add3A_1130 : i32 to vector<16xi32>
            %add3A_1133 = arith.addi %add3A_1132, %iota3A_1131 : vector<16xi32>
            %get3A_1134 = arith.constant 208 : index
            %get3A_1135 = tpu.vector_load %arg11[%get3A_1134] {strides = array<i32>} : memref<512xi32, #tpu.memory_space<vmem>>, vector<16xi32>,
            %broadcast_in_dim3A_1136 = arith.constant 0 : i32
            %broadcast_in_dim3A_1137 = vector.broadcast %broadcast_in_dim3A_1136 : i32 to vector<16xi32>
            %add3A_1138 = arith.constant 32 : i32
            %add3A_1139 = vector.broadcast %add3A_1138 : i32 to vector<16xi32>
            %add3A_1140 = arith.addi %broadcast_in_dim3A_1137, %add3A_1139 : vector<16xi32>
            %gather3A_1141 = tpu.vector_load_idx %arg9[%add3A_1140] : memref<80xi32, #tpu.memory_space<vmem>>[vector<16xi32>], vector<16xi32>,
            %le3A_1142 = arith.cmpi sle, %gather3A_1141, %add3A_1133 : vector<16xi32>
            %select_n3A_1143 = arith.select %le3A_1142, %add3A_1140, %broadcast_in_dim3A_1137 : vector<16xi1>, vector<16xi32>
            %add3A_1144 = arith.constant 16 : i32
            %add3A_1145 = vector.broadcast %add3A_1144 : i32 to vector<16xi32>
            %add3A_1146 = arith.addi %select_n3A_1143, %add3A_1145 : vector<16xi32>
            %gather3A_1147 = tpu.vector_load_idx %arg9[%add3A_1146] : memref<80xi32, #tpu.memory_space<vmem>>[vector<16xi32>], vector<16xi32>,
            %le3A_1148 = arith.cmpi sle, %gather3A_1147, %add3A_1133 : vector<16xi32>
            %select_n3A_1149 = arith.select %le3A_1148, %add3A_1146, %select_n3A_1143 : vector<16xi1>, vector<16xi32>
            %add3A_1150 = arith.constant 8 : i32
            %add3A_1151 = vector.broadcast %add3A_1150 : i32 to vector<16xi32>
            %add3A_1152 = arith.addi %select_n3A_1149, %add3A_1151 : vector<16xi32>
            %gather3A_1153 = tpu.vector_load_idx %arg9[%add3A_1152] : memref<80xi32, #tpu.memory_space<vmem>>[vector<16xi32>], vector<16xi32>,
            %le3A_1154 = arith.cmpi sle, %gather3A_1153, %add3A_1133 : vector<16xi32>
            %select_n3A_1155 = arith.select %le3A_1154, %add3A_1152, %select_n3A_1149 : vector<16xi1>, vector<16xi32>
            %add3A_1156 = arith.constant 4 : i32
            %add3A_1157 = vector.broadcast %add3A_1156 : i32 to vector<16xi32>
            %add3A_1158 = arith.addi %select_n3A_1155, %add3A_1157 : vector<16xi32>
            %gather3A_1159 = tpu.vector_load_idx %arg9[%add3A_1158] : memref<80xi32, #tpu.memory_space<vmem>>[vector<16xi32>], vector<16xi32>,
            %le3A_1160 = arith.cmpi sle, %gather3A_1159, %add3A_1133 : vector<16xi32>
            %select_n3A_1161 = arith.select %le3A_1160, %add3A_1158, %select_n3A_1155 : vector<16xi1>, vector<16xi32>
            %add3A_1162 = arith.constant 2 : i32
            %add3A_1163 = vector.broadcast %add3A_1162 : i32 to vector<16xi32>
            %add3A_1164 = arith.addi %select_n3A_1161, %add3A_1163 : vector<16xi32>
            %gather3A_1165 = tpu.vector_load_idx %arg9[%add3A_1164] : memref<80xi32, #tpu.memory_space<vmem>>[vector<16xi32>], vector<16xi32>,
            %le3A_1166 = arith.cmpi sle, %gather3A_1165, %add3A_1133 : vector<16xi32>
            %select_n3A_1167 = arith.select %le3A_1166, %add3A_1164, %select_n3A_1161 : vector<16xi1>, vector<16xi32>
            %add3A_1168 = arith.constant 1 : i32
            %add3A_1169 = vector.broadcast %add3A_1168 : i32 to vector<16xi32>
            %add3A_1170 = arith.addi %select_n3A_1167, %add3A_1169 : vector<16xi32>
            %gather3A_1171 = tpu.vector_load_idx %arg9[%add3A_1170] : memref<80xi32, #tpu.memory_space<vmem>>[vector<16xi32>], vector<16xi32>,
            %le3A_1172 = arith.cmpi sle, %gather3A_1171, %add3A_1133 : vector<16xi32>
            %select_n3A_1173 = arith.select %le3A_1172, %add3A_1170, %select_n3A_1167 : vector<16xi1>, vector<16xi32>
            %ge3A_1174 = vector.broadcast %squeeze3A : i32 to vector<16xi32>
            %ge3A_1175 = arith.cmpi sge, %add3A_1133, %ge3A_1174 : vector<16xi32>
            %lt3A_1176 = vector.broadcast %squeeze3A_537 : i32 to vector<16xi32>
            %lt3A_1177 = arith.cmpi slt, %add3A_1133, %lt3A_1176 : vector<16xi32>
            %and3A_1178 = arith.andi %ge3A_1175, %lt3A_1177 : vector<16xi1>
            %mul3A_1179 = arith.constant 9 : i32
            %mul3A_1180 = vector.broadcast %mul3A_1179 : i32 to vector<16xi32>
            %mul3A_1181 = arith.muli %select_n3A_1173, %mul3A_1180 : vector<16xi32>
            %add3A_1182 = arith.addi %mul3A_1181, %get3A_1135 : vector<16xi32>
            %jit3A_1183 = arith.constant 576 : i32
            %broadcast_in_dim3A_1184 = vector.broadcast %jit3A_1183 : i32 to vector<16xi32>
            %select_n3A_1185 = arith.select %and3A_1178, %add3A_1182, %broadcast_in_dim3A_1184 : vector<16xi1>, vector<16xi32>
            %add3A_1186 = vector.broadcast %mul3A_2 : i32 to vector<16xi32>
            %add3A_1187 = arith.addi %select_n3A_1185, %add3A_1186 : vector<16xi32>
            %swap3A_1188 = arith.constant 80 : index
            %swap3A_1189 = tpu.vector_load %arg13[%swap3A_1188] {strides = array<i32>} : memref<128xi32, #tpu.memory_space<vmem>>, vector<16xi32>,
            tpu.vector_store %arg13[%swap3A_1188], %add3A_1187 {strides = array<i32>} : memref<128xi32, #tpu.memory_space<vmem>>, vector<16xi32>,
            %add3A_1190 = arith.constant 96 : i32
            %add3A_1191 = arith.addi %add3A_821, %add3A_1190 : i32
            %iota3A_1192 = tpu.iota {dimensions = array<i32: 0>} : vector<16xi32>
            %add3A_1193 = vector.broadcast %add3A_1191 : i32 to vector<16xi32>
            %add3A_1194 = arith.addi %add3A_1193, %iota3A_1192 : vector<16xi32>
            %get3A_1195 = arith.constant 224 : index
            %get3A_1196 = tpu.vector_load %arg11[%get3A_1195] {strides = array<i32>} : memref<512xi32, #tpu.memory_space<vmem>>, vector<16xi32>,
            %broadcast_in_dim3A_1197 = arith.constant 0 : i32
            %broadcast_in_dim3A_1198 = vector.broadcast %broadcast_in_dim3A_1197 : i32 to vector<16xi32>
            %add3A_1199 = arith.constant 32 : i32
            %add3A_1200 = vector.broadcast %add3A_1199 : i32 to vector<16xi32>
            %add3A_1201 = arith.addi %broadcast_in_dim3A_1198, %add3A_1200 : vector<16xi32>
            %gather3A_1202 = tpu.vector_load_idx %arg9[%add3A_1201] : memref<80xi32, #tpu.memory_space<vmem>>[vector<16xi32>], vector<16xi32>,
            %le3A_1203 = arith.cmpi sle, %gather3A_1202, %add3A_1194 : vector<16xi32>
            %select_n3A_1204 = arith.select %le3A_1203, %add3A_1201, %broadcast_in_dim3A_1198 : vector<16xi1>, vector<16xi32>
            %add3A_1205 = arith.constant 16 : i32
            %add3A_1206 = vector.broadcast %add3A_1205 : i32 to vector<16xi32>
            %add3A_1207 = arith.addi %select_n3A_1204, %add3A_1206 : vector<16xi32>
            %gather3A_1208 = tpu.vector_load_idx %arg9[%add3A_1207] : memref<80xi32, #tpu.memory_space<vmem>>[vector<16xi32>], vector<16xi32>,
            %le3A_1209 = arith.cmpi sle, %gather3A_1208, %add3A_1194 : vector<16xi32>
            %select_n3A_1210 = arith.select %le3A_1209, %add3A_1207, %select_n3A_1204 : vector<16xi1>, vector<16xi32>
            %add3A_1211 = arith.constant 8 : i32
            %add3A_1212 = vector.broadcast %add3A_1211 : i32 to vector<16xi32>
            %add3A_1213 = arith.addi %select_n3A_1210, %add3A_1212 : vector<16xi32>
            %gather3A_1214 = tpu.vector_load_idx %arg9[%add3A_1213] : memref<80xi32, #tpu.memory_space<vmem>>[vector<16xi32>], vector<16xi32>,
            %le3A_1215 = arith.cmpi sle, %gather3A_1214, %add3A_1194 : vector<16xi32>
            %select_n3A_1216 = arith.select %le3A_1215, %add3A_1213, %select_n3A_1210 : vector<16xi1>, vector<16xi32>
            %add3A_1217 = arith.constant 4 : i32
            %add3A_1218 = vector.broadcast %add3A_1217 : i32 to vector<16xi32>
            %add3A_1219 = arith.addi %select_n3A_1216, %add3A_1218 : vector<16xi32>
            %gather3A_1220 = tpu.vector_load_idx %arg9[%add3A_1219] : memref<80xi32, #tpu.memory_space<vmem>>[vector<16xi32>], vector<16xi32>,
            %le3A_1221 = arith.cmpi sle, %gather3A_1220, %add3A_1194 : vector<16xi32>
            %select_n3A_1222 = arith.select %le3A_1221, %add3A_1219, %select_n3A_1216 : vector<16xi1>, vector<16xi32>
            %add3A_1223 = arith.constant 2 : i32
            %add3A_1224 = vector.broadcast %add3A_1223 : i32 to vector<16xi32>
            %add3A_1225 = arith.addi %select_n3A_1222, %add3A_1224 : vector<16xi32>
            %gather3A_1226 = tpu.vector_load_idx %arg9[%add3A_1225] : memref<80xi32, #tpu.memory_space<vmem>>[vector<16xi32>], vector<16xi32>,
            %le3A_1227 = arith.cmpi sle, %gather3A_1226, %add3A_1194 : vector<16xi32>
            %select_n3A_1228 = arith.select %le3A_1227, %add3A_1225, %select_n3A_1222 : vector<16xi1>, vector<16xi32>
            %add3A_1229 = arith.constant 1 : i32
            %add3A_1230 = vector.broadcast %add3A_1229 : i32 to vector<16xi32>
            %add3A_1231 = arith.addi %select_n3A_1228, %add3A_1230 : vector<16xi32>
            %gather3A_1232 = tpu.vector_load_idx %arg9[%add3A_1231] : memref<80xi32, #tpu.memory_space<vmem>>[vector<16xi32>], vector<16xi32>,
            %le3A_1233 = arith.cmpi sle, %gather3A_1232, %add3A_1194 : vector<16xi32>
            %select_n3A_1234 = arith.select %le3A_1233, %add3A_1231, %select_n3A_1228 : vector<16xi1>, vector<16xi32>
            %ge3A_1235 = vector.broadcast %squeeze3A : i32 to vector<16xi32>
            %ge3A_1236 = arith.cmpi sge, %add3A_1194, %ge3A_1235 : vector<16xi32>
            %lt3A_1237 = vector.broadcast %squeeze3A_537 : i32 to vector<16xi32>
            %lt3A_1238 = arith.cmpi slt, %add3A_1194, %lt3A_1237 : vector<16xi32>
            %and3A_1239 = arith.andi %ge3A_1236, %lt3A_1238 : vector<16xi1>
            %mul3A_1240 = arith.constant 9 : i32
            %mul3A_1241 = vector.broadcast %mul3A_1240 : i32 to vector<16xi32>
            %mul3A_1242 = arith.muli %select_n3A_1234, %mul3A_1241 : vector<16xi32>
            %add3A_1243 = arith.addi %mul3A_1242, %get3A_1196 : vector<16xi32>
            %jit3A_1244 = arith.constant 576 : i32
            %broadcast_in_dim3A_1245 = vector.broadcast %jit3A_1244 : i32 to vector<16xi32>
            %select_n3A_1246 = arith.select %and3A_1239, %add3A_1243, %broadcast_in_dim3A_1245 : vector<16xi1>, vector<16xi32>
            %add3A_1247 = vector.broadcast %mul3A_2 : i32 to vector<16xi32>
            %add3A_1248 = arith.addi %select_n3A_1246, %add3A_1247 : vector<16xi32>
            %swap3A_1249 = arith.constant 96 : index
            %swap3A_1250 = tpu.vector_load %arg13[%swap3A_1249] {strides = array<i32>} : memref<128xi32, #tpu.memory_space<vmem>>, vector<16xi32>,
            tpu.vector_store %arg13[%swap3A_1249], %add3A_1248 {strides = array<i32>} : memref<128xi32, #tpu.memory_space<vmem>>, vector<16xi32>,
            %add3A_1251 = arith.constant 112 : i32
            %add3A_1252 = arith.addi %add3A_821, %add3A_1251 : i32
            %iota3A_1253 = tpu.iota {dimensions = array<i32: 0>} : vector<16xi32>
            %add3A_1254 = vector.broadcast %add3A_1252 : i32 to vector<16xi32>
            %add3A_1255 = arith.addi %add3A_1254, %iota3A_1253 : vector<16xi32>
            %get3A_1256 = arith.constant 240 : index
            %get3A_1257 = tpu.vector_load %arg11[%get3A_1256] {strides = array<i32>} : memref<512xi32, #tpu.memory_space<vmem>>, vector<16xi32>,
            %broadcast_in_dim3A_1258 = arith.constant 0 : i32
            %broadcast_in_dim3A_1259 = vector.broadcast %broadcast_in_dim3A_1258 : i32 to vector<16xi32>
            %add3A_1260 = arith.constant 32 : i32
            %add3A_1261 = vector.broadcast %add3A_1260 : i32 to vector<16xi32>
            %add3A_1262 = arith.addi %broadcast_in_dim3A_1259, %add3A_1261 : vector<16xi32>
            %gather3A_1263 = tpu.vector_load_idx %arg9[%add3A_1262] : memref<80xi32, #tpu.memory_space<vmem>>[vector<16xi32>], vector<16xi32>,
            %le3A_1264 = arith.cmpi sle, %gather3A_1263, %add3A_1255 : vector<16xi32>
            %select_n3A_1265 = arith.select %le3A_1264, %add3A_1262, %broadcast_in_dim3A_1259 : vector<16xi1>, vector<16xi32>
            %add3A_1266 = arith.constant 16 : i32
            %add3A_1267 = vector.broadcast %add3A_1266 : i32 to vector<16xi32>
            %add3A_1268 = arith.addi %select_n3A_1265, %add3A_1267 : vector<16xi32>
            %gather3A_1269 = tpu.vector_load_idx %arg9[%add3A_1268] : memref<80xi32, #tpu.memory_space<vmem>>[vector<16xi32>], vector<16xi32>,
            %le3A_1270 = arith.cmpi sle, %gather3A_1269, %add3A_1255 : vector<16xi32>
            %select_n3A_1271 = arith.select %le3A_1270, %add3A_1268, %select_n3A_1265 : vector<16xi1>, vector<16xi32>
            %add3A_1272 = arith.constant 8 : i32
            %add3A_1273 = vector.broadcast %add3A_1272 : i32 to vector<16xi32>
            %add3A_1274 = arith.addi %select_n3A_1271, %add3A_1273 : vector<16xi32>
            %gather3A_1275 = tpu.vector_load_idx %arg9[%add3A_1274] : memref<80xi32, #tpu.memory_space<vmem>>[vector<16xi32>], vector<16xi32>,
            %le3A_1276 = arith.cmpi sle, %gather3A_1275, %add3A_1255 : vector<16xi32>
            %select_n3A_1277 = arith.select %le3A_1276, %add3A_1274, %select_n3A_1271 : vector<16xi1>, vector<16xi32>
            %add3A_1278 = arith.constant 4 : i32
            %add3A_1279 = vector.broadcast %add3A_1278 : i32 to vector<16xi32>
            %add3A_1280 = arith.addi %select_n3A_1277, %add3A_1279 : vector<16xi32>
            %gather3A_1281 = tpu.vector_load_idx %arg9[%add3A_1280] : memref<80xi32, #tpu.memory_space<vmem>>[vector<16xi32>], vector<16xi32>,
            %le3A_1282 = arith.cmpi sle, %gather3A_1281, %add3A_1255 : vector<16xi32>
            %select_n3A_1283 = arith.select %le3A_1282, %add3A_1280, %select_n3A_1277 : vector<16xi1>, vector<16xi32>
            %add3A_1284 = arith.constant 2 : i32
            %add3A_1285 = vector.broadcast %add3A_1284 : i32 to vector<16xi32>
            %add3A_1286 = arith.addi %select_n3A_1283, %add3A_1285 : vector<16xi32>
            %gather3A_1287 = tpu.vector_load_idx %arg9[%add3A_1286] : memref<80xi32, #tpu.memory_space<vmem>>[vector<16xi32>], vector<16xi32>,
            %le3A_1288 = arith.cmpi sle, %gather3A_1287, %add3A_1255 : vector<16xi32>
            %select_n3A_1289 = arith.select %le3A_1288, %add3A_1286, %select_n3A_1283 : vector<16xi1>, vector<16xi32>
            %add3A_1290 = arith.constant 1 : i32
            %add3A_1291 = vector.broadcast %add3A_1290 : i32 to vector<16xi32>
            %add3A_1292 = arith.addi %select_n3A_1289, %add3A_1291 : vector<16xi32>
            %gather3A_1293 = tpu.vector_load_idx %arg9[%add3A_1292] : memref<80xi32, #tpu.memory_space<vmem>>[vector<16xi32>], vector<16xi32>,
            %le3A_1294 = arith.cmpi sle, %gather3A_1293, %add3A_1255 : vector<16xi32>
            %select_n3A_1295 = arith.select %le3A_1294, %add3A_1292, %select_n3A_1289 : vector<16xi1>, vector<16xi32>
            %ge3A_1296 = vector.broadcast %squeeze3A : i32 to vector<16xi32>
            %ge3A_1297 = arith.cmpi sge, %add3A_1255, %ge3A_1296 : vector<16xi32>
            %lt3A_1298 = vector.broadcast %squeeze3A_537 : i32 to vector<16xi32>
            %lt3A_1299 = arith.cmpi slt, %add3A_1255, %lt3A_1298 : vector<16xi32>
            %and3A_1300 = arith.andi %ge3A_1297, %lt3A_1299 : vector<16xi1>
            %mul3A_1301 = arith.constant 9 : i32
            %mul3A_1302 = vector.broadcast %mul3A_1301 : i32 to vector<16xi32>
            %mul3A_1303 = arith.muli %select_n3A_1295, %mul3A_1302 : vector<16xi32>
            %add3A_1304 = arith.addi %mul3A_1303, %get3A_1257 : vector<16xi32>
            %jit3A_1305 = arith.constant 576 : i32
            %broadcast_in_dim3A_1306 = vector.broadcast %jit3A_1305 : i32 to vector<16xi32>
            %select_n3A_1307 = arith.select %and3A_1300, %add3A_1304, %broadcast_in_dim3A_1306 : vector<16xi1>, vector<16xi32>
            %add3A_1308 = vector.broadcast %mul3A_2 : i32 to vector<16xi32>
            %add3A_1309 = arith.addi %select_n3A_1307, %add3A_1308 : vector<16xi32>
            %swap3A_1310 = arith.constant 112 : index
            %swap3A_1311 = tpu.vector_load %arg13[%swap3A_1310] {strides = array<i32>} : memref<128xi32, #tpu.memory_space<vmem>>, vector<16xi32>,
            tpu.vector_store %arg13[%swap3A_1310], %add3A_1309 {strides = array<i32>} : memref<128xi32, #tpu.memory_space<vmem>>, vector<16xi32>,
          } else {
          }
          %dma_wait3A_802 = arith.constant 0 : i32
          %dma_wait3A_803 = tpu.memref_slice %arg10[%dma_wait3A_802] : memref<512xi32, #tpu.memory_space<vmem>> -> memref<128xi32, #tpu.memory_space<vmem>>
          %dma_wait3A_804 = arith.constant 0 : i32
          %dma_wait3A_805 = arith.constant 0 : i32
          %dma_wait3A_806 = tpu.memref_slice %arg2[%dma_wait3A_804, %dma_wait3A_805] : memref<10000x128xf32, #tpu.memory_space<hbm>> -> memref<10000x128xf32, #tpu.memory_space<hbm>>
          tpu.wait_indirect_dma semaphore(%arg18 : memref<!tpu.dma_semaphore, #tpu.memory_space<semaphore_mem>>) src(%dma_wait3A_806 : memref<10000x128xf32, #tpu.memory_space<hbm>>) dst(%arg15 : memref<128x128xf32, #tpu.memory_space<vmem>>)
          %dma_start3A_807 = arith.constant 0 : i32
          %dma_start3A_808 = arith.constant 0 : i32
          %dma_start3A_809 = tpu.memref_slice %arg8[%dma_start3A_807, %dma_start3A_808] : memref<9344x128xf32, #tpu.memory_space<vmem_shared>> -> memref<9344x128xf32, #tpu.memory_space<vmem_shared>>
          tpu.enqueue_indirect_dma source(%arg15 : memref<128x128xf32, #tpu.memory_space<vmem>>) target(%dma_start3A_809 : memref<9344x128xf32, #tpu.memory_space<vmem_shared>>) offsets(%arg12 : memref<128xi32, #tpu.memory_space<vmem>>) semaphore(%arg20 : memref<!tpu.dma_semaphore, #tpu.memory_space<semaphore_mem>>) {add = true}
        } else {
        }
        %add3A_776 = arith.constant 1 : i32
        %add3A_777 = arith.addi %mul3A_765, %add3A_776 : i32
        %lt3A_778 = arith.cmpi slt, %add3A_777, %select_n3A : i32
        %convert_element_type3A_779 = arith.extui %lt3A_778 : i1 to i32
        %cond3A_780 = arith.constant 0 : i32
        %cond3A_781 = arith.cmpi ne, %convert_element_type3A_779, %cond3A_780 : i32
        scf.if %cond3A_781 {
          %add3A_794 = arith.constant 1 : i32
          %add3A_795 = arith.addi %mul3A_765, %add3A_794 : i32
          %add3A_796 = arith.constant 1 : i32
          %add3A_797 = arith.addi %add3A_795, %add3A_796 : i32
          %lt3A_798 = arith.cmpi slt, %add3A_797, %select_n3A : i32
          %convert_element_type3A_799 = arith.extui %lt3A_798 : i1 to i32
          %cond3A_800 = arith.constant 0 : i32
          %cond3A_801 = arith.cmpi ne, %convert_element_type3A_799, %cond3A_800 : i32
          scf.if %cond3A_801 {
            %add3A_810 = arith.constant 2 : i32
            %add3A_811 = arith.addi %mul3A_765, %add3A_810 : i32
            %ge3A_812 = arith.constant 2 : i32
            %ge3A_813 = arith.cmpi sge, %add3A_811, %ge3A_812 : i32
            %convert_element_type3A_814 = arith.extui %ge3A_813 : i1 to i32
            %cond3A_815 = arith.constant 0 : i32
            %cond3A_816 = arith.cmpi ne, %convert_element_type3A_814, %cond3A_815 : i32
            scf.if %cond3A_816 {
              %dma_wait3A_1312 = arith.constant 0 : i32
              %dma_wait3A_1313 = arith.constant 0 : i32
              %dma_wait3A_1314 = tpu.memref_slice %arg8[%dma_wait3A_1312, %dma_wait3A_1313] : memref<9344x128xf32, #tpu.memory_space<vmem_shared>> -> memref<9344x128xf32, #tpu.memory_space<vmem_shared>>
              tpu.wait_indirect_dma semaphore(%arg20 : memref<!tpu.dma_semaphore, #tpu.memory_space<semaphore_mem>>) src(%arg15 : memref<128x128xf32, #tpu.memory_space<vmem>>) dst(%dma_wait3A_1314 : memref<9344x128xf32, #tpu.memory_space<vmem_shared>>)
            } else {
            }
            %add3A_817 = arith.constant 2 : i32
            %add3A_818 = arith.addi %mul3A_765, %add3A_817 : i32
            %mul3A_819 = arith.constant 128 : i32
            %mul3A_820 = arith.muli %add3A_818, %mul3A_819 : i32
            %add3A_821 = arith.addi %and3A_538, %mul3A_820 : i32
            %dma_start3A_822 = arith.constant 256 : i32
            %dma_start3A_823 = tpu.memref_slice %arg10[%dma_start3A_822] : memref<512xi32, #tpu.memory_space<vmem>> -> memref<128xi32, #tpu.memory_space<vmem>>
            %dma_start3A_824 = arith.constant 0 : i32
            %dma_start3A_825 = arith.constant 0 : i32
            %dma_start3A_826 = tpu.memref_slice %arg2[%dma_start3A_824, %dma_start3A_825] : memref<10000x128xf32, #tpu.memory_space<hbm>> -> memref<10000x128xf32, #tpu.memory_space<hbm>>
            tpu.enqueue_indirect_dma source(%dma_start3A_826 : memref<10000x128xf32, #tpu.memory_space<hbm>>) target(%arg15 : memref<128x128xf32, #tpu.memory_space<vmem>>) offsets(%dma_start3A_823 : memref<128xi32, #tpu.memory_space<vmem>>) semaphore(%arg18 : memref<!tpu.dma_semaphore, #tpu.memory_space<semaphore_mem>>)
            %add3A_827 = arith.constant 0 : i32
            %add3A_828 = arith.addi %add3A_821, %add3A_827 : i32
            %iota3A_829 = tpu.iota {dimensions = array<i32: 0>} : vector<16xi32>
            %add3A_830 = vector.broadcast %add3A_828 : i32 to vector<16xi32>
            %add3A_831 = arith.addi %add3A_830, %iota3A_829 : vector<16xi32>
            %get3A_832 = arith.constant 256 : index
            %get3A_833 = tpu.vector_load %arg11[%get3A_832] {strides = array<i32>} : memref<512xi32, #tpu.memory_space<vmem>>, vector<16xi32>,
            %broadcast_in_dim3A = arith.constant 0 : i32
            %broadcast_in_dim3A_834 = vector.broadcast %broadcast_in_dim3A : i32 to vector<16xi32>
            %add3A_835 = arith.constant 32 : i32
            %add3A_836 = vector.broadcast %add3A_835 : i32 to vector<16xi32>
            %add3A_837 = arith.addi %broadcast_in_dim3A_834, %add3A_836 : vector<16xi32>
            %gather3A = tpu.vector_load_idx %arg9[%add3A_837] : memref<80xi32, #tpu.memory_space<vmem>>[vector<16xi32>], vector<16xi32>,
            %le3A = arith.cmpi sle, %gather3A, %add3A_831 : vector<16xi32>
            %select_n3A_838 = arith.select %le3A, %add3A_837, %broadcast_in_dim3A_834 : vector<16xi1>, vector<16xi32>
            %add3A_839 = arith.constant 16 : i32
            %add3A_840 = vector.broadcast %add3A_839 : i32 to vector<16xi32>
            %add3A_841 = arith.addi %select_n3A_838, %add3A_840 : vector<16xi32>
            %gather3A_842 = tpu.vector_load_idx %arg9[%add3A_841] : memref<80xi32, #tpu.memory_space<vmem>>[vector<16xi32>], vector<16xi32>,
            %le3A_843 = arith.cmpi sle, %gather3A_842, %add3A_831 : vector<16xi32>
            %select_n3A_844 = arith.select %le3A_843, %add3A_841, %select_n3A_838 : vector<16xi1>, vector<16xi32>
            %add3A_845 = arith.constant 8 : i32
            %add3A_846 = vector.broadcast %add3A_845 : i32 to vector<16xi32>
            %add3A_847 = arith.addi %select_n3A_844, %add3A_846 : vector<16xi32>
            %gather3A_848 = tpu.vector_load_idx %arg9[%add3A_847] : memref<80xi32, #tpu.memory_space<vmem>>[vector<16xi32>], vector<16xi32>,
            %le3A_849 = arith.cmpi sle, %gather3A_848, %add3A_831 : vector<16xi32>
            %select_n3A_850 = arith.select %le3A_849, %add3A_847, %select_n3A_844 : vector<16xi1>, vector<16xi32>
            %add3A_851 = arith.constant 4 : i32
            %add3A_852 = vector.broadcast %add3A_851 : i32 to vector<16xi32>
            %add3A_853 = arith.addi %select_n3A_850, %add3A_852 : vector<16xi32>
            %gather3A_854 = tpu.vector_load_idx %arg9[%add3A_853] : memref<80xi32, #tpu.memory_space<vmem>>[vector<16xi32>], vector<16xi32>,
            %le3A_855 = arith.cmpi sle, %gather3A_854, %add3A_831 : vector<16xi32>
            %select_n3A_856 = arith.select %le3A_855, %add3A_853, %select_n3A_850 : vector<16xi1>, vector<16xi32>
            %add3A_857 = arith.constant 2 : i32
            %add3A_858 = vector.broadcast %add3A_857 : i32 to vector<16xi32>
            %add3A_859 = arith.addi %select_n3A_856, %add3A_858 : vector<16xi32>
            %gather3A_860 = tpu.vector_load_idx %arg9[%add3A_859] : memref<80xi32, #tpu.memory_space<vmem>>[vector<16xi32>], vector<16xi32>,
            %le3A_861 = arith.cmpi sle, %gather3A_860, %add3A_831 : vector<16xi32>
            %select_n3A_862 = arith.select %le3A_861, %add3A_859, %select_n3A_856 : vector<16xi1>, vector<16xi32>
            %add3A_863 = arith.constant 1 : i32
            %add3A_864 = vector.broadcast %add3A_863 : i32 to vector<16xi32>
            %add3A_865 = arith.addi %select_n3A_862, %add3A_864 : vector<16xi32>
            %gather3A_866 = tpu.vector_load_idx %arg9[%add3A_865] : memref<80xi32, #tpu.memory_space<vmem>>[vector<16xi32>], vector<16xi32>,
            %le3A_867 = arith.cmpi sle, %gather3A_866, %add3A_831 : vector<16xi32>
            %select_n3A_868 = arith.select %le3A_867, %add3A_865, %select_n3A_862 : vector<16xi1>, vector<16xi32>
            %ge3A_869 = vector.broadcast %squeeze3A : i32 to vector<16xi32>
            %ge3A_870 = arith.cmpi sge, %add3A_831, %ge3A_869 : vector<16xi32>
            %lt3A_871 = vector.broadcast %squeeze3A_537 : i32 to vector<16xi32>
            %lt3A_872 = arith.cmpi slt, %add3A_831, %lt3A_871 : vector<16xi32>
            %and3A_873 = arith.andi %ge3A_870, %lt3A_872 : vector<16xi1>
            %mul3A_874 = arith.constant 9 : i32
            %mul3A_875 = vector.broadcast %mul3A_874 : i32 to vector<16xi32>
            %mul3A_876 = arith.muli %select_n3A_868, %mul3A_875 : vector<16xi32>
            %add3A_877 = arith.addi %mul3A_876, %get3A_833 : vector<16xi32>
            %jit3A_878 = arith.constant 576 : i32
            %broadcast_in_dim3A_879 = vector.broadcast %jit3A_878 : i32 to vector<16xi32>
            %select_n3A_880 = arith.select %and3A_873, %add3A_877, %broadcast_in_dim3A_879 : vector<16xi1>, vector<16xi32>
            %add3A_881 = vector.broadcast %mul3A_2 : i32 to vector<16xi32>
            %add3A_882 = arith.addi %select_n3A_880, %add3A_881 : vector<16xi32>
            %swap3A_883 = arith.constant 0 : index
            %swap3A_884 = tpu.vector_load %arg12[%swap3A_883] {strides = array<i32>} : memref<128xi32, #tpu.memory_space<vmem>>, vector<16xi32>,
            tpu.vector_store %arg12[%swap3A_883], %add3A_882 {strides = array<i32>} : memref<128xi32, #tpu.memory_space<vmem>>, vector<16xi32>,
            %add3A_885 = arith.constant 16 : i32
            %add3A_886 = arith.addi %add3A_821, %add3A_885 : i32
            %iota3A_887 = tpu.iota {dimensions = array<i32: 0>} : vector<16xi32>
            %add3A_888 = vector.broadcast %add3A_886 : i32 to vector<16xi32>
            %add3A_889 = arith.addi %add3A_888, %iota3A_887 : vector<16xi32>
            %get3A_890 = arith.constant 272 : index
            %get3A_891 = tpu.vector_load %arg11[%get3A_890] {strides = array<i32>} : memref<512xi32, #tpu.memory_space<vmem>>, vector<16xi32>,
            %broadcast_in_dim3A_892 = arith.constant 0 : i32
            %broadcast_in_dim3A_893 = vector.broadcast %broadcast_in_dim3A_892 : i32 to vector<16xi32>
            %add3A_894 = arith.constant 32 : i32
            %add3A_895 = vector.broadcast %add3A_894 : i32 to vector<16xi32>
            %add3A_896 = arith.addi %broadcast_in_dim3A_893, %add3A_895 : vector<16xi32>
            %gather3A_897 = tpu.vector_load_idx %arg9[%add3A_896] : memref<80xi32, #tpu.memory_space<vmem>>[vector<16xi32>], vector<16xi32>,
            %le3A_898 = arith.cmpi sle, %gather3A_897, %add3A_889 : vector<16xi32>
            %select_n3A_899 = arith.select %le3A_898, %add3A_896, %broadcast_in_dim3A_893 : vector<16xi1>, vector<16xi32>
            %add3A_900 = arith.constant 16 : i32
            %add3A_901 = vector.broadcast %add3A_900 : i32 to vector<16xi32>
            %add3A_902 = arith.addi %select_n3A_899, %add3A_901 : vector<16xi32>
            %gather3A_903 = tpu.vector_load_idx %arg9[%add3A_902] : memref<80xi32, #tpu.memory_space<vmem>>[vector<16xi32>], vector<16xi32>,
            %le3A_904 = arith.cmpi sle, %gather3A_903, %add3A_889 : vector<16xi32>
            %select_n3A_905 = arith.select %le3A_904, %add3A_902, %select_n3A_899 : vector<16xi1>, vector<16xi32>
            %add3A_906 = arith.constant 8 : i32
            %add3A_907 = vector.broadcast %add3A_906 : i32 to vector<16xi32>
            %add3A_908 = arith.addi %select_n3A_905, %add3A_907 : vector<16xi32>
            %gather3A_909 = tpu.vector_load_idx %arg9[%add3A_908] : memref<80xi32, #tpu.memory_space<vmem>>[vector<16xi32>], vector<16xi32>,
            %le3A_910 = arith.cmpi sle, %gather3A_909, %add3A_889 : vector<16xi32>
            %select_n3A_911 = arith.select %le3A_910, %add3A_908, %select_n3A_905 : vector<16xi1>, vector<16xi32>
            %add3A_912 = arith.constant 4 : i32
            %add3A_913 = vector.broadcast %add3A_912 : i32 to vector<16xi32>
            %add3A_914 = arith.addi %select_n3A_911, %add3A_913 : vector<16xi32>
            %gather3A_915 = tpu.vector_load_idx %arg9[%add3A_914] : memref<80xi32, #tpu.memory_space<vmem>>[vector<16xi32>], vector<16xi32>,
            %le3A_916 = arith.cmpi sle, %gather3A_915, %add3A_889 : vector<16xi32>
            %select_n3A_917 = arith.select %le3A_916, %add3A_914, %select_n3A_911 : vector<16xi1>, vector<16xi32>
            %add3A_918 = arith.constant 2 : i32
            %add3A_919 = vector.broadcast %add3A_918 : i32 to vector<16xi32>
            %add3A_920 = arith.addi %select_n3A_917, %add3A_919 : vector<16xi32>
            %gather3A_921 = tpu.vector_load_idx %arg9[%add3A_920] : memref<80xi32, #tpu.memory_space<vmem>>[vector<16xi32>], vector<16xi32>,
            %le3A_922 = arith.cmpi sle, %gather3A_921, %add3A_889 : vector<16xi32>
            %select_n3A_923 = arith.select %le3A_922, %add3A_920, %select_n3A_917 : vector<16xi1>, vector<16xi32>
            %add3A_924 = arith.constant 1 : i32
            %add3A_925 = vector.broadcast %add3A_924 : i32 to vector<16xi32>
            %add3A_926 = arith.addi %select_n3A_923, %add3A_925 : vector<16xi32>
            %gather3A_927 = tpu.vector_load_idx %arg9[%add3A_926] : memref<80xi32, #tpu.memory_space<vmem>>[vector<16xi32>], vector<16xi32>,
            %le3A_928 = arith.cmpi sle, %gather3A_927, %add3A_889 : vector<16xi32>
            %select_n3A_929 = arith.select %le3A_928, %add3A_926, %select_n3A_923 : vector<16xi1>, vector<16xi32>
            %ge3A_930 = vector.broadcast %squeeze3A : i32 to vector<16xi32>
            %ge3A_931 = arith.cmpi sge, %add3A_889, %ge3A_930 : vector<16xi32>
            %lt3A_932 = vector.broadcast %squeeze3A_537 : i32 to vector<16xi32>
            %lt3A_933 = arith.cmpi slt, %add3A_889, %lt3A_932 : vector<16xi32>
            %and3A_934 = arith.andi %ge3A_931, %lt3A_933 : vector<16xi1>
            %mul3A_935 = arith.constant 9 : i32
            %mul3A_936 = vector.broadcast %mul3A_935 : i32 to vector<16xi32>
            %mul3A_937 = arith.muli %select_n3A_929, %mul3A_936 : vector<16xi32>
            %add3A_938 = arith.addi %mul3A_937, %get3A_891 : vector<16xi32>
            %jit3A_939 = arith.constant 576 : i32
            %broadcast_in_dim3A_940 = vector.broadcast %jit3A_939 : i32 to vector<16xi32>
            %select_n3A_941 = arith.select %and3A_934, %add3A_938, %broadcast_in_dim3A_940 : vector<16xi1>, vector<16xi32>
            %add3A_942 = vector.broadcast %mul3A_2 : i32 to vector<16xi32>
            %add3A_943 = arith.addi %select_n3A_941, %add3A_942 : vector<16xi32>
            %swap3A_944 = arith.constant 16 : index
            %swap3A_945 = tpu.vector_load %arg12[%swap3A_944] {strides = array<i32>} : memref<128xi32, #tpu.memory_space<vmem>>, vector<16xi32>,
            tpu.vector_store %arg12[%swap3A_944], %add3A_943 {strides = array<i32>} : memref<128xi32, #tpu.memory_space<vmem>>, vector<16xi32>,
            %add3A_946 = arith.constant 32 : i32
            %add3A_947 = arith.addi %add3A_821, %add3A_946 : i32
            %iota3A_948 = tpu.iota {dimensions = array<i32: 0>} : vector<16xi32>
            %add3A_949 = vector.broadcast %add3A_947 : i32 to vector<16xi32>
            %add3A_950 = arith.addi %add3A_949, %iota3A_948 : vector<16xi32>
            %get3A_951 = arith.constant 288 : index
            %get3A_952 = tpu.vector_load %arg11[%get3A_951] {strides = array<i32>} : memref<512xi32, #tpu.memory_space<vmem>>, vector<16xi32>,
            %broadcast_in_dim3A_953 = arith.constant 0 : i32
            %broadcast_in_dim3A_954 = vector.broadcast %broadcast_in_dim3A_953 : i32 to vector<16xi32>
            %add3A_955 = arith.constant 32 : i32
            %add3A_956 = vector.broadcast %add3A_955 : i32 to vector<16xi32>
            %add3A_957 = arith.addi %broadcast_in_dim3A_954, %add3A_956 : vector<16xi32>
            %gather3A_958 = tpu.vector_load_idx %arg9[%add3A_957] : memref<80xi32, #tpu.memory_space<vmem>>[vector<16xi32>], vector<16xi32>,
            %le3A_959 = arith.cmpi sle, %gather3A_958, %add3A_950 : vector<16xi32>
            %select_n3A_960 = arith.select %le3A_959, %add3A_957, %broadcast_in_dim3A_954 : vector<16xi1>, vector<16xi32>
            %add3A_961 = arith.constant 16 : i32
            %add3A_962 = vector.broadcast %add3A_961 : i32 to vector<16xi32>
            %add3A_963 = arith.addi %select_n3A_960, %add3A_962 : vector<16xi32>
            %gather3A_964 = tpu.vector_load_idx %arg9[%add3A_963] : memref<80xi32, #tpu.memory_space<vmem>>[vector<16xi32>], vector<16xi32>,
            %le3A_965 = arith.cmpi sle, %gather3A_964, %add3A_950 : vector<16xi32>
            %select_n3A_966 = arith.select %le3A_965, %add3A_963, %select_n3A_960 : vector<16xi1>, vector<16xi32>
            %add3A_967 = arith.constant 8 : i32
            %add3A_968 = vector.broadcast %add3A_967 : i32 to vector<16xi32>
            %add3A_969 = arith.addi %select_n3A_966, %add3A_968 : vector<16xi32>
            %gather3A_970 = tpu.vector_load_idx %arg9[%add3A_969] : memref<80xi32, #tpu.memory_space<vmem>>[vector<16xi32>], vector<16xi32>,
            %le3A_971 = arith.cmpi sle, %gather3A_970, %add3A_950 : vector<16xi32>
            %select_n3A_972 = arith.select %le3A_971, %add3A_969, %select_n3A_966 : vector<16xi1>, vector<16xi32>
            %add3A_973 = arith.constant 4 : i32
            %add3A_974 = vector.broadcast %add3A_973 : i32 to vector<16xi32>
            %add3A_975 = arith.addi %select_n3A_972, %add3A_974 : vector<16xi32>
            %gather3A_976 = tpu.vector_load_idx %arg9[%add3A_975] : memref<80xi32, #tpu.memory_space<vmem>>[vector<16xi32>], vector<16xi32>,
            %le3A_977 = arith.cmpi sle, %gather3A_976, %add3A_950 : vector<16xi32>
            %select_n3A_978 = arith.select %le3A_977, %add3A_975, %select_n3A_972 : vector<16xi1>, vector<16xi32>
            %add3A_979 = arith.constant 2 : i32
            %add3A_980 = vector.broadcast %add3A_979 : i32 to vector<16xi32>
            %add3A_981 = arith.addi %select_n3A_978, %add3A_980 : vector<16xi32>
            %gather3A_982 = tpu.vector_load_idx %arg9[%add3A_981] : memref<80xi32, #tpu.memory_space<vmem>>[vector<16xi32>], vector<16xi32>,
            %le3A_983 = arith.cmpi sle, %gather3A_982, %add3A_950 : vector<16xi32>
            %select_n3A_984 = arith.select %le3A_983, %add3A_981, %select_n3A_978 : vector<16xi1>, vector<16xi32>
            %add3A_985 = arith.constant 1 : i32
            %add3A_986 = vector.broadcast %add3A_985 : i32 to vector<16xi32>
            %add3A_987 = arith.addi %select_n3A_984, %add3A_986 : vector<16xi32>
            %gather3A_988 = tpu.vector_load_idx %arg9[%add3A_987] : memref<80xi32, #tpu.memory_space<vmem>>[vector<16xi32>], vector<16xi32>,
            %le3A_989 = arith.cmpi sle, %gather3A_988, %add3A_950 : vector<16xi32>
            %select_n3A_990 = arith.select %le3A_989, %add3A_987, %select_n3A_984 : vector<16xi1>, vector<16xi32>
            %ge3A_991 = vector.broadcast %squeeze3A : i32 to vector<16xi32>
            %ge3A_992 = arith.cmpi sge, %add3A_950, %ge3A_991 : vector<16xi32>
            %lt3A_993 = vector.broadcast %squeeze3A_537 : i32 to vector<16xi32>
            %lt3A_994 = arith.cmpi slt, %add3A_950, %lt3A_993 : vector<16xi32>
            %and3A_995 = arith.andi %ge3A_992, %lt3A_994 : vector<16xi1>
            %mul3A_996 = arith.constant 9 : i32
            %mul3A_997 = vector.broadcast %mul3A_996 : i32 to vector<16xi32>
            %mul3A_998 = arith.muli %select_n3A_990, %mul3A_997 : vector<16xi32>
            %add3A_999 = arith.addi %mul3A_998, %get3A_952 : vector<16xi32>
            %jit3A_1000 = arith.constant 576 : i32
            %broadcast_in_dim3A_1001 = vector.broadcast %jit3A_1000 : i32 to vector<16xi32>
            %select_n3A_1002 = arith.select %and3A_995, %add3A_999, %broadcast_in_dim3A_1001 : vector<16xi1>, vector<16xi32>
            %add3A_1003 = vector.broadcast %mul3A_2 : i32 to vector<16xi32>
            %add3A_1004 = arith.addi %select_n3A_1002, %add3A_1003 : vector<16xi32>
            %swap3A_1005 = arith.constant 32 : index
            %swap3A_1006 = tpu.vector_load %arg12[%swap3A_1005] {strides = array<i32>} : memref<128xi32, #tpu.memory_space<vmem>>, vector<16xi32>,
            tpu.vector_store %arg12[%swap3A_1005], %add3A_1004 {strides = array<i32>} : memref<128xi32, #tpu.memory_space<vmem>>, vector<16xi32>,
            %add3A_1007 = arith.constant 48 : i32
            %add3A_1008 = arith.addi %add3A_821, %add3A_1007 : i32
            %iota3A_1009 = tpu.iota {dimensions = array<i32: 0>} : vector<16xi32>
            %add3A_1010 = vector.broadcast %add3A_1008 : i32 to vector<16xi32>
            %add3A_1011 = arith.addi %add3A_1010, %iota3A_1009 : vector<16xi32>
            %get3A_1012 = arith.constant 304 : index
            %get3A_1013 = tpu.vector_load %arg11[%get3A_1012] {strides = array<i32>} : memref<512xi32, #tpu.memory_space<vmem>>, vector<16xi32>,
            %broadcast_in_dim3A_1014 = arith.constant 0 : i32
            %broadcast_in_dim3A_1015 = vector.broadcast %broadcast_in_dim3A_1014 : i32 to vector<16xi32>
            %add3A_1016 = arith.constant 32 : i32
            %add3A_1017 = vector.broadcast %add3A_1016 : i32 to vector<16xi32>
            %add3A_1018 = arith.addi %broadcast_in_dim3A_1015, %add3A_1017 : vector<16xi32>
            %gather3A_1019 = tpu.vector_load_idx %arg9[%add3A_1018] : memref<80xi32, #tpu.memory_space<vmem>>[vector<16xi32>], vector<16xi32>,
            %le3A_1020 = arith.cmpi sle, %gather3A_1019, %add3A_1011 : vector<16xi32>
            %select_n3A_1021 = arith.select %le3A_1020, %add3A_1018, %broadcast_in_dim3A_1015 : vector<16xi1>, vector<16xi32>
            %add3A_1022 = arith.constant 16 : i32
            %add3A_1023 = vector.broadcast %add3A_1022 : i32 to vector<16xi32>
            %add3A_1024 = arith.addi %select_n3A_1021, %add3A_1023 : vector<16xi32>
            %gather3A_1025 = tpu.vector_load_idx %arg9[%add3A_1024] : memref<80xi32, #tpu.memory_space<vmem>>[vector<16xi32>], vector<16xi32>,
            %le3A_1026 = arith.cmpi sle, %gather3A_1025, %add3A_1011 : vector<16xi32>
            %select_n3A_1027 = arith.select %le3A_1026, %add3A_1024, %select_n3A_1021 : vector<16xi1>, vector<16xi32>
            %add3A_1028 = arith.constant 8 : i32
            %add3A_1029 = vector.broadcast %add3A_1028 : i32 to vector<16xi32>
            %add3A_1030 = arith.addi %select_n3A_1027, %add3A_1029 : vector<16xi32>
            %gather3A_1031 = tpu.vector_load_idx %arg9[%add3A_1030] : memref<80xi32, #tpu.memory_space<vmem>>[vector<16xi32>], vector<16xi32>,
            %le3A_1032 = arith.cmpi sle, %gather3A_1031, %add3A_1011 : vector<16xi32>
            %select_n3A_1033 = arith.select %le3A_1032, %add3A_1030, %select_n3A_1027 : vector<16xi1>, vector<16xi32>
            %add3A_1034 = arith.constant 4 : i32
            %add3A_1035 = vector.broadcast %add3A_1034 : i32 to vector<16xi32>
            %add3A_1036 = arith.addi %select_n3A_1033, %add3A_1035 : vector<16xi32>
            %gather3A_1037 = tpu.vector_load_idx %arg9[%add3A_1036] : memref<80xi32, #tpu.memory_space<vmem>>[vector<16xi32>], vector<16xi32>,
            %le3A_1038 = arith.cmpi sle, %gather3A_1037, %add3A_1011 : vector<16xi32>
            %select_n3A_1039 = arith.select %le3A_1038, %add3A_1036, %select_n3A_1033 : vector<16xi1>, vector<16xi32>
            %add3A_1040 = arith.constant 2 : i32
            %add3A_1041 = vector.broadcast %add3A_1040 : i32 to vector<16xi32>
            %add3A_1042 = arith.addi %select_n3A_1039, %add3A_1041 : vector<16xi32>
            %gather3A_1043 = tpu.vector_load_idx %arg9[%add3A_1042] : memref<80xi32, #tpu.memory_space<vmem>>[vector<16xi32>], vector<16xi32>,
            %le3A_1044 = arith.cmpi sle, %gather3A_1043, %add3A_1011 : vector<16xi32>
            %select_n3A_1045 = arith.select %le3A_1044, %add3A_1042, %select_n3A_1039 : vector<16xi1>, vector<16xi32>
            %add3A_1046 = arith.constant 1 : i32
            %add3A_1047 = vector.broadcast %add3A_1046 : i32 to vector<16xi32>
            %add3A_1048 = arith.addi %select_n3A_1045, %add3A_1047 : vector<16xi32>
            %gather3A_1049 = tpu.vector_load_idx %arg9[%add3A_1048] : memref<80xi32, #tpu.memory_space<vmem>>[vector<16xi32>], vector<16xi32>,
            %le3A_1050 = arith.cmpi sle, %gather3A_1049, %add3A_1011 : vector<16xi32>
            %select_n3A_1051 = arith.select %le3A_1050, %add3A_1048, %select_n3A_1045 : vector<16xi1>, vector<16xi32>
            %ge3A_1052 = vector.broadcast %squeeze3A : i32 to vector<16xi32>
            %ge3A_1053 = arith.cmpi sge, %add3A_1011, %ge3A_1052 : vector<16xi32>
            %lt3A_1054 = vector.broadcast %squeeze3A_537 : i32 to vector<16xi32>
            %lt3A_1055 = arith.cmpi slt, %add3A_1011, %lt3A_1054 : vector<16xi32>
            %and3A_1056 = arith.andi %ge3A_1053, %lt3A_1055 : vector<16xi1>
            %mul3A_1057 = arith.constant 9 : i32
            %mul3A_1058 = vector.broadcast %mul3A_1057 : i32 to vector<16xi32>
            %mul3A_1059 = arith.muli %select_n3A_1051, %mul3A_1058 : vector<16xi32>
            %add3A_1060 = arith.addi %mul3A_1059, %get3A_1013 : vector<16xi32>
            %jit3A_1061 = arith.constant 576 : i32
            %broadcast_in_dim3A_1062 = vector.broadcast %jit3A_1061 : i32 to vector<16xi32>
            %select_n3A_1063 = arith.select %and3A_1056, %add3A_1060, %broadcast_in_dim3A_1062 : vector<16xi1>, vector<16xi32>
            %add3A_1064 = vector.broadcast %mul3A_2 : i32 to vector<16xi32>
            %add3A_1065 = arith.addi %select_n3A_1063, %add3A_1064 : vector<16xi32>
            %swap3A_1066 = arith.constant 48 : index
            %swap3A_1067 = tpu.vector_load %arg12[%swap3A_1066] {strides = array<i32>} : memref<128xi32, #tpu.memory_space<vmem>>, vector<16xi32>,
            tpu.vector_store %arg12[%swap3A_1066], %add3A_1065 {strides = array<i32>} : memref<128xi32, #tpu.memory_space<vmem>>, vector<16xi32>,
            %add3A_1068 = arith.constant 64 : i32
            %add3A_1069 = arith.addi %add3A_821, %add3A_1068 : i32
            %iota3A_1070 = tpu.iota {dimensions = array<i32: 0>} : vector<16xi32>
            %add3A_1071 = vector.broadcast %add3A_1069 : i32 to vector<16xi32>
            %add3A_1072 = arith.addi %add3A_1071, %iota3A_1070 : vector<16xi32>
            %get3A_1073 = arith.constant 320 : index
            %get3A_1074 = tpu.vector_load %arg11[%get3A_1073] {strides = array<i32>} : memref<512xi32, #tpu.memory_space<vmem>>, vector<16xi32>,
            %broadcast_in_dim3A_1075 = arith.constant 0 : i32
            %broadcast_in_dim3A_1076 = vector.broadcast %broadcast_in_dim3A_1075 : i32 to vector<16xi32>
            %add3A_1077 = arith.constant 32 : i32
            %add3A_1078 = vector.broadcast %add3A_1077 : i32 to vector<16xi32>
            %add3A_1079 = arith.addi %broadcast_in_dim3A_1076, %add3A_1078 : vector<16xi32>
            %gather3A_1080 = tpu.vector_load_idx %arg9[%add3A_1079] : memref<80xi32, #tpu.memory_space<vmem>>[vector<16xi32>], vector<16xi32>,
            %le3A_1081 = arith.cmpi sle, %gather3A_1080, %add3A_1072 : vector<16xi32>
            %select_n3A_1082 = arith.select %le3A_1081, %add3A_1079, %broadcast_in_dim3A_1076 : vector<16xi1>, vector<16xi32>
            %add3A_1083 = arith.constant 16 : i32
            %add3A_1084 = vector.broadcast %add3A_1083 : i32 to vector<16xi32>
            %add3A_1085 = arith.addi %select_n3A_1082, %add3A_1084 : vector<16xi32>
            %gather3A_1086 = tpu.vector_load_idx %arg9[%add3A_1085] : memref<80xi32, #tpu.memory_space<vmem>>[vector<16xi32>], vector<16xi32>,
            %le3A_1087 = arith.cmpi sle, %gather3A_1086, %add3A_1072 : vector<16xi32>
            %select_n3A_1088 = arith.select %le3A_1087, %add3A_1085, %select_n3A_1082 : vector<16xi1>, vector<16xi32>
            %add3A_1089 = arith.constant 8 : i32
            %add3A_1090 = vector.broadcast %add3A_1089 : i32 to vector<16xi32>
            %add3A_1091 = arith.addi %select_n3A_1088, %add3A_1090 : vector<16xi32>
            %gather3A_1092 = tpu.vector_load_idx %arg9[%add3A_1091] : memref<80xi32, #tpu.memory_space<vmem>>[vector<16xi32>], vector<16xi32>,
            %le3A_1093 = arith.cmpi sle, %gather3A_1092, %add3A_1072 : vector<16xi32>
            %select_n3A_1094 = arith.select %le3A_1093, %add3A_1091, %select_n3A_1088 : vector<16xi1>, vector<16xi32>
            %add3A_1095 = arith.constant 4 : i32
            %add3A_1096 = vector.broadcast %add3A_1095 : i32 to vector<16xi32>
            %add3A_1097 = arith.addi %select_n3A_1094, %add3A_1096 : vector<16xi32>
            %gather3A_1098 = tpu.vector_load_idx %arg9[%add3A_1097] : memref<80xi32, #tpu.memory_space<vmem>>[vector<16xi32>], vector<16xi32>,
            %le3A_1099 = arith.cmpi sle, %gather3A_1098, %add3A_1072 : vector<16xi32>
            %select_n3A_1100 = arith.select %le3A_1099, %add3A_1097, %select_n3A_1094 : vector<16xi1>, vector<16xi32>
            %add3A_1101 = arith.constant 2 : i32
            %add3A_1102 = vector.broadcast %add3A_1101 : i32 to vector<16xi32>
            %add3A_1103 = arith.addi %select_n3A_1100, %add3A_1102 : vector<16xi32>
            %gather3A_1104 = tpu.vector_load_idx %arg9[%add3A_1103] : memref<80xi32, #tpu.memory_space<vmem>>[vector<16xi32>], vector<16xi32>,
            %le3A_1105 = arith.cmpi sle, %gather3A_1104, %add3A_1072 : vector<16xi32>
            %select_n3A_1106 = arith.select %le3A_1105, %add3A_1103, %select_n3A_1100 : vector<16xi1>, vector<16xi32>
            %add3A_1107 = arith.constant 1 : i32
            %add3A_1108 = vector.broadcast %add3A_1107 : i32 to vector<16xi32>
            %add3A_1109 = arith.addi %select_n3A_1106, %add3A_1108 : vector<16xi32>
            %gather3A_1110 = tpu.vector_load_idx %arg9[%add3A_1109] : memref<80xi32, #tpu.memory_space<vmem>>[vector<16xi32>], vector<16xi32>,
            %le3A_1111 = arith.cmpi sle, %gather3A_1110, %add3A_1072 : vector<16xi32>
            %select_n3A_1112 = arith.select %le3A_1111, %add3A_1109, %select_n3A_1106 : vector<16xi1>, vector<16xi32>
            %ge3A_1113 = vector.broadcast %squeeze3A : i32 to vector<16xi32>
            %ge3A_1114 = arith.cmpi sge, %add3A_1072, %ge3A_1113 : vector<16xi32>
            %lt3A_1115 = vector.broadcast %squeeze3A_537 : i32 to vector<16xi32>
            %lt3A_1116 = arith.cmpi slt, %add3A_1072, %lt3A_1115 : vector<16xi32>
            %and3A_1117 = arith.andi %ge3A_1114, %lt3A_1116 : vector<16xi1>
            %mul3A_1118 = arith.constant 9 : i32
            %mul3A_1119 = vector.broadcast %mul3A_1118 : i32 to vector<16xi32>
            %mul3A_1120 = arith.muli %select_n3A_1112, %mul3A_1119 : vector<16xi32>
            %add3A_1121 = arith.addi %mul3A_1120, %get3A_1074 : vector<16xi32>
            %jit3A_1122 = arith.constant 576 : i32
            %broadcast_in_dim3A_1123 = vector.broadcast %jit3A_1122 : i32 to vector<16xi32>
            %select_n3A_1124 = arith.select %and3A_1117, %add3A_1121, %broadcast_in_dim3A_1123 : vector<16xi1>, vector<16xi32>
            %add3A_1125 = vector.broadcast %mul3A_2 : i32 to vector<16xi32>
            %add3A_1126 = arith.addi %select_n3A_1124, %add3A_1125 : vector<16xi32>
            %swap3A_1127 = arith.constant 64 : index
            %swap3A_1128 = tpu.vector_load %arg12[%swap3A_1127] {strides = array<i32>} : memref<128xi32, #tpu.memory_space<vmem>>, vector<16xi32>,
            tpu.vector_store %arg12[%swap3A_1127], %add3A_1126 {strides = array<i32>} : memref<128xi32, #tpu.memory_space<vmem>>, vector<16xi32>,
            %add3A_1129 = arith.constant 80 : i32
            %add3A_1130 = arith.addi %add3A_821, %add3A_1129 : i32
            %iota3A_1131 = tpu.iota {dimensions = array<i32: 0>} : vector<16xi32>
            %add3A_1132 = vector.broadcast %add3A_1130 : i32 to vector<16xi32>
            %add3A_1133 = arith.addi %add3A_1132, %iota3A_1131 : vector<16xi32>
            %get3A_1134 = arith.constant 336 : index
            %get3A_1135 = tpu.vector_load %arg11[%get3A_1134] {strides = array<i32>} : memref<512xi32, #tpu.memory_space<vmem>>, vector<16xi32>,
            %broadcast_in_dim3A_1136 = arith.constant 0 : i32
            %broadcast_in_dim3A_1137 = vector.broadcast %broadcast_in_dim3A_1136 : i32 to vector<16xi32>
            %add3A_1138 = arith.constant 32 : i32
            %add3A_1139 = vector.broadcast %add3A_1138 : i32 to vector<16xi32>
            %add3A_1140 = arith.addi %broadcast_in_dim3A_1137, %add3A_1139 : vector<16xi32>
            %gather3A_1141 = tpu.vector_load_idx %arg9[%add3A_1140] : memref<80xi32, #tpu.memory_space<vmem>>[vector<16xi32>], vector<16xi32>,
            %le3A_1142 = arith.cmpi sle, %gather3A_1141, %add3A_1133 : vector<16xi32>
            %select_n3A_1143 = arith.select %le3A_1142, %add3A_1140, %broadcast_in_dim3A_1137 : vector<16xi1>, vector<16xi32>
            %add3A_1144 = arith.constant 16 : i32
            %add3A_1145 = vector.broadcast %add3A_1144 : i32 to vector<16xi32>
            %add3A_1146 = arith.addi %select_n3A_1143, %add3A_1145 : vector<16xi32>
            %gather3A_1147 = tpu.vector_load_idx %arg9[%add3A_1146] : memref<80xi32, #tpu.memory_space<vmem>>[vector<16xi32>], vector<16xi32>,
            %le3A_1148 = arith.cmpi sle, %gather3A_1147, %add3A_1133 : vector<16xi32>
            %select_n3A_1149 = arith.select %le3A_1148, %add3A_1146, %select_n3A_1143 : vector<16xi1>, vector<16xi32>
            %add3A_1150 = arith.constant 8 : i32
            %add3A_1151 = vector.broadcast %add3A_1150 : i32 to vector<16xi32>
            %add3A_1152 = arith.addi %select_n3A_1149, %add3A_1151 : vector<16xi32>
            %gather3A_1153 = tpu.vector_load_idx %arg9[%add3A_1152] : memref<80xi32, #tpu.memory_space<vmem>>[vector<16xi32>], vector<16xi32>,
            %le3A_1154 = arith.cmpi sle, %gather3A_1153, %add3A_1133 : vector<16xi32>
            %select_n3A_1155 = arith.select %le3A_1154, %add3A_1152, %select_n3A_1149 : vector<16xi1>, vector<16xi32>
            %add3A_1156 = arith.constant 4 : i32
            %add3A_1157 = vector.broadcast %add3A_1156 : i32 to vector<16xi32>
            %add3A_1158 = arith.addi %select_n3A_1155, %add3A_1157 : vector<16xi32>
            %gather3A_1159 = tpu.vector_load_idx %arg9[%add3A_1158] : memref<80xi32, #tpu.memory_space<vmem>>[vector<16xi32>], vector<16xi32>,
            %le3A_1160 = arith.cmpi sle, %gather3A_1159, %add3A_1133 : vector<16xi32>
            %select_n3A_1161 = arith.select %le3A_1160, %add3A_1158, %select_n3A_1155 : vector<16xi1>, vector<16xi32>
            %add3A_1162 = arith.constant 2 : i32
            %add3A_1163 = vector.broadcast %add3A_1162 : i32 to vector<16xi32>
            %add3A_1164 = arith.addi %select_n3A_1161, %add3A_1163 : vector<16xi32>
            %gather3A_1165 = tpu.vector_load_idx %arg9[%add3A_1164] : memref<80xi32, #tpu.memory_space<vmem>>[vector<16xi32>], vector<16xi32>,
            %le3A_1166 = arith.cmpi sle, %gather3A_1165, %add3A_1133 : vector<16xi32>
            %select_n3A_1167 = arith.select %le3A_1166, %add3A_1164, %select_n3A_1161 : vector<16xi1>, vector<16xi32>
            %add3A_1168 = arith.constant 1 : i32
            %add3A_1169 = vector.broadcast %add3A_1168 : i32 to vector<16xi32>
            %add3A_1170 = arith.addi %select_n3A_1167, %add3A_1169 : vector<16xi32>
            %gather3A_1171 = tpu.vector_load_idx %arg9[%add3A_1170] : memref<80xi32, #tpu.memory_space<vmem>>[vector<16xi32>], vector<16xi32>,
            %le3A_1172 = arith.cmpi sle, %gather3A_1171, %add3A_1133 : vector<16xi32>
            %select_n3A_1173 = arith.select %le3A_1172, %add3A_1170, %select_n3A_1167 : vector<16xi1>, vector<16xi32>
            %ge3A_1174 = vector.broadcast %squeeze3A : i32 to vector<16xi32>
            %ge3A_1175 = arith.cmpi sge, %add3A_1133, %ge3A_1174 : vector<16xi32>
            %lt3A_1176 = vector.broadcast %squeeze3A_537 : i32 to vector<16xi32>
            %lt3A_1177 = arith.cmpi slt, %add3A_1133, %lt3A_1176 : vector<16xi32>
            %and3A_1178 = arith.andi %ge3A_1175, %lt3A_1177 : vector<16xi1>
            %mul3A_1179 = arith.constant 9 : i32
            %mul3A_1180 = vector.broadcast %mul3A_1179 : i32 to vector<16xi32>
            %mul3A_1181 = arith.muli %select_n3A_1173, %mul3A_1180 : vector<16xi32>
            %add3A_1182 = arith.addi %mul3A_1181, %get3A_1135 : vector<16xi32>
            %jit3A_1183 = arith.constant 576 : i32
            %broadcast_in_dim3A_1184 = vector.broadcast %jit3A_1183 : i32 to vector<16xi32>
            %select_n3A_1185 = arith.select %and3A_1178, %add3A_1182, %broadcast_in_dim3A_1184 : vector<16xi1>, vector<16xi32>
            %add3A_1186 = vector.broadcast %mul3A_2 : i32 to vector<16xi32>
            %add3A_1187 = arith.addi %select_n3A_1185, %add3A_1186 : vector<16xi32>
            %swap3A_1188 = arith.constant 80 : index
            %swap3A_1189 = tpu.vector_load %arg12[%swap3A_1188] {strides = array<i32>} : memref<128xi32, #tpu.memory_space<vmem>>, vector<16xi32>,
            tpu.vector_store %arg12[%swap3A_1188], %add3A_1187 {strides = array<i32>} : memref<128xi32, #tpu.memory_space<vmem>>, vector<16xi32>,
            %add3A_1190 = arith.constant 96 : i32
            %add3A_1191 = arith.addi %add3A_821, %add3A_1190 : i32
            %iota3A_1192 = tpu.iota {dimensions = array<i32: 0>} : vector<16xi32>
            %add3A_1193 = vector.broadcast %add3A_1191 : i32 to vector<16xi32>
            %add3A_1194 = arith.addi %add3A_1193, %iota3A_1192 : vector<16xi32>
            %get3A_1195 = arith.constant 352 : index
            %get3A_1196 = tpu.vector_load %arg11[%get3A_1195] {strides = array<i32>} : memref<512xi32, #tpu.memory_space<vmem>>, vector<16xi32>,
            %broadcast_in_dim3A_1197 = arith.constant 0 : i32
            %broadcast_in_dim3A_1198 = vector.broadcast %broadcast_in_dim3A_1197 : i32 to vector<16xi32>
            %add3A_1199 = arith.constant 32 : i32
            %add3A_1200 = vector.broadcast %add3A_1199 : i32 to vector<16xi32>
            %add3A_1201 = arith.addi %broadcast_in_dim3A_1198, %add3A_1200 : vector<16xi32>
            %gather3A_1202 = tpu.vector_load_idx %arg9[%add3A_1201] : memref<80xi32, #tpu.memory_space<vmem>>[vector<16xi32>], vector<16xi32>,
            %le3A_1203 = arith.cmpi sle, %gather3A_1202, %add3A_1194 : vector<16xi32>
            %select_n3A_1204 = arith.select %le3A_1203, %add3A_1201, %broadcast_in_dim3A_1198 : vector<16xi1>, vector<16xi32>
            %add3A_1205 = arith.constant 16 : i32
            %add3A_1206 = vector.broadcast %add3A_1205 : i32 to vector<16xi32>
            %add3A_1207 = arith.addi %select_n3A_1204, %add3A_1206 : vector<16xi32>
            %gather3A_1208 = tpu.vector_load_idx %arg9[%add3A_1207] : memref<80xi32, #tpu.memory_space<vmem>>[vector<16xi32>], vector<16xi32>,
            %le3A_1209 = arith.cmpi sle, %gather3A_1208, %add3A_1194 : vector<16xi32>
            %select_n3A_1210 = arith.select %le3A_1209, %add3A_1207, %select_n3A_1204 : vector<16xi1>, vector<16xi32>
            %add3A_1211 = arith.constant 8 : i32
            %add3A_1212 = vector.broadcast %add3A_1211 : i32 to vector<16xi32>
            %add3A_1213 = arith.addi %select_n3A_1210, %add3A_1212 : vector<16xi32>
            %gather3A_1214 = tpu.vector_load_idx %arg9[%add3A_1213] : memref<80xi32, #tpu.memory_space<vmem>>[vector<16xi32>], vector<16xi32>,
            %le3A_1215 = arith.cmpi sle, %gather3A_1214, %add3A_1194 : vector<16xi32>
            %select_n3A_1216 = arith.select %le3A_1215, %add3A_1213, %select_n3A_1210 : vector<16xi1>, vector<16xi32>
            %add3A_1217 = arith.constant 4 : i32
            %add3A_1218 = vector.broadcast %add3A_1217 : i32 to vector<16xi32>
            %add3A_1219 = arith.addi %select_n3A_1216, %add3A_1218 : vector<16xi32>
            %gather3A_1220 = tpu.vector_load_idx %arg9[%add3A_1219] : memref<80xi32, #tpu.memory_space<vmem>>[vector<16xi32>], vector<16xi32>,
            %le3A_1221 = arith.cmpi sle, %gather3A_1220, %add3A_1194 : vector<16xi32>
            %select_n3A_1222 = arith.select %le3A_1221, %add3A_1219, %select_n3A_1216 : vector<16xi1>, vector<16xi32>
            %add3A_1223 = arith.constant 2 : i32
            %add3A_1224 = vector.broadcast %add3A_1223 : i32 to vector<16xi32>
            %add3A_1225 = arith.addi %select_n3A_1222, %add3A_1224 : vector<16xi32>
            %gather3A_1226 = tpu.vector_load_idx %arg9[%add3A_1225] : memref<80xi32, #tpu.memory_space<vmem>>[vector<16xi32>], vector<16xi32>,
            %le3A_1227 = arith.cmpi sle, %gather3A_1226, %add3A_1194 : vector<16xi32>
            %select_n3A_1228 = arith.select %le3A_1227, %add3A_1225, %select_n3A_1222 : vector<16xi1>, vector<16xi32>
            %add3A_1229 = arith.constant 1 : i32
            %add3A_1230 = vector.broadcast %add3A_1229 : i32 to vector<16xi32>
            %add3A_1231 = arith.addi %select_n3A_1228, %add3A_1230 : vector<16xi32>
            %gather3A_1232 = tpu.vector_load_idx %arg9[%add3A_1231] : memref<80xi32, #tpu.memory_space<vmem>>[vector<16xi32>], vector<16xi32>,
            %le3A_1233 = arith.cmpi sle, %gather3A_1232, %add3A_1194 : vector<16xi32>
            %select_n3A_1234 = arith.select %le3A_1233, %add3A_1231, %select_n3A_1228 : vector<16xi1>, vector<16xi32>
            %ge3A_1235 = vector.broadcast %squeeze3A : i32 to vector<16xi32>
            %ge3A_1236 = arith.cmpi sge, %add3A_1194, %ge3A_1235 : vector<16xi32>
            %lt3A_1237 = vector.broadcast %squeeze3A_537 : i32 to vector<16xi32>
            %lt3A_1238 = arith.cmpi slt, %add3A_1194, %lt3A_1237 : vector<16xi32>
            %and3A_1239 = arith.andi %ge3A_1236, %lt3A_1238 : vector<16xi1>
            %mul3A_1240 = arith.constant 9 : i32
            %mul3A_1241 = vector.broadcast %mul3A_1240 : i32 to vector<16xi32>
            %mul3A_1242 = arith.muli %select_n3A_1234, %mul3A_1241 : vector<16xi32>
            %add3A_1243 = arith.addi %mul3A_1242, %get3A_1196 : vector<16xi32>
            %jit3A_1244 = arith.constant 576 : i32
            %broadcast_in_dim3A_1245 = vector.broadcast %jit3A_1244 : i32 to vector<16xi32>
            %select_n3A_1246 = arith.select %and3A_1239, %add3A_1243, %broadcast_in_dim3A_1245 : vector<16xi1>, vector<16xi32>
            %add3A_1247 = vector.broadcast %mul3A_2 : i32 to vector<16xi32>
            %add3A_1248 = arith.addi %select_n3A_1246, %add3A_1247 : vector<16xi32>
            %swap3A_1249 = arith.constant 96 : index
            %swap3A_1250 = tpu.vector_load %arg12[%swap3A_1249] {strides = array<i32>} : memref<128xi32, #tpu.memory_space<vmem>>, vector<16xi32>,
            tpu.vector_store %arg12[%swap3A_1249], %add3A_1248 {strides = array<i32>} : memref<128xi32, #tpu.memory_space<vmem>>, vector<16xi32>,
            %add3A_1251 = arith.constant 112 : i32
            %add3A_1252 = arith.addi %add3A_821, %add3A_1251 : i32
            %iota3A_1253 = tpu.iota {dimensions = array<i32: 0>} : vector<16xi32>
            %add3A_1254 = vector.broadcast %add3A_1252 : i32 to vector<16xi32>
            %add3A_1255 = arith.addi %add3A_1254, %iota3A_1253 : vector<16xi32>
            %get3A_1256 = arith.constant 368 : index
            %get3A_1257 = tpu.vector_load %arg11[%get3A_1256] {strides = array<i32>} : memref<512xi32, #tpu.memory_space<vmem>>, vector<16xi32>,
            %broadcast_in_dim3A_1258 = arith.constant 0 : i32
            %broadcast_in_dim3A_1259 = vector.broadcast %broadcast_in_dim3A_1258 : i32 to vector<16xi32>
            %add3A_1260 = arith.constant 32 : i32
            %add3A_1261 = vector.broadcast %add3A_1260 : i32 to vector<16xi32>
            %add3A_1262 = arith.addi %broadcast_in_dim3A_1259, %add3A_1261 : vector<16xi32>
            %gather3A_1263 = tpu.vector_load_idx %arg9[%add3A_1262] : memref<80xi32, #tpu.memory_space<vmem>>[vector<16xi32>], vector<16xi32>,
            %le3A_1264 = arith.cmpi sle, %gather3A_1263, %add3A_1255 : vector<16xi32>
            %select_n3A_1265 = arith.select %le3A_1264, %add3A_1262, %broadcast_in_dim3A_1259 : vector<16xi1>, vector<16xi32>
            %add3A_1266 = arith.constant 16 : i32
            %add3A_1267 = vector.broadcast %add3A_1266 : i32 to vector<16xi32>
            %add3A_1268 = arith.addi %select_n3A_1265, %add3A_1267 : vector<16xi32>
            %gather3A_1269 = tpu.vector_load_idx %arg9[%add3A_1268] : memref<80xi32, #tpu.memory_space<vmem>>[vector<16xi32>], vector<16xi32>,
            %le3A_1270 = arith.cmpi sle, %gather3A_1269, %add3A_1255 : vector<16xi32>
            %select_n3A_1271 = arith.select %le3A_1270, %add3A_1268, %select_n3A_1265 : vector<16xi1>, vector<16xi32>
            %add3A_1272 = arith.constant 8 : i32
            %add3A_1273 = vector.broadcast %add3A_1272 : i32 to vector<16xi32>
            %add3A_1274 = arith.addi %select_n3A_1271, %add3A_1273 : vector<16xi32>
            %gather3A_1275 = tpu.vector_load_idx %arg9[%add3A_1274] : memref<80xi32, #tpu.memory_space<vmem>>[vector<16xi32>], vector<16xi32>,
            %le3A_1276 = arith.cmpi sle, %gather3A_1275, %add3A_1255 : vector<16xi32>
            %select_n3A_1277 = arith.select %le3A_1276, %add3A_1274, %select_n3A_1271 : vector<16xi1>, vector<16xi32>
            %add3A_1278 = arith.constant 4 : i32
            %add3A_1279 = vector.broadcast %add3A_1278 : i32 to vector<16xi32>
            %add3A_1280 = arith.addi %select_n3A_1277, %add3A_1279 : vector<16xi32>
            %gather3A_1281 = tpu.vector_load_idx %arg9[%add3A_1280] : memref<80xi32, #tpu.memory_space<vmem>>[vector<16xi32>], vector<16xi32>,
            %le3A_1282 = arith.cmpi sle, %gather3A_1281, %add3A_1255 : vector<16xi32>
            %select_n3A_1283 = arith.select %le3A_1282, %add3A_1280, %select_n3A_1277 : vector<16xi1>, vector<16xi32>
            %add3A_1284 = arith.constant 2 : i32
            %add3A_1285 = vector.broadcast %add3A_1284 : i32 to vector<16xi32>
            %add3A_1286 = arith.addi %select_n3A_1283, %add3A_1285 : vector<16xi32>
            %gather3A_1287 = tpu.vector_load_idx %arg9[%add3A_1286] : memref<80xi32, #tpu.memory_space<vmem>>[vector<16xi32>], vector<16xi32>,
            %le3A_1288 = arith.cmpi sle, %gather3A_1287, %add3A_1255 : vector<16xi32>
            %select_n3A_1289 = arith.select %le3A_1288, %add3A_1286, %select_n3A_1283 : vector<16xi1>, vector<16xi32>
            %add3A_1290 = arith.constant 1 : i32
            %add3A_1291 = vector.broadcast %add3A_1290 : i32 to vector<16xi32>
            %add3A_1292 = arith.addi %select_n3A_1289, %add3A_1291 : vector<16xi32>
            %gather3A_1293 = tpu.vector_load_idx %arg9[%add3A_1292] : memref<80xi32, #tpu.memory_space<vmem>>[vector<16xi32>], vector<16xi32>,
            %le3A_1294 = arith.cmpi sle, %gather3A_1293, %add3A_1255 : vector<16xi32>
            %select_n3A_1295 = arith.select %le3A_1294, %add3A_1292, %select_n3A_1289 : vector<16xi1>, vector<16xi32>
            %ge3A_1296 = vector.broadcast %squeeze3A : i32 to vector<16xi32>
            %ge3A_1297 = arith.cmpi sge, %add3A_1255, %ge3A_1296 : vector<16xi32>
            %lt3A_1298 = vector.broadcast %squeeze3A_537 : i32 to vector<16xi32>
            %lt3A_1299 = arith.cmpi slt, %add3A_1255, %lt3A_1298 : vector<16xi32>
            %and3A_1300 = arith.andi %ge3A_1297, %lt3A_1299 : vector<16xi1>
            %mul3A_1301 = arith.constant 9 : i32
            %mul3A_1302 = vector.broadcast %mul3A_1301 : i32 to vector<16xi32>
            %mul3A_1303 = arith.muli %select_n3A_1295, %mul3A_1302 : vector<16xi32>
            %add3A_1304 = arith.addi %mul3A_1303, %get3A_1257 : vector<16xi32>
            %jit3A_1305 = arith.constant 576 : i32
            %broadcast_in_dim3A_1306 = vector.broadcast %jit3A_1305 : i32 to vector<16xi32>
            %select_n3A_1307 = arith.select %and3A_1300, %add3A_1304, %broadcast_in_dim3A_1306 : vector<16xi1>, vector<16xi32>
            %add3A_1308 = vector.broadcast %mul3A_2 : i32 to vector<16xi32>
            %add3A_1309 = arith.addi %select_n3A_1307, %add3A_1308 : vector<16xi32>
            %swap3A_1310 = arith.constant 112 : index
            %swap3A_1311 = tpu.vector_load %arg12[%swap3A_1310] {strides = array<i32>} : memref<128xi32, #tpu.memory_space<vmem>>, vector<16xi32>,
            tpu.vector_store %arg12[%swap3A_1310], %add3A_1309 {strides = array<i32>} : memref<128xi32, #tpu.memory_space<vmem>>, vector<16xi32>,
          } else {
          }
          %dma_wait3A_802 = arith.constant 128 : i32
          %dma_wait3A_803 = tpu.memref_slice %arg10[%dma_wait3A_802] : memref<512xi32, #tpu.memory_space<vmem>> -> memref<128xi32, #tpu.memory_space<vmem>>
          %dma_wait3A_804 = arith.constant 0 : i32
          %dma_wait3A_805 = arith.constant 0 : i32
          %dma_wait3A_806 = tpu.memref_slice %arg2[%dma_wait3A_804, %dma_wait3A_805] : memref<10000x128xf32, #tpu.memory_space<hbm>> -> memref<10000x128xf32, #tpu.memory_space<hbm>>
          tpu.wait_indirect_dma semaphore(%arg19 : memref<!tpu.dma_semaphore, #tpu.memory_space<semaphore_mem>>) src(%dma_wait3A_806 : memref<10000x128xf32, #tpu.memory_space<hbm>>) dst(%arg16 : memref<128x128xf32, #tpu.memory_space<vmem>>)
          %dma_start3A_807 = arith.constant 0 : i32
          %dma_start3A_808 = arith.constant 0 : i32
          %dma_start3A_809 = tpu.memref_slice %arg8[%dma_start3A_807, %dma_start3A_808] : memref<9344x128xf32, #tpu.memory_space<vmem_shared>> -> memref<9344x128xf32, #tpu.memory_space<vmem_shared>>
          tpu.enqueue_indirect_dma source(%arg16 : memref<128x128xf32, #tpu.memory_space<vmem>>) target(%dma_start3A_809 : memref<9344x128xf32, #tpu.memory_space<vmem_shared>>) offsets(%arg13 : memref<128xi32, #tpu.memory_space<vmem>>) semaphore(%arg21 : memref<!tpu.dma_semaphore, #tpu.memory_space<semaphore_mem>>) {add = true}
        } else {
        }
        %add3A_782 = arith.constant 2 : i32
        %add3A_783 = arith.addi %mul3A_765, %add3A_782 : i32
        %lt3A_784 = arith.cmpi slt, %add3A_783, %select_n3A : i32
        %convert_element_type3A_785 = arith.extui %lt3A_784 : i1 to i32
        %cond3A_786 = arith.constant 0 : i32
        %cond3A_787 = arith.cmpi ne, %convert_element_type3A_785, %cond3A_786 : i32
        scf.if %cond3A_787 {
          %add3A_794 = arith.constant 2 : i32
          %add3A_795 = arith.addi %mul3A_765, %add3A_794 : i32
          %add3A_796 = arith.constant 1 : i32
          %add3A_797 = arith.addi %add3A_795, %add3A_796 : i32
          %lt3A_798 = arith.cmpi slt, %add3A_797, %select_n3A : i32
          %convert_element_type3A_799 = arith.extui %lt3A_798 : i1 to i32
          %cond3A_800 = arith.constant 0 : i32
          %cond3A_801 = arith.cmpi ne, %convert_element_type3A_799, %cond3A_800 : i32
          scf.if %cond3A_801 {
            %add3A_810 = arith.constant 3 : i32
            %add3A_811 = arith.addi %mul3A_765, %add3A_810 : i32
            %ge3A_812 = arith.constant 2 : i32
            %ge3A_813 = arith.cmpi sge, %add3A_811, %ge3A_812 : i32
            %convert_element_type3A_814 = arith.extui %ge3A_813 : i1 to i32
            %cond3A_815 = arith.constant 0 : i32
            %cond3A_816 = arith.cmpi ne, %convert_element_type3A_814, %cond3A_815 : i32
            scf.if %cond3A_816 {
              %dma_wait3A_1312 = arith.constant 0 : i32
              %dma_wait3A_1313 = arith.constant 0 : i32
              %dma_wait3A_1314 = tpu.memref_slice %arg8[%dma_wait3A_1312, %dma_wait3A_1313] : memref<9344x128xf32, #tpu.memory_space<vmem_shared>> -> memref<9344x128xf32, #tpu.memory_space<vmem_shared>>
              tpu.wait_indirect_dma semaphore(%arg21 : memref<!tpu.dma_semaphore, #tpu.memory_space<semaphore_mem>>) src(%arg16 : memref<128x128xf32, #tpu.memory_space<vmem>>) dst(%dma_wait3A_1314 : memref<9344x128xf32, #tpu.memory_space<vmem_shared>>)
            } else {
            }
            %add3A_817 = arith.constant 3 : i32
            %add3A_818 = arith.addi %mul3A_765, %add3A_817 : i32
            %mul3A_819 = arith.constant 128 : i32
            %mul3A_820 = arith.muli %add3A_818, %mul3A_819 : i32
            %add3A_821 = arith.addi %and3A_538, %mul3A_820 : i32
            %dma_start3A_822 = arith.constant 384 : i32
            %dma_start3A_823 = tpu.memref_slice %arg10[%dma_start3A_822] : memref<512xi32, #tpu.memory_space<vmem>> -> memref<128xi32, #tpu.memory_space<vmem>>
            %dma_start3A_824 = arith.constant 0 : i32
            %dma_start3A_825 = arith.constant 0 : i32
            %dma_start3A_826 = tpu.memref_slice %arg2[%dma_start3A_824, %dma_start3A_825] : memref<10000x128xf32, #tpu.memory_space<hbm>> -> memref<10000x128xf32, #tpu.memory_space<hbm>>
            tpu.enqueue_indirect_dma source(%dma_start3A_826 : memref<10000x128xf32, #tpu.memory_space<hbm>>) target(%arg16 : memref<128x128xf32, #tpu.memory_space<vmem>>) offsets(%dma_start3A_823 : memref<128xi32, #tpu.memory_space<vmem>>) semaphore(%arg19 : memref<!tpu.dma_semaphore, #tpu.memory_space<semaphore_mem>>)
            %add3A_827 = arith.constant 0 : i32
            %add3A_828 = arith.addi %add3A_821, %add3A_827 : i32
            %iota3A_829 = tpu.iota {dimensions = array<i32: 0>} : vector<16xi32>
            %add3A_830 = vector.broadcast %add3A_828 : i32 to vector<16xi32>
            %add3A_831 = arith.addi %add3A_830, %iota3A_829 : vector<16xi32>
            %get3A_832 = arith.constant 384 : index
            %get3A_833 = tpu.vector_load %arg11[%get3A_832] {strides = array<i32>} : memref<512xi32, #tpu.memory_space<vmem>>, vector<16xi32>,
            %broadcast_in_dim3A = arith.constant 0 : i32
            %broadcast_in_dim3A_834 = vector.broadcast %broadcast_in_dim3A : i32 to vector<16xi32>
            %add3A_835 = arith.constant 32 : i32
            %add3A_836 = vector.broadcast %add3A_835 : i32 to vector<16xi32>
            %add3A_837 = arith.addi %broadcast_in_dim3A_834, %add3A_836 : vector<16xi32>
            %gather3A = tpu.vector_load_idx %arg9[%add3A_837] : memref<80xi32, #tpu.memory_space<vmem>>[vector<16xi32>], vector<16xi32>,
            %le3A = arith.cmpi sle, %gather3A, %add3A_831 : vector<16xi32>
            %select_n3A_838 = arith.select %le3A, %add3A_837, %broadcast_in_dim3A_834 : vector<16xi1>, vector<16xi32>
            %add3A_839 = arith.constant 16 : i32
            %add3A_840 = vector.broadcast %add3A_839 : i32 to vector<16xi32>
            %add3A_841 = arith.addi %select_n3A_838, %add3A_840 : vector<16xi32>
            %gather3A_842 = tpu.vector_load_idx %arg9[%add3A_841] : memref<80xi32, #tpu.memory_space<vmem>>[vector<16xi32>], vector<16xi32>,
            %le3A_843 = arith.cmpi sle, %gather3A_842, %add3A_831 : vector<16xi32>
            %select_n3A_844 = arith.select %le3A_843, %add3A_841, %select_n3A_838 : vector<16xi1>, vector<16xi32>
            %add3A_845 = arith.constant 8 : i32
            %add3A_846 = vector.broadcast %add3A_845 : i32 to vector<16xi32>
            %add3A_847 = arith.addi %select_n3A_844, %add3A_846 : vector<16xi32>
            %gather3A_848 = tpu.vector_load_idx %arg9[%add3A_847] : memref<80xi32, #tpu.memory_space<vmem>>[vector<16xi32>], vector<16xi32>,
            %le3A_849 = arith.cmpi sle, %gather3A_848, %add3A_831 : vector<16xi32>
            %select_n3A_850 = arith.select %le3A_849, %add3A_847, %select_n3A_844 : vector<16xi1>, vector<16xi32>
            %add3A_851 = arith.constant 4 : i32
            %add3A_852 = vector.broadcast %add3A_851 : i32 to vector<16xi32>
            %add3A_853 = arith.addi %select_n3A_850, %add3A_852 : vector<16xi32>
            %gather3A_854 = tpu.vector_load_idx %arg9[%add3A_853] : memref<80xi32, #tpu.memory_space<vmem>>[vector<16xi32>], vector<16xi32>,
            %le3A_855 = arith.cmpi sle, %gather3A_854, %add3A_831 : vector<16xi32>
            %select_n3A_856 = arith.select %le3A_855, %add3A_853, %select_n3A_850 : vector<16xi1>, vector<16xi32>
            %add3A_857 = arith.constant 2 : i32
            %add3A_858 = vector.broadcast %add3A_857 : i32 to vector<16xi32>
            %add3A_859 = arith.addi %select_n3A_856, %add3A_858 : vector<16xi32>
            %gather3A_860 = tpu.vector_load_idx %arg9[%add3A_859] : memref<80xi32, #tpu.memory_space<vmem>>[vector<16xi32>], vector<16xi32>,
            %le3A_861 = arith.cmpi sle, %gather3A_860, %add3A_831 : vector<16xi32>
            %select_n3A_862 = arith.select %le3A_861, %add3A_859, %select_n3A_856 : vector<16xi1>, vector<16xi32>
            %add3A_863 = arith.constant 1 : i32
            %add3A_864 = vector.broadcast %add3A_863 : i32 to vector<16xi32>
            %add3A_865 = arith.addi %select_n3A_862, %add3A_864 : vector<16xi32>
            %gather3A_866 = tpu.vector_load_idx %arg9[%add3A_865] : memref<80xi32, #tpu.memory_space<vmem>>[vector<16xi32>], vector<16xi32>,
            %le3A_867 = arith.cmpi sle, %gather3A_866, %add3A_831 : vector<16xi32>
            %select_n3A_868 = arith.select %le3A_867, %add3A_865, %select_n3A_862 : vector<16xi1>, vector<16xi32>
            %ge3A_869 = vector.broadcast %squeeze3A : i32 to vector<16xi32>
            %ge3A_870 = arith.cmpi sge, %add3A_831, %ge3A_869 : vector<16xi32>
            %lt3A_871 = vector.broadcast %squeeze3A_537 : i32 to vector<16xi32>
            %lt3A_872 = arith.cmpi slt, %add3A_831, %lt3A_871 : vector<16xi32>
            %and3A_873 = arith.andi %ge3A_870, %lt3A_872 : vector<16xi1>
            %mul3A_874 = arith.constant 9 : i32
            %mul3A_875 = vector.broadcast %mul3A_874 : i32 to vector<16xi32>
            %mul3A_876 = arith.muli %select_n3A_868, %mul3A_875 : vector<16xi32>
            %add3A_877 = arith.addi %mul3A_876, %get3A_833 : vector<16xi32>
            %jit3A_878 = arith.constant 576 : i32
            %broadcast_in_dim3A_879 = vector.broadcast %jit3A_878 : i32 to vector<16xi32>
            %select_n3A_880 = arith.select %and3A_873, %add3A_877, %broadcast_in_dim3A_879 : vector<16xi1>, vector<16xi32>
            %add3A_881 = vector.broadcast %mul3A_2 : i32 to vector<16xi32>
            %add3A_882 = arith.addi %select_n3A_880, %add3A_881 : vector<16xi32>
            %swap3A_883 = arith.constant 0 : index
            %swap3A_884 = tpu.vector_load %arg13[%swap3A_883] {strides = array<i32>} : memref<128xi32, #tpu.memory_space<vmem>>, vector<16xi32>,
            tpu.vector_store %arg13[%swap3A_883], %add3A_882 {strides = array<i32>} : memref<128xi32, #tpu.memory_space<vmem>>, vector<16xi32>,
            %add3A_885 = arith.constant 16 : i32
            %add3A_886 = arith.addi %add3A_821, %add3A_885 : i32
            %iota3A_887 = tpu.iota {dimensions = array<i32: 0>} : vector<16xi32>
            %add3A_888 = vector.broadcast %add3A_886 : i32 to vector<16xi32>
            %add3A_889 = arith.addi %add3A_888, %iota3A_887 : vector<16xi32>
            %get3A_890 = arith.constant 400 : index
            %get3A_891 = tpu.vector_load %arg11[%get3A_890] {strides = array<i32>} : memref<512xi32, #tpu.memory_space<vmem>>, vector<16xi32>,
            %broadcast_in_dim3A_892 = arith.constant 0 : i32
            %broadcast_in_dim3A_893 = vector.broadcast %broadcast_in_dim3A_892 : i32 to vector<16xi32>
            %add3A_894 = arith.constant 32 : i32
            %add3A_895 = vector.broadcast %add3A_894 : i32 to vector<16xi32>
            %add3A_896 = arith.addi %broadcast_in_dim3A_893, %add3A_895 : vector<16xi32>
            %gather3A_897 = tpu.vector_load_idx %arg9[%add3A_896] : memref<80xi32, #tpu.memory_space<vmem>>[vector<16xi32>], vector<16xi32>,
            %le3A_898 = arith.cmpi sle, %gather3A_897, %add3A_889 : vector<16xi32>
            %select_n3A_899 = arith.select %le3A_898, %add3A_896, %broadcast_in_dim3A_893 : vector<16xi1>, vector<16xi32>
            %add3A_900 = arith.constant 16 : i32
            %add3A_901 = vector.broadcast %add3A_900 : i32 to vector<16xi32>
            %add3A_902 = arith.addi %select_n3A_899, %add3A_901 : vector<16xi32>
            %gather3A_903 = tpu.vector_load_idx %arg9[%add3A_902] : memref<80xi32, #tpu.memory_space<vmem>>[vector<16xi32>], vector<16xi32>,
            %le3A_904 = arith.cmpi sle, %gather3A_903, %add3A_889 : vector<16xi32>
            %select_n3A_905 = arith.select %le3A_904, %add3A_902, %select_n3A_899 : vector<16xi1>, vector<16xi32>
            %add3A_906 = arith.constant 8 : i32
            %add3A_907 = vector.broadcast %add3A_906 : i32 to vector<16xi32>
            %add3A_908 = arith.addi %select_n3A_905, %add3A_907 : vector<16xi32>
            %gather3A_909 = tpu.vector_load_idx %arg9[%add3A_908] : memref<80xi32, #tpu.memory_space<vmem>>[vector<16xi32>], vector<16xi32>,
            %le3A_910 = arith.cmpi sle, %gather3A_909, %add3A_889 : vector<16xi32>
            %select_n3A_911 = arith.select %le3A_910, %add3A_908, %select_n3A_905 : vector<16xi1>, vector<16xi32>
            %add3A_912 = arith.constant 4 : i32
            %add3A_913 = vector.broadcast %add3A_912 : i32 to vector<16xi32>
            %add3A_914 = arith.addi %select_n3A_911, %add3A_913 : vector<16xi32>
            %gather3A_915 = tpu.vector_load_idx %arg9[%add3A_914] : memref<80xi32, #tpu.memory_space<vmem>>[vector<16xi32>], vector<16xi32>,
            %le3A_916 = arith.cmpi sle, %gather3A_915, %add3A_889 : vector<16xi32>
            %select_n3A_917 = arith.select %le3A_916, %add3A_914, %select_n3A_911 : vector<16xi1>, vector<16xi32>
            %add3A_918 = arith.constant 2 : i32
            %add3A_919 = vector.broadcast %add3A_918 : i32 to vector<16xi32>
            %add3A_920 = arith.addi %select_n3A_917, %add3A_919 : vector<16xi32>
            %gather3A_921 = tpu.vector_load_idx %arg9[%add3A_920] : memref<80xi32, #tpu.memory_space<vmem>>[vector<16xi32>], vector<16xi32>,
            %le3A_922 = arith.cmpi sle, %gather3A_921, %add3A_889 : vector<16xi32>
            %select_n3A_923 = arith.select %le3A_922, %add3A_920, %select_n3A_917 : vector<16xi1>, vector<16xi32>
            %add3A_924 = arith.constant 1 : i32
            %add3A_925 = vector.broadcast %add3A_924 : i32 to vector<16xi32>
            %add3A_926 = arith.addi %select_n3A_923, %add3A_925 : vector<16xi32>
            %gather3A_927 = tpu.vector_load_idx %arg9[%add3A_926] : memref<80xi32, #tpu.memory_space<vmem>>[vector<16xi32>], vector<16xi32>,
            %le3A_928 = arith.cmpi sle, %gather3A_927, %add3A_889 : vector<16xi32>
            %select_n3A_929 = arith.select %le3A_928, %add3A_926, %select_n3A_923 : vector<16xi1>, vector<16xi32>
            %ge3A_930 = vector.broadcast %squeeze3A : i32 to vector<16xi32>
            %ge3A_931 = arith.cmpi sge, %add3A_889, %ge3A_930 : vector<16xi32>
            %lt3A_932 = vector.broadcast %squeeze3A_537 : i32 to vector<16xi32>
            %lt3A_933 = arith.cmpi slt, %add3A_889, %lt3A_932 : vector<16xi32>
            %and3A_934 = arith.andi %ge3A_931, %lt3A_933 : vector<16xi1>
            %mul3A_935 = arith.constant 9 : i32
            %mul3A_936 = vector.broadcast %mul3A_935 : i32 to vector<16xi32>
            %mul3A_937 = arith.muli %select_n3A_929, %mul3A_936 : vector<16xi32>
            %add3A_938 = arith.addi %mul3A_937, %get3A_891 : vector<16xi32>
            %jit3A_939 = arith.constant 576 : i32
            %broadcast_in_dim3A_940 = vector.broadcast %jit3A_939 : i32 to vector<16xi32>
            %select_n3A_941 = arith.select %and3A_934, %add3A_938, %broadcast_in_dim3A_940 : vector<16xi1>, vector<16xi32>
            %add3A_942 = vector.broadcast %mul3A_2 : i32 to vector<16xi32>
            %add3A_943 = arith.addi %select_n3A_941, %add3A_942 : vector<16xi32>
            %swap3A_944 = arith.constant 16 : index
            %swap3A_945 = tpu.vector_load %arg13[%swap3A_944] {strides = array<i32>} : memref<128xi32, #tpu.memory_space<vmem>>, vector<16xi32>,
            tpu.vector_store %arg13[%swap3A_944], %add3A_943 {strides = array<i32>} : memref<128xi32, #tpu.memory_space<vmem>>, vector<16xi32>,
            %add3A_946 = arith.constant 32 : i32
            %add3A_947 = arith.addi %add3A_821, %add3A_946 : i32
            %iota3A_948 = tpu.iota {dimensions = array<i32: 0>} : vector<16xi32>
            %add3A_949 = vector.broadcast %add3A_947 : i32 to vector<16xi32>
            %add3A_950 = arith.addi %add3A_949, %iota3A_948 : vector<16xi32>
            %get3A_951 = arith.constant 416 : index
            %get3A_952 = tpu.vector_load %arg11[%get3A_951] {strides = array<i32>} : memref<512xi32, #tpu.memory_space<vmem>>, vector<16xi32>,
            %broadcast_in_dim3A_953 = arith.constant 0 : i32
            %broadcast_in_dim3A_954 = vector.broadcast %broadcast_in_dim3A_953 : i32 to vector<16xi32>
            %add3A_955 = arith.constant 32 : i32
            %add3A_956 = vector.broadcast %add3A_955 : i32 to vector<16xi32>
            %add3A_957 = arith.addi %broadcast_in_dim3A_954, %add3A_956 : vector<16xi32>
            %gather3A_958 = tpu.vector_load_idx %arg9[%add3A_957] : memref<80xi32, #tpu.memory_space<vmem>>[vector<16xi32>], vector<16xi32>,
            %le3A_959 = arith.cmpi sle, %gather3A_958, %add3A_950 : vector<16xi32>
            %select_n3A_960 = arith.select %le3A_959, %add3A_957, %broadcast_in_dim3A_954 : vector<16xi1>, vector<16xi32>
            %add3A_961 = arith.constant 16 : i32
            %add3A_962 = vector.broadcast %add3A_961 : i32 to vector<16xi32>
            %add3A_963 = arith.addi %select_n3A_960, %add3A_962 : vector<16xi32>
            %gather3A_964 = tpu.vector_load_idx %arg9[%add3A_963] : memref<80xi32, #tpu.memory_space<vmem>>[vector<16xi32>], vector<16xi32>,
            %le3A_965 = arith.cmpi sle, %gather3A_964, %add3A_950 : vector<16xi32>
            %select_n3A_966 = arith.select %le3A_965, %add3A_963, %select_n3A_960 : vector<16xi1>, vector<16xi32>
            %add3A_967 = arith.constant 8 : i32
            %add3A_968 = vector.broadcast %add3A_967 : i32 to vector<16xi32>
            %add3A_969 = arith.addi %select_n3A_966, %add3A_968 : vector<16xi32>
            %gather3A_970 = tpu.vector_load_idx %arg9[%add3A_969] : memref<80xi32, #tpu.memory_space<vmem>>[vector<16xi32>], vector<16xi32>,
            %le3A_971 = arith.cmpi sle, %gather3A_970, %add3A_950 : vector<16xi32>
            %select_n3A_972 = arith.select %le3A_971, %add3A_969, %select_n3A_966 : vector<16xi1>, vector<16xi32>
            %add3A_973 = arith.constant 4 : i32
            %add3A_974 = vector.broadcast %add3A_973 : i32 to vector<16xi32>
            %add3A_975 = arith.addi %select_n3A_972, %add3A_974 : vector<16xi32>
            %gather3A_976 = tpu.vector_load_idx %arg9[%add3A_975] : memref<80xi32, #tpu.memory_space<vmem>>[vector<16xi32>], vector<16xi32>,
            %le3A_977 = arith.cmpi sle, %gather3A_976, %add3A_950 : vector<16xi32>
            %select_n3A_978 = arith.select %le3A_977, %add3A_975, %select_n3A_972 : vector<16xi1>, vector<16xi32>
            %add3A_979 = arith.constant 2 : i32
            %add3A_980 = vector.broadcast %add3A_979 : i32 to vector<16xi32>
            %add3A_981 = arith.addi %select_n3A_978, %add3A_980 : vector<16xi32>
            %gather3A_982 = tpu.vector_load_idx %arg9[%add3A_981] : memref<80xi32, #tpu.memory_space<vmem>>[vector<16xi32>], vector<16xi32>,
            %le3A_983 = arith.cmpi sle, %gather3A_982, %add3A_950 : vector<16xi32>
            %select_n3A_984 = arith.select %le3A_983, %add3A_981, %select_n3A_978 : vector<16xi1>, vector<16xi32>
            %add3A_985 = arith.constant 1 : i32
            %add3A_986 = vector.broadcast %add3A_985 : i32 to vector<16xi32>
            %add3A_987 = arith.addi %select_n3A_984, %add3A_986 : vector<16xi32>
            %gather3A_988 = tpu.vector_load_idx %arg9[%add3A_987] : memref<80xi32, #tpu.memory_space<vmem>>[vector<16xi32>], vector<16xi32>,
            %le3A_989 = arith.cmpi sle, %gather3A_988, %add3A_950 : vector<16xi32>
            %select_n3A_990 = arith.select %le3A_989, %add3A_987, %select_n3A_984 : vector<16xi1>, vector<16xi32>
            %ge3A_991 = vector.broadcast %squeeze3A : i32 to vector<16xi32>
            %ge3A_992 = arith.cmpi sge, %add3A_950, %ge3A_991 : vector<16xi32>
            %lt3A_993 = vector.broadcast %squeeze3A_537 : i32 to vector<16xi32>
            %lt3A_994 = arith.cmpi slt, %add3A_950, %lt3A_993 : vector<16xi32>
            %and3A_995 = arith.andi %ge3A_992, %lt3A_994 : vector<16xi1>
            %mul3A_996 = arith.constant 9 : i32
            %mul3A_997 = vector.broadcast %mul3A_996 : i32 to vector<16xi32>
            %mul3A_998 = arith.muli %select_n3A_990, %mul3A_997 : vector<16xi32>
            %add3A_999 = arith.addi %mul3A_998, %get3A_952 : vector<16xi32>
            %jit3A_1000 = arith.constant 576 : i32
            %broadcast_in_dim3A_1001 = vector.broadcast %jit3A_1000 : i32 to vector<16xi32>
            %select_n3A_1002 = arith.select %and3A_995, %add3A_999, %broadcast_in_dim3A_1001 : vector<16xi1>, vector<16xi32>
            %add3A_1003 = vector.broadcast %mul3A_2 : i32 to vector<16xi32>
            %add3A_1004 = arith.addi %select_n3A_1002, %add3A_1003 : vector<16xi32>
            %swap3A_1005 = arith.constant 32 : index
            %swap3A_1006 = tpu.vector_load %arg13[%swap3A_1005] {strides = array<i32>} : memref<128xi32, #tpu.memory_space<vmem>>, vector<16xi32>,
            tpu.vector_store %arg13[%swap3A_1005], %add3A_1004 {strides = array<i32>} : memref<128xi32, #tpu.memory_space<vmem>>, vector<16xi32>,
            %add3A_1007 = arith.constant 48 : i32
            %add3A_1008 = arith.addi %add3A_821, %add3A_1007 : i32
            %iota3A_1009 = tpu.iota {dimensions = array<i32: 0>} : vector<16xi32>
            %add3A_1010 = vector.broadcast %add3A_1008 : i32 to vector<16xi32>
            %add3A_1011 = arith.addi %add3A_1010, %iota3A_1009 : vector<16xi32>
            %get3A_1012 = arith.constant 432 : index
            %get3A_1013 = tpu.vector_load %arg11[%get3A_1012] {strides = array<i32>} : memref<512xi32, #tpu.memory_space<vmem>>, vector<16xi32>,
            %broadcast_in_dim3A_1014 = arith.constant 0 : i32
            %broadcast_in_dim3A_1015 = vector.broadcast %broadcast_in_dim3A_1014 : i32 to vector<16xi32>
            %add3A_1016 = arith.constant 32 : i32
            %add3A_1017 = vector.broadcast %add3A_1016 : i32 to vector<16xi32>
            %add3A_1018 = arith.addi %broadcast_in_dim3A_1015, %add3A_1017 : vector<16xi32>
            %gather3A_1019 = tpu.vector_load_idx %arg9[%add3A_1018] : memref<80xi32, #tpu.memory_space<vmem>>[vector<16xi32>], vector<16xi32>,
            %le3A_1020 = arith.cmpi sle, %gather3A_1019, %add3A_1011 : vector<16xi32>
            %select_n3A_1021 = arith.select %le3A_1020, %add3A_1018, %broadcast_in_dim3A_1015 : vector<16xi1>, vector<16xi32>
            %add3A_1022 = arith.constant 16 : i32
            %add3A_1023 = vector.broadcast %add3A_1022 : i32 to vector<16xi32>
            %add3A_1024 = arith.addi %select_n3A_1021, %add3A_1023 : vector<16xi32>
            %gather3A_1025 = tpu.vector_load_idx %arg9[%add3A_1024] : memref<80xi32, #tpu.memory_space<vmem>>[vector<16xi32>], vector<16xi32>,
            %le3A_1026 = arith.cmpi sle, %gather3A_1025, %add3A_1011 : vector<16xi32>
            %select_n3A_1027 = arith.select %le3A_1026, %add3A_1024, %select_n3A_1021 : vector<16xi1>, vector<16xi32>
            %add3A_1028 = arith.constant 8 : i32
            %add3A_1029 = vector.broadcast %add3A_1028 : i32 to vector<16xi32>
            %add3A_1030 = arith.addi %select_n3A_1027, %add3A_1029 : vector<16xi32>
            %gather3A_1031 = tpu.vector_load_idx %arg9[%add3A_1030] : memref<80xi32, #tpu.memory_space<vmem>>[vector<16xi32>], vector<16xi32>,
            %le3A_1032 = arith.cmpi sle, %gather3A_1031, %add3A_1011 : vector<16xi32>
            %select_n3A_1033 = arith.select %le3A_1032, %add3A_1030, %select_n3A_1027 : vector<16xi1>, vector<16xi32>
            %add3A_1034 = arith.constant 4 : i32
            %add3A_1035 = vector.broadcast %add3A_1034 : i32 to vector<16xi32>
            %add3A_1036 = arith.addi %select_n3A_1033, %add3A_1035 : vector<16xi32>
            %gather3A_1037 = tpu.vector_load_idx %arg9[%add3A_1036] : memref<80xi32, #tpu.memory_space<vmem>>[vector<16xi32>], vector<16xi32>,
            %le3A_1038 = arith.cmpi sle, %gather3A_1037, %add3A_1011 : vector<16xi32>
            %select_n3A_1039 = arith.select %le3A_1038, %add3A_1036, %select_n3A_1033 : vector<16xi1>, vector<16xi32>
            %add3A_1040 = arith.constant 2 : i32
            %add3A_1041 = vector.broadcast %add3A_1040 : i32 to vector<16xi32>
            %add3A_1042 = arith.addi %select_n3A_1039, %add3A_1041 : vector<16xi32>
            %gather3A_1043 = tpu.vector_load_idx %arg9[%add3A_1042] : memref<80xi32, #tpu.memory_space<vmem>>[vector<16xi32>], vector<16xi32>,
            %le3A_1044 = arith.cmpi sle, %gather3A_1043, %add3A_1011 : vector<16xi32>
            %select_n3A_1045 = arith.select %le3A_1044, %add3A_1042, %select_n3A_1039 : vector<16xi1>, vector<16xi32>
            %add3A_1046 = arith.constant 1 : i32
            %add3A_1047 = vector.broadcast %add3A_1046 : i32 to vector<16xi32>
            %add3A_1048 = arith.addi %select_n3A_1045, %add3A_1047 : vector<16xi32>
            %gather3A_1049 = tpu.vector_load_idx %arg9[%add3A_1048] : memref<80xi32, #tpu.memory_space<vmem>>[vector<16xi32>], vector<16xi32>,
            %le3A_1050 = arith.cmpi sle, %gather3A_1049, %add3A_1011 : vector<16xi32>
            %select_n3A_1051 = arith.select %le3A_1050, %add3A_1048, %select_n3A_1045 : vector<16xi1>, vector<16xi32>
            %ge3A_1052 = vector.broadcast %squeeze3A : i32 to vector<16xi32>
            %ge3A_1053 = arith.cmpi sge, %add3A_1011, %ge3A_1052 : vector<16xi32>
            %lt3A_1054 = vector.broadcast %squeeze3A_537 : i32 to vector<16xi32>
            %lt3A_1055 = arith.cmpi slt, %add3A_1011, %lt3A_1054 : vector<16xi32>
            %and3A_1056 = arith.andi %ge3A_1053, %lt3A_1055 : vector<16xi1>
            %mul3A_1057 = arith.constant 9 : i32
            %mul3A_1058 = vector.broadcast %mul3A_1057 : i32 to vector<16xi32>
            %mul3A_1059 = arith.muli %select_n3A_1051, %mul3A_1058 : vector<16xi32>
            %add3A_1060 = arith.addi %mul3A_1059, %get3A_1013 : vector<16xi32>
            %jit3A_1061 = arith.constant 576 : i32
            %broadcast_in_dim3A_1062 = vector.broadcast %jit3A_1061 : i32 to vector<16xi32>
            %select_n3A_1063 = arith.select %and3A_1056, %add3A_1060, %broadcast_in_dim3A_1062 : vector<16xi1>, vector<16xi32>
            %add3A_1064 = vector.broadcast %mul3A_2 : i32 to vector<16xi32>
            %add3A_1065 = arith.addi %select_n3A_1063, %add3A_1064 : vector<16xi32>
            %swap3A_1066 = arith.constant 48 : index
            %swap3A_1067 = tpu.vector_load %arg13[%swap3A_1066] {strides = array<i32>} : memref<128xi32, #tpu.memory_space<vmem>>, vector<16xi32>,
            tpu.vector_store %arg13[%swap3A_1066], %add3A_1065 {strides = array<i32>} : memref<128xi32, #tpu.memory_space<vmem>>, vector<16xi32>,
            %add3A_1068 = arith.constant 64 : i32
            %add3A_1069 = arith.addi %add3A_821, %add3A_1068 : i32
            %iota3A_1070 = tpu.iota {dimensions = array<i32: 0>} : vector<16xi32>
            %add3A_1071 = vector.broadcast %add3A_1069 : i32 to vector<16xi32>
            %add3A_1072 = arith.addi %add3A_1071, %iota3A_1070 : vector<16xi32>
            %get3A_1073 = arith.constant 448 : index
            %get3A_1074 = tpu.vector_load %arg11[%get3A_1073] {strides = array<i32>} : memref<512xi32, #tpu.memory_space<vmem>>, vector<16xi32>,
            %broadcast_in_dim3A_1075 = arith.constant 0 : i32
            %broadcast_in_dim3A_1076 = vector.broadcast %broadcast_in_dim3A_1075 : i32 to vector<16xi32>
            %add3A_1077 = arith.constant 32 : i32
            %add3A_1078 = vector.broadcast %add3A_1077 : i32 to vector<16xi32>
            %add3A_1079 = arith.addi %broadcast_in_dim3A_1076, %add3A_1078 : vector<16xi32>
            %gather3A_1080 = tpu.vector_load_idx %arg9[%add3A_1079] : memref<80xi32, #tpu.memory_space<vmem>>[vector<16xi32>], vector<16xi32>,
            %le3A_1081 = arith.cmpi sle, %gather3A_1080, %add3A_1072 : vector<16xi32>
            %select_n3A_1082 = arith.select %le3A_1081, %add3A_1079, %broadcast_in_dim3A_1076 : vector<16xi1>, vector<16xi32>
            %add3A_1083 = arith.constant 16 : i32
            %add3A_1084 = vector.broadcast %add3A_1083 : i32 to vector<16xi32>
            %add3A_1085 = arith.addi %select_n3A_1082, %add3A_1084 : vector<16xi32>
            %gather3A_1086 = tpu.vector_load_idx %arg9[%add3A_1085] : memref<80xi32, #tpu.memory_space<vmem>>[vector<16xi32>], vector<16xi32>,
            %le3A_1087 = arith.cmpi sle, %gather3A_1086, %add3A_1072 : vector<16xi32>
            %select_n3A_1088 = arith.select %le3A_1087, %add3A_1085, %select_n3A_1082 : vector<16xi1>, vector<16xi32>
            %add3A_1089 = arith.constant 8 : i32
            %add3A_1090 = vector.broadcast %add3A_1089 : i32 to vector<16xi32>
            %add3A_1091 = arith.addi %select_n3A_1088, %add3A_1090 : vector<16xi32>
            %gather3A_1092 = tpu.vector_load_idx %arg9[%add3A_1091] : memref<80xi32, #tpu.memory_space<vmem>>[vector<16xi32>], vector<16xi32>,
            %le3A_1093 = arith.cmpi sle, %gather3A_1092, %add3A_1072 : vector<16xi32>
            %select_n3A_1094 = arith.select %le3A_1093, %add3A_1091, %select_n3A_1088 : vector<16xi1>, vector<16xi32>
            %add3A_1095 = arith.constant 4 : i32
            %add3A_1096 = vector.broadcast %add3A_1095 : i32 to vector<16xi32>
            %add3A_1097 = arith.addi %select_n3A_1094, %add3A_1096 : vector<16xi32>
            %gather3A_1098 = tpu.vector_load_idx %arg9[%add3A_1097] : memref<80xi32, #tpu.memory_space<vmem>>[vector<16xi32>], vector<16xi32>,
            %le3A_1099 = arith.cmpi sle, %gather3A_1098, %add3A_1072 : vector<16xi32>
            %select_n3A_1100 = arith.select %le3A_1099, %add3A_1097, %select_n3A_1094 : vector<16xi1>, vector<16xi32>
            %add3A_1101 = arith.constant 2 : i32
            %add3A_1102 = vector.broadcast %add3A_1101 : i32 to vector<16xi32>
            %add3A_1103 = arith.addi %select_n3A_1100, %add3A_1102 : vector<16xi32>
            %gather3A_1104 = tpu.vector_load_idx %arg9[%add3A_1103] : memref<80xi32, #tpu.memory_space<vmem>>[vector<16xi32>], vector<16xi32>,
            %le3A_1105 = arith.cmpi sle, %gather3A_1104, %add3A_1072 : vector<16xi32>
            %select_n3A_1106 = arith.select %le3A_1105, %add3A_1103, %select_n3A_1100 : vector<16xi1>, vector<16xi32>
            %add3A_1107 = arith.constant 1 : i32
            %add3A_1108 = vector.broadcast %add3A_1107 : i32 to vector<16xi32>
            %add3A_1109 = arith.addi %select_n3A_1106, %add3A_1108 : vector<16xi32>
            %gather3A_1110 = tpu.vector_load_idx %arg9[%add3A_1109] : memref<80xi32, #tpu.memory_space<vmem>>[vector<16xi32>], vector<16xi32>,
            %le3A_1111 = arith.cmpi sle, %gather3A_1110, %add3A_1072 : vector<16xi32>
            %select_n3A_1112 = arith.select %le3A_1111, %add3A_1109, %select_n3A_1106 : vector<16xi1>, vector<16xi32>
            %ge3A_1113 = vector.broadcast %squeeze3A : i32 to vector<16xi32>
            %ge3A_1114 = arith.cmpi sge, %add3A_1072, %ge3A_1113 : vector<16xi32>
            %lt3A_1115 = vector.broadcast %squeeze3A_537 : i32 to vector<16xi32>
            %lt3A_1116 = arith.cmpi slt, %add3A_1072, %lt3A_1115 : vector<16xi32>
            %and3A_1117 = arith.andi %ge3A_1114, %lt3A_1116 : vector<16xi1>
            %mul3A_1118 = arith.constant 9 : i32
            %mul3A_1119 = vector.broadcast %mul3A_1118 : i32 to vector<16xi32>
            %mul3A_1120 = arith.muli %select_n3A_1112, %mul3A_1119 : vector<16xi32>
            %add3A_1121 = arith.addi %mul3A_1120, %get3A_1074 : vector<16xi32>
            %jit3A_1122 = arith.constant 576 : i32
            %broadcast_in_dim3A_1123 = vector.broadcast %jit3A_1122 : i32 to vector<16xi32>
            %select_n3A_1124 = arith.select %and3A_1117, %add3A_1121, %broadcast_in_dim3A_1123 : vector<16xi1>, vector<16xi32>
            %add3A_1125 = vector.broadcast %mul3A_2 : i32 to vector<16xi32>
            %add3A_1126 = arith.addi %select_n3A_1124, %add3A_1125 : vector<16xi32>
            %swap3A_1127 = arith.constant 64 : index
            %swap3A_1128 = tpu.vector_load %arg13[%swap3A_1127] {strides = array<i32>} : memref<128xi32, #tpu.memory_space<vmem>>, vector<16xi32>,
            tpu.vector_store %arg13[%swap3A_1127], %add3A_1126 {strides = array<i32>} : memref<128xi32, #tpu.memory_space<vmem>>, vector<16xi32>,
            %add3A_1129 = arith.constant 80 : i32
            %add3A_1130 = arith.addi %add3A_821, %add3A_1129 : i32
            %iota3A_1131 = tpu.iota {dimensions = array<i32: 0>} : vector<16xi32>
            %add3A_1132 = vector.broadcast %add3A_1130 : i32 to vector<16xi32>
            %add3A_1133 = arith.addi %add3A_1132, %iota3A_1131 : vector<16xi32>
            %get3A_1134 = arith.constant 464 : index
            %get3A_1135 = tpu.vector_load %arg11[%get3A_1134] {strides = array<i32>} : memref<512xi32, #tpu.memory_space<vmem>>, vector<16xi32>,
            %broadcast_in_dim3A_1136 = arith.constant 0 : i32
            %broadcast_in_dim3A_1137 = vector.broadcast %broadcast_in_dim3A_1136 : i32 to vector<16xi32>
            %add3A_1138 = arith.constant 32 : i32
            %add3A_1139 = vector.broadcast %add3A_1138 : i32 to vector<16xi32>
            %add3A_1140 = arith.addi %broadcast_in_dim3A_1137, %add3A_1139 : vector<16xi32>
            %gather3A_1141 = tpu.vector_load_idx %arg9[%add3A_1140] : memref<80xi32, #tpu.memory_space<vmem>>[vector<16xi32>], vector<16xi32>,
            %le3A_1142 = arith.cmpi sle, %gather3A_1141, %add3A_1133 : vector<16xi32>
            %select_n3A_1143 = arith.select %le3A_1142, %add3A_1140, %broadcast_in_dim3A_1137 : vector<16xi1>, vector<16xi32>
            %add3A_1144 = arith.constant 16 : i32
            %add3A_1145 = vector.broadcast %add3A_1144 : i32 to vector<16xi32>
            %add3A_1146 = arith.addi %select_n3A_1143, %add3A_1145 : vector<16xi32>
            %gather3A_1147 = tpu.vector_load_idx %arg9[%add3A_1146] : memref<80xi32, #tpu.memory_space<vmem>>[vector<16xi32>], vector<16xi32>,
            %le3A_1148 = arith.cmpi sle, %gather3A_1147, %add3A_1133 : vector<16xi32>
            %select_n3A_1149 = arith.select %le3A_1148, %add3A_1146, %select_n3A_1143 : vector<16xi1>, vector<16xi32>
            %add3A_1150 = arith.constant 8 : i32
            %add3A_1151 = vector.broadcast %add3A_1150 : i32 to vector<16xi32>
            %add3A_1152 = arith.addi %select_n3A_1149, %add3A_1151 : vector<16xi32>
            %gather3A_1153 = tpu.vector_load_idx %arg9[%add3A_1152] : memref<80xi32, #tpu.memory_space<vmem>>[vector<16xi32>], vector<16xi32>,
            %le3A_1154 = arith.cmpi sle, %gather3A_1153, %add3A_1133 : vector<16xi32>
            %select_n3A_1155 = arith.select %le3A_1154, %add3A_1152, %select_n3A_1149 : vector<16xi1>, vector<16xi32>
            %add3A_1156 = arith.constant 4 : i32
            %add3A_1157 = vector.broadcast %add3A_1156 : i32 to vector<16xi32>
            %add3A_1158 = arith.addi %select_n3A_1155, %add3A_1157 : vector<16xi32>
            %gather3A_1159 = tpu.vector_load_idx %arg9[%add3A_1158] : memref<80xi32, #tpu.memory_space<vmem>>[vector<16xi32>], vector<16xi32>,
            %le3A_1160 = arith.cmpi sle, %gather3A_1159, %add3A_1133 : vector<16xi32>
            %select_n3A_1161 = arith.select %le3A_1160, %add3A_1158, %select_n3A_1155 : vector<16xi1>, vector<16xi32>
            %add3A_1162 = arith.constant 2 : i32
            %add3A_1163 = vector.broadcast %add3A_1162 : i32 to vector<16xi32>
            %add3A_1164 = arith.addi %select_n3A_1161, %add3A_1163 : vector<16xi32>
            %gather3A_1165 = tpu.vector_load_idx %arg9[%add3A_1164] : memref<80xi32, #tpu.memory_space<vmem>>[vector<16xi32>], vector<16xi32>,
            %le3A_1166 = arith.cmpi sle, %gather3A_1165, %add3A_1133 : vector<16xi32>
            %select_n3A_1167 = arith.select %le3A_1166, %add3A_1164, %select_n3A_1161 : vector<16xi1>, vector<16xi32>
            %add3A_1168 = arith.constant 1 : i32
            %add3A_1169 = vector.broadcast %add3A_1168 : i32 to vector<16xi32>
            %add3A_1170 = arith.addi %select_n3A_1167, %add3A_1169 : vector<16xi32>
            %gather3A_1171 = tpu.vector_load_idx %arg9[%add3A_1170] : memref<80xi32, #tpu.memory_space<vmem>>[vector<16xi32>], vector<16xi32>,
            %le3A_1172 = arith.cmpi sle, %gather3A_1171, %add3A_1133 : vector<16xi32>
            %select_n3A_1173 = arith.select %le3A_1172, %add3A_1170, %select_n3A_1167 : vector<16xi1>, vector<16xi32>
            %ge3A_1174 = vector.broadcast %squeeze3A : i32 to vector<16xi32>
            %ge3A_1175 = arith.cmpi sge, %add3A_1133, %ge3A_1174 : vector<16xi32>
            %lt3A_1176 = vector.broadcast %squeeze3A_537 : i32 to vector<16xi32>
            %lt3A_1177 = arith.cmpi slt, %add3A_1133, %lt3A_1176 : vector<16xi32>
            %and3A_1178 = arith.andi %ge3A_1175, %lt3A_1177 : vector<16xi1>
            %mul3A_1179 = arith.constant 9 : i32
            %mul3A_1180 = vector.broadcast %mul3A_1179 : i32 to vector<16xi32>
            %mul3A_1181 = arith.muli %select_n3A_1173, %mul3A_1180 : vector<16xi32>
            %add3A_1182 = arith.addi %mul3A_1181, %get3A_1135 : vector<16xi32>
            %jit3A_1183 = arith.constant 576 : i32
            %broadcast_in_dim3A_1184 = vector.broadcast %jit3A_1183 : i32 to vector<16xi32>
            %select_n3A_1185 = arith.select %and3A_1178, %add3A_1182, %broadcast_in_dim3A_1184 : vector<16xi1>, vector<16xi32>
            %add3A_1186 = vector.broadcast %mul3A_2 : i32 to vector<16xi32>
            %add3A_1187 = arith.addi %select_n3A_1185, %add3A_1186 : vector<16xi32>
            %swap3A_1188 = arith.constant 80 : index
            %swap3A_1189 = tpu.vector_load %arg13[%swap3A_1188] {strides = array<i32>} : memref<128xi32, #tpu.memory_space<vmem>>, vector<16xi32>,
            tpu.vector_store %arg13[%swap3A_1188], %add3A_1187 {strides = array<i32>} : memref<128xi32, #tpu.memory_space<vmem>>, vector<16xi32>,
            %add3A_1190 = arith.constant 96 : i32
            %add3A_1191 = arith.addi %add3A_821, %add3A_1190 : i32
            %iota3A_1192 = tpu.iota {dimensions = array<i32: 0>} : vector<16xi32>
            %add3A_1193 = vector.broadcast %add3A_1191 : i32 to vector<16xi32>
            %add3A_1194 = arith.addi %add3A_1193, %iota3A_1192 : vector<16xi32>
            %get3A_1195 = arith.constant 480 : index
            %get3A_1196 = tpu.vector_load %arg11[%get3A_1195] {strides = array<i32>} : memref<512xi32, #tpu.memory_space<vmem>>, vector<16xi32>,
            %broadcast_in_dim3A_1197 = arith.constant 0 : i32
            %broadcast_in_dim3A_1198 = vector.broadcast %broadcast_in_dim3A_1197 : i32 to vector<16xi32>
            %add3A_1199 = arith.constant 32 : i32
            %add3A_1200 = vector.broadcast %add3A_1199 : i32 to vector<16xi32>
            %add3A_1201 = arith.addi %broadcast_in_dim3A_1198, %add3A_1200 : vector<16xi32>
            %gather3A_1202 = tpu.vector_load_idx %arg9[%add3A_1201] : memref<80xi32, #tpu.memory_space<vmem>>[vector<16xi32>], vector<16xi32>,
            %le3A_1203 = arith.cmpi sle, %gather3A_1202, %add3A_1194 : vector<16xi32>
            %select_n3A_1204 = arith.select %le3A_1203, %add3A_1201, %broadcast_in_dim3A_1198 : vector<16xi1>, vector<16xi32>
            %add3A_1205 = arith.constant 16 : i32
            %add3A_1206 = vector.broadcast %add3A_1205 : i32 to vector<16xi32>
            %add3A_1207 = arith.addi %select_n3A_1204, %add3A_1206 : vector<16xi32>
            %gather3A_1208 = tpu.vector_load_idx %arg9[%add3A_1207] : memref<80xi32, #tpu.memory_space<vmem>>[vector<16xi32>], vector<16xi32>,
            %le3A_1209 = arith.cmpi sle, %gather3A_1208, %add3A_1194 : vector<16xi32>
            %select_n3A_1210 = arith.select %le3A_1209, %add3A_1207, %select_n3A_1204 : vector<16xi1>, vector<16xi32>
            %add3A_1211 = arith.constant 8 : i32
            %add3A_1212 = vector.broadcast %add3A_1211 : i32 to vector<16xi32>
            %add3A_1213 = arith.addi %select_n3A_1210, %add3A_1212 : vector<16xi32>
            %gather3A_1214 = tpu.vector_load_idx %arg9[%add3A_1213] : memref<80xi32, #tpu.memory_space<vmem>>[vector<16xi32>], vector<16xi32>,
            %le3A_1215 = arith.cmpi sle, %gather3A_1214, %add3A_1194 : vector<16xi32>
            %select_n3A_1216 = arith.select %le3A_1215, %add3A_1213, %select_n3A_1210 : vector<16xi1>, vector<16xi32>
            %add3A_1217 = arith.constant 4 : i32
            %add3A_1218 = vector.broadcast %add3A_1217 : i32 to vector<16xi32>
            %add3A_1219 = arith.addi %select_n3A_1216, %add3A_1218 : vector<16xi32>
            %gather3A_1220 = tpu.vector_load_idx %arg9[%add3A_1219] : memref<80xi32, #tpu.memory_space<vmem>>[vector<16xi32>], vector<16xi32>,
            %le3A_1221 = arith.cmpi sle, %gather3A_1220, %add3A_1194 : vector<16xi32>
            %select_n3A_1222 = arith.select %le3A_1221, %add3A_1219, %select_n3A_1216 : vector<16xi1>, vector<16xi32>
            %add3A_1223 = arith.constant 2 : i32
            %add3A_1224 = vector.broadcast %add3A_1223 : i32 to vector<16xi32>
            %add3A_1225 = arith.addi %select_n3A_1222, %add3A_1224 : vector<16xi32>
            %gather3A_1226 = tpu.vector_load_idx %arg9[%add3A_1225] : memref<80xi32, #tpu.memory_space<vmem>>[vector<16xi32>], vector<16xi32>,
            %le3A_1227 = arith.cmpi sle, %gather3A_1226, %add3A_1194 : vector<16xi32>
            %select_n3A_1228 = arith.select %le3A_1227, %add3A_1225, %select_n3A_1222 : vector<16xi1>, vector<16xi32>
            %add3A_1229 = arith.constant 1 : i32
            %add3A_1230 = vector.broadcast %add3A_1229 : i32 to vector<16xi32>
            %add3A_1231 = arith.addi %select_n3A_1228, %add3A_1230 : vector<16xi32>
            %gather3A_1232 = tpu.vector_load_idx %arg9[%add3A_1231] : memref<80xi32, #tpu.memory_space<vmem>>[vector<16xi32>], vector<16xi32>,
            %le3A_1233 = arith.cmpi sle, %gather3A_1232, %add3A_1194 : vector<16xi32>
            %select_n3A_1234 = arith.select %le3A_1233, %add3A_1231, %select_n3A_1228 : vector<16xi1>, vector<16xi32>
            %ge3A_1235 = vector.broadcast %squeeze3A : i32 to vector<16xi32>
            %ge3A_1236 = arith.cmpi sge, %add3A_1194, %ge3A_1235 : vector<16xi32>
            %lt3A_1237 = vector.broadcast %squeeze3A_537 : i32 to vector<16xi32>
            %lt3A_1238 = arith.cmpi slt, %add3A_1194, %lt3A_1237 : vector<16xi32>
            %and3A_1239 = arith.andi %ge3A_1236, %lt3A_1238 : vector<16xi1>
            %mul3A_1240 = arith.constant 9 : i32
            %mul3A_1241 = vector.broadcast %mul3A_1240 : i32 to vector<16xi32>
            %mul3A_1242 = arith.muli %select_n3A_1234, %mul3A_1241 : vector<16xi32>
            %add3A_1243 = arith.addi %mul3A_1242, %get3A_1196 : vector<16xi32>
            %jit3A_1244 = arith.constant 576 : i32
            %broadcast_in_dim3A_1245 = vector.broadcast %jit3A_1244 : i32 to vector<16xi32>
            %select_n3A_1246 = arith.select %and3A_1239, %add3A_1243, %broadcast_in_dim3A_1245 : vector<16xi1>, vector<16xi32>
            %add3A_1247 = vector.broadcast %mul3A_2 : i32 to vector<16xi32>
            %add3A_1248 = arith.addi %select_n3A_1246, %add3A_1247 : vector<16xi32>
            %swap3A_1249 = arith.constant 96 : index
            %swap3A_1250 = tpu.vector_load %arg13[%swap3A_1249] {strides = array<i32>} : memref<128xi32, #tpu.memory_space<vmem>>, vector<16xi32>,
            tpu.vector_store %arg13[%swap3A_1249], %add3A_1248 {strides = array<i32>} : memref<128xi32, #tpu.memory_space<vmem>>, vector<16xi32>,
            %add3A_1251 = arith.constant 112 : i32
            %add3A_1252 = arith.addi %add3A_821, %add3A_1251 : i32
            %iota3A_1253 = tpu.iota {dimensions = array<i32: 0>} : vector<16xi32>
            %add3A_1254 = vector.broadcast %add3A_1252 : i32 to vector<16xi32>
            %add3A_1255 = arith.addi %add3A_1254, %iota3A_1253 : vector<16xi32>
            %get3A_1256 = arith.constant 496 : index
            %get3A_1257 = tpu.vector_load %arg11[%get3A_1256] {strides = array<i32>} : memref<512xi32, #tpu.memory_space<vmem>>, vector<16xi32>,
            %broadcast_in_dim3A_1258 = arith.constant 0 : i32
            %broadcast_in_dim3A_1259 = vector.broadcast %broadcast_in_dim3A_1258 : i32 to vector<16xi32>
            %add3A_1260 = arith.constant 32 : i32
            %add3A_1261 = vector.broadcast %add3A_1260 : i32 to vector<16xi32>
            %add3A_1262 = arith.addi %broadcast_in_dim3A_1259, %add3A_1261 : vector<16xi32>
            %gather3A_1263 = tpu.vector_load_idx %arg9[%add3A_1262] : memref<80xi32, #tpu.memory_space<vmem>>[vector<16xi32>], vector<16xi32>,
            %le3A_1264 = arith.cmpi sle, %gather3A_1263, %add3A_1255 : vector<16xi32>
            %select_n3A_1265 = arith.select %le3A_1264, %add3A_1262, %broadcast_in_dim3A_1259 : vector<16xi1>, vector<16xi32>
            %add3A_1266 = arith.constant 16 : i32
            %add3A_1267 = vector.broadcast %add3A_1266 : i32 to vector<16xi32>
            %add3A_1268 = arith.addi %select_n3A_1265, %add3A_1267 : vector<16xi32>
            %gather3A_1269 = tpu.vector_load_idx %arg9[%add3A_1268] : memref<80xi32, #tpu.memory_space<vmem>>[vector<16xi32>], vector<16xi32>,
            %le3A_1270 = arith.cmpi sle, %gather3A_1269, %add3A_1255 : vector<16xi32>
            %select_n3A_1271 = arith.select %le3A_1270, %add3A_1268, %select_n3A_1265 : vector<16xi1>, vector<16xi32>
            %add3A_1272 = arith.constant 8 : i32
            %add3A_1273 = vector.broadcast %add3A_1272 : i32 to vector<16xi32>
            %add3A_1274 = arith.addi %select_n3A_1271, %add3A_1273 : vector<16xi32>
            %gather3A_1275 = tpu.vector_load_idx %arg9[%add3A_1274] : memref<80xi32, #tpu.memory_space<vmem>>[vector<16xi32>], vector<16xi32>,
            %le3A_1276 = arith.cmpi sle, %gather3A_1275, %add3A_1255 : vector<16xi32>
            %select_n3A_1277 = arith.select %le3A_1276, %add3A_1274, %select_n3A_1271 : vector<16xi1>, vector<16xi32>
            %add3A_1278 = arith.constant 4 : i32
            %add3A_1279 = vector.broadcast %add3A_1278 : i32 to vector<16xi32>
            %add3A_1280 = arith.addi %select_n3A_1277, %add3A_1279 : vector<16xi32>
            %gather3A_1281 = tpu.vector_load_idx %arg9[%add3A_1280] : memref<80xi32, #tpu.memory_space<vmem>>[vector<16xi32>], vector<16xi32>,
            %le3A_1282 = arith.cmpi sle, %gather3A_1281, %add3A_1255 : vector<16xi32>
            %select_n3A_1283 = arith.select %le3A_1282, %add3A_1280, %select_n3A_1277 : vector<16xi1>, vector<16xi32>
            %add3A_1284 = arith.constant 2 : i32
            %add3A_1285 = vector.broadcast %add3A_1284 : i32 to vector<16xi32>
            %add3A_1286 = arith.addi %select_n3A_1283, %add3A_1285 : vector<16xi32>
            %gather3A_1287 = tpu.vector_load_idx %arg9[%add3A_1286] : memref<80xi32, #tpu.memory_space<vmem>>[vector<16xi32>], vector<16xi32>,
            %le3A_1288 = arith.cmpi sle, %gather3A_1287, %add3A_1255 : vector<16xi32>
            %select_n3A_1289 = arith.select %le3A_1288, %add3A_1286, %select_n3A_1283 : vector<16xi1>, vector<16xi32>
            %add3A_1290 = arith.constant 1 : i32
            %add3A_1291 = vector.broadcast %add3A_1290 : i32 to vector<16xi32>
            %add3A_1292 = arith.addi %select_n3A_1289, %add3A_1291 : vector<16xi32>
            %gather3A_1293 = tpu.vector_load_idx %arg9[%add3A_1292] : memref<80xi32, #tpu.memory_space<vmem>>[vector<16xi32>], vector<16xi32>,
            %le3A_1294 = arith.cmpi sle, %gather3A_1293, %add3A_1255 : vector<16xi32>
            %select_n3A_1295 = arith.select %le3A_1294, %add3A_1292, %select_n3A_1289 : vector<16xi1>, vector<16xi32>
            %ge3A_1296 = vector.broadcast %squeeze3A : i32 to vector<16xi32>
            %ge3A_1297 = arith.cmpi sge, %add3A_1255, %ge3A_1296 : vector<16xi32>
            %lt3A_1298 = vector.broadcast %squeeze3A_537 : i32 to vector<16xi32>
            %lt3A_1299 = arith.cmpi slt, %add3A_1255, %lt3A_1298 : vector<16xi32>
            %and3A_1300 = arith.andi %ge3A_1297, %lt3A_1299 : vector<16xi1>
            %mul3A_1301 = arith.constant 9 : i32
            %mul3A_1302 = vector.broadcast %mul3A_1301 : i32 to vector<16xi32>
            %mul3A_1303 = arith.muli %select_n3A_1295, %mul3A_1302 : vector<16xi32>
            %add3A_1304 = arith.addi %mul3A_1303, %get3A_1257 : vector<16xi32>
            %jit3A_1305 = arith.constant 576 : i32
            %broadcast_in_dim3A_1306 = vector.broadcast %jit3A_1305 : i32 to vector<16xi32>
            %select_n3A_1307 = arith.select %and3A_1300, %add3A_1304, %broadcast_in_dim3A_1306 : vector<16xi1>, vector<16xi32>
            %add3A_1308 = vector.broadcast %mul3A_2 : i32 to vector<16xi32>
            %add3A_1309 = arith.addi %select_n3A_1307, %add3A_1308 : vector<16xi32>
            %swap3A_1310 = arith.constant 112 : index
            %swap3A_1311 = tpu.vector_load %arg13[%swap3A_1310] {strides = array<i32>} : memref<128xi32, #tpu.memory_space<vmem>>, vector<16xi32>,
            tpu.vector_store %arg13[%swap3A_1310], %add3A_1309 {strides = array<i32>} : memref<128xi32, #tpu.memory_space<vmem>>, vector<16xi32>,
          } else {
          }
          %dma_wait3A_802 = arith.constant 256 : i32
          %dma_wait3A_803 = tpu.memref_slice %arg10[%dma_wait3A_802] : memref<512xi32, #tpu.memory_space<vmem>> -> memref<128xi32, #tpu.memory_space<vmem>>
          %dma_wait3A_804 = arith.constant 0 : i32
          %dma_wait3A_805 = arith.constant 0 : i32
          %dma_wait3A_806 = tpu.memref_slice %arg2[%dma_wait3A_804, %dma_wait3A_805] : memref<10000x128xf32, #tpu.memory_space<hbm>> -> memref<10000x128xf32, #tpu.memory_space<hbm>>
          tpu.wait_indirect_dma semaphore(%arg18 : memref<!tpu.dma_semaphore, #tpu.memory_space<semaphore_mem>>) src(%dma_wait3A_806 : memref<10000x128xf32, #tpu.memory_space<hbm>>) dst(%arg15 : memref<128x128xf32, #tpu.memory_space<vmem>>)
          %dma_start3A_807 = arith.constant 0 : i32
          %dma_start3A_808 = arith.constant 0 : i32
          %dma_start3A_809 = tpu.memref_slice %arg8[%dma_start3A_807, %dma_start3A_808] : memref<9344x128xf32, #tpu.memory_space<vmem_shared>> -> memref<9344x128xf32, #tpu.memory_space<vmem_shared>>
          tpu.enqueue_indirect_dma source(%arg15 : memref<128x128xf32, #tpu.memory_space<vmem>>) target(%dma_start3A_809 : memref<9344x128xf32, #tpu.memory_space<vmem_shared>>) offsets(%arg12 : memref<128xi32, #tpu.memory_space<vmem>>) semaphore(%arg20 : memref<!tpu.dma_semaphore, #tpu.memory_space<semaphore_mem>>) {add = true}
        } else {
        }
        %add3A_788 = arith.constant 3 : i32
        %add3A_789 = arith.addi %mul3A_765, %add3A_788 : i32
        %lt3A_790 = arith.cmpi slt, %add3A_789, %select_n3A : i32
        %convert_element_type3A_791 = arith.extui %lt3A_790 : i1 to i32
        %cond3A_792 = arith.constant 0 : i32
        %cond3A_793 = arith.cmpi ne, %convert_element_type3A_791, %cond3A_792 : i32
        scf.if %cond3A_793 {
          %dma_wait3A_794 = arith.constant 384 : i32
          %dma_wait3A_795 = tpu.memref_slice %arg10[%dma_wait3A_794] : memref<512xi32, #tpu.memory_space<vmem>> -> memref<128xi32, #tpu.memory_space<vmem>>
          %dma_wait3A_796 = arith.constant 0 : i32
          %dma_wait3A_797 = arith.constant 0 : i32
          %dma_wait3A_798 = tpu.memref_slice %arg2[%dma_wait3A_796, %dma_wait3A_797] : memref<10000x128xf32, #tpu.memory_space<hbm>> -> memref<10000x128xf32, #tpu.memory_space<hbm>>
          tpu.wait_indirect_dma semaphore(%arg19 : memref<!tpu.dma_semaphore, #tpu.memory_space<semaphore_mem>>) src(%dma_wait3A_798 : memref<10000x128xf32, #tpu.memory_space<hbm>>) dst(%arg16 : memref<128x128xf32, #tpu.memory_space<vmem>>)
          %dma_start3A_799 = arith.constant 0 : i32
          %dma_start3A_800 = arith.constant 0 : i32
          %dma_start3A_801 = tpu.memref_slice %arg8[%dma_start3A_799, %dma_start3A_800] : memref<9344x128xf32, #tpu.memory_space<vmem_shared>> -> memref<9344x128xf32, #tpu.memory_space<vmem_shared>>
          tpu.enqueue_indirect_dma source(%arg16 : memref<128x128xf32, #tpu.memory_space<vmem>>) target(%dma_start3A_801 : memref<9344x128xf32, #tpu.memory_space<vmem_shared>>) offsets(%arg13 : memref<128xi32, #tpu.memory_space<vmem>>) semaphore(%arg21 : memref<!tpu.dma_semaphore, #tpu.memory_space<semaphore_mem>>) {add = true}
        } else {
        }
      }
      %ge3A = arith.constant 1 : i32
      %ge3A_662 = arith.cmpi sge, %select_n3A, %ge3A : i32
      %sub3A_663 = arith.constant 1 : i32
      %sub3A_664 = arith.subi %select_n3A, %sub3A_663 : i32
      %jit3A_665 = arith.constant 2 : i32
      %eq3A = arith.constant 0 : i32
      %eq3A_666 = arith.cmpi eq, %jit3A_665, %eq3A : i32
      %jit3A_667 = arith.constant 1 : i32
      %select_n3A_668 = arith.select %eq3A_666, %jit3A_667, %jit3A_665 : i32
      %rem3A_669 = arith.remsi %sub3A_664, %select_n3A_668 : i32
      %ne3A_670 = arith.constant 0 : i32
      %ne3A_671 = arith.cmpi ne, %rem3A_669, %ne3A_670 : i32
      %lt3A = arith.constant 0 : i32
      %lt3A_672 = arith.cmpi slt, %rem3A_669, %lt3A : i32
      %lt3A_673 = arith.constant 0 : i32
      %lt3A_674 = arith.cmpi slt, %select_n3A_668, %lt3A_673 : i32
      %ne3A_675 = arith.xori %lt3A_672, %lt3A_674 : i1
      %and3A_676 = arith.andi %ne3A_675, %ne3A_671 : i1
      %add3A_677 = arith.addi %rem3A_669, %select_n3A_668 : i32
      %select_n3A_678 = arith.select %and3A_676, %add3A_677, %rem3A_669 : i32
      %eq3A_679 = arith.constant 0 : i32
      %eq3A_680 = arith.cmpi eq, %select_n3A_678, %eq3A_679 : i32
      %and3A_681 = arith.andi %ge3A_662, %eq3A_680 : i1
      %ge3A_682 = arith.constant 2 : i32
      %ge3A_683 = arith.cmpi sge, %select_n3A, %ge3A_682 : i32
      %sub3A_684 = arith.constant 2 : i32
      %sub3A_685 = arith.subi %select_n3A, %sub3A_684 : i32
      %jit3A_686 = arith.constant 2 : i32
      %eq3A_687 = arith.constant 0 : i32
      %eq3A_688 = arith.cmpi eq, %jit3A_686, %eq3A_687 : i32
      %jit3A_689 = arith.constant 1 : i32
      %select_n3A_690 = arith.select %eq3A_688, %jit3A_689, %jit3A_686 : i32
      %rem3A_691 = arith.remsi %sub3A_685, %select_n3A_690 : i32
      %ne3A_692 = arith.constant 0 : i32
      %ne3A_693 = arith.cmpi ne, %rem3A_691, %ne3A_692 : i32
      %lt3A_694 = arith.constant 0 : i32
      %lt3A_695 = arith.cmpi slt, %rem3A_691, %lt3A_694 : i32
      %lt3A_696 = arith.constant 0 : i32
      %lt3A_697 = arith.cmpi slt, %select_n3A_690, %lt3A_696 : i32
      %ne3A_698 = arith.xori %lt3A_695, %lt3A_697 : i1
      %and3A_699 = arith.andi %ne3A_698, %ne3A_693 : i1
      %add3A_700 = arith.addi %rem3A_691, %select_n3A_690 : i32
      %select_n3A_701 = arith.select %and3A_699, %add3A_700, %rem3A_691 : i32
      %eq3A_702 = arith.constant 0 : i32
      %eq3A_703 = arith.cmpi eq, %select_n3A_701, %eq3A_702 : i32
      %and3A_704 = arith.andi %ge3A_683, %eq3A_703 : i1
      %or3A = arith.ori %and3A_681, %and3A_704 : i1
      %convert_element_type3A = arith.extui %or3A : i1 to i32
      %cond3A = arith.constant 0 : i32
      %cond3A_705 = arith.cmpi ne, %convert_element_type3A, %cond3A : i32
      scf.if %cond3A_705 {
        %dma_wait3A_759 = arith.constant 0 : i32
        %dma_wait3A_760 = arith.constant 0 : i32
        %dma_wait3A_761 = tpu.memref_slice %arg8[%dma_wait3A_759, %dma_wait3A_760] : memref<9344x128xf32, #tpu.memory_space<vmem_shared>> -> memref<9344x128xf32, #tpu.memory_space<vmem_shared>>
        tpu.wait_indirect_dma semaphore(%arg20 : memref<!tpu.dma_semaphore, #tpu.memory_space<semaphore_mem>>) src(%arg15 : memref<128x128xf32, #tpu.memory_space<vmem>>) dst(%dma_wait3A_761 : memref<9344x128xf32, #tpu.memory_space<vmem_shared>>)
      } else {
      }
      %ge3A_706 = arith.constant 1 : i32
      %ge3A_707 = arith.cmpi sge, %select_n3A, %ge3A_706 : i32
      %sub3A_708 = arith.constant 1 : i32
      %sub3A_709 = arith.subi %select_n3A, %sub3A_708 : i32
      %jit3A_710 = arith.constant 2 : i32
      %eq3A_711 = arith.constant 0 : i32
      %eq3A_712 = arith.cmpi eq, %jit3A_710, %eq3A_711 : i32
      %jit3A_713 = arith.constant 1 : i32
      %select_n3A_714 = arith.select %eq3A_712, %jit3A_713, %jit3A_710 : i32
      %rem3A_715 = arith.remsi %sub3A_709, %select_n3A_714 : i32
      %ne3A_716 = arith.constant 0 : i32
      %ne3A_717 = arith.cmpi ne, %rem3A_715, %ne3A_716 : i32
      %lt3A_718 = arith.constant 0 : i32
      %lt3A_719 = arith.cmpi slt, %rem3A_715, %lt3A_718 : i32
      %lt3A_720 = arith.constant 0 : i32
      %lt3A_721 = arith.cmpi slt, %select_n3A_714, %lt3A_720 : i32
      %ne3A_722 = arith.xori %lt3A_719, %lt3A_721 : i1
      %and3A_723 = arith.andi %ne3A_722, %ne3A_717 : i1
      %add3A_724 = arith.addi %rem3A_715, %select_n3A_714 : i32
      %select_n3A_725 = arith.select %and3A_723, %add3A_724, %rem3A_715 : i32
      %eq3A_726 = arith.constant 1 : i32
      %eq3A_727 = arith.cmpi eq, %select_n3A_725, %eq3A_726 : i32
      %and3A_728 = arith.andi %ge3A_707, %eq3A_727 : i1
      %ge3A_729 = arith.constant 2 : i32
      %ge3A_730 = arith.cmpi sge, %select_n3A, %ge3A_729 : i32
      %sub3A_731 = arith.constant 2 : i32
      %sub3A_732 = arith.subi %select_n3A, %sub3A_731 : i32
      %jit3A_733 = arith.constant 2 : i32
      %eq3A_734 = arith.constant 0 : i32
      %eq3A_735 = arith.cmpi eq, %jit3A_733, %eq3A_734 : i32
      %jit3A_736 = arith.constant 1 : i32
      %select_n3A_737 = arith.select %eq3A_735, %jit3A_736, %jit3A_733 : i32
      %rem3A_738 = arith.remsi %sub3A_732, %select_n3A_737 : i32
      %ne3A_739 = arith.constant 0 : i32
      %ne3A_740 = arith.cmpi ne, %rem3A_738, %ne3A_739 : i32
      %lt3A_741 = arith.constant 0 : i32
      %lt3A_742 = arith.cmpi slt, %rem3A_738, %lt3A_741 : i32
      %lt3A_743 = arith.constant 0 : i32
      %lt3A_744 = arith.cmpi slt, %select_n3A_737, %lt3A_743 : i32
      %ne3A_745 = arith.xori %lt3A_742, %lt3A_744 : i1
      %and3A_746 = arith.andi %ne3A_745, %ne3A_740 : i1
      %add3A_747 = arith.addi %rem3A_738, %select_n3A_737 : i32
      %select_n3A_748 = arith.select %and3A_746, %add3A_747, %rem3A_738 : i32
      %eq3A_749 = arith.constant 1 : i32
      %eq3A_750 = arith.cmpi eq, %select_n3A_748, %eq3A_749 : i32
      %and3A_751 = arith.andi %ge3A_730, %eq3A_750 : i1
      %or3A_752 = arith.ori %and3A_728, %and3A_751 : i1
      %convert_element_type3A_753 = arith.extui %or3A_752 : i1 to i32
      %cond3A_754 = arith.constant 0 : i32
      %cond3A_755 = arith.cmpi ne, %convert_element_type3A_753, %cond3A_754 : i32
      scf.if %cond3A_755 {
        %dma_wait3A_759 = arith.constant 0 : i32
        %dma_wait3A_760 = arith.constant 0 : i32
        %dma_wait3A_761 = tpu.memref_slice %arg8[%dma_wait3A_759, %dma_wait3A_760] : memref<9344x128xf32, #tpu.memory_space<vmem_shared>> -> memref<9344x128xf32, #tpu.memory_space<vmem_shared>>
        tpu.wait_indirect_dma semaphore(%arg21 : memref<!tpu.dma_semaphore, #tpu.memory_space<semaphore_mem>>) src(%arg16 : memref<128x128xf32, #tpu.memory_space<vmem>>) dst(%dma_wait3A_761 : memref<9344x128xf32, #tpu.memory_space<vmem_shared>>)
      } else {
      }
      %barrier3A_756 = arith.constant 0 : index
      tpu.barrier barrier_id(%barrier3A_756)
      %mul3A_757 = arith.constant 576 : i32
      %mul3A_758 = arith.muli %min3A_530, %mul3A_757 : i32
      "tpu.region"() ({
        %run_scoped3A_759 = tpu.sem_alloc : memref<!tpu.dma_semaphore, #tpu.memory_space<semaphore_mem>>
        %dma_start3A_760 = arith.constant 0 : i32
        %dma_start3A_761 = tpu.memref_slice %arg7[%mul3A_758, %dma_start3A_760] : memref<90432x128xf32, #tpu.memory_space<hbm>> -> memref<576x128xf32, #tpu.memory_space<hbm>>
        %dma_start3A_762 = arith.constant 0 : i32
        %dma_start3A_763 = tpu.memref_slice %arg8[%mul3A_2, %dma_start3A_762] : memref<9344x128xf32, #tpu.memory_space<vmem_shared>> -> memref<576x128xf32, #tpu.memory_space<vmem_shared>>
        tpu.enqueue_dma source(%dma_start3A_763 : memref<576x128xf32, #tpu.memory_space<vmem_shared>>) target(%dma_start3A_761 : memref<576x128xf32, #tpu.memory_space<hbm>>) target_semaphore(%run_scoped3A_759 : memref<!tpu.dma_semaphore, #tpu.memory_space<semaphore_mem>>)
        %dma_wait3A_764 = arith.constant 0 : i32
        %dma_wait3A_765 = tpu.memref_slice %arg7[%mul3A_758, %dma_wait3A_764] : memref<90432x128xf32, #tpu.memory_space<hbm>> -> memref<576x128xf32, #tpu.memory_space<hbm>>
        %dma_wait3A_766 = arith.constant 0 : i32
        %dma_wait3A_767 = tpu.memref_slice %arg8[%mul3A_2, %dma_wait3A_766] : memref<9344x128xf32, #tpu.memory_space<vmem_shared>> -> memref<576x128xf32, #tpu.memory_space<vmem_shared>>
        tpu.wait_dma2 semaphore(%run_scoped3A_759 : memref<!tpu.dma_semaphore, #tpu.memory_space<semaphore_mem>>) src(%dma_wait3A_767 : memref<576x128xf32, #tpu.memory_space<vmem_shared>>) dst(%dma_wait3A_765 : memref<576x128xf32, #tpu.memory_space<hbm>>)
        tpu.yield
      }) : () -> ()
    }
    %scan3A_524 = arith.constant 5 : i32
    return
  }
}

module attributes {stable_mosaic.version = 14 : i64} {
  func.func @_mm_body(%arg0: i32, %arg1: memref<1024x1152xf32, #tpu.memory_space<vmem>>, %arg2: memref<1152x128xf32, #tpu.memory_space<vmem>>, %arg3: memref<8x128xf32, #tpu.memory_space<vmem>>, %arg4: memref<1024x128xf32, #tpu.memory_space<vmem>>) attributes {dimension_semantics = [#tpu.dimension_semantics<arbitrary>], iteration_bounds = array<i64: 10>, scalar_prefetch = 0 : i64, scratch_operands = 0 : i64, tpu.core_type = #tpu.core_type<tc>, window_params = [{transform_indices = @transform_0, window_bounds = array<i64: 1024, 1152>}, {pipeline_mode = #tpu.pipeline_mode<synchronous>, transform_indices = @transform_1, window_bounds = array<i64: 1152, 128>}, {pipeline_mode = #tpu.pipeline_mode<synchronous>, transform_indices = @transform_2, window_bounds = array<i64: 8, 128>}, {transform_indices = @transform_3, window_bounds = array<i64: 1024, 128>}]} {
    %get3A = arith.constant 0 : index
    %get3A_0 = arith.constant 0 : index
    %get3A_1 = vector.load %arg1[%get3A, %get3A_0] : memref<1024x1152xf32, #tpu.memory_space<vmem>>, vector<1024x1152xf32>
    %get3A_2 = arith.constant 0 : index
    %get3A_3 = arith.constant 0 : index
    %get3A_4 = vector.load %arg2[%get3A_2, %get3A_3] : memref<1152x128xf32, #tpu.memory_space<vmem>>, vector<1152x128xf32>
    %dot_general3A = arith.constant dense<0.000000e+00> : vector<1024x128xf32>
    %dot_general3A_5 = tpu.matmul %get3A_1, %get3A_4, %dot_general3A {dimension_numbers = #tpu.dot_dimension_numbers<[1], [0], [0], [1], [0, 0, 1, 1], [], []>, transpose_lhs_hint = false} : vector<1024x1152xf32>, vector<1152x128xf32>, vector<1024x128xf32> -> vector<1024x128xf32>
    %get3A_6 = arith.constant 0 : index
    %get3A_7 = arith.constant 0 : index
    %get3A_8 = vector.load %arg3[%get3A_6, %get3A_7] : memref<8x128xf32, #tpu.memory_space<vmem>>, vector<1x128xf32>
    %add3A = vector.broadcast %get3A_8 : vector<1x128xf32> to vector<1024x128xf32>
    %add3A_9 = arith.addf %dot_general3A_5, %add3A : vector<1024x128xf32>
    %swap3A = arith.constant 0 : index
    %swap3A_10 = arith.constant 0 : index
    %swap3A_11 = vector.load %arg4[%swap3A, %swap3A_10] : memref<1024x128xf32, #tpu.memory_space<vmem>>, vector<1024x128xf32>
    tpu.vector_store %arg4[%swap3A, %swap3A_10], %add3A_9 {strides = array<i32>} : memref<1024x128xf32, #tpu.memory_space<vmem>>, vector<1024x128xf32>,
    return
  }
  func.func @transform_0(%arg0: i32) -> (i32, i32) {
    %c0_i32 = arith.constant 0 : i32
    %c0_i32_0 = arith.constant 0 : i32
    return %arg0, %c0_i32 : i32, i32
  }
  func.func @transform_1(%arg0: i32) -> (i32, i32) {
    %c0_i32 = arith.constant 0 : i32
    %c0_i32_0 = arith.constant 0 : i32
    %c0_i32_1 = arith.constant 0 : i32
    return %c0_i32, %c0_i32_0 : i32, i32
  }
  func.func @transform_2(%arg0: i32) -> (i32, i32) {
    %c0_i32 = arith.constant 0 : i32
    %c0_i32_0 = arith.constant 0 : i32
    %c0_i32_1 = arith.constant 0 : i32
    return %c0_i32, %c0_i32_0 : i32, i32
  }
  func.func @transform_3(%arg0: i32) -> (i32, i32) {
    %c0_i32 = arith.constant 0 : i32
    %c0_i32_0 = arith.constant 0 : i32
    return %arg0, %c0_i32 : i32, i32
  }
}

</mosaic_0001>

<sc_bundles>
// kernel: kernel.5.cloned.1.call-start
scs
__scs_entry_jumppad:
0x0: {  	(pc) =	sbr.rel $0x88, $3  }
0x1: {  	(tag) =	ssettag $0x0;
	lr =	simm.s32 $0x1  }
0x2: {  	[smem:$0x3F9B] =	sst lr;
	_ =	strace $0xD0000000  }
0x3: {  	_ = 	snop  }
0x4: {  	_ = 	snop  }
0x5: {  	_ = 	snop  }
0x6: {  	_ = 	snop  }
0x7: {  	_ = 	snop  }
__scs_overlays_trampoline_lowered:
0x8: {  	[smem:$0x3FAA] =	sst s0  }
0x9: {  	[smem:$0x3FAB] =	sst s1  }
0xa: {  	[smem:$0x3FAC] =	sst s2  }
0xb: {  	[smem:$0x3FAD] =	sst s3  }
0xc: {  	[smem:$0x3FAE] =	sst s4  }
0xd: {  	[smem:$0x3FAF] =	sst s5  }
0xe: {  	[smem:$0x3FB0] =	sst s6  }
0xf: {  	[smem:$0x3FB1] =	sst s7  }
0x10: {  	[smem:$0x3FB2] =	sst s8  }
0x11: {  	[smem:$0x3FB3] =	sst s9;
	s0 =	simm.s32 @!p0 $0x0  }
0x12: {  	s1 =	sld [smem:$0x3F99];
	s0 =	simm.s32 @p0 $0x1  }
0x13: {  	[smem:$0x3FB4] =	sst s0;
	s0 =	simm.s32 @!p1 $0x0  }
0x14: {  	s2 =	sld [smem:$0x3F98];
	s0 =	simm.s32 @p1 $0x1  }
0x15: {  	[smem:$0x3FB5] =	sst s0;
	s0 =	simm.s32 @!p2 $0x0  }
0x16: {  	s3 =	sld [smem:$0x3FDB];
	s0 =	simm.s32 @p2 $0x1  }
0x17: {  	s4 =	simm.s32 $0x1BF5;
	[smem:$0x3FB7] =	sst s0  }
0x18: {  	s0 =	sld [smem:$0x3F9A];
	_ =	swait.ge [sflag:s4], $0x0  }
0x19: {  	s7 =	sld [smem:$0x3F9B]  }
0x1a: {  	s8 =	sadd.s32 $0xFFFFE003, lr  }
0x1b: {  	s9 =	sadd.s32 $0xFFFFFEF7, lr;
	s5 =	simm.s32 $0xFFFFFFFF;
	p2 =	slt.u32 s8, $0xFFFFF086  }
0x1c: {  	p1 =	slt.u32 s9, $0xF7A;
	s5 =	simm.s32 @!p2 $0x0  }
0x1d: {  	s5 =	simm.s32 @p1 $0x1;
	p0 =	seq.s32 s7, s2  }
0x1e: {  	s7 =	smul.u32 @!p0 $0xF7A, s2;
	p2 =	seq.s32 @!p0 s5, $0x0  }
0x1f: {  	s9 =	smul.u32 $0xF7A, s1;
	s8 =	simm.s32 @!p0 $0x1BF5;
	p2 =	por !p2, p0  }
0x20: {  	[sflag:s8] =	ssyncset.s32 @!p0 $0xFFFFF086;
	s6 =	sadd.s32 @!p0 s3, s7;
	s7 =	simm.s32 @!p0 $0x108  }
0x21: {  	s3 =	sadd.s32 s3, s9;
	s6 =	sadd.s32 @!p0 $0x88, s6;
	s7 =	simm.s32 @p2 $0x1082  }
0x22: {  	[simem:s7], [sflag:s8] =	dma.local @!p0 [hbm:s6], $0xF7A  }
0x23: {  	s9 =	sor.u32 $0xD0000000, s2;
	s6 =	simm.s32 $0x108;
	_ =	swait.ge @!p0 [sflag:s8], $0x0  }
0x24: {  	s3 =	sadd.s32 $0x88, s3;
	s6 =	simm.s32 @!p1 $0x1082;
	[sflag:s4] =	ssyncset.s32 $0xFFFFF086  }
0x25: {  	[simem:s6], [sflag:s4] =	dma.local [hbm:s3], $0xF7A  }
0x26: {  	[smem:$0x3F9B] =	sst s1;
	(tag) =	ssettag s2;
	_ =	strace s9  }
0x27: {  	s1 =	sld [smem:$0x3FAB]  }
0x28: {  	s2 =	sld [smem:$0x3FAC]  }
0x29: {  	s4 =	sld [smem:$0x3FAE]  }
0x2a: {  	p0 =	seq.s32 s5, $0x0;
	s5 =	sld [smem:$0x3FAF]  }
0x2b: {  	s6 =	sld [smem:$0x3FB0]  }
0x2c: {  	s7 =	sld [smem:$0x3FB1]  }
0x2d: {  	s3 =	simm.s32 $0x108;
	s8 =	sld [smem:$0x3FB2]  }
0x2e: {  	s3 =	simm.s32 @!p0 $0x1082;
	s9 =	sld [smem:$0x3FB3]  }
0x2f: {  	lr =	sadd.s32 s0, s3;
	s0 =	sld [smem:$0x3FAA]  }
0x30: {  	s3 =	sld [smem:$0x3FAD]  }
0x31: {  	[smem:$0x3FB6] =	sst s10  }
0x32: {  	s10 =	sld [smem:$0x3FB4];
	_ =	sdelay $0x3  }
0x33: {  	p0 =	seq.s32 s10, $0x1;
	s10 =	sld [smem:$0x3FB6];
	_ =	sdelay $0x3  }
0x34: {  	[smem:$0x3FB6] =	sst s10  }
0x35: {  	s10 =	sld [smem:$0x3FB5];
	_ =	sdelay $0x3  }
0x36: {  	p1 =	seq.s32 s10, $0x1;
	s10 =	sld [smem:$0x3FB6];
	_ =	sdelay $0x3  }
0x37: {  	[smem:$0x3FB6] =	sst s10  }
0x38: {  	s10 =	sld [smem:$0x3FB7]  }
0x39: {  	_ = 	snop;
	(pc) =	sbr.ind lr, $3  }
0x3a: {  	_ = 	snop  }
0x3b: {  	_ = 	snop  }
0x3c: {  	p2 =	seq.s32 s10, $0x1;
	s10 =	sld [smem:$0x3FB6]  }
0x3d: {  	_ =	shalt  }
0x3e: {  	_ =	shalt  }
0x3f: {  	_ =	shalt  }
0x40: {  	_ =	shalt  }
0x41: {  	_ =	shalt  }
0x42: {  	_ =	shalt  }
0x43: {  	_ =	shalt  }
0x44: {  	_ =	shalt  }
0x45: {  	_ =	shalt  }
0x46: {  	_ =	shalt  }
0x47: {  	_ =	shalt  }
0x48: {  	_ =	shalt  }
0x49: {  	_ =	shalt  }
0x4a: {  	_ =	shalt  }
0x4b: {  	_ =	shalt  }
0x4c: {  	_ =	shalt  }
0x4d: {  	_ =	shalt  }
0x4e: {  	_ =	shalt  }
0x4f: {  	_ =	shalt  }
0x50: {  	_ =	shalt  }
0x51: {  	_ =	shalt  }
0x52: {  	_ =	shalt  }
0x53: {  	_ =	shalt  }
0x54: {  	_ =	shalt  }
0x55: {  	_ =	shalt  }
0x56: {  	_ =	shalt  }
0x57: {  	_ =	shalt  }
0x58: {  	_ =	shalt  }
0x59: {  	_ =	shalt  }
0x5a: {  	_ =	shalt  }
0x5b: {  	_ =	shalt  }
0x5c: {  	_ =	shalt  }
0x5d: {  	_ =	shalt  }
0x5e: {  	_ =	shalt  }
0x5f: {  	_ =	shalt  }
0x60: {  	_ =	shalt  }
0x61: {  	_ =	shalt  }
0x62: {  	_ =	shalt  }
0x63: {  	_ =	shalt  }
0x64: {  	_ =	shalt  }
0x65: {  	_ =	shalt  }
0x66: {  	_ =	shalt  }
0x67: {  	_ =	shalt  }
0x68: {  	_ =	shalt  }
0x69: {  	_ =	shalt  }
0x6a: {  	_ =	shalt  }
0x6b: {  	_ =	shalt  }
0x6c: {  	_ =	shalt  }
0x6d: {  	_ =	shalt  }
0x6e: {  	_ =	shalt  }
0x6f: {  	_ =	shalt  }
0x70: {  	_ =	shalt  }
0x71: {  	_ =	shalt  }
0x72: {  	_ =	shalt  }
0x73: {  	_ =	shalt  }
0x74: {  	_ =	shalt  }
0x75: {  	_ =	shalt  }
0x76: {  	_ =	shalt  }
0x77: {  	_ =	shalt  }
0x78: {  	_ =	shalt  }
0x79: {  	_ =	shalt  }
0x7a: {  	_ =	shalt  }
0x7b: {  	_ =	shalt  }
0x7c: {  	_ =	shalt  }
0x7d: {  	_ =	shalt  }
0x7e: {  	_ =	shalt  }
0x7f: {  	_ =	shalt  }
0x80: {  	_ =	shalt  }
0x81: {  	_ =	shalt  }
0x82: {  	_ =	shalt  }
0x83: {  	_ =	shalt  }
0x84: {  	_ =	shalt  }
0x85: {  	_ =	shalt  }
0x86: {  	_ =	shalt  }
0x87: {  	_ =	shalt  }
.Lfunc_end0:
.L_simem_size_0:
called_computation_lowered:
.L_overlay_start_0:
0x88: {  	s2 =	sld [smem:$0x3FD9]  }
0x89: {  	s3 =	sld [smem:$0x3FFE];
	_ =	sdelay $0x1  }
0x8a: {  	s1 =	srdreg.scid  }
0x8b: {  	s0 =	sand.u32 $0x1, s1  }
0x8c: {  	s17 =	sshll.u32 s0, $0xA;
	s2 =	sadd.s32 s3, s2  }
0x8d: {  	s2 =	sadd.s32 s2, s17  }
0x8e: {  	[smem:$0x3FC2] =	sst s2  }
0x8f: {  	_ = 	snop  }
0x90: {  	s2 =	sld [smem:$0x3FC9]  }
0x91: {  	s18 =	sld [smem:$0x3FD0];
	(tm) =	ssettm $0x1  }
0x92: {  	s4 =	sld [smem:$0x3FFB];
	_ =	sdelay $0x3  }
0x93: {  	_ =	strace s4  }
0x94: {  	s4 =	sld [smem:$0x3FFC];
	_ =	sdelay $0x3  }
0x95: {  	_ =	strace s4  }
0x96: {  	s4 =	sld [smem:$0x3FFD];
	_ =	sdelay $0x3  }
0x97: {  	_ =	strace s4  }
0x98: {  	_ =	strace $0x8FFFFFFF  }
0x99: {  	s19 =	sld [smem:$0x3FDB];
	_ =	sdelay $0x1  }
0x9a: {  	s5 =	simm.s32 $_scs_section_size  }
0x9b: {  	s6 =	simm.s32 $_size__tile_overlayer_lowered;
	s7 =	simm.s32 $_tile_overlayer_lowered  }
0x9c: {  	s22 =	simm.s32 $0x1BFF;
	s21 =	sshll.u32 s7, $0x1;
	s4 =	sadd.s32 s5, s19  }
0x9d: {  	s8 =	simm.s32 $0x0;
	s20 =	sshll.u32 s6, $0x1;
	s6 =	sadd.s32 s21, s4  }
0x9e: {  	[timem:s8], [sflag:s22] =	dma.local [hbm:s6], s20  }
0x9f: {  	_ =	swait.ge [sflag:s22], s20  }
0xa0: {  	s5 =	ssub.s32 $0x0, s20;
	[sflag:s22] =	ssyncset.done $0x0  }
0xa1: {  	[sflag:s22] =	ssyncadd.s32 s5;
	_ =	sdelay $0x1  }
0xa2: {  	s23 =	simm.s32 $0x1B8B  }
0xa3: {  	_ =	swait.ge [sflag:s23], $0x1  }
0xa4: {  	[sflag:s23] =	ssyncset.done $0x0  }
0xa5: {  	s25 =	simm.s32 $0x1B8E;
	s24 =	sld [smem:$0x3FFE];
	[sflag:s23] =	ssyncadd.s32 $0xFFFFFFFF  }
0xa6: {  	s26 =	simm.s32 $execute0_lowered;
	[smem:$0x3FD2] =	sst s25  }
0xa7: {  	s6 =	sshll.u32 s26, $0x1;
	_ =	strace $0x80000046;
	[dreg:$0x1] =	wrdreg $0xFFFFFFFF  }
0xa8: {  	s28 =	simm.s32 $_size_execute0_lowered;
	s4 =	sadd.s32 s4, s6;
	[dreg:$0x0] =	wrdreg $0x0  }
0xa9: {  	s6 =	sshll.u32 s28, $0x1;
	[dreg:$0x2] =	wrdreg s4  }
0xaa: {  	[dreg:$0x3] =	wrdreg s6  }
0xab: {  	[dreg:$0x4] =	wrdreg $0xC0  }
0xac: {  	_ =	task [dreg:s8], $0x5FFFF  }
0xad: {  	[dreg:$0x1] =	wrdreg $0xFFFFFFFF  }
0xae: {  	[dreg:$0x0] =	wrdreg $0x60  }
0xaf: {  	[dreg:$0x2] =	wrdreg s2  }
0xb0: {  	[dreg:$0x3] =	wrdreg s18  }
0xb1: {  	[dreg:$0x4] =	wrdreg s24  }
0xb2: {  	[dreg:$0x5] =	wrdreg $0x0  }
0xb3: {  	[dreg:$0x6] =	wrdreg $0x9  }
0xb4: {  	_ =	task.clear_ibuf [dreg:s8], $0x7FFFF;
	_ =	strace $0x90000046  }
0xb5: {  	s29 =	simm.s32 $0x9;
	_ =	strace $0x80000048  }
0xb6: {  	_ =	swait.ge [sflag:s29], $0x1  }
0xb7: {  	[sflag:s29] =	ssyncadd.s32 $0xFFFFFFFF  }
0xb8: {  	_ =	strace $0x90000048  }
0xb9: {  	_ =	sfence  }
0xba: {  	s30 =	sld [smem:$0x0];
	_ =	sdelay $0x2  }
0xbb: {  	s31 =	sshll.u32 s1, $0xD;
	s1 =	sshrl.u32 s1, $0x2  }
0xbc: {  	s3 =	sand.u32 $0x4000, s31;
	s1 =	sadd.s32 s1, s30  }
0xbd: {  	s0 =	sor.u32 s3, s0;
	s1 =	sshll.u32 s1, $0x11  }
0xbe: {  	s0 =	sor.u32 s1, s0  }
0xbf: {  	s0 =	sadd.s32 $0x8F2B, s0  }
0xc0: {  	[sflag:s0] =	ssyncadd.remote.s32 $0x1  }
0xc1: {  	_ =	sfence.sel $0xFFFF  }
0xc2: {  	[dreg:$0x0] =	wrdreg $0xFFFFFFFF;
	(pc) =	sbr.abs _section_cstart, $3  }
0xc3: {  	[dreg:$0x1] =	wrdreg $0xFFFFFFFF  }
0xc4: {  	_ =	task.clear_ibuf [dreg:s8], $0x2FFFF;
	_ =	strace $0x9FFFFFFF  }
0xc5: {  	(tm) =	ssettm $0x7FFFFFFF  }
tec
execute0_lowered:
.L_overlay_start_1:
0x0: {  	(tag) =	ssettag $0x1  }
0x1: {  	v0 =	vlaneseq.u32  }
0x2: {  	v39 =	vimm.s32 $0x20;
	v3 =	vor.u32 $0x10, v0  }
0x3: {  	v4 =	vor.u32 $0x20, v0;
	v5 =	vor.u32 $0x30, v0;
	v6 =	vor.u32 $0x40, v0  }
0x4: {  	v7 =	vor.u32 $0x50, v0;
	v8 =	vor.u32 $0x60, v0;
	v9 =	vor.u32 $0x70, v0  }
0x5: {  	v10 =	vor.u32 $0x80, v0;
	v11 =	vor.u32 $0x90, v0;
	v12 =	vor.u32 $0xA0, v0  }
0x6: {  	v13 =	vor.u32 $0xB0, v0;
	v14 =	vor.u32 $0xC0, v0;
	v15 =	vor.u32 $0xD0, v0  }
0x7: {  	v16 =	vor.u32 $0xE0, v0;
	v17 =	vor.u32 $0xF0, v0;
	v18 =	vor.u32 $0x100, v0  }
0x8: {  	v19 =	vor.u32 $0x110, v0;
	v20 =	vor.u32 $0x120, v0;
	v21 =	vor.u32 $0x130, v0  }
0x9: {  	v22 =	vor.u32 $0x140, v0;
	v23 =	vor.u32 $0x150, v0;
	v24 =	vor.u32 $0x160, v0  }
0xa: {  	s1 =	rddreg [dreg:$0x0];
	v25 =	vor.u32 $0x170, v0;
	v26 =	vor.u32 $0x180, v0;
	v27 =	vor.u32 $0x190, v0  }
0xb: {  	s10 =	stileid.u32;
	s2 =	rddreg [dreg:$0x1];
	v28 =	vor.u32 $0x1A0, v0;
	v29 =	vor.u32 $0x1B0, v0;
	v30 =	vor.u32 $0x1C0, v0  }
0xc: {  	s3 =	rddreg [dreg:$0x2];
	s0 =	smul.u32 $0x248, s10;
	v31 =	vor.u32 $0x1D0, v0;
	v32 =	vor.u32 $0x1E0, v0;
	v33 =	vor.u32 $0x1F0, v0  }
0xd: {  	s4 =	rddreg [dreg:$0x3];
	s5 =	simm.s32 $0x0;
	v34 =	vor.u32 $0x200, v0;
	v35 =	vor.u32 $0x210, v0;
	v36 =	vor.u32 $0x220, v0  }
0xe: {  	s7 =	srdreg.scid;
	s13 =	simm.s32 $0x6;
	s14 =	simm.s32 $0x12400;
	v37 =	vor.u32 $0x230, v0;
	v1 =	vmov s0;
	v2 =	vadd.s32 s0, v0  }
0xf: {  	s15 =	simm.s32 $0x1;
	s16 =	simm.s32 $0x80;
	s22 =	simm.s32 $0x5;
	v3 =	vadd.s32 s0, v3;
	v4 =	vadd.s32 s0, v4;
	v5 =	vadd.s32 s0, v5  }
0x10: {  	s23 =	simm.s32 $0x12480;
	s29 =	simm.s32 $0x16D80;
	s30 =	simm.s32 $0x12880;
	v6 =	vadd.s32 s0, v6;
	v7 =	vadd.s32 s0, v7;
	v8 =	vadd.s32 s0, v8  }
0x11: {  	s31 =	simm.s32 $0x3;
	s17 =	simm.s32 $0x4;
	[smem:$0x7FF] =	sst s5;
	v9 =	vadd.s32 s0, v9;
	v10 =	vadd.s32 s0, v10;
	v11 =	vadd.s32 s0, v11  }
0x12: {  	s6 =	sadd.s32 $0xA00, s3;
	s7 =	sand.u32 $0x1, s7;
	s8 =	sadd.s32 $0xA800, s3;
	v12 =	vadd.s32 s0, v12;
	v13 =	vadd.s32 s0, v13;
	v14 =	vadd.s32 s0, v14  }
0x13: {  	s11 =	sadd.s32 $0xAE00, s3;
	_ =	strace $0x80000047;
	[dreg:$0x5] =	wrdreg s8;
	v15 =	vadd.s32 s0, v15;
	v16 =	vadd.s32 s0, v16;
	v17 =	vadd.s32 s0, v17  }
0x14: {  	s9 =	smul.u32 $0x49000, s10;
	s3 =	sadd.s32 $0xB600, s3;
	[dreg:$0x6] =	wrdreg s11;
	v18 =	vadd.s32 s0, v18;
	v19 =	vadd.s32 s0, v19;
	v20 =	vadd.s32 s0, v20  }
0x15: {  	s24 =	ssub.s32 $0x2, s7;
	[dreg:$0x7] =	wrdreg s3;
	s7 =	sshll.u32 s7, $0x4;
	v21 =	vadd.s32 s0, v21;
	v22 =	vadd.s32 s0, v22;
	v23 =	vadd.s32 s0, v23  }
.Ltmp0:
0x16: {  	s8 =	simm.s32 $0x2;
	s25 =	sshrl.u32 s24, $0x1;
	v24 =	vadd.s32 s0, v24;
	v25 =	vadd.s32 s0, v25;
	v26 =	vadd.s32 s0, v26;
	(pc) =	sbr.rel .LBB2_1-.Ltmp0, $4  }
0x17: {  	s11 =	simm.s32 $0x12900;
	s26 =	sshrl.u32 s9, $0x2;
	v27 =	vadd.s32 s0, v27;
	v28 =	vadd.s32 s0, v28;
	v29 =	vadd.s32 s0, v29;
	s3 =	ssub.s32 s24, s25  }
0x18: {  	[dreg:$0x8] =	wrdreg s7;
	v30 =	vadd.s32 s0, v30;
	v31 =	vadd.s32 s0, v31;
	v32 =	vadd.s32 s0, v32;
	s7 =	sadd.s32 s26, s4;
	s3 =	smax.u32 s3, $0x1  }
0x19: {  	v33 =	vadd.s32 s0, v33;
	v34 =	vadd.s32 s0, v34;
	v35 =	vadd.s32 s0, v35;
	s25 =	simm.s32 $0x12680;
	s28 =	sshrl.u32 s7, $0x3;
	[dreg:$0x9] =	wrdreg s3  }
0x1a: {  	v36 =	vadd.s32 s0, v36;
	v37 =	vadd.s32 s0, v37;
	s26 =	simm.s32 $0x12D80;
	v38 =	vadd.s32 $0x240, v1;
	[dreg:$0xa] =	wrdreg s28;
	s3 =	simm.s32 $0x0  }
.LBB2_18:
0x1b: {  	s3 =	rddreg [dreg:$0xb]  }
0x1c: {  	s0 =	rddreg [dreg:$0x9];
	s3 =	sadd.s32 $0x1, s3  }
0x1d: {  	p0 =	sne.s32 s3, s0  }
.Ltmp1:
0x1e: {  	_ = 	snop;
	(pc) =	sbr.rel @!p0 .LBB2_19-.Ltmp1, $1  }
0x1f: {  	_ =	sdelay $0x3  }
.LBB2_1:
0x20: {  	[dreg:$0xb] =	wrdreg s3  }
0x21: {  	s0 =	rddreg [dreg:$0x6];
	s28 =	simm.s32 $0x1AD80  }
0x22: {  	[tilespmem:s28], [sflag:$0x6] =	stream.linear.gather [hbm4b:s0+s5], $0x4000, $0x38;
	[tilespmem:$0x1ED80] =	vst v63  }
0x23: {  	_ =	swait.ge [sflag:s13], $0x4000  }
0x24: {  	[sflag:s13] =	ssyncset.done $0x0  }
0x25: {  	[sflag:s13] =	ssyncadd.s32 $0xFFFFC000  }
0x26: {  	[tilespmem:$0x12980] =	vst v2  }
0x27: {  	[tilespmem:$0x12990] =	vst v3  }
0x28: {  	[tilespmem:$0x129A0] =	vst v4  }
0x29: {  	[tilespmem:$0x129B0] =	vst v5  }
0x2a: {  	[tilespmem:$0x129C0] =	vst v6  }
0x2b: {  	[tilespmem:$0x129D0] =	vst v7  }
0x2c: {  	[tilespmem:$0x129E0] =	vst v8  }
0x2d: {  	[tilespmem:$0x129F0] =	vst v9  }
0x2e: {  	[tilespmem:$0x12A00] =	vst v10  }
0x2f: {  	[tilespmem:$0x12A10] =	vst v11  }
0x30: {  	[tilespmem:$0x12A20] =	vst v12  }
0x31: {  	[tilespmem:$0x12A30] =	vst v13  }
0x32: {  	[tilespmem:$0x12A40] =	vst v14  }
0x33: {  	[tilespmem:$0x12A50] =	vst v15  }
0x34: {  	[tilespmem:$0x12A60] =	vst v16  }
0x35: {  	[tilespmem:$0x12A70] =	vst v17  }
0x36: {  	[tilespmem:$0x12A80] =	vst v18  }
0x37: {  	[tilespmem:$0x12A90] =	vst v19  }
0x38: {  	[tilespmem:$0x12AA0] =	vst v20  }
0x39: {  	[tilespmem:$0x12AB0] =	vst v21  }
0x3a: {  	[tilespmem:$0x12AC0] =	vst v22  }
0x3b: {  	[tilespmem:$0x12AD0] =	vst v23  }
0x3c: {  	[tilespmem:$0x12AE0] =	vst v24  }
0x3d: {  	[tilespmem:$0x12AF0] =	vst v25  }
0x3e: {  	[tilespmem:$0x12B00] =	vst v26  }
0x3f: {  	[tilespmem:$0x12B10] =	vst v27  }
0x40: {  	[tilespmem:$0x12B20] =	vst v28  }
0x41: {  	[tilespmem:$0x12B30] =	vst v29  }
0x42: {  	[tilespmem:$0x12B40] =	vst v30  }
0x43: {  	[tilespmem:$0x12B50] =	vst v31  }
0x44: {  	[tilespmem:$0x12B60] =	vst v32  }
0x45: {  	[tilespmem:$0x12B70] =	vst v33  }
0x46: {  	[tilespmem:$0x12B80] =	vst v34  }
0x47: {  	[tilespmem:$0x12B90] =	vst v35  }
0x48: {  	[tilespmem:$0x12BA0] =	vst v36  }
.Ltmp2:
0x49: {  	[tilespmem:$0x12BB0] =	vst v37;
	(pc) =	sbr.rel .LBB2_2-.Ltmp2, $4  }
0x4a: {  	[tilespmem:$0x12BC0] =	vst v38  }
0x4b: {  	[tilespmem:$0x12BD0] =	vst v38  }
0x4c: {  	[tilespmem:$0x12BE0] =	vst v38  }
0x4d: {  	s19 =	simm.s32 $0x0;
	[tilespmem:$0x12BF0] =	vst v38  }
.LBB2_17:
0x4e: {  	p0 =	sgt.s32 s0, $0x0;
	s3 =	sand.u32 $0x1, s0  }
0x4f: {  	p2 =	sgt.s32 s0, $0x1;
	p1 =	seq.s32 s3, $0x1;
	p3 =	seq.s32 s3, $0x0  }
0x50: {  	p4 =	por !p0, !p1;
	p5 =	por !p2, !p3  }
0x51: {  	p4 =	por !p4, !p4;
	p5 =	por !p5, !p5  }
0x52: {  	p4 =	por p4, p5  }
0x53: {  	p0 =	por !p0, !p3;
	p1 =	por !p2, !p1;
	_ =	swait.ge @p4 [sflag:s31], $0x4000  }
0x54: {  	p0 =	por !p0, !p0;
	p1 =	por !p1, !p1;
	[sflag:s31] =	ssyncset.done @p4 $0x0  }
0x55: {  	p0 =	por p1, p0;
	[sflag:s31] =	ssyncadd.s32 @p4 $0xFFFFC000  }
0x56: {  	_ =	swait.ge @p0 [sflag:s17], $0x4000  }
0x57: {  	[sflag:s17] =	ssyncset.done @p0 $0x0  }
0x58: {  	s10 =	stileid.u32;
	s21 =	smul.u32 $0x2400, s20;
	[sflag:s17] =	ssyncadd.s32 @p0 $0xFFFFC000  }
0x59: {  	s19 =	sadd.s32 $0x1, s19;
	s24 =	sshll.u32 s10, $0x6;
	[bflag:$0x0] =	sbarrier.arrive $0xFFFF  }
0x5a: {  	s3 =	sor.u32 $0x1C06, s24;
	p0 =	sne.s32 s19, $0x5;
	s7 =	rddreg [dreg:$0x7]  }
.Ltmp3:
0x5b: {  	s28 =	rddreg [dreg:$0xa];
	s0 =	sadd.s32 s7, s21;
	(pc) =	sbr.rel @!p0 .LBB2_18-.Ltmp3, $4  }
0x5c: {  	[hbm:s0], [sflag:s3] =	dma.local [spmem:s28], $0x2400  }
0x5d: {  	_ =	swait.ge [sflag:s13], $0x2400  }
0x5e: {  	[sflag:s13] =	ssyncset.done $0x0  }
0x5f: {  	[sflag:s13] =	ssyncadd.s32 $0xFFFFDC00  }
.LBB2_2:
0x60: {  	s0 =	sshll.u32 s19, $0x5;
	s3 =	rddreg [dreg:$0x8]  }
0x61: {  	s0 =	sor.u32 s0, s3  }
0x62: {  	s0 =	sor.u32 s10, s0  }
0x63: {  	s20 =	smin.u32 s0, $0x9C  }
0x64: {  	s12 =	rddreg [dreg:$0x5];
	s0 =	sshll.u32 s20, $0x3  }
0x65: {  	s0 =	sadd.s32 s12, s0  }
0x66: {  	[tilespmem:s14], [sflag:$0x6] =	stream.linear.gather [hbm4b:s0+s5], $0x50, $0x38;
	[tilespmem:$0x1ED80] =	vst v63  }
0x67: {  	_ =	swait.ge [sflag:s13], $0x50  }
0x68: {  	[sflag:s13] =	ssyncset.done $0x0  }
0x69: {  	[sflag:s13] =	ssyncadd.s32 $0xFFFFFFB0  }
0x6a: {  	v40 =	vld [tilespmem:$0x12400]  }
0x6b: {  	v41 =	vld [tilespmem:$0x12440];
	_ =	sdelay $0x3  }
0x6c: {  	(v2sf) =	vpush v40, $0x0  }
0x6d: {  	(v2sf) =	vpush v41, $0x0;
	_ =	sdelay $0x3  }
0x6e: {  	s9 =	simm.s32 $0x1AD80;
	s18 =	simm.s32 $0x12980  }
0x6f: {  	[spmem:s4] =	stream.indirect.scatter [tilespmem:s9], [sflag:$0x5], $0x80, s18, s16, $0xb8;
	[tilespmem:$0x1ED80] =	vst v63  }
0x70: {  	s21 =	simm.s32 $0x12A00  }
0x71: {  	[spmem:s4] =	stream.indirect.scatter [tilespmem:s9], [sflag:$0x5], $0x80, s21, s16, $0xb8;
	[tilespmem:$0x1ED80] =	vst v63  }
0x72: {  	s24 =	simm.s32 $0x12A80  }
0x73: {  	[spmem:s4] =	stream.indirect.scatter [tilespmem:s9], [sflag:$0x5], $0x80, s24, s16, $0xb8;
	[tilespmem:$0x1ED80] =	vst v63  }
0x74: {  	s7 =	simm.s32 $0x12B00  }
0x75: {  	[spmem:s4] =	stream.indirect.scatter [tilespmem:s9], [sflag:$0x5], $0x80, s7, s16, $0xb8;
	[tilespmem:$0x1ED80] =	vst v63  }
0x76: {  	s12 =	simm.s32 $0x12B80  }
0x77: {  	[spmem:s4] =	stream.indirect.scatter [tilespmem:s9], [sflag:$0x5], $0x80, s12, s16, $0xb8;
	[tilespmem:$0x1ED80] =	vst v63  }
0x78: {  	s28 =	spop (v2sf)  }
0x79: {  	s10 =	spop (v2sf);
	s24 =	sand.u32 $0xFFFFFFF8, s28  }
0x7a: {  	s0 =	ssub.s32 s10, s24  }
0x7b: {  	_ =	swait.ge [sflag:s22], $0x4000;
	s0 =	sadd.s32 $0x7F, s0  }
0x7c: {  	[sflag:s22] =	ssyncset.done $0x0;
	s18 =	sshra.s32 s0, $0x1F  }
0x7d: {  	[sflag:s22] =	ssyncadd.s32 $0xFFFFC000;
	s7 =	sand.u32 $0x7F, s0;
	p0 =	slt.s32 s0, $0x1  }
0x7e: {  	s3 =	sshrl.u32 s18, $0x19;
	_ =	swait.ge [sflag:s22], $0x4000;
	p1 =	sne.s32 s7, $0x0  }
0x7f: {  	[sflag:s22] =	ssyncset.done $0x0;
	s0 =	sadd.s32 s3, s0;
	p0 =	por !p0, !p1  }
0x80: {  	s3 =	simm.s32 $0x1;
	[sflag:s22] =	ssyncadd.s32 $0xFFFFC000;
	p0 =	por !p0, !p0  }
0x81: {  	s0 =	sshra.s32 s0, $0x7;
	_ =	swait.ge [sflag:s22], $0x4000;
	s3 =	simm.s32 @!p0 $0x0  }
0x82: {  	[sflag:s22] =	ssyncset.done $0x0;
	s0 =	ssub.s32 s0, s3  }
0x83: {  	[sflag:s22] =	ssyncadd.s32 $0xFFFFC000;
	s3 =	sadd.s32 $0x3, s0  }
0x84: {  	s7 =	simm.s32 $0x1;
	_ =	swait.ge [sflag:s22], $0x4000;
	s21 =	sand.u32 $0x3, s3  }
0x85: {  	p6 =	slt.s32 s0, $0xFFFFFFFE;
	[sflag:s22] =	ssyncset.done $0x0;
	p5 =	sne.s32 s21, $0x0  }
0x86: {  	s28 =	sshrl.u32 s3, $0x1E;
	[sflag:s22] =	ssyncadd.s32 $0xFFFFC000;
	p0 =	por !p6, !p5  }
0x87: {  	s3 =	sadd.s32 s28, s3;
	_ =	swait.ge [sflag:s22], $0x4000;
	p0 =	por !p0, !p0  }
0x88: {  	s3 =	sshra.s32 s3, $0x2;
	[sflag:s22] =	ssyncset.done $0x0;
	s7 =	simm.s32 @!p0 $0x0  }
0x89: {  	[sflag:s22] =	ssyncadd.s32 $0xFFFFC000;
	s7 =	ssub.s32 s3, s7  }
0x8a: {  	[spmem:s4] =	stream.indirect.scatter.add.f32 [tilespmem:s9], [sflag:$0x6], $0x80, s12, s16, $0xb8;
	[tilespmem:$0x1ED80] =	vst v63  }
0x8b: {  	p0 =	slt.s32 s7, $0x1  }
.Ltmp4:
0x8c: {  	_ =	swait.ge [sflag:s13], $0x4000;
	(pc) =	sbr.rel @p0 .LBB2_17-.Ltmp4, $3  }
0x8d: {  	[sflag:s13] =	ssyncset.done $0x0  }
0x8e: {  	[sflag:s13] =	ssyncadd.s32 $0xFFFFC000  }
0x8f: {  	[bflag:$0x0] =	sbarrier.arrive $0xFFFF;
	_ =	sdelay $0x1  }
.Ltmp5:
0x90: {  	(pc) =	sbr.rel .LBB2_4-.Ltmp5, $3  }
0x91: {  	_ =	sdelay $0x1  }
0x92: {  	s9 =	sadd.s32 $0xFFFFFFFF, s0;
	s10 =	sadd.s32 $0xFFFFFFFE, s0  }
0x93: {  	s21 =	sadd.s32 $0xFFFFFFFD, s0;
	v40 =	vbroadcast v40, $0x0;
	v41 =	vbroadcast v41, $0x0;
	s24 =	sadd.s32 $0x1F0, s24;
	s28 =	simm.s32 $0x0  }
.LBB2_15:
0x94: {  	_ =	swait.ge [sflag:s15], $0x4000  }
0x95: {  	[sflag:s15] =	ssyncset.done $0x0  }
0x96: {  	[sflag:s15] =	ssyncadd.s32 $0xFFFFC000  }
0x97: {  	[spmem:s4] =	stream.indirect.scatter.add.f32 [tilespmem:s26], [sflag:$0x3], $0x80, s30, s16, $0xb8;
	[tilespmem:$0x1ED80] =	vst v63  }
.LBB2_16:
0x98: {  	p0 =	sge.s32 s28, s21  }
0x99: {  	s3 =	simm.s32 @!p0 $0x2  }
0x9a: {  	_ =	swait.ge @!p0 [sflag:s3], $0x4000  }
0x9b: {  	s7 =	sadd.s32 $0xFFFFFFFF, s7;
	s12 =	simm.s32 @!p0 $0x12900;
	[sflag:s3] =	ssyncset.done @!p0 $0x0  }
0x9c: {  	s18 =	simm.s32 @!p0 $0x16D80;
	[sflag:s3] =	ssyncadd.s32 @!p0 $0xFFFFC000;
	s3 =	simm.s32 @!p0 $0x80  }
0x9d: {  	[spmem:s4] =	stream.indirect.scatter.add.f32 @!p0 [tilespmem:s18], [sflag:$0x4], $0x80, s12, s3, $0xb8;
	[tilespmem:$0x1ED80] =	vst v63  }
0x9e: {  	p0 =	sne.s32 s7, $0x0  }
.Ltmp6:
0x9f: {  	_ = 	snop;
	(pc) =	sbr.rel @!p0 .LBB2_17-.Ltmp6, $2  }
0xa0: {  	_ =	sdelay $0x2  }
0xa1: {  	s28 =	sadd.s32 $0x4, s28;
	s24 =	sadd.s32 $0x200, s24  }
.LBB2_4:
0xa2: {  	s3 =	sadd.s32 $0xFFFFFE10, s24  }
0xa3: {  	s18 =	sshrl.u32 s3, $0x3  }
0xa4: {  	s12 =	sadd.s32 s2, s18  }
0xa5: {  	[tilespmem:s23], [sflag:$0x6] =	stream.linear.gather [hbm4b:s12+s5], $0x200, $0x38;
	[tilespmem:$0x1ED80] =	vst v63  }
0xa6: {  	_ =	swait.ge [sflag:s13], $0x200  }
0xa7: {  	p0 =	sge.s32 s28, s0;
	[sflag:s13] =	ssyncset.done $0x0  }
.Ltmp7:
0xa8: {  	s18 =	sadd.s32 s6, s18;
	[sflag:s13] =	ssyncadd.s32 $0xFFFFFE00;
	(pc) =	sbr.rel @p0 .LBB2_8-.Ltmp7, $4  }
0xa9: {  	[tilespmem:s25], [sflag:$0x6] =	stream.linear.gather [hbm4b:s18+s5], $0x200, $0x38;
	[tilespmem:$0x1ED80] =	vst v63  }
0xaa: {  	_ =	swait.ge [sflag:s13], $0x200  }
0xab: {  	[sflag:s13] =	ssyncset.done $0x0  }
0xac: {  	[sflag:s13] =	ssyncadd.s32 $0xFFFFFE00  }
0xad: {  	p0 =	seq.s32 s28, $0x0  }
0xae: {  	s12 =	simm.s32 @!p0 $0x3  }
0xaf: {  	_ =	swait.ge @!p0 [sflag:s12], $0x4000  }
0xb0: {  	[sflag:s12] =	ssyncset.done @!p0 $0x0  }
0xb1: {  	[sflag:s12] =	ssyncadd.s32 @!p0 $0xFFFFC000  }
0xb2: {  	[tilespmem:s26], [sflag:$0x1] =	stream.indirect.gather [hbm4b:s1+s16], $0x80, s23, s16, $0xb8;
	[tilespmem:$0x1ED80] =	vst v63  }
0xb3: {  	v42 =	vld.idx.msk [tilespmem:v39+s14+$0x0], $0xffff;
	_ =	sdelay $0x3  }
0xb4: {  	v43 =	vadd.s32 s3, v0  }
0xb5: {  	vm0 =	vgt.s32 v42, v43  }
0xb6: {  	v42 =	vsel vm0, $0x0, v39  }
0xb7: {  	v44 =	vor.u32 $0x10, v42;
	_ =	sdelay $0x4  }
0xb8: {  	v45 =	vld.idx.msk [tilespmem:v44+s14+$0x0], $0xffff;
	_ =	sdelay $0x4  }
0xb9: {  	vm14 =	vgt.s32 v45, v43  }
0xba: {  	v42 =	vsel vm14, v42, v44  }
0xbb: {  	v44 =	vor.u32 $0x8, v42;
	_ =	sdelay $0x4  }
0xbc: {  	v52 =	vld.idx.msk [tilespmem:v44+s14+$0x0], $0xffff;
	_ =	sdelay $0x4  }
0xbd: {  	vm15 =	vgt.s32 v52, v43  }
0xbe: {  	v42 =	vsel vm15, v42, v44  }
0xbf: {  	v44 =	vor.u32 $0x4, v42;
	_ =	sdelay $0x4  }
0xc0: {  	v53 =	vld.idx.msk [tilespmem:v44+s14+$0x0], $0xffff;
	_ =	sdelay $0x4  }
0xc1: {  	vm4 =	vgt.s32 v53, v43  }
0xc2: {  	v42 =	vsel vm4, v42, v44  }
0xc3: {  	v44 =	vadd.s32 $0x2, v42;
	_ =	sdelay $0x4  }
0xc4: {  	v54 =	vld.idx.msk [tilespmem:v44+s14+$0x0], $0xffff;
	_ =	sdelay $0x4  }
0xc5: {  	vm5 =	vgt.s32 v54, v43  }
0xc6: {  	v42 =	vsel vm5, v42, v44  }
0xc7: {  	v44 =	vadd.s32 $0x1, v42;
	_ =	sdelay $0x4  }
0xc8: {  	v55 =	vld.idx.msk [tilespmem:v44+s14+$0x0], $0xffff;
	_ =	sdelay $0x3  }
0xc9: {  	v46 =	vld [tilespmem:$0x12680]  }
0xca: {  	vm6 =	vgt.s32 v55, v43  }
0xcb: {  	v42 =	vsel vm6, v42, v44  }
0xcc: {  	v42 =	vmul.u32 $0x9, v42  }
0xcd: {  	vm7 =	vge.s32 v43, v40;
	vm1 =	vlt.s32 v43, v41  }
0xce: {  	vm0 =	vmand vm7, vm1;
	v42 =	vadd.s32 v46, v42  }
0xcf: {  	v42 =	vnsel vm0, $0x240, v42  }
0xd0: {  	v42 =	vadd.s32 v1, v42  }
0xd1: {  	[tilespmem:$0x12880] =	vst v42  }
0xd2: {  	v42 =	vld.idx.msk [tilespmem:v39+s14+$0x0], $0xffff;
	_ =	sdelay $0x2  }
0xd3: {  	s12 =	sadd.s32 $0xFFFFFE20, s24  }
0xd4: {  	v56 =	vadd.s32 s12, v0  }
0xd5: {  	vm8 =	vgt.s32 v42, v56  }
0xd6: {  	v42 =	vsel vm8, $0x0, v39  }
0xd7: {  	v57 =	vor.u32 $0x10, v42;
	_ =	sdelay $0x4  }
0xd8: {  	v58 =	vld.idx.msk [tilespmem:v57+s14+$0x0], $0xffff;
	_ =	sdelay $0x4  }
0xd9: {  	vm9 =	vgt.s32 v58, v56  }
0xda: {  	v42 =	vsel vm9, v42, v57  }
0xdb: {  	v44 =	vor.u32 $0x8, v42;
	_ =	sdelay $0x4  }
0xdc: {  	v59 =	vld.idx.msk [tilespmem:v44+s14+$0x0], $0xffff;
	_ =	sdelay $0x4  }
0xdd: {  	vm10 =	vgt.s32 v59, v56  }
0xde: {  	v42 =	vsel vm10, v42, v44  }
0xdf: {  	v44 =	vor.u32 $0x4, v42;
	_ =	sdelay $0x4  }
0xe0: {  	v60 =	vld.idx.msk [tilespmem:v44+s14+$0x0], $0xffff;
	_ =	sdelay $0x4  }
0xe1: {  	vm11 =	vgt.s32 v60, v56  }
0xe2: {  	v42 =	vsel vm11, v42, v44  }
0xe3: {  	v44 =	vadd.s32 $0x2, v42;
	_ =	sdelay $0x4  }
0xe4: {  	v61 =	vld.idx.msk [tilespmem:v44+s14+$0x0], $0xffff;
	_ =	sdelay $0x4  }
0xe5: {  	vm12 =	vgt.s32 v61, v56  }
0xe6: {  	v42 =	vsel vm12, v42, v44  }
0xe7: {  	v44 =	vadd.s32 $0x1, v42;
	_ =	sdelay $0x4  }
0xe8: {  	v62 =	vld.idx.msk [tilespmem:v44+s14+$0x0], $0xffff;
	_ =	sdelay $0x3  }
0xe9: {  	v63 =	vld [tilespmem:$0x12690]  }
0xea: {  	vm13 =	vgt.s32 v62, v56  }
0xeb: {  	v42 =	vsel vm13, v42, v44  }
0xec: {  	v42 =	vmul.u32 $0x9, v42  }
0xed: {  	vm14 =	vge.s32 v56, v40;
	vm15 =	vlt.s32 v56, v41  }
0xee: {  	vm0 =	vmand vm14, vm15;
	v42 =	vadd.s32 v63, v42  }
0xef: {  	v42 =	vnsel vm0, $0x240, v42  }
0xf0: {  	v42 =	vadd.s32 v1, v42  }
0xf1: {  	[tilespmem:$0x12890] =	vst v42  }
0xf2: {  	v42 =	vld.idx.msk [tilespmem:v39+s14+$0x0], $0xffff;
	_ =	sdelay $0x2  }
0xf3: {  	s18 =	sadd.s32 $0xFFFFFE30, s24  }
0xf4: {  	v48 =	vadd.s32 s18, v0  }
0xf5: {  	vm4 =	vgt.s32 v42, v48  }
0xf6: {  	v42 =	vsel vm4, $0x0, v39  }
0xf7: {  	v49 =	vor.u32 $0x10, v42;
	_ =	sdelay $0x4  }
0xf8: {  	v50 =	vld.idx.msk [tilespmem:v49+s14+$0x0], $0xffff;
	_ =	sdelay $0x4  }
0xf9: {  	vm5 =	vgt.s32 v50, v48  }
0xfa: {  	v42 =	vsel vm5, v42, v49  }
0xfb: {  	v44 =	vor.u32 $0x8, v42;
	_ =	sdelay $0x4  }
0xfc: {  	v51 =	vld.idx.msk [tilespmem:v44+s14+$0x0], $0xffff;
	_ =	sdelay $0x4  }
0xfd: {  	vm6 =	vgt.s32 v51, v48  }
0xfe: {  	v42 =	vsel vm6, v42, v44  }
0xff: {  	v44 =	vor.u32 $0x4, v42;
	_ =	sdelay $0x4  }
0x100: {  	v52 =	vld.idx.msk [tilespmem:v44+s14+$0x0], $0xffff;
	_ =	sdelay $0x4  }
0x101: {  	vm7 =	vgt.s32 v52, v48  }
0x102: {  	v42 =	vsel vm7, v42, v44  }
0x103: {  	v44 =	vadd.s32 $0x2, v42;
	_ =	sdelay $0x4  }
0x104: {  	v53 =	vld.idx.msk [tilespmem:v44+s14+$0x0], $0xffff;
	_ =	sdelay $0x4  }
0x105: {  	vm8 =	vgt.s32 v53, v48  }
0x106: {  	v42 =	vsel vm8, v42, v44  }
0x107: {  	v44 =	vadd.s32 $0x1, v42;
	_ =	sdelay $0x4  }
0x108: {  	v54 =	vld.idx.msk [tilespmem:v44+s14+$0x0], $0xffff;
	_ =	sdelay $0x3  }
0x109: {  	v55 =	vld [tilespmem:$0x126A0]  }
0x10a: {  	vm9 =	vgt.s32 v54, v48  }
0x10b: {  	v42 =	vsel vm9, v42, v44  }
0x10c: {  	v42 =	vmul.u32 $0x9, v42  }
0x10d: {  	vm10 =	vge.s32 v48, v40;
	vm11 =	vlt.s32 v48, v41  }
0x10e: {  	vm0 =	vmand vm10, vm11;
	v42 =	vadd.s32 v55, v42  }
0x10f: {  	v42 =	vnsel vm0, $0x240, v42  }
0x110: {  	v42 =	vadd.s32 v1, v42  }
0x111: {  	[tilespmem:$0x128A0] =	vst v42  }
0x112: {  	v42 =	vld.idx.msk [tilespmem:v39+s14+$0x0], $0xffff;
	_ =	sdelay $0x2  }
0x113: {  	s12 =	sadd.s32 $0xFFFFFE40, s24  }
0x114: {  	v56 =	vadd.s32 s12, v0  }
0x115: {  	vm12 =	vgt.s32 v42, v56  }
0x116: {  	v42 =	vsel vm12, $0x0, v39  }
0x117: {  	v57 =	vor.u32 $0x10, v42;
	_ =	sdelay $0x4  }
0x118: {  	v58 =	vld.idx.msk [tilespmem:v57+s14+$0x0], $0xffff;
	_ =	sdelay $0x4  }
0x119: {  	vm13 =	vgt.s32 v58, v56  }
0x11a: {  	v42 =	vsel vm13, v42, v57  }
0x11b: {  	v44 =	vor.u32 $0x8, v42;
	_ =	sdelay $0x4  }
0x11c: {  	v59 =	vld.idx.msk [tilespmem:v44+s14+$0x0], $0xffff;
	_ =	sdelay $0x4  }
0x11d: {  	vm14 =	vgt.s32 v59, v56  }
0x11e: {  	v42 =	vsel vm14, v42, v44  }
0x11f: {  	v44 =	vor.u32 $0x4, v42;
	_ =	sdelay $0x4  }
0x120: {  	v60 =	vld.idx.msk [tilespmem:v44+s14+$0x0], $0xffff;
	_ =	sdelay $0x4  }
0x121: {  	vm15 =	vgt.s32 v60, v56  }
0x122: {  	v42 =	vsel vm15, v42, v44  }
0x123: {  	v44 =	vadd.s32 $0x2, v42;
	_ =	sdelay $0x4  }
0x124: {  	v61 =	vld.idx.msk [tilespmem:v44+s14+$0x0], $0xffff;
	_ =	sdelay $0x4  }
0x125: {  	vm4 =	vgt.s32 v61, v56  }
0x126: {  	v42 =	vsel vm4, v42, v44  }
0x127: {  	v44 =	vadd.s32 $0x1, v42;
	_ =	sdelay $0x4  }
0x128: {  	v62 =	vld.idx.msk [tilespmem:v44+s14+$0x0], $0xffff;
	_ =	sdelay $0x3  }
0x129: {  	v63 =	vld [tilespmem:$0x126B0]  }
0x12a: {  	vm5 =	vgt.s32 v62, v56  }
0x12b: {  	v42 =	vsel vm5, v42, v44  }
0x12c: {  	v42 =	vmul.u32 $0x9, v42  }
0x12d: {  	vm6 =	vge.s32 v56, v40;
	vm7 =	vlt.s32 v56, v41  }
0x12e: {  	vm0 =	vmand vm6, vm7;
	v42 =	vadd.s32 v63, v42  }
0x12f: {  	v42 =	vnsel vm0, $0x240, v42  }
0x130: {  	v42 =	vadd.s32 v1, v42  }
0x131: {  	[tilespmem:$0x128B0] =	vst v42  }
0x132: {  	v42 =	vld.idx.msk [tilespmem:v39+s14+$0x0], $0xffff;
	_ =	sdelay $0x2  }
0x133: {  	s18 =	sadd.s32 $0xFFFFFE50, s24  }
0x134: {  	v48 =	vadd.s32 s18, v0  }
0x135: {  	vm8 =	vgt.s32 v42, v48  }
0x136: {  	v42 =	vsel vm8, $0x0, v39  }
0x137: {  	v49 =	vor.u32 $0x10, v42;
	_ =	sdelay $0x4  }
0x138: {  	v50 =	vld.idx.msk [tilespmem:v49+s14+$0x0], $0xffff;
	_ =	sdelay $0x4  }
0x139: {  	vm9 =	vgt.s32 v50, v48  }
0x13a: {  	v42 =	vsel vm9, v42, v49  }
0x13b: {  	v44 =	vor.u32 $0x8, v42;
	_ =	sdelay $0x4  }
0x13c: {  	v51 =	vld.idx.msk [tilespmem:v44+s14+$0x0], $0xffff;
	_ =	sdelay $0x4  }
0x13d: {  	vm10 =	vgt.s32 v51, v48  }
0x13e: {  	v42 =	vsel vm10, v42, v44  }
0x13f: {  	v44 =	vor.u32 $0x4, v42;
	_ =	sdelay $0x4  }
0x140: {  	v52 =	vld.idx.msk [tilespmem:v44+s14+$0x0], $0xffff;
	_ =	sdelay $0x4  }
0x141: {  	vm11 =	vgt.s32 v52, v48  }
0x142: {  	v42 =	vsel vm11, v42, v44  }
0x143: {  	v44 =	vadd.s32 $0x2, v42;
	_ =	sdelay $0x4  }
0x144: {  	v53 =	vld.idx.msk [tilespmem:v44+s14+$0x0], $0xffff;
	_ =	sdelay $0x4  }
0x145: {  	vm12 =	vgt.s32 v53, v48  }
0x146: {  	v42 =	vsel vm12, v42, v44  }
0x147: {  	v44 =	vadd.s32 $0x1, v42;
	_ =	sdelay $0x4  }
0x148: {  	v54 =	vld.idx.msk [tilespmem:v44+s14+$0x0], $0xffff;
	_ =	sdelay $0x3  }
0x149: {  	v55 =	vld [tilespmem:$0x126C0]  }
0x14a: {  	vm13 =	vgt.s32 v54, v48  }
0x14b: {  	v42 =	vsel vm13, v42, v44  }
0x14c: {  	v42 =	vmul.u32 $0x9, v42  }
0x14d: {  	vm14 =	vge.s32 v48, v40;
	vm15 =	vlt.s32 v48, v41  }
0x14e: {  	vm0 =	vmand vm14, vm15;
	v42 =	vadd.s32 v55, v42  }
0x14f: {  	v42 =	vnsel vm0, $0x240, v42  }
0x150: {  	v42 =	vadd.s32 v1, v42  }
0x151: {  	[tilespmem:$0x128C0] =	vst v42  }
0x152: {  	v42 =	vld.idx.msk [tilespmem:v39+s14+$0x0], $0xffff;
	_ =	sdelay $0x2  }
0x153: {  	s12 =	sadd.s32 $0xFFFFFE60, s24  }
0x154: {  	v56 =	vadd.s32 s12, v0  }
0x155: {  	vm4 =	vgt.s32 v42, v56  }
0x156: {  	v42 =	vsel vm4, $0x0, v39  }
0x157: {  	v57 =	vor.u32 $0x10, v42;
	_ =	sdelay $0x4  }
0x158: {  	v58 =	vld.idx.msk [tilespmem:v57+s14+$0x0], $0xffff;
	_ =	sdelay $0x4  }
0x159: {  	vm5 =	vgt.s32 v58, v56  }
0x15a: {  	v42 =	vsel vm5, v42, v57  }
0x15b: {  	v44 =	vor.u32 $0x8, v42;
	_ =	sdelay $0x4  }
0x15c: {  	v59 =	vld.idx.msk [tilespmem:v44+s14+$0x0], $0xffff;
	_ =	sdelay $0x4  }
0x15d: {  	vm6 =	vgt.s32 v59, v56  }
0x15e: {  	v42 =	vsel vm6, v42, v44  }
0x15f: {  	v44 =	vor.u32 $0x4, v42;
	_ =	sdelay $0x4  }
0x160: {  	v60 =	vld.idx.msk [tilespmem:v44+s14+$0x0], $0xffff;
	_ =	sdelay $0x4  }
0x161: {  	vm7 =	vgt.s32 v60, v56  }
0x162: {  	v42 =	vsel vm7, v42, v44  }
0x163: {  	v44 =	vadd.s32 $0x2, v42;
	_ =	sdelay $0x4  }
0x164: {  	v61 =	vld.idx.msk [tilespmem:v44+s14+$0x0], $0xffff;
	_ =	sdelay $0x4  }
0x165: {  	vm8 =	vgt.s32 v61, v56  }
0x166: {  	v42 =	vsel vm8, v42, v44  }
0x167: {  	v44 =	vadd.s32 $0x1, v42;
	_ =	sdelay $0x4  }
0x168: {  	v62 =	vld.idx.msk [tilespmem:v44+s14+$0x0], $0xffff;
	_ =	sdelay $0x3  }
0x169: {  	v63 =	vld [tilespmem:$0x126D0]  }
0x16a: {  	vm9 =	vgt.s32 v62, v56  }
0x16b: {  	v42 =	vsel vm9, v42, v44  }
0x16c: {  	v42 =	vmul.u32 $0x9, v42  }
0x16d: {  	vm10 =	vge.s32 v56, v40;
	vm11 =	vlt.s32 v56, v41  }
0x16e: {  	vm0 =	vmand vm10, vm11;
	v42 =	vadd.s32 v63, v42  }
0x16f: {  	v42 =	vnsel vm0, $0x240, v42  }
0x170: {  	v42 =	vadd.s32 v1, v42  }
0x171: {  	[tilespmem:$0x128D0] =	vst v42  }
0x172: {  	v42 =	vld.idx.msk [tilespmem:v39+s14+$0x0], $0xffff;
	_ =	sdelay $0x2  }
0x173: {  	s18 =	sadd.s32 $0xFFFFFE70, s24  }
0x174: {  	v48 =	vadd.s32 s18, v0  }
0x175: {  	vm12 =	vgt.s32 v42, v48  }
0x176: {  	v42 =	vsel vm12, $0x0, v39  }
0x177: {  	v49 =	vor.u32 $0x10, v42;
	_ =	sdelay $0x4  }
0x178: {  	v50 =	vld.idx.msk [tilespmem:v49+s14+$0x0], $0xffff;
	_ =	sdelay $0x4  }
0x179: {  	vm13 =	vgt.s32 v50, v48  }
0x17a: {  	v42 =	vsel vm13, v42, v49  }
0x17b: {  	v44 =	vor.u32 $0x8, v42;
	_ =	sdelay $0x4  }
0x17c: {  	v51 =	vld.idx.msk [tilespmem:v44+s14+$0x0], $0xffff;
	_ =	sdelay $0x4  }
0x17d: {  	vm14 =	vgt.s32 v51, v48  }
0x17e: {  	v42 =	vsel vm14, v42, v44  }
0x17f: {  	v44 =	vor.u32 $0x4, v42;
	_ =	sdelay $0x4  }
0x180: {  	v52 =	vld.idx.msk [tilespmem:v44+s14+$0x0], $0xffff;
	_ =	sdelay $0x4  }
0x181: {  	vm15 =	vgt.s32 v52, v48  }
0x182: {  	v42 =	vsel vm15, v42, v44  }
0x183: {  	v44 =	vadd.s32 $0x2, v42;
	_ =	sdelay $0x4  }
0x184: {  	v53 =	vld.idx.msk [tilespmem:v44+s14+$0x0], $0xffff;
	_ =	sdelay $0x4  }
0x185: {  	vm4 =	vgt.s32 v53, v48  }
0x186: {  	v42 =	vsel vm4, v42, v44  }
0x187: {  	v44 =	vadd.s32 $0x1, v42;
	_ =	sdelay $0x4  }
0x188: {  	v54 =	vld.idx.msk [tilespmem:v44+s14+$0x0], $0xffff;
	_ =	sdelay $0x3  }
0x189: {  	v55 =	vld [tilespmem:$0x126E0]  }
0x18a: {  	vm5 =	vgt.s32 v54, v48  }
0x18b: {  	v42 =	vsel vm5, v42, v44  }
0x18c: {  	v42 =	vmul.u32 $0x9, v42  }
0x18d: {  	vm6 =	vge.s32 v48, v40;
	vm7 =	vlt.s32 v48, v41  }
0x18e: {  	vm0 =	vmand vm6, vm7;
	v42 =	vadd.s32 v55, v42  }
0x18f: {  	v42 =	vnsel vm0, $0x240, v42  }
0x190: {  	v42 =	vadd.s32 v1, v42  }
0x191: {  	[tilespmem:$0x128E0] =	vst v42  }
0x192: {  	v42 =	vld.idx.msk [tilespmem:v39+s14+$0x0], $0xffff;
	_ =	sdelay $0x2  }
0x193: {  	s12 =	sadd.s32 $0xFFFFFE80, s24  }
0x194: {  	v56 =	vadd.s32 s12, v0  }
0x195: {  	vm8 =	vgt.s32 v42, v56  }
0x196: {  	v42 =	vsel vm8, $0x0, v39  }
0x197: {  	v57 =	vor.u32 $0x10, v42;
	_ =	sdelay $0x4  }
0x198: {  	v58 =	vld.idx.msk [tilespmem:v57+s14+$0x0], $0xffff;
	_ =	sdelay $0x4  }
0x199: {  	vm9 =	vgt.s32 v58, v56  }
0x19a: {  	v42 =	vsel vm9, v42, v57  }
0x19b: {  	v44 =	vor.u32 $0x8, v42;
	_ =	sdelay $0x4  }
0x19c: {  	v59 =	vld.idx.msk [tilespmem:v44+s14+$0x0], $0xffff;
	_ =	sdelay $0x4  }
0x19d: {  	vm10 =	vgt.s32 v59, v56  }
0x19e: {  	v42 =	vsel vm10, v42, v44  }
0x19f: {  	v44 =	vor.u32 $0x4, v42;
	_ =	sdelay $0x4  }
0x1a0: {  	v60 =	vld.idx.msk [tilespmem:v44+s14+$0x0], $0xffff;
	_ =	sdelay $0x4  }
0x1a1: {  	vm11 =	vgt.s32 v60, v56  }
0x1a2: {  	v42 =	vsel vm11, v42, v44  }
0x1a3: {  	v44 =	vadd.s32 $0x2, v42;
	_ =	sdelay $0x4  }
0x1a4: {  	v61 =	vld.idx.msk [tilespmem:v44+s14+$0x0], $0xffff;
	_ =	sdelay $0x4  }
0x1a5: {  	vm12 =	vgt.s32 v61, v56  }
0x1a6: {  	v42 =	vsel vm12, v42, v44  }
0x1a7: {  	v44 =	vadd.s32 $0x1, v42;
	_ =	sdelay $0x4  }
0x1a8: {  	v62 =	vld.idx.msk [tilespmem:v44+s14+$0x0], $0xffff;
	_ =	sdelay $0x3  }
0x1a9: {  	v63 =	vld [tilespmem:$0x126F0]  }
0x1aa: {  	vm13 =	vgt.s32 v62, v56  }
0x1ab: {  	s18 =	sadd.s32 $0x1, s28;
	v42 =	vsel vm13, v42, v44  }
0x1ac: {  	p1 =	sge.s32 s18, s0;
	v42 =	vmul.u32 $0x9, v42  }
.Ltmp8:
0x1ad: {  	vm14 =	vge.s32 v56, v40;
	vm15 =	vlt.s32 v56, v41;
	(pc) =	sbr.rel @p1 .LBB2_7-.Ltmp8, $4  }
0x1ae: {  	vm0 =	vmand vm14, vm15;
	v42 =	vadd.s32 v63, v42  }
0x1af: {  	v42 =	vnsel vm0, $0x240, v42  }
0x1b0: {  	v42 =	vadd.s32 v1, v42  }
0x1b1: {  	[tilespmem:$0x128F0] =	vst v42  }
0x1b2: {  	s3 =	simm.s32 @!p0 $0x4  }
0x1b3: {  	_ =	swait.ge @!p0 [sflag:s3], $0x4000  }
0x1b4: {  	[sflag:s3] =	ssyncset.done @!p0 $0x0  }
0x1b5: {  	s18 =	simm.s32 $0x12500;
	[sflag:s3] =	ssyncadd.s32 @!p0 $0xFFFFC000  }
0x1b6: {  	[tilespmem:s29], [sflag:$0x2] =	stream.indirect.gather [hbm4b:s1+s16], $0x80, s18, s16, $0xb8;
	[tilespmem:$0x1ED80] =	vst v63  }
0x1b7: {  	v42 =	vld.idx.msk [tilespmem:v39+s14+$0x0], $0xffff;
	_ =	sdelay $0x2  }
0x1b8: {  	s12 =	sadd.s32 $0xFFFFFE90, s24  }
0x1b9: {  	v43 =	vadd.s32 s12, v0  }
0x1ba: {  	vm0 =	vgt.s32 v42, v43  }
0x1bb: {  	v42 =	vsel vm0, $0x0, v39  }
0x1bc: {  	v44 =	vor.u32 $0x10, v42;
	_ =	sdelay $0x4  }
0x1bd: {  	v45 =	vld.idx.msk [tilespmem:v44+s14+$0x0], $0xffff;
	_ =	sdelay $0x4  }
0x1be: {  	vm14 =	vgt.s32 v45, v43  }
0x1bf: {  	v42 =	vsel vm14, v42, v44  }
0x1c0: {  	v44 =	vor.u32 $0x8, v42;
	_ =	sdelay $0x4  }
0x1c1: {  	v52 =	vld.idx.msk [tilespmem:v44+s14+$0x0], $0xffff;
	_ =	sdelay $0x4  }
0x1c2: {  	vm15 =	vgt.s32 v52, v43  }
0x1c3: {  	v42 =	vsel vm15, v42, v44  }
0x1c4: {  	v44 =	vor.u32 $0x4, v42;
	_ =	sdelay $0x4  }
0x1c5: {  	v53 =	vld.idx.msk [tilespmem:v44+s14+$0x0], $0xffff;
	_ =	sdelay $0x4  }
0x1c6: {  	vm4 =	vgt.s32 v53, v43  }
0x1c7: {  	v42 =	vsel vm4, v42, v44  }
0x1c8: {  	v44 =	vadd.s32 $0x2, v42;
	_ =	sdelay $0x4  }
0x1c9: {  	v54 =	vld.idx.msk [tilespmem:v44+s14+$0x0], $0xffff;
	_ =	sdelay $0x4  }
0x1ca: {  	vm5 =	vgt.s32 v54, v43  }
0x1cb: {  	v42 =	vsel vm5, v42, v44  }
0x1cc: {  	v44 =	vadd.s32 $0x1, v42;
	_ =	sdelay $0x4  }
0x1cd: {  	v55 =	vld.idx.msk [tilespmem:v44+s14+$0x0], $0xffff;
	_ =	sdelay $0x3  }
0x1ce: {  	v46 =	vld [tilespmem:$0x12700]  }
0x1cf: {  	vm6 =	vgt.s32 v55, v43  }
0x1d0: {  	v42 =	vsel vm6, v42, v44  }
0x1d1: {  	v42 =	vmul.u32 $0x9, v42  }
0x1d2: {  	vm7 =	vge.s32 v43, v40;
	vm1 =	vlt.s32 v43, v41  }
0x1d3: {  	vm0 =	vmand vm7, vm1;
	v42 =	vadd.s32 v46, v42  }
0x1d4: {  	v42 =	vnsel vm0, $0x240, v42  }
0x1d5: {  	v42 =	vadd.s32 v1, v42  }
0x1d6: {  	[tilespmem:$0x12900] =	vst v42  }
0x1d7: {  	v42 =	vld.idx.msk [tilespmem:v39+s14+$0x0], $0xffff;
	_ =	sdelay $0x2  }
0x1d8: {  	s18 =	sadd.s32 $0xFFFFFEA0, s24  }
0x1d9: {  	v56 =	vadd.s32 s18, v0  }
0x1da: {  	vm8 =	vgt.s32 v42, v56  }
0x1db: {  	v42 =	vsel vm8, $0x0, v39  }
0x1dc: {  	v57 =	vor.u32 $0x10, v42;
	_ =	sdelay $0x4  }
0x1dd: {  	v58 =	vld.idx.msk [tilespmem:v57+s14+$0x0], $0xffff;
	_ =	sdelay $0x4  }
0x1de: {  	vm9 =	vgt.s32 v58, v56  }
0x1df: {  	v42 =	vsel vm9, v42, v57  }
0x1e0: {  	v44 =	vor.u32 $0x8, v42;
	_ =	sdelay $0x4  }
0x1e1: {  	v59 =	vld.idx.msk [tilespmem:v44+s14+$0x0], $0xffff;
	_ =	sdelay $0x4  }
0x1e2: {  	vm10 =	vgt.s32 v59, v56  }
0x1e3: {  	v42 =	vsel vm10, v42, v44  }
0x1e4: {  	v44 =	vor.u32 $0x4, v42;
	_ =	sdelay $0x4  }
0x1e5: {  	v60 =	vld.idx.msk [tilespmem:v44+s14+$0x0], $0xffff;
	_ =	sdelay $0x4  }
0x1e6: {  	vm11 =	vgt.s32 v60, v56  }
0x1e7: {  	v42 =	vsel vm11, v42, v44  }
0x1e8: {  	v44 =	vadd.s32 $0x2, v42;
	_ =	sdelay $0x4  }
0x1e9: {  	v61 =	vld.idx.msk [tilespmem:v44+s14+$0x0], $0xffff;
	_ =	sdelay $0x4  }
0x1ea: {  	vm12 =	vgt.s32 v61, v56  }
0x1eb: {  	v42 =	vsel vm12, v42, v44  }
0x1ec: {  	v44 =	vadd.s32 $0x1, v42;
	_ =	sdelay $0x4  }
0x1ed: {  	v62 =	vld.idx.msk [tilespmem:v44+s14+$0x0], $0xffff;
	_ =	sdelay $0x3  }
0x1ee: {  	v63 =	vld [tilespmem:$0x12710]  }
0x1ef: {  	vm13 =	vgt.s32 v62, v56  }
0x1f0: {  	v42 =	vsel vm13, v42, v44  }
0x1f1: {  	v42 =	vmul.u32 $0x9, v42  }
0x1f2: {  	vm14 =	vge.s32 v56, v40;
	vm15 =	vlt.s32 v56, v41  }
0x1f3: {  	vm0 =	vmand vm14, vm15;
	v42 =	vadd.s32 v63, v42  }
0x1f4: {  	v42 =	vnsel vm0, $0x240, v42  }
0x1f5: {  	v42 =	vadd.s32 v1, v42  }
0x1f6: {  	[tilespmem:$0x12910] =	vst v42  }
0x1f7: {  	v42 =	vld.idx.msk [tilespmem:v39+s14+$0x0], $0xffff;
	_ =	sdelay $0x2  }
0x1f8: {  	s12 =	sadd.s32 $0xFFFFFEB0, s24  }
0x1f9: {  	v48 =	vadd.s32 s12, v0  }
0x1fa: {  	vm4 =	vgt.s32 v42, v48  }
0x1fb: {  	v42 =	vsel vm4, $0x0, v39  }
0x1fc: {  	v49 =	vor.u32 $0x10, v42;
	_ =	sdelay $0x4  }
0x1fd: {  	v50 =	vld.idx.msk [tilespmem:v49+s14+$0x0], $0xffff;
	_ =	sdelay $0x4  }
0x1fe: {  	vm5 =	vgt.s32 v50, v48  }
0x1ff: {  	v42 =	vsel vm5, v42, v49  }
0x200: {  	v44 =	vor.u32 $0x8, v42;
	_ =	sdelay $0x4  }
0x201: {  	v51 =	vld.idx.msk [tilespmem:v44+s14+$0x0], $0xffff;
	_ =	sdelay $0x4  }
0x202: {  	vm6 =	vgt.s32 v51, v48  }
0x203: {  	v42 =	vsel vm6, v42, v44  }
0x204: {  	v44 =	vor.u32 $0x4, v42;
	_ =	sdelay $0x4  }
0x205: {  	v52 =	vld.idx.msk [tilespmem:v44+s14+$0x0], $0xffff;
	_ =	sdelay $0x4  }
0x206: {  	vm7 =	vgt.s32 v52, v48  }
0x207: {  	v42 =	vsel vm7, v42, v44  }
0x208: {  	v44 =	vadd.s32 $0x2, v42;
	_ =	sdelay $0x4  }
0x209: {  	v53 =	vld.idx.msk [tilespmem:v44+s14+$0x0], $0xffff;
	_ =	sdelay $0x4  }
0x20a: {  	vm8 =	vgt.s32 v53, v48  }
0x20b: {  	v42 =	vsel vm8, v42, v44  }
0x20c: {  	v44 =	vadd.s32 $0x1, v42;
	_ =	sdelay $0x4  }
0x20d: {  	v54 =	vld.idx.msk [tilespmem:v44+s14+$0x0], $0xffff;
	_ =	sdelay $0x3  }
0x20e: {  	v55 =	vld [tilespmem:$0x12720]  }
0x20f: {  	vm9 =	vgt.s32 v54, v48  }
0x210: {  	v42 =	vsel vm9, v42, v44  }
0x211: {  	v42 =	vmul.u32 $0x9, v42  }
0x212: {  	vm10 =	vge.s32 v48, v40;
	vm11 =	vlt.s32 v48, v41  }
0x213: {  	vm0 =	vmand vm10, vm11;
	v42 =	vadd.s32 v55, v42  }
0x214: {  	v42 =	vnsel vm0, $0x240, v42  }
0x215: {  	v42 =	vadd.s32 v1, v42  }
0x216: {  	[tilespmem:$0x12920] =	vst v42  }
0x217: {  	v42 =	vld.idx.msk [tilespmem:v39+s14+$0x0], $0xffff;
	_ =	sdelay $0x2  }
0x218: {  	s18 =	sadd.s32 $0xFFFFFEC0, s24  }
0x219: {  	v56 =	vadd.s32 s18, v0  }
0x21a: {  	vm12 =	vgt.s32 v42, v56  }
0x21b: {  	v42 =	vsel vm12, $0x0, v39  }
0x21c: {  	v57 =	vor.u32 $0x10, v42;
	_ =	sdelay $0x4  }
0x21d: {  	v58 =	vld.idx.msk [tilespmem:v57+s14+$0x0], $0xffff;
	_ =	sdelay $0x4  }
0x21e: {  	vm13 =	vgt.s32 v58, v56  }
0x21f: {  	v42 =	vsel vm13, v42, v57  }
0x220: {  	v44 =	vor.u32 $0x8, v42;
	_ =	sdelay $0x4  }
0x221: {  	v59 =	vld.idx.msk [tilespmem:v44+s14+$0x0], $0xffff;
	_ =	sdelay $0x4  }
0x222: {  	vm14 =	vgt.s32 v59, v56  }
0x223: {  	v42 =	vsel vm14, v42, v44  }
0x224: {  	v44 =	vor.u32 $0x4, v42;
	_ =	sdelay $0x4  }
0x225: {  	v60 =	vld.idx.msk [tilespmem:v44+s14+$0x0], $0xffff;
	_ =	sdelay $0x4  }
0x226: {  	vm15 =	vgt.s32 v60, v56  }
0x227: {  	v42 =	vsel vm15, v42, v44  }
0x228: {  	v44 =	vadd.s32 $0x2, v42;
	_ =	sdelay $0x4  }
0x229: {  	v61 =	vld.idx.msk [tilespmem:v44+s14+$0x0], $0xffff;
	_ =	sdelay $0x4  }
0x22a: {  	vm4 =	vgt.s32 v61, v56  }
0x22b: {  	v42 =	vsel vm4, v42, v44  }
0x22c: {  	v44 =	vadd.s32 $0x1, v42;
	_ =	sdelay $0x4  }
0x22d: {  	v62 =	vld.idx.msk [tilespmem:v44+s14+$0x0], $0xffff;
	_ =	sdelay $0x3  }
0x22e: {  	v63 =	vld [tilespmem:$0x12730]  }
0x22f: {  	vm5 =	vgt.s32 v62, v56  }
0x230: {  	v42 =	vsel vm5, v42, v44  }
0x231: {  	v42 =	vmul.u32 $0x9, v42  }
0x232: {  	vm6 =	vge.s32 v56, v40;
	vm7 =	vlt.s32 v56, v41  }
0x233: {  	vm0 =	vmand vm6, vm7;
	v42 =	vadd.s32 v63, v42  }
0x234: {  	v42 =	vnsel vm0, $0x240, v42  }
0x235: {  	v42 =	vadd.s32 v1, v42  }
0x236: {  	[tilespmem:$0x12930] =	vst v42  }
0x237: {  	v42 =	vld.idx.msk [tilespmem:v39+s14+$0x0], $0xffff;
	_ =	sdelay $0x2  }
0x238: {  	s12 =	sadd.s32 $0xFFFFFED0, s24  }
0x239: {  	v48 =	vadd.s32 s12, v0  }
0x23a: {  	vm8 =	vgt.s32 v42, v48  }
0x23b: {  	v42 =	vsel vm8, $0x0, v39  }
0x23c: {  	v49 =	vor.u32 $0x10, v42;
	_ =	sdelay $0x4  }
0x23d: {  	v50 =	vld.idx.msk [tilespmem:v49+s14+$0x0], $0xffff;
	_ =	sdelay $0x4  }
0x23e: {  	vm9 =	vgt.s32 v50, v48  }
0x23f: {  	v42 =	vsel vm9, v42, v49  }
0x240: {  	v44 =	vor.u32 $0x8, v42;
	_ =	sdelay $0x4  }
0x241: {  	v51 =	vld.idx.msk [tilespmem:v44+s14+$0x0], $0xffff;
	_ =	sdelay $0x4  }
0x242: {  	vm10 =	vgt.s32 v51, v48  }
0x243: {  	v42 =	vsel vm10, v42, v44  }
0x244: {  	v44 =	vor.u32 $0x4, v42;
	_ =	sdelay $0x4  }
0x245: {  	v52 =	vld.idx.msk [tilespmem:v44+s14+$0x0], $0xffff;
	_ =	sdelay $0x4  }
0x246: {  	vm11 =	vgt.s32 v52, v48  }
0x247: {  	v42 =	vsel vm11, v42, v44  }
0x248: {  	v44 =	vadd.s32 $0x2, v42;
	_ =	sdelay $0x4  }
0x249: {  	v53 =	vld.idx.msk [tilespmem:v44+s14+$0x0], $0xffff;
	_ =	sdelay $0x4  }
0x24a: {  	vm12 =	vgt.s32 v53, v48  }
0x24b: {  	v42 =	vsel vm12, v42, v44  }
0x24c: {  	v44 =	vadd.s32 $0x1, v42;
	_ =	sdelay $0x4  }
0x24d: {  	v54 =	vld.idx.msk [tilespmem:v44+s14+$0x0], $0xffff;
	_ =	sdelay $0x3  }
0x24e: {  	v55 =	vld [tilespmem:$0x12740]  }
0x24f: {  	vm13 =	vgt.s32 v54, v48  }
0x250: {  	v42 =	vsel vm13, v42, v44  }
0x251: {  	v42 =	vmul.u32 $0x9, v42  }
0x252: {  	vm14 =	vge.s32 v48, v40;
	vm15 =	vlt.s32 v48, v41  }
0x253: {  	vm0 =	vmand vm14, vm15;
	v42 =	vadd.s32 v55, v42  }
0x254: {  	v42 =	vnsel vm0, $0x240, v42  }
0x255: {  	v42 =	vadd.s32 v1, v42  }
0x256: {  	[tilespmem:$0x12940] =	vst v42  }
0x257: {  	v42 =	vld.idx.msk [tilespmem:v39+s14+$0x0], $0xffff;
	_ =	sdelay $0x2  }
0x258: {  	s18 =	sadd.s32 $0xFFFFFEE0, s24  }
0x259: {  	v56 =	vadd.s32 s18, v0  }
0x25a: {  	vm4 =	vgt.s32 v42, v56  }
0x25b: {  	v42 =	vsel vm4, $0x0, v39  }
0x25c: {  	v57 =	vor.u32 $0x10, v42;
	_ =	sdelay $0x4  }
0x25d: {  	v58 =	vld.idx.msk [tilespmem:v57+s14+$0x0], $0xffff;
	_ =	sdelay $0x4  }
0x25e: {  	vm5 =	vgt.s32 v58, v56  }
0x25f: {  	v42 =	vsel vm5, v42, v57  }
0x260: {  	v44 =	vor.u32 $0x8, v42;
	_ =	sdelay $0x4  }
0x261: {  	v59 =	vld.idx.msk [tilespmem:v44+s14+$0x0], $0xffff;
	_ =	sdelay $0x4  }
0x262: {  	vm6 =	vgt.s32 v59, v56  }
0x263: {  	v42 =	vsel vm6, v42, v44  }
0x264: {  	v44 =	vor.u32 $0x4, v42;
	_ =	sdelay $0x4  }
0x265: {  	v60 =	vld.idx.msk [tilespmem:v44+s14+$0x0], $0xffff;
	_ =	sdelay $0x4  }
0x266: {  	vm7 =	vgt.s32 v60, v56  }
0x267: {  	v42 =	vsel vm7, v42, v44  }
0x268: {  	v44 =	vadd.s32 $0x2, v42;
	_ =	sdelay $0x4  }
0x269: {  	v61 =	vld.idx.msk [tilespmem:v44+s14+$0x0], $0xffff;
	_ =	sdelay $0x4  }
0x26a: {  	vm8 =	vgt.s32 v61, v56  }
0x26b: {  	v42 =	vsel vm8, v42, v44  }
0x26c: {  	v44 =	vadd.s32 $0x1, v42;
	_ =	sdelay $0x4  }
0x26d: {  	v62 =	vld.idx.msk [tilespmem:v44+s14+$0x0], $0xffff;
	_ =	sdelay $0x3  }
0x26e: {  	v63 =	vld [tilespmem:$0x12750]  }
0x26f: {  	vm9 =	vgt.s32 v62, v56  }
0x270: {  	v42 =	vsel vm9, v42, v44  }
0x271: {  	v42 =	vmul.u32 $0x9, v42  }
0x272: {  	vm10 =	vge.s32 v56, v40;
	vm11 =	vlt.s32 v56, v41  }
0x273: {  	vm0 =	vmand vm10, vm11;
	v42 =	vadd.s32 v63, v42  }
0x274: {  	v42 =	vnsel vm0, $0x240, v42  }
0x275: {  	v42 =	vadd.s32 v1, v42  }
0x276: {  	[tilespmem:$0x12950] =	vst v42  }
0x277: {  	v42 =	vld.idx.msk [tilespmem:v39+s14+$0x0], $0xffff;
	_ =	sdelay $0x2  }
0x278: {  	s12 =	sadd.s32 $0xFFFFFEF0, s24  }
0x279: {  	v48 =	vadd.s32 s12, v0  }
0x27a: {  	vm12 =	vgt.s32 v42, v48  }
0x27b: {  	v42 =	vsel vm12, $0x0, v39  }
0x27c: {  	v49 =	vor.u32 $0x10, v42;
	_ =	sdelay $0x4  }
0x27d: {  	v50 =	vld.idx.msk [tilespmem:v49+s14+$0x0], $0xffff;
	_ =	sdelay $0x4  }
0x27e: {  	vm13 =	vgt.s32 v50, v48  }
0x27f: {  	v42 =	vsel vm13, v42, v49  }
0x280: {  	v44 =	vor.u32 $0x8, v42;
	_ =	sdelay $0x4  }
0x281: {  	v51 =	vld.idx.msk [tilespmem:v44+s14+$0x0], $0xffff;
	_ =	sdelay $0x4  }
0x282: {  	vm14 =	vgt.s32 v51, v48  }
0x283: {  	v42 =	vsel vm14, v42, v44  }
0x284: {  	v44 =	vor.u32 $0x4, v42;
	_ =	sdelay $0x4  }
0x285: {  	v52 =	vld.idx.msk [tilespmem:v44+s14+$0x0], $0xffff;
	_ =	sdelay $0x4  }
0x286: {  	vm15 =	vgt.s32 v52, v48  }
0x287: {  	v42 =	vsel vm15, v42, v44  }
0x288: {  	v44 =	vadd.s32 $0x2, v42;
	_ =	sdelay $0x4  }
0x289: {  	v53 =	vld.idx.msk [tilespmem:v44+s14+$0x0], $0xffff;
	_ =	sdelay $0x4  }
0x28a: {  	vm4 =	vgt.s32 v53, v48  }
0x28b: {  	v42 =	vsel vm4, v42, v44  }
0x28c: {  	v44 =	vadd.s32 $0x1, v42;
	_ =	sdelay $0x4  }
0x28d: {  	v54 =	vld.idx.msk [tilespmem:v44+s14+$0x0], $0xffff;
	_ =	sdelay $0x3  }
0x28e: {  	v55 =	vld [tilespmem:$0x12760]  }
0x28f: {  	vm5 =	vgt.s32 v54, v48  }
0x290: {  	v42 =	vsel vm5, v42, v44  }
0x291: {  	v42 =	vmul.u32 $0x9, v42  }
0x292: {  	vm6 =	vge.s32 v48, v40;
	vm7 =	vlt.s32 v48, v41  }
0x293: {  	vm0 =	vmand vm6, vm7;
	v42 =	vadd.s32 v55, v42  }
0x294: {  	v42 =	vnsel vm0, $0x240, v42  }
0x295: {  	v42 =	vadd.s32 v1, v42  }
0x296: {  	[tilespmem:$0x12960] =	vst v42  }
0x297: {  	v42 =	vld.idx.msk [tilespmem:v39+s14+$0x0], $0xffff;
	_ =	sdelay $0x2  }
0x298: {  	s18 =	sadd.s32 $0xFFFFFF00, s24  }
0x299: {  	v56 =	vadd.s32 s18, v0  }
0x29a: {  	vm8 =	vgt.s32 v42, v56  }
0x29b: {  	v42 =	vsel vm8, $0x0, v39  }
0x29c: {  	v57 =	vor.u32 $0x10, v42;
	_ =	sdelay $0x4  }
0x29d: {  	v58 =	vld.idx.msk [tilespmem:v57+s14+$0x0], $0xffff;
	_ =	sdelay $0x4  }
0x29e: {  	vm9 =	vgt.s32 v58, v56  }
0x29f: {  	v42 =	vsel vm9, v42, v57  }
0x2a0: {  	v44 =	vor.u32 $0x8, v42;
	_ =	sdelay $0x4  }
0x2a1: {  	v59 =	vld.idx.msk [tilespmem:v44+s14+$0x0], $0xffff;
	_ =	sdelay $0x4  }
0x2a2: {  	vm10 =	vgt.s32 v59, v56  }
0x2a3: {  	v42 =	vsel vm10, v42, v44  }
0x2a4: {  	v44 =	vor.u32 $0x4, v42;
	_ =	sdelay $0x4  }
0x2a5: {  	v60 =	vld.idx.msk [tilespmem:v44+s14+$0x0], $0xffff;
	_ =	sdelay $0x4  }
0x2a6: {  	vm11 =	vgt.s32 v60, v56  }
0x2a7: {  	v42 =	vsel vm11, v42, v44  }
0x2a8: {  	v44 =	vadd.s32 $0x2, v42;
	_ =	sdelay $0x4  }
0x2a9: {  	v61 =	vld.idx.msk [tilespmem:v44+s14+$0x0], $0xffff;
	_ =	sdelay $0x4  }
0x2aa: {  	vm12 =	vgt.s32 v61, v56  }
0x2ab: {  	v42 =	vsel vm12, v42, v44  }
0x2ac: {  	v44 =	vadd.s32 $0x1, v42;
	_ =	sdelay $0x4  }
0x2ad: {  	v62 =	vld.idx.msk [tilespmem:v44+s14+$0x0], $0xffff;
	_ =	sdelay $0x3  }
0x2ae: {  	v63 =	vld [tilespmem:$0x12770]  }
0x2af: {  	vm13 =	vgt.s32 v62, v56  }
0x2b0: {  	v42 =	vsel vm13, v42, v44  }
0x2b1: {  	v42 =	vmul.u32 $0x9, v42  }
0x2b2: {  	vm14 =	vge.s32 v56, v40;
	vm15 =	vlt.s32 v56, v41  }
0x2b3: {  	vm0 =	vmand vm14, vm15;
	v42 =	vadd.s32 v63, v42  }
0x2b4: {  	v42 =	vnsel vm0, $0x240, v42  }
0x2b5: {  	v42 =	vadd.s32 v1, v42  }
0x2b6: {  	[tilespmem:$0x12970] =	vst v42  }
.LBB2_7:
0x2b7: {  	_ =	swait.ge [sflag:s15], $0x4000  }
0x2b8: {  	[sflag:s15] =	ssyncset.done $0x0  }
0x2b9: {  	[sflag:s15] =	ssyncadd.s32 $0xFFFFC000  }
0x2ba: {  	[spmem:s4] =	stream.indirect.scatter.add.f32 [tilespmem:s26], [sflag:$0x3], $0x80, s30, s16, $0xb8;
	[tilespmem:$0x1ED80] =	vst v63  }
.LBB2_8:
0x2bb: {  	p0 =	sge.s32 s28, s9  }
.Ltmp9:
0x2bc: {  	_ = 	snop;
	(pc) =	sbr.rel @p0 .LBB2_12-.Ltmp9, $1  }
0x2bd: {  	_ =	sdelay $0x3  }
0x2be: {  	s3 =	sadd.s32 $0x2, s28  }
0x2bf: {  	p0 =	sge.s32 s3, s0  }
.Ltmp10:
0x2c0: {  	_ = 	snop;
	(pc) =	sbr.rel @p0 .LBB2_11-.Ltmp10, $1  }
0x2c1: {  	_ =	sdelay $0x3  }
0x2c2: {  	_ =	swait.ge [sflag:s31], $0x4000  }
0x2c3: {  	[sflag:s31] =	ssyncset.done $0x0  }
0x2c4: {  	s3 =	simm.s32 $0x12580;
	[sflag:s31] =	ssyncadd.s32 $0xFFFFC000  }
0x2c5: {  	[tilespmem:s26], [sflag:$0x1] =	stream.indirect.gather [hbm4b:s1+s16], $0x80, s3, s16, $0xb8;
	[tilespmem:$0x1ED80] =	vst v63  }
0x2c6: {  	v42 =	vld.idx.msk [tilespmem:v39+s14+$0x0], $0xffff;
	_ =	sdelay $0x2  }
0x2c7: {  	s12 =	sadd.s32 $0xFFFFFF10, s24  }
0x2c8: {  	v43 =	vadd.s32 s12, v0  }
0x2c9: {  	vm0 =	vgt.s32 v42, v43  }
0x2ca: {  	v42 =	vsel vm0, $0x0, v39  }
0x2cb: {  	v44 =	vor.u32 $0x10, v42;
	_ =	sdelay $0x4  }
0x2cc: {  	v45 =	vld.idx.msk [tilespmem:v44+s14+$0x0], $0xffff;
	_ =	sdelay $0x4  }
0x2cd: {  	vm14 =	vgt.s32 v45, v43  }
0x2ce: {  	v42 =	vsel vm14, v42, v44  }
0x2cf: {  	v44 =	vor.u32 $0x8, v42;
	_ =	sdelay $0x4  }
0x2d0: {  	v52 =	vld.idx.msk [tilespmem:v44+s14+$0x0], $0xffff;
	_ =	sdelay $0x4  }
0x2d1: {  	vm15 =	vgt.s32 v52, v43  }
0x2d2: {  	v42 =	vsel vm15, v42, v44  }
0x2d3: {  	v44 =	vor.u32 $0x4, v42;
	_ =	sdelay $0x4  }
0x2d4: {  	v53 =	vld.idx.msk [tilespmem:v44+s14+$0x0], $0xffff;
	_ =	sdelay $0x4  }
0x2d5: {  	vm4 =	vgt.s32 v53, v43  }
0x2d6: {  	v42 =	vsel vm4, v42, v44  }
0x2d7: {  	v44 =	vadd.s32 $0x2, v42;
	_ =	sdelay $0x4  }
0x2d8: {  	v54 =	vld.idx.msk [tilespmem:v44+s14+$0x0], $0xffff;
	_ =	sdelay $0x4  }
0x2d9: {  	vm5 =	vgt.s32 v54, v43  }
0x2da: {  	v42 =	vsel vm5, v42, v44  }
0x2db: {  	v44 =	vadd.s32 $0x1, v42;
	_ =	sdelay $0x4  }
0x2dc: {  	v55 =	vld.idx.msk [tilespmem:v44+s14+$0x0], $0xffff;
	_ =	sdelay $0x3  }
0x2dd: {  	v46 =	vld [tilespmem:$0x12780]  }
0x2de: {  	vm6 =	vgt.s32 v55, v43  }
0x2df: {  	v42 =	vsel vm6, v42, v44  }
0x2e0: {  	v42 =	vmul.u32 $0x9, v42  }
0x2e1: {  	vm7 =	vge.s32 v43, v40;
	vm1 =	vlt.s32 v43, v41  }
0x2e2: {  	vm0 =	vmand vm7, vm1;
	v42 =	vadd.s32 v46, v42  }
0x2e3: {  	v42 =	vnsel vm0, $0x240, v42  }
0x2e4: {  	v42 =	vadd.s32 v1, v42  }
0x2e5: {  	[tilespmem:$0x12880] =	vst v42  }
0x2e6: {  	v42 =	vld.idx.msk [tilespmem:v39+s14+$0x0], $0xffff;
	_ =	sdelay $0x2  }
0x2e7: {  	s18 =	sadd.s32 $0xFFFFFF20, s24  }
0x2e8: {  	v56 =	vadd.s32 s18, v0  }
0x2e9: {  	vm8 =	vgt.s32 v42, v56  }
0x2ea: {  	v42 =	vsel vm8, $0x0, v39  }
0x2eb: {  	v57 =	vor.u32 $0x10, v42;
	_ =	sdelay $0x4  }
0x2ec: {  	v58 =	vld.idx.msk [tilespmem:v57+s14+$0x0], $0xffff;
	_ =	sdelay $0x4  }
0x2ed: {  	vm9 =	vgt.s32 v58, v56  }
0x2ee: {  	v42 =	vsel vm9, v42, v57  }
0x2ef: {  	v44 =	vor.u32 $0x8, v42;
	_ =	sdelay $0x4  }
0x2f0: {  	v59 =	vld.idx.msk [tilespmem:v44+s14+$0x0], $0xffff;
	_ =	sdelay $0x4  }
0x2f1: {  	vm10 =	vgt.s32 v59, v56  }
0x2f2: {  	v42 =	vsel vm10, v42, v44  }
0x2f3: {  	v44 =	vor.u32 $0x4, v42;
	_ =	sdelay $0x4  }
0x2f4: {  	v60 =	vld.idx.msk [tilespmem:v44+s14+$0x0], $0xffff;
	_ =	sdelay $0x4  }
0x2f5: {  	vm11 =	vgt.s32 v60, v56  }
0x2f6: {  	v42 =	vsel vm11, v42, v44  }
0x2f7: {  	v44 =	vadd.s32 $0x2, v42;
	_ =	sdelay $0x4  }
0x2f8: {  	v61 =	vld.idx.msk [tilespmem:v44+s14+$0x0], $0xffff;
	_ =	sdelay $0x4  }
0x2f9: {  	vm12 =	vgt.s32 v61, v56  }
0x2fa: {  	v42 =	vsel vm12, v42, v44  }
0x2fb: {  	v44 =	vadd.s32 $0x1, v42;
	_ =	sdelay $0x4  }
0x2fc: {  	v62 =	vld.idx.msk [tilespmem:v44+s14+$0x0], $0xffff;
	_ =	sdelay $0x3  }
0x2fd: {  	v63 =	vld [tilespmem:$0x12790]  }
0x2fe: {  	vm13 =	vgt.s32 v62, v56  }
0x2ff: {  	v42 =	vsel vm13, v42, v44  }
0x300: {  	v42 =	vmul.u32 $0x9, v42  }
0x301: {  	vm14 =	vge.s32 v56, v40;
	vm15 =	vlt.s32 v56, v41  }
0x302: {  	vm0 =	vmand vm14, vm15;
	v42 =	vadd.s32 v63, v42  }
0x303: {  	v42 =	vnsel vm0, $0x240, v42  }
0x304: {  	v42 =	vadd.s32 v1, v42  }
0x305: {  	[tilespmem:$0x12890] =	vst v42  }
0x306: {  	v42 =	vld.idx.msk [tilespmem:v39+s14+$0x0], $0xffff;
	_ =	sdelay $0x2  }
0x307: {  	s12 =	sadd.s32 $0xFFFFFF30, s24  }
0x308: {  	v48 =	vadd.s32 s12, v0  }
0x309: {  	vm4 =	vgt.s32 v42, v48  }
0x30a: {  	v42 =	vsel vm4, $0x0, v39  }
0x30b: {  	v49 =	vor.u32 $0x10, v42;
	_ =	sdelay $0x4  }
0x30c: {  	v50 =	vld.idx.msk [tilespmem:v49+s14+$0x0], $0xffff;
	_ =	sdelay $0x4  }
0x30d: {  	vm5 =	vgt.s32 v50, v48  }
0x30e: {  	v42 =	vsel vm5, v42, v49  }
0x30f: {  	v44 =	vor.u32 $0x8, v42;
	_ =	sdelay $0x4  }
0x310: {  	v51 =	vld.idx.msk [tilespmem:v44+s14+$0x0], $0xffff;
	_ =	sdelay $0x4  }
0x311: {  	vm6 =	vgt.s32 v51, v48  }
0x312: {  	v42 =	vsel vm6, v42, v44  }
0x313: {  	v44 =	vor.u32 $0x4, v42;
	_ =	sdelay $0x4  }
0x314: {  	v52 =	vld.idx.msk [tilespmem:v44+s14+$0x0], $0xffff;
	_ =	sdelay $0x4  }
0x315: {  	vm7 =	vgt.s32 v52, v48  }
0x316: {  	v42 =	vsel vm7, v42, v44  }
0x317: {  	v44 =	vadd.s32 $0x2, v42;
	_ =	sdelay $0x4  }
0x318: {  	v53 =	vld.idx.msk [tilespmem:v44+s14+$0x0], $0xffff;
	_ =	sdelay $0x4  }
0x319: {  	vm8 =	vgt.s32 v53, v48  }
0x31a: {  	v42 =	vsel vm8, v42, v44  }
0x31b: {  	v44 =	vadd.s32 $0x1, v42;
	_ =	sdelay $0x4  }
0x31c: {  	v54 =	vld.idx.msk [tilespmem:v44+s14+$0x0], $0xffff;
	_ =	sdelay $0x3  }
0x31d: {  	v55 =	vld [tilespmem:$0x127A0]  }
0x31e: {  	vm9 =	vgt.s32 v54, v48  }
0x31f: {  	v42 =	vsel vm9, v42, v44  }
0x320: {  	v42 =	vmul.u32 $0x9, v42  }
0x321: {  	vm10 =	vge.s32 v48, v40;
	vm11 =	vlt.s32 v48, v41  }
0x322: {  	vm0 =	vmand vm10, vm11;
	v42 =	vadd.s32 v55, v42  }
0x323: {  	v42 =	vnsel vm0, $0x240, v42  }
0x324: {  	v42 =	vadd.s32 v1, v42  }
0x325: {  	[tilespmem:$0x128A0] =	vst v42  }
0x326: {  	v42 =	vld.idx.msk [tilespmem:v39+s14+$0x0], $0xffff;
	_ =	sdelay $0x2  }
0x327: {  	s18 =	sadd.s32 $0xFFFFFF40, s24  }
0x328: {  	v56 =	vadd.s32 s18, v0  }
0x329: {  	vm12 =	vgt.s32 v42, v56  }
0x32a: {  	v42 =	vsel vm12, $0x0, v39  }
0x32b: {  	v57 =	vor.u32 $0x10, v42;
	_ =	sdelay $0x4  }
0x32c: {  	v58 =	vld.idx.msk [tilespmem:v57+s14+$0x0], $0xffff;
	_ =	sdelay $0x4  }
0x32d: {  	vm13 =	vgt.s32 v58, v56  }
0x32e: {  	v42 =	vsel vm13, v42, v57  }
0x32f: {  	v44 =	vor.u32 $0x8, v42;
	_ =	sdelay $0x4  }
0x330: {  	v59 =	vld.idx.msk [tilespmem:v44+s14+$0x0], $0xffff;
	_ =	sdelay $0x4  }
0x331: {  	vm14 =	vgt.s32 v59, v56  }
0x332: {  	v42 =	vsel vm14, v42, v44  }
0x333: {  	v44 =	vor.u32 $0x4, v42;
	_ =	sdelay $0x4  }
0x334: {  	v60 =	vld.idx.msk [tilespmem:v44+s14+$0x0], $0xffff;
	_ =	sdelay $0x4  }
0x335: {  	vm15 =	vgt.s32 v60, v56  }
0x336: {  	v42 =	vsel vm15, v42, v44  }
0x337: {  	v44 =	vadd.s32 $0x2, v42;
	_ =	sdelay $0x4  }
0x338: {  	v61 =	vld.idx.msk [tilespmem:v44+s14+$0x0], $0xffff;
	_ =	sdelay $0x4  }
0x339: {  	vm4 =	vgt.s32 v61, v56  }
0x33a: {  	v42 =	vsel vm4, v42, v44  }
0x33b: {  	v44 =	vadd.s32 $0x1, v42;
	_ =	sdelay $0x4  }
0x33c: {  	v62 =	vld.idx.msk [tilespmem:v44+s14+$0x0], $0xffff;
	_ =	sdelay $0x3  }
0x33d: {  	v63 =	vld [tilespmem:$0x127B0]  }
0x33e: {  	vm5 =	vgt.s32 v62, v56  }
0x33f: {  	v42 =	vsel vm5, v42, v44  }
0x340: {  	v42 =	vmul.u32 $0x9, v42  }
0x341: {  	vm6 =	vge.s32 v56, v40;
	vm7 =	vlt.s32 v56, v41  }
0x342: {  	vm0 =	vmand vm6, vm7;
	v42 =	vadd.s32 v63, v42  }
0x343: {  	v42 =	vnsel vm0, $0x240, v42  }
0x344: {  	v42 =	vadd.s32 v1, v42  }
0x345: {  	[tilespmem:$0x128B0] =	vst v42  }
0x346: {  	v42 =	vld.idx.msk [tilespmem:v39+s14+$0x0], $0xffff;
	_ =	sdelay $0x2  }
0x347: {  	s12 =	sadd.s32 $0xFFFFFF50, s24  }
0x348: {  	v48 =	vadd.s32 s12, v0  }
0x349: {  	vm8 =	vgt.s32 v42, v48  }
0x34a: {  	v42 =	vsel vm8, $0x0, v39  }
0x34b: {  	v49 =	vor.u32 $0x10, v42;
	_ =	sdelay $0x4  }
0x34c: {  	v50 =	vld.idx.msk [tilespmem:v49+s14+$0x0], $0xffff;
	_ =	sdelay $0x4  }
0x34d: {  	vm9 =	vgt.s32 v50, v48  }
0x34e: {  	v42 =	vsel vm9, v42, v49  }
0x34f: {  	v44 =	vor.u32 $0x8, v42;
	_ =	sdelay $0x4  }
0x350: {  	v51 =	vld.idx.msk [tilespmem:v44+s14+$0x0], $0xffff;
	_ =	sdelay $0x4  }
0x351: {  	vm10 =	vgt.s32 v51, v48  }
0x352: {  	v42 =	vsel vm10, v42, v44  }
0x353: {  	v44 =	vor.u32 $0x4, v42;
	_ =	sdelay $0x4  }
0x354: {  	v52 =	vld.idx.msk [tilespmem:v44+s14+$0x0], $0xffff;
	_ =	sdelay $0x4  }
0x355: {  	vm11 =	vgt.s32 v52, v48  }
0x356: {  	v42 =	vsel vm11, v42, v44  }
0x357: {  	v44 =	vadd.s32 $0x2, v42;
	_ =	sdelay $0x4  }
0x358: {  	v53 =	vld.idx.msk [tilespmem:v44+s14+$0x0], $0xffff;
	_ =	sdelay $0x4  }
0x359: {  	vm12 =	vgt.s32 v53, v48  }
0x35a: {  	v42 =	vsel vm12, v42, v44  }
0x35b: {  	v44 =	vadd.s32 $0x1, v42;
	_ =	sdelay $0x4  }
0x35c: {  	v54 =	vld.idx.msk [tilespmem:v44+s14+$0x0], $0xffff;
	_ =	sdelay $0x3  }
0x35d: {  	v55 =	vld [tilespmem:$0x127C0]  }
0x35e: {  	vm13 =	vgt.s32 v54, v48  }
0x35f: {  	v42 =	vsel vm13, v42, v44  }
0x360: {  	v42 =	vmul.u32 $0x9, v42  }
0x361: {  	vm14 =	vge.s32 v48, v40;
	vm15 =	vlt.s32 v48, v41  }
0x362: {  	vm0 =	vmand vm14, vm15;
	v42 =	vadd.s32 v55, v42  }
0x363: {  	v42 =	vnsel vm0, $0x240, v42  }
0x364: {  	v42 =	vadd.s32 v1, v42  }
0x365: {  	[tilespmem:$0x128C0] =	vst v42  }
0x366: {  	v42 =	vld.idx.msk [tilespmem:v39+s14+$0x0], $0xffff;
	_ =	sdelay $0x2  }
0x367: {  	s18 =	sadd.s32 $0xFFFFFF60, s24  }
0x368: {  	v56 =	vadd.s32 s18, v0  }
0x369: {  	vm4 =	vgt.s32 v42, v56  }
0x36a: {  	v42 =	vsel vm4, $0x0, v39  }
0x36b: {  	v57 =	vor.u32 $0x10, v42;
	_ =	sdelay $0x4  }
0x36c: {  	v58 =	vld.idx.msk [tilespmem:v57+s14+$0x0], $0xffff;
	_ =	sdelay $0x4  }
0x36d: {  	vm5 =	vgt.s32 v58, v56  }
0x36e: {  	v42 =	vsel vm5, v42, v57  }
0x36f: {  	v44 =	vor.u32 $0x8, v42;
	_ =	sdelay $0x4  }
0x370: {  	v59 =	vld.idx.msk [tilespmem:v44+s14+$0x0], $0xffff;
	_ =	sdelay $0x4  }
0x371: {  	vm6 =	vgt.s32 v59, v56  }
0x372: {  	v42 =	vsel vm6, v42, v44  }
0x373: {  	v44 =	vor.u32 $0x4, v42;
	_ =	sdelay $0x4  }
0x374: {  	v60 =	vld.idx.msk [tilespmem:v44+s14+$0x0], $0xffff;
	_ =	sdelay $0x4  }
0x375: {  	vm7 =	vgt.s32 v60, v56  }
0x376: {  	v42 =	vsel vm7, v42, v44  }
0x377: {  	v44 =	vadd.s32 $0x2, v42;
	_ =	sdelay $0x4  }
0x378: {  	v61 =	vld.idx.msk [tilespmem:v44+s14+$0x0], $0xffff;
	_ =	sdelay $0x4  }
0x379: {  	vm8 =	vgt.s32 v61, v56  }
0x37a: {  	v42 =	vsel vm8, v42, v44  }
0x37b: {  	v44 =	vadd.s32 $0x1, v42;
	_ =	sdelay $0x4  }
0x37c: {  	v62 =	vld.idx.msk [tilespmem:v44+s14+$0x0], $0xffff;
	_ =	sdelay $0x3  }
0x37d: {  	v63 =	vld [tilespmem:$0x127D0]  }
0x37e: {  	vm9 =	vgt.s32 v62, v56  }
0x37f: {  	v42 =	vsel vm9, v42, v44  }
0x380: {  	v42 =	vmul.u32 $0x9, v42  }
0x381: {  	vm10 =	vge.s32 v56, v40;
	vm11 =	vlt.s32 v56, v41  }
0x382: {  	vm0 =	vmand vm10, vm11;
	v42 =	vadd.s32 v63, v42  }
0x383: {  	v42 =	vnsel vm0, $0x240, v42  }
0x384: {  	v42 =	vadd.s32 v1, v42  }
0x385: {  	[tilespmem:$0x128D0] =	vst v42  }
0x386: {  	v42 =	vld.idx.msk [tilespmem:v39+s14+$0x0], $0xffff;
	_ =	sdelay $0x2  }
0x387: {  	s12 =	sadd.s32 $0xFFFFFF70, s24  }
0x388: {  	v48 =	vadd.s32 s12, v0  }
0x389: {  	vm12 =	vgt.s32 v42, v48  }
0x38a: {  	v42 =	vsel vm12, $0x0, v39  }
0x38b: {  	v49 =	vor.u32 $0x10, v42;
	_ =	sdelay $0x4  }
0x38c: {  	v50 =	vld.idx.msk [tilespmem:v49+s14+$0x0], $0xffff;
	_ =	sdelay $0x4  }
0x38d: {  	vm13 =	vgt.s32 v50, v48  }
0x38e: {  	v42 =	vsel vm13, v42, v49  }
0x38f: {  	v44 =	vor.u32 $0x8, v42;
	_ =	sdelay $0x4  }
0x390: {  	v51 =	vld.idx.msk [tilespmem:v44+s14+$0x0], $0xffff;
	_ =	sdelay $0x4  }
0x391: {  	vm14 =	vgt.s32 v51, v48  }
0x392: {  	v42 =	vsel vm14, v42, v44  }
0x393: {  	v44 =	vor.u32 $0x4, v42;
	_ =	sdelay $0x4  }
0x394: {  	v52 =	vld.idx.msk [tilespmem:v44+s14+$0x0], $0xffff;
	_ =	sdelay $0x4  }
0x395: {  	vm15 =	vgt.s32 v52, v48  }
0x396: {  	v42 =	vsel vm15, v42, v44  }
0x397: {  	v44 =	vadd.s32 $0x2, v42;
	_ =	sdelay $0x4  }
0x398: {  	v53 =	vld.idx.msk [tilespmem:v44+s14+$0x0], $0xffff;
	_ =	sdelay $0x4  }
0x399: {  	vm4 =	vgt.s32 v53, v48  }
0x39a: {  	v42 =	vsel vm4, v42, v44  }
0x39b: {  	v44 =	vadd.s32 $0x1, v42;
	_ =	sdelay $0x4  }
0x39c: {  	v54 =	vld.idx.msk [tilespmem:v44+s14+$0x0], $0xffff;
	_ =	sdelay $0x3  }
0x39d: {  	v55 =	vld [tilespmem:$0x127E0]  }
0x39e: {  	vm5 =	vgt.s32 v54, v48  }
0x39f: {  	v42 =	vsel vm5, v42, v44  }
0x3a0: {  	v42 =	vmul.u32 $0x9, v42  }
0x3a1: {  	vm6 =	vge.s32 v48, v40;
	vm7 =	vlt.s32 v48, v41  }
0x3a2: {  	vm0 =	vmand vm6, vm7;
	v42 =	vadd.s32 v55, v42  }
0x3a3: {  	v42 =	vnsel vm0, $0x240, v42  }
0x3a4: {  	v42 =	vadd.s32 v1, v42  }
0x3a5: {  	[tilespmem:$0x128E0] =	vst v42  }
0x3a6: {  	v42 =	vld.idx.msk [tilespmem:v39+s14+$0x0], $0xffff;
	_ =	sdelay $0x2  }
0x3a7: {  	s18 =	sadd.s32 $0xFFFFFF80, s24  }
0x3a8: {  	v56 =	vadd.s32 s18, v0  }
0x3a9: {  	vm8 =	vgt.s32 v42, v56  }
0x3aa: {  	v42 =	vsel vm8, $0x0, v39  }
0x3ab: {  	v57 =	vor.u32 $0x10, v42;
	_ =	sdelay $0x4  }
0x3ac: {  	v58 =	vld.idx.msk [tilespmem:v57+s14+$0x0], $0xffff;
	_ =	sdelay $0x4  }
0x3ad: {  	vm9 =	vgt.s32 v58, v56  }
0x3ae: {  	v42 =	vsel vm9, v42, v57  }
0x3af: {  	v44 =	vor.u32 $0x8, v42;
	_ =	sdelay $0x4  }
0x3b0: {  	v59 =	vld.idx.msk [tilespmem:v44+s14+$0x0], $0xffff;
	_ =	sdelay $0x4  }
0x3b1: {  	vm10 =	vgt.s32 v59, v56  }
0x3b2: {  	v42 =	vsel vm10, v42, v44  }
0x3b3: {  	v44 =	vor.u32 $0x4, v42;
	_ =	sdelay $0x4  }
0x3b4: {  	v60 =	vld.idx.msk [tilespmem:v44+s14+$0x0], $0xffff;
	_ =	sdelay $0x4  }
0x3b5: {  	vm11 =	vgt.s32 v60, v56  }
0x3b6: {  	v42 =	vsel vm11, v42, v44  }
0x3b7: {  	v44 =	vadd.s32 $0x2, v42;
	_ =	sdelay $0x4  }
0x3b8: {  	v61 =	vld.idx.msk [tilespmem:v44+s14+$0x0], $0xffff;
	_ =	sdelay $0x4  }
0x3b9: {  	vm12 =	vgt.s32 v61, v56  }
0x3ba: {  	v42 =	vsel vm12, v42, v44  }
0x3bb: {  	v44 =	vadd.s32 $0x1, v42;
	_ =	sdelay $0x4  }
0x3bc: {  	v62 =	vld.idx.msk [tilespmem:v44+s14+$0x0], $0xffff;
	_ =	sdelay $0x3  }
0x3bd: {  	v63 =	vld [tilespmem:$0x127F0]  }
0x3be: {  	vm13 =	vgt.s32 v62, v56  }
0x3bf: {  	v42 =	vsel vm13, v42, v44  }
0x3c0: {  	v42 =	vmul.u32 $0x9, v42  }
0x3c1: {  	vm14 =	vge.s32 v56, v40;
	vm15 =	vlt.s32 v56, v41  }
0x3c2: {  	vm0 =	vmand vm14, vm15;
	v42 =	vadd.s32 v63, v42  }
0x3c3: {  	v42 =	vnsel vm0, $0x240, v42  }
0x3c4: {  	v42 =	vadd.s32 v1, v42  }
0x3c5: {  	[tilespmem:$0x128F0] =	vst v42  }
.LBB2_11:
0x3c6: {  	_ =	swait.ge [sflag:s8], $0x4000  }
0x3c7: {  	[sflag:s8] =	ssyncset.done $0x0  }
0x3c8: {  	[sflag:s8] =	ssyncadd.s32 $0xFFFFC000  }
0x3c9: {  	[spmem:s4] =	stream.indirect.scatter.add.f32 [tilespmem:s29], [sflag:$0x4], $0x80, s11, s16, $0xb8;
	[tilespmem:$0x1ED80] =	vst v63  }
.LBB2_12:
0x3ca: {  	p0 =	sge.s32 s28, s10  }
.Ltmp11:
0x3cb: {  	_ = 	snop;
	(pc) =	sbr.rel @p0 .LBB2_16-.Ltmp11, $1  }
0x3cc: {  	_ =	sdelay $0x3  }
0x3cd: {  	s3 =	sadd.s32 $0x3, s28  }
0x3ce: {  	p0 =	sge.s32 s3, s0  }
.Ltmp12:
0x3cf: {  	_ = 	snop;
	(pc) =	sbr.rel @p0 .LBB2_15-.Ltmp12, $1  }
0x3d0: {  	_ =	sdelay $0x3  }
0x3d1: {  	_ =	swait.ge [sflag:s17], $0x4000  }
0x3d2: {  	[sflag:s17] =	ssyncset.done $0x0  }
0x3d3: {  	s3 =	simm.s32 $0x12600;
	[sflag:s17] =	ssyncadd.s32 $0xFFFFC000  }
0x3d4: {  	[tilespmem:s29], [sflag:$0x2] =	stream.indirect.gather [hbm4b:s1+s16], $0x80, s3, s16, $0xb8;
	[tilespmem:$0x1ED80] =	vst v63  }
0x3d5: {  	v42 =	vld.idx.msk [tilespmem:v39+s14+$0x0], $0xffff;
	_ =	sdelay $0x2  }
0x3d6: {  	s18 =	sadd.s32 $0xFFFFFF90, s24  }
0x3d7: {  	v43 =	vadd.s32 s18, v0  }
0x3d8: {  	vm0 =	vgt.s32 v42, v43  }
0x3d9: {  	v42 =	vsel vm0, $0x0, v39  }
0x3da: {  	v44 =	vor.u32 $0x10, v42;
	_ =	sdelay $0x4  }
0x3db: {  	v45 =	vld.idx.msk [tilespmem:v44+s14+$0x0], $0xffff;
	_ =	sdelay $0x4  }
0x3dc: {  	vm14 =	vgt.s32 v45, v43  }
0x3dd: {  	v42 =	vsel vm14, v42, v44  }
0x3de: {  	v44 =	vor.u32 $0x8, v42;
	_ =	sdelay $0x4  }
0x3df: {  	v52 =	vld.idx.msk [tilespmem:v44+s14+$0x0], $0xffff;
	_ =	sdelay $0x4  }
0x3e0: {  	vm15 =	vgt.s32 v52, v43  }
0x3e1: {  	v42 =	vsel vm15, v42, v44  }
0x3e2: {  	v44 =	vor.u32 $0x4, v42;
	_ =	sdelay $0x4  }
0x3e3: {  	v53 =	vld.idx.msk [tilespmem:v44+s14+$0x0], $0xffff;
	_ =	sdelay $0x4  }
0x3e4: {  	vm4 =	vgt.s32 v53, v43  }
0x3e5: {  	v42 =	vsel vm4, v42, v44  }
0x3e6: {  	v44 =	vadd.s32 $0x2, v42;
	_ =	sdelay $0x4  }
0x3e7: {  	v54 =	vld.idx.msk [tilespmem:v44+s14+$0x0], $0xffff;
	_ =	sdelay $0x4  }
0x3e8: {  	vm5 =	vgt.s32 v54, v43  }
0x3e9: {  	v42 =	vsel vm5, v42, v44  }
0x3ea: {  	v44 =	vadd.s32 $0x1, v42;
	_ =	sdelay $0x4  }
0x3eb: {  	v55 =	vld.idx.msk [tilespmem:v44+s14+$0x0], $0xffff;
	_ =	sdelay $0x3  }
0x3ec: {  	v46 =	vld [tilespmem:$0x12800]  }
0x3ed: {  	vm6 =	vgt.s32 v55, v43  }
0x3ee: {  	v42 =	vsel vm6, v42, v44  }
0x3ef: {  	v42 =	vmul.u32 $0x9, v42  }
0x3f0: {  	vm7 =	vge.s32 v43, v40;
	vm1 =	vlt.s32 v43, v41  }
0x3f1: {  	vm0 =	vmand vm7, vm1;
	v42 =	vadd.s32 v46, v42  }
0x3f2: {  	v42 =	vnsel vm0, $0x240, v42  }
0x3f3: {  	v42 =	vadd.s32 v1, v42  }
0x3f4: {  	[tilespmem:$0x12900] =	vst v42  }
0x3f5: {  	v42 =	vld.idx.msk [tilespmem:v39+s14+$0x0], $0xffff;
	_ =	sdelay $0x2  }
0x3f6: {  	s12 =	sadd.s32 $0xFFFFFFA0, s24  }
0x3f7: {  	v56 =	vadd.s32 s12, v0  }
0x3f8: {  	vm8 =	vgt.s32 v42, v56  }
0x3f9: {  	v42 =	vsel vm8, $0x0, v39  }
0x3fa: {  	v57 =	vor.u32 $0x10, v42;
	_ =	sdelay $0x4  }
0x3fb: {  	v58 =	vld.idx.msk [tilespmem:v57+s14+$0x0], $0xffff;
	_ =	sdelay $0x4  }
0x3fc: {  	vm9 =	vgt.s32 v58, v56  }
0x3fd: {  	v42 =	vsel vm9, v42, v57  }
0x3fe: {  	v44 =	vor.u32 $0x8, v42;
	_ =	sdelay $0x4  }
0x3ff: {  	v59 =	vld.idx.msk [tilespmem:v44+s14+$0x0], $0xffff;
	_ =	sdelay $0x4  }
0x400: {  	vm10 =	vgt.s32 v59, v56  }
0x401: {  	v42 =	vsel vm10, v42, v44  }
0x402: {  	v44 =	vor.u32 $0x4, v42;
	_ =	sdelay $0x4  }
0x403: {  	v60 =	vld.idx.msk [tilespmem:v44+s14+$0x0], $0xffff;
	_ =	sdelay $0x4  }
0x404: {  	vm11 =	vgt.s32 v60, v56  }
0x405: {  	v42 =	vsel vm11, v42, v44  }
0x406: {  	v44 =	vadd.s32 $0x2, v42;
	_ =	sdelay $0x4  }
0x407: {  	v61 =	vld.idx.msk [tilespmem:v44+s14+$0x0], $0xffff;
	_ =	sdelay $0x4  }
0x408: {  	vm12 =	vgt.s32 v61, v56  }
0x409: {  	v42 =	vsel vm12, v42, v44  }
0x40a: {  	v44 =	vadd.s32 $0x1, v42;
	_ =	sdelay $0x4  }
0x40b: {  	v62 =	vld.idx.msk [tilespmem:v44+s14+$0x0], $0xffff;
	_ =	sdelay $0x3  }
0x40c: {  	v63 =	vld [tilespmem:$0x12810]  }
0x40d: {  	vm13 =	vgt.s32 v62, v56  }
0x40e: {  	v42 =	vsel vm13, v42, v44  }
0x40f: {  	v42 =	vmul.u32 $0x9, v42  }
0x410: {  	vm14 =	vge.s32 v56, v40;
	vm15 =	vlt.s32 v56, v41  }
0x411: {  	vm0 =	vmand vm14, vm15;
	v42 =	vadd.s32 v63, v42  }
0x412: {  	v42 =	vnsel vm0, $0x240, v42  }
0x413: {  	v42 =	vadd.s32 v1, v42  }
0x414: {  	[tilespmem:$0x12910] =	vst v42  }
0x415: {  	v42 =	vld.idx.msk [tilespmem:v39+s14+$0x0], $0xffff;
	_ =	sdelay $0x2  }
0x416: {  	s18 =	sadd.s32 $0xFFFFFFB0, s24  }
0x417: {  	v48 =	vadd.s32 s18, v0  }
0x418: {  	vm4 =	vgt.s32 v42, v48  }
0x419: {  	v42 =	vsel vm4, $0x0, v39  }
0x41a: {  	v49 =	vor.u32 $0x10, v42;
	_ =	sdelay $0x4  }
0x41b: {  	v50 =	vld.idx.msk [tilespmem:v49+s14+$0x0], $0xffff;
	_ =	sdelay $0x4  }
0x41c: {  	vm5 =	vgt.s32 v50, v48  }
0x41d: {  	v42 =	vsel vm5, v42, v49  }
0x41e: {  	v44 =	vor.u32 $0x8, v42;
	_ =	sdelay $0x4  }
0x41f: {  	v51 =	vld.idx.msk [tilespmem:v44+s14+$0x0], $0xffff;
	_ =	sdelay $0x4  }
0x420: {  	vm6 =	vgt.s32 v51, v48  }
0x421: {  	v42 =	vsel vm6, v42, v44  }
0x422: {  	v44 =	vor.u32 $0x4, v42;
	_ =	sdelay $0x4  }
0x423: {  	v52 =	vld.idx.msk [tilespmem:v44+s14+$0x0], $0xffff;
	_ =	sdelay $0x4  }
0x424: {  	vm7 =	vgt.s32 v52, v48  }
0x425: {  	v42 =	vsel vm7, v42, v44  }
0x426: {  	v44 =	vadd.s32 $0x2, v42;
	_ =	sdelay $0x4  }
0x427: {  	v53 =	vld.idx.msk [tilespmem:v44+s14+$0x0], $0xffff;
	_ =	sdelay $0x4  }
0x428: {  	vm8 =	vgt.s32 v53, v48  }
0x429: {  	v42 =	vsel vm8, v42, v44  }
0x42a: {  	v44 =	vadd.s32 $0x1, v42;
	_ =	sdelay $0x4  }
0x42b: {  	v54 =	vld.idx.msk [tilespmem:v44+s14+$0x0], $0xffff;
	_ =	sdelay $0x3  }
0x42c: {  	v55 =	vld [tilespmem:$0x12820]  }
0x42d: {  	vm9 =	vgt.s32 v54, v48  }
0x42e: {  	v42 =	vsel vm9, v42, v44  }
0x42f: {  	v42 =	vmul.u32 $0x9, v42  }
0x430: {  	vm10 =	vge.s32 v48, v40;
	vm11 =	vlt.s32 v48, v41  }
0x431: {  	vm0 =	vmand vm10, vm11;
	v42 =	vadd.s32 v55, v42  }
0x432: {  	v42 =	vnsel vm0, $0x240, v42  }
0x433: {  	v42 =	vadd.s32 v1, v42  }
0x434: {  	[tilespmem:$0x12920] =	vst v42  }
0x435: {  	v42 =	vld.idx.msk [tilespmem:v39+s14+$0x0], $0xffff;
	_ =	sdelay $0x2  }
0x436: {  	s12 =	sadd.s32 $0xFFFFFFC0, s24  }
0x437: {  	v56 =	vadd.s32 s12, v0  }
0x438: {  	vm12 =	vgt.s32 v42, v56  }
0x439: {  	v42 =	vsel vm12, $0x0, v39  }
0x43a: {  	v57 =	vor.u32 $0x10, v42;
	_ =	sdelay $0x4  }
0x43b: {  	v58 =	vld.idx.msk [tilespmem:v57+s14+$0x0], $0xffff;
	_ =	sdelay $0x4  }
0x43c: {  	vm13 =	vgt.s32 v58, v56  }
0x43d: {  	v42 =	vsel vm13, v42, v57  }
0x43e: {  	v44 =	vor.u32 $0x8, v42;
	_ =	sdelay $0x4  }
0x43f: {  	v59 =	vld.idx.msk [tilespmem:v44+s14+$0x0], $0xffff;
	_ =	sdelay $0x4  }
0x440: {  	vm14 =	vgt.s32 v59, v56  }
0x441: {  	v42 =	vsel vm14, v42, v44  }
0x442: {  	v44 =	vor.u32 $0x4, v42;
	_ =	sdelay $0x4  }
0x443: {  	v60 =	vld.idx.msk [tilespmem:v44+s14+$0x0], $0xffff;
	_ =	sdelay $0x4  }
0x444: {  	vm15 =	vgt.s32 v60, v56  }
0x445: {  	v42 =	vsel vm15, v42, v44  }
0x446: {  	v44 =	vadd.s32 $0x2, v42;
	_ =	sdelay $0x4  }
0x447: {  	v61 =	vld.idx.msk [tilespmem:v44+s14+$0x0], $0xffff;
	_ =	sdelay $0x4  }
0x448: {  	vm4 =	vgt.s32 v61, v56  }
0x449: {  	v42 =	vsel vm4, v42, v44  }
0x44a: {  	v44 =	vadd.s32 $0x1, v42;
	_ =	sdelay $0x4  }
0x44b: {  	v62 =	vld.idx.msk [tilespmem:v44+s14+$0x0], $0xffff;
	_ =	sdelay $0x3  }
0x44c: {  	v63 =	vld [tilespmem:$0x12830]  }
0x44d: {  	vm5 =	vgt.s32 v62, v56  }
0x44e: {  	v42 =	vsel vm5, v42, v44  }
0x44f: {  	v42 =	vmul.u32 $0x9, v42  }
0x450: {  	vm6 =	vge.s32 v56, v40;
	vm7 =	vlt.s32 v56, v41  }
0x451: {  	vm0 =	vmand vm6, vm7;
	v42 =	vadd.s32 v63, v42  }
0x452: {  	v42 =	vnsel vm0, $0x240, v42  }
0x453: {  	v42 =	vadd.s32 v1, v42  }
0x454: {  	[tilespmem:$0x12930] =	vst v42  }
0x455: {  	v42 =	vld.idx.msk [tilespmem:v39+s14+$0x0], $0xffff;
	_ =	sdelay $0x2  }
0x456: {  	s18 =	sadd.s32 $0xFFFFFFD0, s24  }
0x457: {  	v48 =	vadd.s32 s18, v0  }
0x458: {  	vm8 =	vgt.s32 v42, v48  }
0x459: {  	v42 =	vsel vm8, $0x0, v39  }
0x45a: {  	v49 =	vor.u32 $0x10, v42;
	_ =	sdelay $0x4  }
0x45b: {  	v50 =	vld.idx.msk [tilespmem:v49+s14+$0x0], $0xffff;
	_ =	sdelay $0x4  }
0x45c: {  	vm9 =	vgt.s32 v50, v48  }
0x45d: {  	v42 =	vsel vm9, v42, v49  }
0x45e: {  	v44 =	vor.u32 $0x8, v42;
	_ =	sdelay $0x4  }
0x45f: {  	v51 =	vld.idx.msk [tilespmem:v44+s14+$0x0], $0xffff;
	_ =	sdelay $0x4  }
0x460: {  	vm10 =	vgt.s32 v51, v48  }
0x461: {  	v42 =	vsel vm10, v42, v44  }
0x462: {  	v44 =	vor.u32 $0x4, v42;
	_ =	sdelay $0x4  }
0x463: {  	v52 =	vld.idx.msk [tilespmem:v44+s14+$0x0], $0xffff;
	_ =	sdelay $0x4  }
0x464: {  	vm11 =	vgt.s32 v52, v48  }
0x465: {  	v42 =	vsel vm11, v42, v44  }
0x466: {  	v44 =	vadd.s32 $0x2, v42;
	_ =	sdelay $0x4  }
0x467: {  	v53 =	vld.idx.msk [tilespmem:v44+s14+$0x0], $0xffff;
	_ =	sdelay $0x4  }
0x468: {  	vm12 =	vgt.s32 v53, v48  }
0x469: {  	v42 =	vsel vm12, v42, v44  }
0x46a: {  	v44 =	vadd.s32 $0x1, v42;
	_ =	sdelay $0x4  }
0x46b: {  	v54 =	vld.idx.msk [tilespmem:v44+s14+$0x0], $0xffff;
	_ =	sdelay $0x3  }
0x46c: {  	v55 =	vld [tilespmem:$0x12840]  }
0x46d: {  	vm13 =	vgt.s32 v54, v48  }
0x46e: {  	v42 =	vsel vm13, v42, v44  }
0x46f: {  	v42 =	vmul.u32 $0x9, v42  }
0x470: {  	vm14 =	vge.s32 v48, v40;
	vm15 =	vlt.s32 v48, v41  }
0x471: {  	vm0 =	vmand vm14, vm15;
	v42 =	vadd.s32 v55, v42  }
0x472: {  	v42 =	vnsel vm0, $0x240, v42  }
0x473: {  	v42 =	vadd.s32 v1, v42  }
0x474: {  	[tilespmem:$0x12940] =	vst v42  }
0x475: {  	v42 =	vld.idx.msk [tilespmem:v39+s14+$0x0], $0xffff;
	_ =	sdelay $0x2  }
0x476: {  	s12 =	sadd.s32 $0xFFFFFFE0, s24  }
0x477: {  	v56 =	vadd.s32 s12, v0  }
0x478: {  	vm4 =	vgt.s32 v42, v56  }
0x479: {  	v42 =	vsel vm4, $0x0, v39  }
0x47a: {  	v57 =	vor.u32 $0x10, v42;
	_ =	sdelay $0x4  }
0x47b: {  	v58 =	vld.idx.msk [tilespmem:v57+s14+$0x0], $0xffff;
	_ =	sdelay $0x4  }
0x47c: {  	vm5 =	vgt.s32 v58, v56  }
0x47d: {  	v42 =	vsel vm5, v42, v57  }
0x47e: {  	v44 =	vor.u32 $0x8, v42;
	_ =	sdelay $0x4  }
0x47f: {  	v59 =	vld.idx.msk [tilespmem:v44+s14+$0x0], $0xffff;
	_ =	sdelay $0x4  }
0x480: {  	vm6 =	vgt.s32 v59, v56  }
0x481: {  	v42 =	vsel vm6, v42, v44  }
0x482: {  	v44 =	vor.u32 $0x4, v42;
	_ =	sdelay $0x4  }
0x483: {  	v60 =	vld.idx.msk [tilespmem:v44+s14+$0x0], $0xffff;
	_ =	sdelay $0x4  }
0x484: {  	vm7 =	vgt.s32 v60, v56  }
0x485: {  	v42 =	vsel vm7, v42, v44  }
0x486: {  	v44 =	vadd.s32 $0x2, v42;
	_ =	sdelay $0x4  }
0x487: {  	v61 =	vld.idx.msk [tilespmem:v44+s14+$0x0], $0xffff;
	_ =	sdelay $0x4  }
0x488: {  	vm8 =	vgt.s32 v61, v56  }
0x489: {  	v42 =	vsel vm8, v42, v44  }
0x48a: {  	v44 =	vadd.s32 $0x1, v42;
	_ =	sdelay $0x4  }
0x48b: {  	v62 =	vld.idx.msk [tilespmem:v44+s14+$0x0], $0xffff;
	_ =	sdelay $0x3  }
0x48c: {  	v63 =	vld [tilespmem:$0x12850]  }
0x48d: {  	vm9 =	vgt.s32 v62, v56  }
0x48e: {  	v42 =	vsel vm9, v42, v44  }
0x48f: {  	v42 =	vmul.u32 $0x9, v42  }
0x490: {  	vm10 =	vge.s32 v56, v40;
	vm11 =	vlt.s32 v56, v41  }
0x491: {  	vm0 =	vmand vm10, vm11;
	v42 =	vadd.s32 v63, v42  }
0x492: {  	v42 =	vnsel vm0, $0x240, v42  }
0x493: {  	v42 =	vadd.s32 v1, v42  }
0x494: {  	[tilespmem:$0x12950] =	vst v42  }
0x495: {  	v42 =	vld.idx.msk [tilespmem:v39+s14+$0x0], $0xffff;
	_ =	sdelay $0x2  }
0x496: {  	s18 =	sadd.s32 $0xFFFFFFF0, s24  }
0x497: {  	v48 =	vadd.s32 s18, v0  }
0x498: {  	vm12 =	vgt.s32 v42, v48  }
0x499: {  	v42 =	vsel vm12, $0x0, v39  }
0x49a: {  	v49 =	vor.u32 $0x10, v42;
	_ =	sdelay $0x4  }
0x49b: {  	v50 =	vld.idx.msk [tilespmem:v49+s14+$0x0], $0xffff;
	_ =	sdelay $0x4  }
0x49c: {  	vm13 =	vgt.s32 v50, v48  }
0x49d: {  	v42 =	vsel vm13, v42, v49  }
0x49e: {  	v44 =	vor.u32 $0x8, v42;
	_ =	sdelay $0x4  }
0x49f: {  	v51 =	vld.idx.msk [tilespmem:v44+s14+$0x0], $0xffff;
	_ =	sdelay $0x4  }
0x4a0: {  	vm14 =	vgt.s32 v51, v48  }
0x4a1: {  	v42 =	vsel vm14, v42, v44  }
0x4a2: {  	v44 =	vor.u32 $0x4, v42;
	_ =	sdelay $0x4  }
0x4a3: {  	v52 =	vld.idx.msk [tilespmem:v44+s14+$0x0], $0xffff;
	_ =	sdelay $0x4  }
0x4a4: {  	vm15 =	vgt.s32 v52, v48  }
0x4a5: {  	v42 =	vsel vm15, v42, v44  }
0x4a6: {  	v44 =	vadd.s32 $0x2, v42;
	_ =	sdelay $0x4  }
0x4a7: {  	v53 =	vld.idx.msk [tilespmem:v44+s14+$0x0], $0xffff;
	_ =	sdelay $0x4  }
0x4a8: {  	vm4 =	vgt.s32 v53, v48  }
0x4a9: {  	v42 =	vsel vm4, v42, v44  }
0x4aa: {  	v44 =	vadd.s32 $0x1, v42;
	_ =	sdelay $0x4  }
0x4ab: {  	v54 =	vld.idx.msk [tilespmem:v44+s14+$0x0], $0xffff;
	_ =	sdelay $0x3  }
0x4ac: {  	v55 =	vld [tilespmem:$0x12860]  }
0x4ad: {  	vm5 =	vgt.s32 v54, v48  }
0x4ae: {  	v42 =	vsel vm5, v42, v44  }
0x4af: {  	v42 =	vmul.u32 $0x9, v42  }
0x4b0: {  	vm6 =	vge.s32 v48, v40;
	vm7 =	vlt.s32 v48, v41  }
0x4b1: {  	vm0 =	vmand vm6, vm7;
	v42 =	vadd.s32 v55, v42  }
0x4b2: {  	v42 =	vnsel vm0, $0x240, v42  }
0x4b3: {  	v42 =	vadd.s32 v1, v42  }
0x4b4: {  	[tilespmem:$0x12960] =	vst v42  }
0x4b5: {  	v42 =	vld.idx.msk [tilespmem:v39+s14+$0x0], $0xffff;
	_ =	sdelay $0x3  }
0x4b6: {  	v56 =	vadd.s32 s24, v0  }
0x4b7: {  	vm8 =	vgt.s32 v42, v56  }
0x4b8: {  	v42 =	vsel vm8, $0x0, v39  }
0x4b9: {  	v57 =	vor.u32 $0x10, v42;
	_ =	sdelay $0x4  }
0x4ba: {  	v58 =	vld.idx.msk [tilespmem:v57+s14+$0x0], $0xffff;
	_ =	sdelay $0x4  }
0x4bb: {  	vm9 =	vgt.s32 v58, v56  }
0x4bc: {  	v42 =	vsel vm9, v42, v57  }
0x4bd: {  	v44 =	vor.u32 $0x8, v42;
	_ =	sdelay $0x4  }
0x4be: {  	v59 =	vld.idx.msk [tilespmem:v44+s14+$0x0], $0xffff;
	_ =	sdelay $0x4  }
0x4bf: {  	vm10 =	vgt.s32 v59, v56  }
0x4c0: {  	v42 =	vsel vm10, v42, v44  }
0x4c1: {  	v44 =	vor.u32 $0x4, v42;
	_ =	sdelay $0x4  }
0x4c2: {  	v60 =	vld.idx.msk [tilespmem:v44+s14+$0x0], $0xffff;
	_ =	sdelay $0x4  }
0x4c3: {  	vm11 =	vgt.s32 v60, v56  }
0x4c4: {  	v42 =	vsel vm11, v42, v44  }
0x4c5: {  	v44 =	vadd.s32 $0x2, v42;
	_ =	sdelay $0x4  }
0x4c6: {  	v61 =	vld.idx.msk [tilespmem:v44+s14+$0x0], $0xffff;
	_ =	sdelay $0x4  }
0x4c7: {  	vm12 =	vgt.s32 v61, v56  }
0x4c8: {  	v42 =	vsel vm12, v42, v44  }
0x4c9: {  	v44 =	vadd.s32 $0x1, v42;
	_ =	sdelay $0x4  }
0x4ca: {  	v62 =	vld.idx.msk [tilespmem:v44+s14+$0x0], $0xffff;
	_ =	sdelay $0x3  }
0x4cb: {  	v63 =	vld [tilespmem:$0x12870]  }
0x4cc: {  	vm13 =	vgt.s32 v62, v56  }
0x4cd: {  	v42 =	vsel vm13, v42, v44  }
0x4ce: {  	v42 =	vmul.u32 $0x9, v42  }
.Ltmp13:
0x4cf: {  	vm14 =	vge.s32 v56, v40;
	vm15 =	vlt.s32 v56, v41;
	(pc) =	sbr.rel .LBB2_15-.Ltmp13, $4  }
0x4d0: {  	vm0 =	vmand vm14, vm15;
	v42 =	vadd.s32 v63, v42  }
0x4d1: {  	v42 =	vnsel vm0, $0x240, v42  }
0x4d2: {  	v42 =	vadd.s32 v1, v42  }
0x4d3: {  	[tilespmem:$0x12970] =	vst v42  }
.LBB2_19:
0x4d4: {  	_ =	sfence.sel $0x180000  }
0x4d5: {  	[bflag:$0x0] =	sbarrier.arrive $0xFFFF  }
0x4d6: {  	_ =	strace $0x90000047  }
0x4d7: {  	[bflag:$0x2] =	sbarrier.arrive $0xFFFF  }
0x4d8: {  	p0 =	sne.s32 s10, $0x0;
	s0 =	rddreg [dreg:$0x4]  }
0x4d9: {  	s0 =	sadd.s32 @!p0 $0x100000, s0  }
0x4da: {  	[sflag:s0] =	ssyncadd.tile.s32 @!p0 $0x1;
	_ =	shalt  }
.Lfunc_end2:
_tile_overlayer_lowered:
.L_overlay_start_2:
0x4db: {  	(tag) =	ssettag $0x2  }
0x4dc: {  	s0 =	rddreg [dreg:$0x0];
	s2 =	stileid.u32  }
0x4dd: {  	s1 =	rddreg [dreg:$0x1];
	p0 =	sne.s32 s2, $0x0  }
0x4de: {  	s3 =	rddreg [dreg:$0x2];
	[bflag:$0x3] =	sbarrier.arrive $0xFFFF;
	s2 =	simm.s32 @!p0 $0x1C06  }
0x4df: {  	[timem:s3], [sflag:s2] =	dma.local @!p0 [hbm:s0], s1  }
0x4e0: {  	s0 =	simm.s32 @!p0 $0x6  }
0x4e1: {  	_ =	swait.ge @!p0 [sflag:s0], s1  }
0x4e2: {  	s1 =	ssub.s32 @!p0 $0x0, s1;
	[sflag:s0] =	ssyncset.done @!p0 $0x0  }
0x4e3: {  	[sflag:s0] =	ssyncadd.s32 @!p0 s1  }
0x4e4: {  	[bflag:$0x3] =	sbarrier.arrive $0xFFFF  }
0x4e5: {  	_ =	shalt  }

</sc_bundles>
